<compile_context>
chip_gen: v7x
topology: tpu7x:2x2x1
jax: 0.10.2.dev20260603
libtpu: 0.0.44.dev20260713+nightly
codegen_flags: <defaults>
</compile_context>

<pallas_src>
import functools

import jax
import jax.numpy as jnp
from jax import lax
from jax.experimental import pallas as pl
from jax.experimental.pallas import tpu as pltpu
from jax.experimental.pallas import tpu_sc as plsc

N = 50000
E = 800000
N_PAD = 50176
ROWS_PER_TILE = N_PAD // 16
ZROWS = ROWS_PER_TILE // 32
K = 128
S = 2
E_PAD = 819200
TILE_ROWS = E_PAD // (16 * K)
OUTER = TILE_ROWS // S
EDGES_PER_TILE = E // 16
DEG_CHUNK = 2000

_MESH = plsc.VectorSubcoreMesh(core_axis_name="c", subcore_axis_name="s")
_SC_PARAMS = pltpu.CompilerParams(use_tc_tiling_on_sc=False,
                                  needs_layout_passes=False)



PAD_PER_TILE = (E_PAD - E) // 16


@functools.partial(
    pl.kernel,
    out_type=[
        jax.ShapeDtypeStruct((2 * 16 * N_PAD,), jnp.float32),
        jax.ShapeDtypeStruct((E_PAD,), jnp.int32),
        jax.ShapeDtypeStruct((E_PAD,), jnp.int32),
    ],
    mesh=_MESH,
    scratch_types=[
        pltpu.VMEM((N_PAD,), jnp.float32),
        pltpu.VMEM((DEG_CHUNK,), jnp.int32),
    ],
    compiler_params=_SC_PARAMS,
)
def _degree_kernel(src_ref, dst_ref, out_ref, srcp_ref, dstp_ref, cnt, idxbuf):
    c = lax.axis_index("c")
    s = lax.axis_index("s")
    z = jnp.zeros((16,), jnp.float32)
    ones = jnp.ones((16,), jnp.float32)

    @pl.loop(0, N_PAD // 16)
    def _zero(i):
        cnt[pl.ds(i * 16, 16)] = z

    def count(idx_ref, pad_ref, padval):
        @pl.loop(0, EDGES_PER_TILE // DEG_CHUNK)
        def _outer(o):
            base = pl.multiple_of(s * EDGES_PER_TILE + o * DEG_CHUNK, 8)
            pltpu.sync_copy(idx_ref.at[pl.ds(base, DEG_CHUNK)], idxbuf)
            pltpu.sync_copy(idxbuf, pad_ref.at[pl.ds(base, DEG_CHUNK)])

            @pl.loop(0, DEG_CHUNK // 16)
            def _inner(i):
                idxv = idxbuf[pl.ds(i * 16, 16)]
                plsc.addupdate_scatter(cnt, [idxv], ones)

        @pl.loop(0, PAD_PER_TILE // 16)
        def _fill(i):
            idxbuf[pl.ds(i * 16, 16)] = padval

        pbase = pl.multiple_of(E + s * PAD_PER_TILE, 8)
        pltpu.sync_copy(idxbuf.at[pl.ds(0, PAD_PER_TILE)],
                        pad_ref.at[pl.ds(pbase, PAD_PER_TILE)])

    @pl.when(c == 0)
    def _():
        count(src_ref, srcp_ref, jnp.zeros((16,), jnp.int32))

    @pl.when(c == 1)
    def _():
        count(dst_ref, dstp_ref, jnp.full((16,), N_PAD - 1, jnp.int32))

    obase = pl.multiple_of((c * 16 + s) * N_PAD, 128)
    pltpu.sync_copy(cnt, out_ref.at[pl.ds(obase, N_PAD)])


def _make_agg(n_chunks):

    @functools.partial(
        pl.kernel,
        out_type=jax.ShapeDtypeStruct((n_chunks, N_PAD, 32), jnp.float32),
        mesh=_MESH,
        scratch_types=[
            pltpu.VMEM_SHARED((N_PAD, 32), jnp.float32),
            pltpu.VMEM((4, S, K), jnp.int32),
            pltpu.VMEM((4, S, K), jnp.int32),
            pltpu.VMEM((3, S, K, 32), jnp.float32),
            pltpu.VMEM((ZROWS, 32), jnp.float32),
            pltpu.SemaphoreType.DMA,
            pltpu.SemaphoreType.DMA,
            pltpu.SemaphoreType.DMA,
            pltpu.SemaphoreType.DMA,
        ],
        compiler_params=_SC_PARAMS,
    )
    def _agg(src_ref, dst_ref, h_all, out_ref, acc, srcbuf, dstbuf, msg,
             zbuf, gsem_e, gsem_o, ssem, isem):
        c = lax.axis_index("c")
        s = lax.axis_index("s")
        z = jnp.zeros((16,), jnp.float32)

        @pl.loop(0, ZROWS)
        def _zfill(i):
            zbuf[i, pl.ds(0, 16)] = z
            zbuf[i, pl.ds(16, 16)] = z

        def do_chunk(h_ref, chunk):
            rbase = pl.multiple_of(s * ROWS_PER_TILE, 8)

            @pl.loop(0, ROWS_PER_TILE // ZROWS)
            def _za(j):
                pltpu.sync_copy(zbuf, acc.at[pl.ds(rbase + j * ZROWS, ZROWS)])
            plsc.subcore_barrier()

            row0 = s * TILE_ROWS
            pltpu.sync_copy(src_ref.at[pl.ds(row0, S)], srcbuf.at[0])
            pltpu.sync_copy(dst_ref.at[pl.ds(row0, S)], dstbuf.at[0])
            pltpu.sync_copy(src_ref.at[pl.ds(row0 + S, S)], srcbuf.at[1])
            pltpu.sync_copy(dst_ref.at[pl.ds(row0 + S, S)], dstbuf.at[1])
            for j in range(S):
                pltpu.async_copy(h_ref.at[srcbuf.at[0, j]], msg.at[0, j],
                                 gsem_e)

            @pl.loop(0, OUTER)
            def _edges(o):
                ib = lax.rem(o, 4)
                ib1 = lax.rem(o + 1, 4)
                ib2 = lax.rem(o + 2, 4)
                mb = lax.rem(o, 3)
                mb1 = lax.rem(o + 1, 3)

                @pl.when(jnp.logical_and(o > 0, o < OUTER - 1))
                def _():
                    pltpu.make_async_copy(
                        src_ref.at[pl.ds(row0, S)], srcbuf.at[0], isem).wait()
                    pltpu.make_async_copy(
                        dst_ref.at[pl.ds(row0, S)], dstbuf.at[0], isem).wait()

                def fire_next(sem):
                    @pl.when(o < OUTER - 1)
                    def _():
                        for j in range(S):
                            pltpu.async_copy(h_ref.at[srcbuf.at[ib1, j]],
                                             msg.at[mb1, j], sem)

                def drain_cur(sem):
                    for j in range(S):
                        pltpu.make_async_copy(h_ref.at[srcbuf.at[0, j]],
                                              msg.at[0, j], sem).wait()

                @pl.when(lax.rem(o, 2) == 0)
                def _():
                    fire_next(gsem_o)
                    drain_cur(gsem_e)

                @pl.when(lax.rem(o, 2) == 1)
                def _():
                    fire_next(gsem_e)
                    drain_cur(gsem_o)

                @pl.when(o < OUTER - 2)
                def _():
                    rown = s * TILE_ROWS + (o + 2) * S
                    pltpu.async_copy(src_ref.at[pl.ds(rown, S)],
                                     srcbuf.at[ib2], isem)
                    pltpu.async_copy(dst_ref.at[pl.ds(rown, S)],
                                     dstbuf.at[ib2], isem)

                @pl.when(o > 0)
                def _():
                    for j in range(S):
                        pltpu.make_async_copy(
                            msg.at[0, j], acc.at[dstbuf.at[0, j]], ssem).wait()
                for j in range(S):
                    pltpu.async_copy(msg.at[mb, j], acc.at[dstbuf.at[ib, j]],
                                     ssem, add=True)

            for j in range(S):
                pltpu.make_async_copy(
                    msg.at[0, j], acc.at[dstbuf.at[0, j]], ssem).wait()

            plsc.subcore_barrier()
            pltpu.sync_copy(
                acc.at[pl.ds(rbase, ROWS_PER_TILE)],
                out_ref.at[chunk, pl.ds(rbase, ROWS_PER_TILE)])

        for phase in range(n_chunks // 2):
            for core in range(2):
                chunk = 2 * phase + core

                @pl.when(c == core)
                def _(chunk=chunk):
                    do_chunk(h_all.at[chunk], chunk)

    return _agg


_agg4 = _make_agg(4)
_agg2 = _make_agg(2)



BLK = 1024
GRID = N_PAD // BLK


def _isqrts(pblk):
    deg = jnp.maximum(jnp.sum(pblk, axis=1), 1.0)
    return lax.rsqrt(deg)


def _split_store(out_ref, m):
    for q in range(out_ref.shape[0]):
        out_ref[q] = m[:, q * 32:(q + 1) * 32]


def _cat_chunks(a_ref):
    return jnp.concatenate([a_ref[q] for q in range(a_ref.shape[0])], axis=1)


def _stage1_body(feat_ref, p_ref, w1_ref, h1_ref):
    sc = _isqrts(p_ref[...])
    x = feat_ref[...] * sc[0][:, None]
    _split_store(h1_ref,
                 jnp.dot(x, w1_ref[...], preferred_element_type=jnp.float32))


_stage1 = pl.pallas_call(
    _stage1_body,
    grid=(GRID,),
    in_specs=[
        pl.BlockSpec((BLK, 128), lambda i: (i, 0)),
        pl.BlockSpec((2, 16, BLK), lambda i: (0, 0, i)),
        pl.BlockSpec((128, 128), lambda i: (0, 0)),
    ],
    out_specs=pl.BlockSpec((4, BLK, 32), lambda i: (0, i, 0)),
    out_shape=jax.ShapeDtypeStruct((4, N_PAD, 32), jnp.float32),
)


def _stage2_body(agg_ref, p_ref, b1_ref, w2_ref, h2_ref):
    sc = _isqrts(p_ref[...])
    x1 = jnp.maximum(_cat_chunks(agg_ref) * sc[1][:, None] + b1_ref[...], 0.0)
    _split_store(h2_ref,
                 jnp.dot(x1 * sc[0][:, None], w2_ref[...],
                         preferred_element_type=jnp.float32))


_stage2 = pl.pallas_call(
    _stage2_body,
    grid=(GRID,),
    in_specs=[
        pl.BlockSpec((4, BLK, 32), lambda i: (0, i, 0)),
        pl.BlockSpec((2, 16, BLK), lambda i: (0, 0, i)),
        pl.BlockSpec((1, 128), lambda i: (0, 0)),
        pl.BlockSpec((128, 64), lambda i: (0, 0)),
    ],
    out_specs=pl.BlockSpec((2, BLK, 32), lambda i: (0, i, 0)),
    out_shape=jax.ShapeDtypeStruct((2, N_PAD, 32), jnp.float32),
)


def _stage3_body(agg_ref, p_ref, b2_ref, wo1_ref, bo1_ref, wo2_ref, bo2_ref,
                 hid_ref, log_ref):
    sc = _isqrts(p_ref[...])
    hid = _cat_chunks(agg_ref) * sc[1][:, None] + b2_ref[...]
    hid_ref[...] = hid
    t = jnp.maximum(
        jnp.dot(hid, wo1_ref[...], preferred_element_type=jnp.float32)
        + bo1_ref[...], 0.0)
    log_ref[...] = jnp.dot(t, wo2_ref[...],
                           preferred_element_type=jnp.float32) + bo2_ref[...]


_stage3 = pl.pallas_call(
    _stage3_body,
    grid=(GRID,),
    in_specs=[
        pl.BlockSpec((2, BLK, 32), lambda i: (0, i, 0)),
        pl.BlockSpec((2, 16, BLK), lambda i: (0, 0, i)),
        pl.BlockSpec((1, 64), lambda i: (0, 0)),
        pl.BlockSpec((64, 128), lambda i: (0, 0)),
        pl.BlockSpec((1, 128), lambda i: (0, 0)),
        pl.BlockSpec((128, 128), lambda i: (0, 0)),
        pl.BlockSpec((1, 128), lambda i: (0, 0)),
    ],
    out_specs=[
        pl.BlockSpec((BLK, 64), lambda i: (i, 0)),
        pl.BlockSpec((BLK, 128), lambda i: (i, 0)),
    ],
    out_shape=[
        jax.ShapeDtypeStruct((N, 64), jnp.float32),
        jax.ShapeDtypeStruct((N, 128), jnp.float32),
    ],
)



def kernel(features, edge_index, W1, b1, W2, b2, Wo1, bo1, Wo2, bo2):
    n = features.shape[0]
    feat = features.reshape(n, -1)
    src = edge_index[0]
    dst = edge_index[1]

    partials_flat, srcp, dstp = _degree_kernel(src, dst)
    partials = partials_flat.reshape(2, 16, N_PAD)
    src2d = srcp.reshape(-1, K)
    dst2d = dstp.reshape(-1, K)

    h1t = _stage1(feat, partials, W1)
    agg1t = _agg4(src2d, dst2d, h1t)
    h2t = _stage2(agg1t, partials, b1.reshape(1, -1), W2)
    agg2t = _agg2(src2d, dst2d, h2t)

    wo2p = jnp.pad(Wo2, ((0, 0), (0, 128 - Wo2.shape[1])))
    bo2p = jnp.pad(bo2, (0, 128 - bo2.shape[0])).reshape(1, -1)
    hidden, log_p = _stage3(agg2t, partials, b2.reshape(1, -1), Wo1,
                            bo1.reshape(1, -1), wo2p, bo2p)
    logits = log_p[:, :2]
    return (logits, logits, hidden)

# --- scband reference (transcript-rebuilt; emitter-appended) ---
"""Pipeline reference for scband-net-gcn-11433202942551 (READ-ONLY COPY).

The authoritative reference and input builder live on the scoring server;
editing this copy changes nothing except your own understanding.
"""

import jax, jax.numpy as jnp
import numpy as np

N = 50000
E = 800000
IN_DIM = 128
N_SEQ = 1
H1 = 128
H2 = 64
EC = 128
OC = 2


def setup_inputs(seed: int = 0) -> dict:
    key = jax.random.key(seed)
    ks = jax.random.split(key, 12)
    features = jax.random.normal(ks[0], (N, IN_DIM, N_SEQ), dtype=jnp.float32)
    edge_index = jax.random.randint(ks[1], (2, E), 0, N, dtype=jnp.int32)
    s1 = 1.0 / np.sqrt(IN_DIM * N_SEQ)
    s2 = 1.0 / np.sqrt(H1)
    s3 = 1.0 / np.sqrt(H2)
    s4 = 1.0 / np.sqrt(EC)
    W1 = jax.random.uniform(ks[2], (IN_DIM * N_SEQ, H1), jnp.float32, -s1, s1)
    b1 = jnp.zeros((H1,), jnp.float32)
    W2 = jax.random.uniform(ks[3], (H1, H2), jnp.float32, -s2, s2)
    b2 = jnp.zeros((H2,), jnp.float32)
    Wo1 = jax.random.uniform(ks[4], (H2, EC), jnp.float32, -s3, s3)
    bo1 = jax.random.uniform(ks[5], (EC,), jnp.float32, -s3, s3)
    Wo2 = jax.random.uniform(ks[6], (EC, OC), jnp.float32, -s4, s4)
    bo2 = jax.random.uniform(ks[7], (OC,), jnp.float32, -s4, s4)
    return {"features": features, "edge_index": edge_index, "W1": W1, "b1": b1,
            "W2": W2, "b2": b2, "Wo1": Wo1, "bo1": bo1, "Wo2": Wo2, "bo2": bo2}


def _graph_conv(x, W, b, src, dst, deg_out_isqrt, deg_in_isqrt):
    # DGL GraphConv, norm='both': symmetric normalization
    h = x @ W
    h = h * deg_out_isqrt[:, None]
    m = jnp.take(h, src, axis=0)
    agg = jnp.zeros((x.shape[0], W.shape[1]), dtype=x.dtype).at[dst].add(m)
    agg = agg * deg_in_isqrt[:, None]
    return agg + b


def reference(features, edge_index, W1, b1, W2, b2, Wo1, bo1, Wo2, bo2):
    src = edge_index[0]
    dst = edge_index[1]
    n = features.shape[0]
    deg_out = jnp.clip(jnp.bincount(src, length=n), 1, None).astype(jnp.float32)
    deg_in = jnp.clip(jnp.bincount(dst, length=n), 1, None).astype(jnp.float32)
    deg_out_isqrt = deg_out ** -0.5
    deg_in_isqrt = deg_in ** -0.5
    feat = features.reshape(n, features.shape[1] * features.shape[2])
    x = jax.nn.relu(_graph_conv(feat, W1, b1, src, dst, deg_out_isqrt, deg_in_isqrt))
    x = _graph_conv(x, W2, b2, src, dst, deg_out_isqrt, deg_in_isqrt)
    hidden = x
    # OutputLayer: MLP in_channels -> end_channels (relu) -> out_channels
    h = jax.nn.relu(hidden @ Wo1 + bo1)
    logits = h @ Wo2 + bo2
    output = logits
    return (output, logits, hidden)

if __name__ == "__main__":
    import jax
    _d = setup_inputs()
    print(jax.jit(kernel)(*tuple(_d.values())))

</pallas_src>

<mosaic_0001>
#map = affine_map<(d0, d1) -> (0)>
module attributes {stable_mosaic.version = 14 : i64} {
  func.func @_degree_kernel(%arg0: i32, %arg1: i32, %arg2: memref<800000xi32, #tpu.memory_space<hbm>>, %arg3: memref<800000xi32, #tpu.memory_space<hbm>>, %arg4: memref<1605632xf32, #tpu.memory_space<hbm>>, %arg5: memref<819200xi32, #tpu.memory_space<hbm>>, %arg6: memref<819200xi32, #tpu.memory_space<hbm>>, %arg7: memref<50176xf32, #tpu.memory_space<vmem>>, %arg8: memref<2000xi32, #tpu.memory_space<vmem>>) attributes {dimension_semantics = [#tpu.dimension_semantics<core_parallel>, #tpu.dimension_semantics<subcore_parallel>], iteration_bounds = array<i64: 2, 16>, scalar_prefetch = 0 : i64, scratch_operands = 2 : i64, tpu.core_type = #tpu.core_type<sc_vector_subcore>, window_params = [{transform_indices = #map}, {transform_indices = #map}, {transform_indices = #map}, {transform_indices = #map}, {transform_indices = #map}]} {
    %broadcast_in_dim3A = arith.constant 0.000000e+00 : f32
    %broadcast_in_dim3A_0 = vector.broadcast %broadcast_in_dim3A : f32 to vector<16xf32>
    %broadcast_in_dim3A_1 = arith.constant 1.000000e+00 : f32
    %broadcast_in_dim3A_2 = vector.broadcast %broadcast_in_dim3A_1 : f32 to vector<16xf32>
    %scan3A = arith.constant 0 : i32
    %scan3A_3 = arith.constant 3136 : i32
    %scan3A_4 = arith.addi %scan3A, %scan3A_3 : i32
    %scan3A_5 = arith.constant 1 : i32
    scf.for %scan3A_17 = %scan3A to %scan3A_4 step %scan3A_5  : i32 {
      %mul3A_18 = arith.constant 1 : i32
      %mul3A_19 = arith.muli %scan3A_17, %mul3A_18 : i32
      %add3A_20 = arith.constant 0 : i32
      %add3A_21 = arith.addi %add3A_20, %mul3A_19 : i32
      %mul3A_22 = arith.constant 16 : i32
      %mul3A_23 = arith.muli %add3A_21, %mul3A_22 : i32
      %swap3A = arith.index_cast %mul3A_23 : i32 to index
      %swap3A_24 = tpu.vector_load %arg7[%swap3A] {strides = array<i32>} : memref<50176xf32, #tpu.memory_space<vmem>>, vector<16xf32>,
      tpu.vector_store %arg7[%swap3A], %broadcast_in_dim3A_0 {strides = array<i32>} : memref<50176xf32, #tpu.memory_space<vmem>>, vector<16xf32>,
    }
    %scan3A_6 = arith.constant 3136 : i32
    %eq3A = arith.constant 0 : i32
    %eq3A_7 = arith.cmpi eq, %arg0, %eq3A : i32
    %convert_element_type3A = arith.extui %eq3A_7 : i1 to i32
    %cond3A = arith.constant 0 : i32
    %cond3A_8 = arith.cmpi ne, %convert_element_type3A, %cond3A : i32
    scf.if %cond3A_8 {
      %broadcast_in_dim3A_17 = arith.constant 0 : i32
      %broadcast_in_dim3A_18 = vector.broadcast %broadcast_in_dim3A_17 : i32 to vector<16xi32>
      %scan3A_19 = arith.constant 0 : i32
      %scan3A_20 = arith.constant 25 : i32
      %scan3A_21 = arith.addi %scan3A_19, %scan3A_20 : i32
      %scan3A_22 = arith.constant 1 : i32
      scf.for %scan3A_34 = %scan3A_19 to %scan3A_21 step %scan3A_22  : i32 {
        %mul3A_35 = arith.constant 1 : i32
        %mul3A_36 = arith.muli %scan3A_34, %mul3A_35 : i32
        %add3A_37 = arith.constant 0 : i32
        %add3A_38 = arith.addi %add3A_37, %mul3A_36 : i32
        %mul3A_39 = arith.constant 50000 : i32
        %mul3A_40 = arith.muli %arg1, %mul3A_39 : i32
        %mul3A_41 = arith.constant 2000 : i32
        %mul3A_42 = arith.muli %add3A_38, %mul3A_41 : i32
        %add3A_43 = arith.addi %mul3A_40, %mul3A_42 : i32
        %multiple_of3A_44 = tpu.assume_multiple %add3A_43, 8 : i32
        "tpu.region"() ({
          %run_scoped3A = tpu.sem_alloc : memref<!tpu.dma_semaphore, #tpu.memory_space<semaphore_mem>>
          %dma_start3A = tpu.memref_slice %arg2[%multiple_of3A_44] : memref<800000xi32, #tpu.memory_space<hbm>> -> memref<2000xi32, #tpu.memory_space<hbm>>
          %dma_start3A_50 = tpu.memref_slice %arg2[%multiple_of3A_44] : memref<800000xi32, #tpu.memory_space<hbm>> -> memref<2000xi32, #tpu.memory_space<hbm>>
          tpu.enqueue_dma source(%dma_start3A_50 : memref<2000xi32, #tpu.memory_space<hbm>>) target(%arg8 : memref<2000xi32, #tpu.memory_space<vmem>>) target_semaphore(%run_scoped3A : memref<!tpu.dma_semaphore, #tpu.memory_space<semaphore_mem>>)
          %dma_wait3A = tpu.memref_slice %arg2[%multiple_of3A_44] : memref<800000xi32, #tpu.memory_space<hbm>> -> memref<2000xi32, #tpu.memory_space<hbm>>
          %dma_wait3A_51 = tpu.memref_slice %arg2[%multiple_of3A_44] : memref<800000xi32, #tpu.memory_space<hbm>> -> memref<2000xi32, #tpu.memory_space<hbm>>
          tpu.wait_dma2 semaphore(%run_scoped3A : memref<!tpu.dma_semaphore, #tpu.memory_space<semaphore_mem>>) src(%dma_wait3A_51 : memref<2000xi32, #tpu.memory_space<hbm>>) dst(%arg8 : memref<2000xi32, #tpu.memory_space<vmem>>)
          tpu.yield
        }) : () -> ()
        "tpu.region"() ({
          %run_scoped3A = tpu.sem_alloc : memref<!tpu.dma_semaphore, #tpu.memory_space<semaphore_mem>>
          %dma_start3A = tpu.memref_slice %arg5[%multiple_of3A_44] : memref<819200xi32, #tpu.memory_space<hbm>> -> memref<2000xi32, #tpu.memory_space<hbm>>
          %dma_start3A_50 = tpu.memref_slice %arg5[%multiple_of3A_44] : memref<819200xi32, #tpu.memory_space<hbm>> -> memref<2000xi32, #tpu.memory_space<hbm>>
          tpu.enqueue_dma source(%arg8 : memref<2000xi32, #tpu.memory_space<vmem>>) target(%dma_start3A_50 : memref<2000xi32, #tpu.memory_space<hbm>>) target_semaphore(%run_scoped3A : memref<!tpu.dma_semaphore, #tpu.memory_space<semaphore_mem>>)
          %dma_wait3A = tpu.memref_slice %arg5[%multiple_of3A_44] : memref<819200xi32, #tpu.memory_space<hbm>> -> memref<2000xi32, #tpu.memory_space<hbm>>
          %dma_wait3A_51 = tpu.memref_slice %arg5[%multiple_of3A_44] : memref<819200xi32, #tpu.memory_space<hbm>> -> memref<2000xi32, #tpu.memory_space<hbm>>
          tpu.wait_dma2 semaphore(%run_scoped3A : memref<!tpu.dma_semaphore, #tpu.memory_space<semaphore_mem>>) src(%arg8 : memref<2000xi32, #tpu.memory_space<vmem>>) dst(%dma_wait3A_51 : memref<2000xi32, #tpu.memory_space<hbm>>)
          tpu.yield
        }) : () -> ()
        %scan3A_45 = arith.constant 0 : i32
        %scan3A_46 = arith.constant 125 : i32
        %scan3A_47 = arith.addi %scan3A_45, %scan3A_46 : i32
        %scan3A_48 = arith.constant 1 : i32
        scf.for %scan3A_50 = %scan3A_45 to %scan3A_47 step %scan3A_48  : i32 {
          %mul3A_51 = arith.constant 1 : i32
          %mul3A_52 = arith.muli %scan3A_50, %mul3A_51 : i32
          %add3A_53 = arith.constant 0 : i32
          %add3A_54 = arith.addi %add3A_53, %mul3A_52 : i32
          %mul3A_55 = arith.constant 16 : i32
          %mul3A_56 = arith.muli %add3A_54, %mul3A_55 : i32
          %get3A = arith.index_cast %mul3A_56 : i32 to index
          %get3A_57 = tpu.vector_load %arg8[%get3A] {strides = array<i32>} : memref<2000xi32, #tpu.memory_space<vmem>>, vector<16xi32>,
          tpu.vector_store_idx %arg7[%get3A_57], %broadcast_in_dim3A_2 {add = true} : memref<50176xf32, #tpu.memory_space<vmem>>[vector<16xi32>], vector<16xf32>,
        }
        %scan3A_49 = arith.constant 125 : i32
      }
      %scan3A_23 = arith.constant 25 : i32
      %scan3A_24 = arith.constant 0 : i32
      %scan3A_25 = arith.constant 75 : i32
      %scan3A_26 = arith.addi %scan3A_24, %scan3A_25 : i32
      %scan3A_27 = arith.constant 1 : i32
      scf.for %scan3A_34 = %scan3A_24 to %scan3A_26 step %scan3A_27  : i32 {
        %mul3A_35 = arith.constant 1 : i32
        %mul3A_36 = arith.muli %scan3A_34, %mul3A_35 : i32
        %add3A_37 = arith.constant 0 : i32
        %add3A_38 = arith.addi %add3A_37, %mul3A_36 : i32
        %mul3A_39 = arith.constant 16 : i32
        %mul3A_40 = arith.muli %add3A_38, %mul3A_39 : i32
        %swap3A = arith.index_cast %mul3A_40 : i32 to index
        %swap3A_41 = tpu.vector_load %arg8[%swap3A] {strides = array<i32>} : memref<2000xi32, #tpu.memory_space<vmem>>, vector<16xi32>,
        tpu.vector_store %arg8[%swap3A], %broadcast_in_dim3A_18 {strides = array<i32>} : memref<2000xi32, #tpu.memory_space<vmem>>, vector<16xi32>,
      }
      %scan3A_28 = arith.constant 75 : i32
      %mul3A_29 = arith.constant 1200 : i32
      %mul3A_30 = arith.muli %arg1, %mul3A_29 : i32
      %add3A_31 = arith.constant 800000 : i32
      %add3A_32 = arith.addi %add3A_31, %mul3A_30 : i32
      %multiple_of3A_33 = tpu.assume_multiple %add3A_32, 8 : i32
      "tpu.region"() ({
        %run_scoped3A = tpu.sem_alloc : memref<!tpu.dma_semaphore, #tpu.memory_space<semaphore_mem>>
        %dma_start3A = arith.constant 0 : i32
        %dma_start3A_34 = tpu.memref_slice %arg8[%dma_start3A] : memref<2000xi32, #tpu.memory_space<vmem>> -> memref<1200xi32, #tpu.memory_space<vmem>>
        %dma_start3A_35 = tpu.memref_slice %arg5[%multiple_of3A_33] : memref<819200xi32, #tpu.memory_space<hbm>> -> memref<1200xi32, #tpu.memory_space<hbm>>
        %dma_start3A_36 = tpu.memref_slice %arg5[%multiple_of3A_33] : memref<819200xi32, #tpu.memory_space<hbm>> -> memref<1200xi32, #tpu.memory_space<hbm>>
        %dma_start3A_37 = arith.constant 0 : i32
        %dma_start3A_38 = tpu.memref_slice %arg8[%dma_start3A_37] : memref<2000xi32, #tpu.memory_space<vmem>> -> memref<1200xi32, #tpu.memory_space<vmem>>
        tpu.enqueue_dma source(%dma_start3A_38 : memref<1200xi32, #tpu.memory_space<vmem>>) target(%dma_start3A_36 : memref<1200xi32, #tpu.memory_space<hbm>>) target_semaphore(%run_scoped3A : memref<!tpu.dma_semaphore, #tpu.memory_space<semaphore_mem>>)
        %dma_wait3A = arith.constant 0 : i32
        %dma_wait3A_39 = tpu.memref_slice %arg8[%dma_wait3A] : memref<2000xi32, #tpu.memory_space<vmem>> -> memref<1200xi32, #tpu.memory_space<vmem>>
        %dma_wait3A_40 = tpu.memref_slice %arg5[%multiple_of3A_33] : memref<819200xi32, #tpu.memory_space<hbm>> -> memref<1200xi32, #tpu.memory_space<hbm>>
        %dma_wait3A_41 = tpu.memref_slice %arg5[%multiple_of3A_33] : memref<819200xi32, #tpu.memory_space<hbm>> -> memref<1200xi32, #tpu.memory_space<hbm>>
        %dma_wait3A_42 = arith.constant 0 : i32
        %dma_wait3A_43 = tpu.memref_slice %arg8[%dma_wait3A_42] : memref<2000xi32, #tpu.memory_space<vmem>> -> memref<1200xi32, #tpu.memory_space<vmem>>
        tpu.wait_dma2 semaphore(%run_scoped3A : memref<!tpu.dma_semaphore, #tpu.memory_space<semaphore_mem>>) src(%dma_wait3A_43 : memref<1200xi32, #tpu.memory_space<vmem>>) dst(%dma_wait3A_41 : memref<1200xi32, #tpu.memory_space<hbm>>)
        tpu.yield
      }) : () -> ()
    } else {
    }
    %eq3A_9 = arith.constant 1 : i32
    %eq3A_10 = arith.cmpi eq, %arg0, %eq3A_9 : i32
    %convert_element_type3A_11 = arith.extui %eq3A_10 : i1 to i32
    %cond3A_12 = arith.constant 0 : i32
    %cond3A_13 = arith.cmpi ne, %convert_element_type3A_11, %cond3A_12 : i32
    scf.if %cond3A_13 {
      %broadcast_in_dim3A_17 = arith.constant 50175 : i32
      %broadcast_in_dim3A_18 = vector.broadcast %broadcast_in_dim3A_17 : i32 to vector<16xi32>
      %scan3A_19 = arith.constant 0 : i32
      %scan3A_20 = arith.constant 25 : i32
      %scan3A_21 = arith.addi %scan3A_19, %scan3A_20 : i32
      %scan3A_22 = arith.constant 1 : i32
      scf.for %scan3A_34 = %scan3A_19 to %scan3A_21 step %scan3A_22  : i32 {
        %mul3A_35 = arith.constant 1 : i32
        %mul3A_36 = arith.muli %scan3A_34, %mul3A_35 : i32
        %add3A_37 = arith.constant 0 : i32
        %add3A_38 = arith.addi %add3A_37, %mul3A_36 : i32
        %mul3A_39 = arith.constant 50000 : i32
        %mul3A_40 = arith.muli %arg1, %mul3A_39 : i32
        %mul3A_41 = arith.constant 2000 : i32
        %mul3A_42 = arith.muli %add3A_38, %mul3A_41 : i32
        %add3A_43 = arith.addi %mul3A_40, %mul3A_42 : i32
        %multiple_of3A_44 = tpu.assume_multiple %add3A_43, 8 : i32
        "tpu.region"() ({
          %run_scoped3A = tpu.sem_alloc : memref<!tpu.dma_semaphore, #tpu.memory_space<semaphore_mem>>
          %dma_start3A = tpu.memref_slice %arg3[%multiple_of3A_44] : memref<800000xi32, #tpu.memory_space<hbm>> -> memref<2000xi32, #tpu.memory_space<hbm>>
          %dma_start3A_50 = tpu.memref_slice %arg3[%multiple_of3A_44] : memref<800000xi32, #tpu.memory_space<hbm>> -> memref<2000xi32, #tpu.memory_space<hbm>>
          tpu.enqueue_dma source(%dma_start3A_50 : memref<2000xi32, #tpu.memory_space<hbm>>) target(%arg8 : memref<2000xi32, #tpu.memory_space<vmem>>) target_semaphore(%run_scoped3A : memref<!tpu.dma_semaphore, #tpu.memory_space<semaphore_mem>>)
          %dma_wait3A = tpu.memref_slice %arg3[%multiple_of3A_44] : memref<800000xi32, #tpu.memory_space<hbm>> -> memref<2000xi32, #tpu.memory_space<hbm>>
          %dma_wait3A_51 = tpu.memref_slice %arg3[%multiple_of3A_44] : memref<800000xi32, #tpu.memory_space<hbm>> -> memref<2000xi32, #tpu.memory_space<hbm>>
          tpu.wait_dma2 semaphore(%run_scoped3A : memref<!tpu.dma_semaphore, #tpu.memory_space<semaphore_mem>>) src(%dma_wait3A_51 : memref<2000xi32, #tpu.memory_space<hbm>>) dst(%arg8 : memref<2000xi32, #tpu.memory_space<vmem>>)
          tpu.yield
        }) : () -> ()
        "tpu.region"() ({
          %run_scoped3A = tpu.sem_alloc : memref<!tpu.dma_semaphore, #tpu.memory_space<semaphore_mem>>
          %dma_start3A = tpu.memref_slice %arg6[%multiple_of3A_44] : memref<819200xi32, #tpu.memory_space<hbm>> -> memref<2000xi32, #tpu.memory_space<hbm>>
          %dma_start3A_50 = tpu.memref_slice %arg6[%multiple_of3A_44] : memref<819200xi32, #tpu.memory_space<hbm>> -> memref<2000xi32, #tpu.memory_space<hbm>>
          tpu.enqueue_dma source(%arg8 : memref<2000xi32, #tpu.memory_space<vmem>>) target(%dma_start3A_50 : memref<2000xi32, #tpu.memory_space<hbm>>) target_semaphore(%run_scoped3A : memref<!tpu.dma_semaphore, #tpu.memory_space<semaphore_mem>>)
          %dma_wait3A = tpu.memref_slice %arg6[%multiple_of3A_44] : memref<819200xi32, #tpu.memory_space<hbm>> -> memref<2000xi32, #tpu.memory_space<hbm>>
          %dma_wait3A_51 = tpu.memref_slice %arg6[%multiple_of3A_44] : memref<819200xi32, #tpu.memory_space<hbm>> -> memref<2000xi32, #tpu.memory_space<hbm>>
          tpu.wait_dma2 semaphore(%run_scoped3A : memref<!tpu.dma_semaphore, #tpu.memory_space<semaphore_mem>>) src(%arg8 : memref<2000xi32, #tpu.memory_space<vmem>>) dst(%dma_wait3A_51 : memref<2000xi32, #tpu.memory_space<hbm>>)
          tpu.yield
        }) : () -> ()
        %scan3A_45 = arith.constant 0 : i32
        %scan3A_46 = arith.constant 125 : i32
        %scan3A_47 = arith.addi %scan3A_45, %scan3A_46 : i32
        %scan3A_48 = arith.constant 1 : i32
        scf.for %scan3A_50 = %scan3A_45 to %scan3A_47 step %scan3A_48  : i32 {
          %mul3A_51 = arith.constant 1 : i32
          %mul3A_52 = arith.muli %scan3A_50, %mul3A_51 : i32
          %add3A_53 = arith.constant 0 : i32
          %add3A_54 = arith.addi %add3A_53, %mul3A_52 : i32
          %mul3A_55 = arith.constant 16 : i32
          %mul3A_56 = arith.muli %add3A_54, %mul3A_55 : i32
          %get3A = arith.index_cast %mul3A_56 : i32 to index
          %get3A_57 = tpu.vector_load %arg8[%get3A] {strides = array<i32>} : memref<2000xi32, #tpu.memory_space<vmem>>, vector<16xi32>,
          tpu.vector_store_idx %arg7[%get3A_57], %broadcast_in_dim3A_2 {add = true} : memref<50176xf32, #tpu.memory_space<vmem>>[vector<16xi32>], vector<16xf32>,
        }
        %scan3A_49 = arith.constant 125 : i32
      }
      %scan3A_23 = arith.constant 25 : i32
      %scan3A_24 = arith.constant 0 : i32
      %scan3A_25 = arith.constant 75 : i32
      %scan3A_26 = arith.addi %scan3A_24, %scan3A_25 : i32
      %scan3A_27 = arith.constant 1 : i32
      scf.for %scan3A_34 = %scan3A_24 to %scan3A_26 step %scan3A_27  : i32 {
        %mul3A_35 = arith.constant 1 : i32
        %mul3A_36 = arith.muli %scan3A_34, %mul3A_35 : i32
        %add3A_37 = arith.constant 0 : i32
        %add3A_38 = arith.addi %add3A_37, %mul3A_36 : i32
        %mul3A_39 = arith.constant 16 : i32
        %mul3A_40 = arith.muli %add3A_38, %mul3A_39 : i32
        %swap3A = arith.index_cast %mul3A_40 : i32 to index
        %swap3A_41 = tpu.vector_load %arg8[%swap3A] {strides = array<i32>} : memref<2000xi32, #tpu.memory_space<vmem>>, vector<16xi32>,
        tpu.vector_store %arg8[%swap3A], %broadcast_in_dim3A_18 {strides = array<i32>} : memref<2000xi32, #tpu.memory_space<vmem>>, vector<16xi32>,
      }
      %scan3A_28 = arith.constant 75 : i32
      %mul3A_29 = arith.constant 1200 : i32
      %mul3A_30 = arith.muli %arg1, %mul3A_29 : i32
      %add3A_31 = arith.constant 800000 : i32
      %add3A_32 = arith.addi %add3A_31, %mul3A_30 : i32
      %multiple_of3A_33 = tpu.assume_multiple %add3A_32, 8 : i32
      "tpu.region"() ({
        %run_scoped3A = tpu.sem_alloc : memref<!tpu.dma_semaphore, #tpu.memory_space<semaphore_mem>>
        %dma_start3A = arith.constant 0 : i32
        %dma_start3A_34 = tpu.memref_slice %arg8[%dma_start3A] : memref<2000xi32, #tpu.memory_space<vmem>> -> memref<1200xi32, #tpu.memory_space<vmem>>
        %dma_start3A_35 = tpu.memref_slice %arg6[%multiple_of3A_33] : memref<819200xi32, #tpu.memory_space<hbm>> -> memref<1200xi32, #tpu.memory_space<hbm>>
        %dma_start3A_36 = tpu.memref_slice %arg6[%multiple_of3A_33] : memref<819200xi32, #tpu.memory_space<hbm>> -> memref<1200xi32, #tpu.memory_space<hbm>>
        %dma_start3A_37 = arith.constant 0 : i32
        %dma_start3A_38 = tpu.memref_slice %arg8[%dma_start3A_37] : memref<2000xi32, #tpu.memory_space<vmem>> -> memref<1200xi32, #tpu.memory_space<vmem>>
        tpu.enqueue_dma source(%dma_start3A_38 : memref<1200xi32, #tpu.memory_space<vmem>>) target(%dma_start3A_36 : memref<1200xi32, #tpu.memory_space<hbm>>) target_semaphore(%run_scoped3A : memref<!tpu.dma_semaphore, #tpu.memory_space<semaphore_mem>>)
        %dma_wait3A = arith.constant 0 : i32
        %dma_wait3A_39 = tpu.memref_slice %arg8[%dma_wait3A] : memref<2000xi32, #tpu.memory_space<vmem>> -> memref<1200xi32, #tpu.memory_space<vmem>>
        %dma_wait3A_40 = tpu.memref_slice %arg6[%multiple_of3A_33] : memref<819200xi32, #tpu.memory_space<hbm>> -> memref<1200xi32, #tpu.memory_space<hbm>>
        %dma_wait3A_41 = tpu.memref_slice %arg6[%multiple_of3A_33] : memref<819200xi32, #tpu.memory_space<hbm>> -> memref<1200xi32, #tpu.memory_space<hbm>>
        %dma_wait3A_42 = arith.constant 0 : i32
        %dma_wait3A_43 = tpu.memref_slice %arg8[%dma_wait3A_42] : memref<2000xi32, #tpu.memory_space<vmem>> -> memref<1200xi32, #tpu.memory_space<vmem>>
        tpu.wait_dma2 semaphore(%run_scoped3A : memref<!tpu.dma_semaphore, #tpu.memory_space<semaphore_mem>>) src(%dma_wait3A_43 : memref<1200xi32, #tpu.memory_space<vmem>>) dst(%dma_wait3A_41 : memref<1200xi32, #tpu.memory_space<hbm>>)
        tpu.yield
      }) : () -> ()
    } else {
    }
    %mul3A = arith.constant 16 : i32
    %mul3A_14 = arith.muli %arg0, %mul3A : i32
    %add3A = arith.addi %mul3A_14, %arg1 : i32
    %mul3A_15 = arith.constant 50176 : i32
    %mul3A_16 = arith.muli %add3A, %mul3A_15 : i32
    %multiple_of3A = tpu.assume_multiple %mul3A_16, 128 : i32
    "tpu.region"() ({
      %run_scoped3A = tpu.sem_alloc : memref<!tpu.dma_semaphore, #tpu.memory_space<semaphore_mem>>
      %dma_start3A = tpu.memref_slice %arg4[%multiple_of3A] : memref<1605632xf32, #tpu.memory_space<hbm>> -> memref<50176xf32, #tpu.memory_space<hbm>>
      %dma_start3A_17 = tpu.memref_slice %arg4[%multiple_of3A] : memref<1605632xf32, #tpu.memory_space<hbm>> -> memref<50176xf32, #tpu.memory_space<hbm>>
      tpu.enqueue_dma source(%arg7 : memref<50176xf32, #tpu.memory_space<vmem>>) target(%dma_start3A_17 : memref<50176xf32, #tpu.memory_space<hbm>>) target_semaphore(%run_scoped3A : memref<!tpu.dma_semaphore, #tpu.memory_space<semaphore_mem>>)
      %dma_wait3A = tpu.memref_slice %arg4[%multiple_of3A] : memref<1605632xf32, #tpu.memory_space<hbm>> -> memref<50176xf32, #tpu.memory_space<hbm>>
      %dma_wait3A_18 = tpu.memref_slice %arg4[%multiple_of3A] : memref<1605632xf32, #tpu.memory_space<hbm>> -> memref<50176xf32, #tpu.memory_space<hbm>>
      tpu.wait_dma2 semaphore(%run_scoped3A : memref<!tpu.dma_semaphore, #tpu.memory_space<semaphore_mem>>) src(%arg7 : memref<50176xf32, #tpu.memory_space<vmem>>) dst(%dma_wait3A_18 : memref<50176xf32, #tpu.memory_space<hbm>>)
      tpu.yield
    }) : () -> ()
    return
  }
}

#map = affine_map<(d0, d1) -> (0, 0)>
#map1 = affine_map<(d0, d1) -> (0, 0, 0)>
module attributes {stable_mosaic.version = 14 : i64} {
  func.func @_agg(%arg0: i32, %arg1: i32, %arg2: memref<6400x128xi32, #tpu.memory_space<hbm>>, %arg3: memref<6400x128xi32, #tpu.memory_space<hbm>>, %arg4: memref<2x50176x32xf32, #tpu.memory_space<hbm>>, %arg5: memref<2x50176x32xf32, #tpu.memory_space<hbm>>, %arg6: memref<50176x32xf32, #tpu.memory_space<vmem_shared>>, %arg7: memref<4x2x128xi32, #tpu.memory_space<vmem>>, %arg8: memref<4x2x128xi32, #tpu.memory_space<vmem>>, %arg9: memref<3x2x128x32xf32, #tpu.memory_space<vmem>>, %arg10: memref<98x32xf32, #tpu.memory_space<vmem>>, %arg11: memref<!tpu.dma_semaphore, #tpu.memory_space<semaphore_mem>>, %arg12: memref<!tpu.dma_semaphore, #tpu.memory_space<semaphore_mem>>, %arg13: memref<!tpu.dma_semaphore, #tpu.memory_space<semaphore_mem>>, %arg14: memref<!tpu.dma_semaphore, #tpu.memory_space<semaphore_mem>>) attributes {dimension_semantics = [#tpu.dimension_semantics<core_parallel>, #tpu.dimension_semantics<subcore_parallel>], iteration_bounds = array<i64: 2, 16>, scalar_prefetch = 0 : i64, scratch_operands = 9 : i64, tpu.core_type = #tpu.core_type<sc_vector_subcore>, window_params = [{transform_indices = #map}, {transform_indices = #map}, {transform_indices = #map1}, {transform_indices = #map1}]} {
    %broadcast_in_dim3A = arith.constant 0.000000e+00 : f32
    %broadcast_in_dim3A_0 = vector.broadcast %broadcast_in_dim3A : f32 to vector<16xf32>
    %scan3A = arith.constant 0 : i32
    %scan3A_1 = arith.constant 98 : i32
    %scan3A_2 = arith.addi %scan3A, %scan3A_1 : i32
    %scan3A_3 = arith.constant 1 : i32
    scf.for %scan3A_12 = %scan3A to %scan3A_2 step %scan3A_3  : i32 {
      %mul3A = arith.constant 1 : i32
      %mul3A_13 = arith.muli %scan3A_12, %mul3A : i32
      %add3A = arith.constant 0 : i32
      %add3A_14 = arith.addi %add3A, %mul3A_13 : i32
      %swap3A = arith.index_cast %add3A_14 : i32 to index
      %swap3A_15 = arith.constant 0 : index
      %swap3A_16 = tpu.vector_load %arg10[%swap3A, %swap3A_15] {strides = array<i32>} : memref<98x32xf32, #tpu.memory_space<vmem>>, vector<16xf32>,
      tpu.vector_store %arg10[%swap3A, %swap3A_15], %broadcast_in_dim3A_0 {strides = array<i32>} : memref<98x32xf32, #tpu.memory_space<vmem>>, vector<16xf32>,
      %swap3A_17 = arith.index_cast %add3A_14 : i32 to index
      %swap3A_18 = arith.constant 16 : index
      %swap3A_19 = tpu.vector_load %arg10[%swap3A_17, %swap3A_18] {strides = array<i32>} : memref<98x32xf32, #tpu.memory_space<vmem>>, vector<16xf32>,
      tpu.vector_store %arg10[%swap3A_17, %swap3A_18], %broadcast_in_dim3A_0 {strides = array<i32>} : memref<98x32xf32, #tpu.memory_space<vmem>>, vector<16xf32>,
    }
    %scan3A_4 = arith.constant 98 : i32
    %eq3A = arith.constant 0 : i32
    %eq3A_5 = arith.cmpi eq, %arg0, %eq3A : i32
    %convert_element_type3A = arith.extui %eq3A_5 : i1 to i32
    %cond3A = arith.constant 0 : i32
    %cond3A_6 = arith.cmpi ne, %convert_element_type3A, %cond3A : i32
    scf.if %cond3A_6 {
      %mul3A = arith.constant 3136 : i32
      %mul3A_12 = arith.muli %arg1, %mul3A : i32
      %multiple_of3A = tpu.assume_multiple %mul3A_12, 8 : i32
      %scan3A_13 = arith.constant 0 : i32
      %scan3A_14 = arith.constant 32 : i32
      %scan3A_15 = arith.addi %scan3A_13, %scan3A_14 : i32
      %scan3A_16 = arith.constant 1 : i32
      scf.for %scan3A_98 = %scan3A_13 to %scan3A_15 step %scan3A_16  : i32 {
        %mul3A_99 = arith.constant 1 : i32
        %mul3A_100 = arith.muli %scan3A_98, %mul3A_99 : i32
        %add3A_101 = arith.constant 0 : i32
        %add3A_102 = arith.addi %add3A_101, %mul3A_100 : i32
        %mul3A_103 = arith.constant 98 : i32
        %mul3A_104 = arith.muli %add3A_102, %mul3A_103 : i32
        %add3A_105 = arith.addi %multiple_of3A, %mul3A_104 : i32
        "tpu.region"() ({
          %run_scoped3A_106 = tpu.sem_alloc : memref<!tpu.dma_semaphore, #tpu.memory_space<semaphore_mem>>
          %dma_start3A_107 = arith.constant 0 : i32
          %dma_start3A_108 = tpu.memref_slice %arg6[%add3A_105, %dma_start3A_107] : memref<50176x32xf32, #tpu.memory_space<vmem_shared>> -> memref<98x32xf32, #tpu.memory_space<vmem_shared>>
          %dma_start3A_109 = arith.constant 0 : i32
          %dma_start3A_110 = tpu.memref_slice %arg6[%add3A_105, %dma_start3A_109] : memref<50176x32xf32, #tpu.memory_space<vmem_shared>> -> memref<98x32xf32, #tpu.memory_space<vmem_shared>>
          tpu.enqueue_dma source(%arg10 : memref<98x32xf32, #tpu.memory_space<vmem>>) target(%dma_start3A_110 : memref<98x32xf32, #tpu.memory_space<vmem_shared>>) target_semaphore(%run_scoped3A_106 : memref<!tpu.dma_semaphore, #tpu.memory_space<semaphore_mem>>)
          %dma_wait3A_111 = arith.constant 0 : i32
          %dma_wait3A_112 = tpu.memref_slice %arg6[%add3A_105, %dma_wait3A_111] : memref<50176x32xf32, #tpu.memory_space<vmem_shared>> -> memref<98x32xf32, #tpu.memory_space<vmem_shared>>
          %dma_wait3A_113 = arith.constant 0 : i32
          %dma_wait3A_114 = tpu.memref_slice %arg6[%add3A_105, %dma_wait3A_113] : memref<50176x32xf32, #tpu.memory_space<vmem_shared>> -> memref<98x32xf32, #tpu.memory_space<vmem_shared>>
          tpu.wait_dma2 semaphore(%run_scoped3A_106 : memref<!tpu.dma_semaphore, #tpu.memory_space<semaphore_mem>>) src(%arg10 : memref<98x32xf32, #tpu.memory_space<vmem>>) dst(%dma_wait3A_114 : memref<98x32xf32, #tpu.memory_space<vmem_shared>>)
          tpu.yield
        }) : () -> ()
      }
      %scan3A_17 = arith.constant 32 : i32
      %barrier3A = arith.constant 0 : index
      tpu.barrier barrier_id(%barrier3A)
      %mul3A_18 = arith.constant 400 : i32
      %mul3A_19 = arith.muli %arg1, %mul3A_18 : i32
      %run_scoped3A = arith.constant 0 : i32
      "tpu.region"() ({
        %run_scoped3A_98 = tpu.sem_alloc : memref<!tpu.dma_semaphore, #tpu.memory_space<semaphore_mem>>
        %dma_start3A_99 = arith.constant 0 : i32
        %dma_start3A_100 = arith.constant 0 : i32
        %dma_start3A_101 = tpu.memref_slice %arg7[%run_scoped3A, %dma_start3A_99, %dma_start3A_100] : memref<4x2x128xi32, #tpu.memory_space<vmem>> -> memref<1x2x128xi32, #tpu.memory_space<vmem>>
        %dma_start3A_102 = tpu.memref_squeeze %dma_start3A_101 : memref<1x2x128xi32, #tpu.memory_space<vmem>> -> memref<2x128xi32, #tpu.memory_space<vmem>>
        %dma_start3A_103 = arith.constant 0 : i32
        %dma_start3A_104 = tpu.memref_slice %arg2[%mul3A_19, %dma_start3A_103] : memref<6400x128xi32, #tpu.memory_space<hbm>> -> memref<2x128xi32, #tpu.memory_space<hbm>>
        %dma_start3A_105 = arith.constant 0 : i32
        %dma_start3A_106 = arith.constant 0 : i32
        %dma_start3A_107 = tpu.memref_slice %arg7[%run_scoped3A, %dma_start3A_105, %dma_start3A_106] : memref<4x2x128xi32, #tpu.memory_space<vmem>> -> memref<1x2x128xi32, #tpu.memory_space<vmem>>
        %dma_start3A_108 = tpu.memref_squeeze %dma_start3A_107 : memref<1x2x128xi32, #tpu.memory_space<vmem>> -> memref<2x128xi32, #tpu.memory_space<vmem>>
        %dma_start3A_109 = arith.constant 0 : i32
        %dma_start3A_110 = tpu.memref_slice %arg2[%mul3A_19, %dma_start3A_109] : memref<6400x128xi32, #tpu.memory_space<hbm>> -> memref<2x128xi32, #tpu.memory_space<hbm>>
        tpu.enqueue_dma source(%dma_start3A_110 : memref<2x128xi32, #tpu.memory_space<hbm>>) target(%dma_start3A_108 : memref<2x128xi32, #tpu.memory_space<vmem>>) target_semaphore(%run_scoped3A_98 : memref<!tpu.dma_semaphore, #tpu.memory_space<semaphore_mem>>)
        %dma_wait3A_111 = arith.constant 0 : i32
        %dma_wait3A_112 = arith.constant 0 : i32
        %dma_wait3A_113 = tpu.memref_slice %arg7[%run_scoped3A, %dma_wait3A_111, %dma_wait3A_112] : memref<4x2x128xi32, #tpu.memory_space<vmem>> -> memref<1x2x128xi32, #tpu.memory_space<vmem>>
        %dma_wait3A_114 = tpu.memref_squeeze %dma_wait3A_113 : memref<1x2x128xi32, #tpu.memory_space<vmem>> -> memref<2x128xi32, #tpu.memory_space<vmem>>
        %dma_wait3A_115 = arith.constant 0 : i32
        %dma_wait3A_116 = tpu.memref_slice %arg2[%mul3A_19, %dma_wait3A_115] : memref<6400x128xi32, #tpu.memory_space<hbm>> -> memref<2x128xi32, #tpu.memory_space<hbm>>
        %dma_wait3A_117 = arith.constant 0 : i32
        %dma_wait3A_118 = arith.constant 0 : i32
        %dma_wait3A_119 = tpu.memref_slice %arg7[%run_scoped3A, %dma_wait3A_117, %dma_wait3A_118] : memref<4x2x128xi32, #tpu.memory_space<vmem>> -> memref<1x2x128xi32, #tpu.memory_space<vmem>>
        %dma_wait3A_120 = tpu.memref_squeeze %dma_wait3A_119 : memref<1x2x128xi32, #tpu.memory_space<vmem>> -> memref<2x128xi32, #tpu.memory_space<vmem>>
        %dma_wait3A_121 = arith.constant 0 : i32
        %dma_wait3A_122 = tpu.memref_slice %arg2[%mul3A_19, %dma_wait3A_121] : memref<6400x128xi32, #tpu.memory_space<hbm>> -> memref<2x128xi32, #tpu.memory_space<hbm>>
        tpu.wait_dma2 semaphore(%run_scoped3A_98 : memref<!tpu.dma_semaphore, #tpu.memory_space<semaphore_mem>>) src(%dma_wait3A_122 : memref<2x128xi32, #tpu.memory_space<hbm>>) dst(%dma_wait3A_120 : memref<2x128xi32, #tpu.memory_space<vmem>>)
        tpu.yield
      }) : () -> ()
      %run_scoped3A_20 = arith.constant 0 : i32
      "tpu.region"() ({
        %run_scoped3A_98 = tpu.sem_alloc : memref<!tpu.dma_semaphore, #tpu.memory_space<semaphore_mem>>
        %dma_start3A_99 = arith.constant 0 : i32
        %dma_start3A_100 = arith.constant 0 : i32
        %dma_start3A_101 = tpu.memref_slice %arg8[%run_scoped3A_20, %dma_start3A_99, %dma_start3A_100] : memref<4x2x128xi32, #tpu.memory_space<vmem>> -> memref<1x2x128xi32, #tpu.memory_space<vmem>>
        %dma_start3A_102 = tpu.memref_squeeze %dma_start3A_101 : memref<1x2x128xi32, #tpu.memory_space<vmem>> -> memref<2x128xi32, #tpu.memory_space<vmem>>
        %dma_start3A_103 = arith.constant 0 : i32
        %dma_start3A_104 = tpu.memref_slice %arg3[%mul3A_19, %dma_start3A_103] : memref<6400x128xi32, #tpu.memory_space<hbm>> -> memref<2x128xi32, #tpu.memory_space<hbm>>
        %dma_start3A_105 = arith.constant 0 : i32
        %dma_start3A_106 = arith.constant 0 : i32
        %dma_start3A_107 = tpu.memref_slice %arg8[%run_scoped3A_20, %dma_start3A_105, %dma_start3A_106] : memref<4x2x128xi32, #tpu.memory_space<vmem>> -> memref<1x2x128xi32, #tpu.memory_space<vmem>>
        %dma_start3A_108 = tpu.memref_squeeze %dma_start3A_107 : memref<1x2x128xi32, #tpu.memory_space<vmem>> -> memref<2x128xi32, #tpu.memory_space<vmem>>
        %dma_start3A_109 = arith.constant 0 : i32
        %dma_start3A_110 = tpu.memref_slice %arg3[%mul3A_19, %dma_start3A_109] : memref<6400x128xi32, #tpu.memory_space<hbm>> -> memref<2x128xi32, #tpu.memory_space<hbm>>
        tpu.enqueue_dma source(%dma_start3A_110 : memref<2x128xi32, #tpu.memory_space<hbm>>) target(%dma_start3A_108 : memref<2x128xi32, #tpu.memory_space<vmem>>) target_semaphore(%run_scoped3A_98 : memref<!tpu.dma_semaphore, #tpu.memory_space<semaphore_mem>>)
        %dma_wait3A_111 = arith.constant 0 : i32
        %dma_wait3A_112 = arith.constant 0 : i32
        %dma_wait3A_113 = tpu.memref_slice %arg8[%run_scoped3A_20, %dma_wait3A_111, %dma_wait3A_112] : memref<4x2x128xi32, #tpu.memory_space<vmem>> -> memref<1x2x128xi32, #tpu.memory_space<vmem>>
        %dma_wait3A_114 = tpu.memref_squeeze %dma_wait3A_113 : memref<1x2x128xi32, #tpu.memory_space<vmem>> -> memref<2x128xi32, #tpu.memory_space<vmem>>
        %dma_wait3A_115 = arith.constant 0 : i32
        %dma_wait3A_116 = tpu.memref_slice %arg3[%mul3A_19, %dma_wait3A_115] : memref<6400x128xi32, #tpu.memory_space<hbm>> -> memref<2x128xi32, #tpu.memory_space<hbm>>
        %dma_wait3A_117 = arith.constant 0 : i32
        %dma_wait3A_118 = arith.constant 0 : i32
        %dma_wait3A_119 = tpu.memref_slice %arg8[%run_scoped3A_20, %dma_wait3A_117, %dma_wait3A_118] : memref<4x2x128xi32, #tpu.memory_space<vmem>> -> memref<1x2x128xi32, #tpu.memory_space<vmem>>
        %dma_wait3A_120 = tpu.memref_squeeze %dma_wait3A_119 : memref<1x2x128xi32, #tpu.memory_space<vmem>> -> memref<2x128xi32, #tpu.memory_space<vmem>>
        %dma_wait3A_121 = arith.constant 0 : i32
        %dma_wait3A_122 = tpu.memref_slice %arg3[%mul3A_19, %dma_wait3A_121] : memref<6400x128xi32, #tpu.memory_space<hbm>> -> memref<2x128xi32, #tpu.memory_space<hbm>>
        tpu.wait_dma2 semaphore(%run_scoped3A_98 : memref<!tpu.dma_semaphore, #tpu.memory_space<semaphore_mem>>) src(%dma_wait3A_122 : memref<2x128xi32, #tpu.memory_space<hbm>>) dst(%dma_wait3A_120 : memref<2x128xi32, #tpu.memory_space<vmem>>)
        tpu.yield
      }) : () -> ()
      %add3A = arith.constant 2 : i32
      %add3A_21 = arith.addi %mul3A_19, %add3A : i32
      %run_scoped3A_22 = arith.constant 1 : i32
      "tpu.region"() ({
        %run_scoped3A_98 = tpu.sem_alloc : memref<!tpu.dma_semaphore, #tpu.memory_space<semaphore_mem>>
        %dma_start3A_99 = arith.constant 0 : i32
        %dma_start3A_100 = arith.constant 0 : i32
        %dma_start3A_101 = tpu.memref_slice %arg7[%run_scoped3A_22, %dma_start3A_99, %dma_start3A_100] : memref<4x2x128xi32, #tpu.memory_space<vmem>> -> memref<1x2x128xi32, #tpu.memory_space<vmem>>
        %dma_start3A_102 = tpu.memref_squeeze %dma_start3A_101 : memref<1x2x128xi32, #tpu.memory_space<vmem>> -> memref<2x128xi32, #tpu.memory_space<vmem>>
        %dma_start3A_103 = arith.constant 0 : i32
        %dma_start3A_104 = tpu.memref_slice %arg2[%add3A_21, %dma_start3A_103] : memref<6400x128xi32, #tpu.memory_space<hbm>> -> memref<2x128xi32, #tpu.memory_space<hbm>>
        %dma_start3A_105 = arith.constant 0 : i32
        %dma_start3A_106 = arith.constant 0 : i32
        %dma_start3A_107 = tpu.memref_slice %arg7[%run_scoped3A_22, %dma_start3A_105, %dma_start3A_106] : memref<4x2x128xi32, #tpu.memory_space<vmem>> -> memref<1x2x128xi32, #tpu.memory_space<vmem>>
        %dma_start3A_108 = tpu.memref_squeeze %dma_start3A_107 : memref<1x2x128xi32, #tpu.memory_space<vmem>> -> memref<2x128xi32, #tpu.memory_space<vmem>>
        %dma_start3A_109 = arith.constant 0 : i32
        %dma_start3A_110 = tpu.memref_slice %arg2[%add3A_21, %dma_start3A_109] : memref<6400x128xi32, #tpu.memory_space<hbm>> -> memref<2x128xi32, #tpu.memory_space<hbm>>
        tpu.enqueue_dma source(%dma_start3A_110 : memref<2x128xi32, #tpu.memory_space<hbm>>) target(%dma_start3A_108 : memref<2x128xi32, #tpu.memory_space<vmem>>) target_semaphore(%run_scoped3A_98 : memref<!tpu.dma_semaphore, #tpu.memory_space<semaphore_mem>>)
        %dma_wait3A_111 = arith.constant 0 : i32
        %dma_wait3A_112 = arith.constant 0 : i32
        %dma_wait3A_113 = tpu.memref_slice %arg7[%run_scoped3A_22, %dma_wait3A_111, %dma_wait3A_112] : memref<4x2x128xi32, #tpu.memory_space<vmem>> -> memref<1x2x128xi32, #tpu.memory_space<vmem>>
        %dma_wait3A_114 = tpu.memref_squeeze %dma_wait3A_113 : memref<1x2x128xi32, #tpu.memory_space<vmem>> -> memref<2x128xi32, #tpu.memory_space<vmem>>
        %dma_wait3A_115 = arith.constant 0 : i32
        %dma_wait3A_116 = tpu.memref_slice %arg2[%add3A_21, %dma_wait3A_115] : memref<6400x128xi32, #tpu.memory_space<hbm>> -> memref<2x128xi32, #tpu.memory_space<hbm>>
        %dma_wait3A_117 = arith.constant 0 : i32
        %dma_wait3A_118 = arith.constant 0 : i32
        %dma_wait3A_119 = tpu.memref_slice %arg7[%run_scoped3A_22, %dma_wait3A_117, %dma_wait3A_118] : memref<4x2x128xi32, #tpu.memory_space<vmem>> -> memref<1x2x128xi32, #tpu.memory_space<vmem>>
        %dma_wait3A_120 = tpu.memref_squeeze %dma_wait3A_119 : memref<1x2x128xi32, #tpu.memory_space<vmem>> -> memref<2x128xi32, #tpu.memory_space<vmem>>
        %dma_wait3A_121 = arith.constant 0 : i32
        %dma_wait3A_122 = tpu.memref_slice %arg2[%add3A_21, %dma_wait3A_121] : memref<6400x128xi32, #tpu.memory_space<hbm>> -> memref<2x128xi32, #tpu.memory_space<hbm>>
        tpu.wait_dma2 semaphore(%run_scoped3A_98 : memref<!tpu.dma_semaphore, #tpu.memory_space<semaphore_mem>>) src(%dma_wait3A_122 : memref<2x128xi32, #tpu.memory_space<hbm>>) dst(%dma_wait3A_120 : memref<2x128xi32, #tpu.memory_space<vmem>>)
        tpu.yield
      }) : () -> ()
      %add3A_23 = arith.constant 2 : i32
      %add3A_24 = arith.addi %mul3A_19, %add3A_23 : i32
      %run_scoped3A_25 = arith.constant 1 : i32
      "tpu.region"() ({
        %run_scoped3A_98 = tpu.sem_alloc : memref<!tpu.dma_semaphore, #tpu.memory_space<semaphore_mem>>
        %dma_start3A_99 = arith.constant 0 : i32
        %dma_start3A_100 = arith.constant 0 : i32
        %dma_start3A_101 = tpu.memref_slice %arg8[%run_scoped3A_25, %dma_start3A_99, %dma_start3A_100] : memref<4x2x128xi32, #tpu.memory_space<vmem>> -> memref<1x2x128xi32, #tpu.memory_space<vmem>>
        %dma_start3A_102 = tpu.memref_squeeze %dma_start3A_101 : memref<1x2x128xi32, #tpu.memory_space<vmem>> -> memref<2x128xi32, #tpu.memory_space<vmem>>
        %dma_start3A_103 = arith.constant 0 : i32
        %dma_start3A_104 = tpu.memref_slice %arg3[%add3A_24, %dma_start3A_103] : memref<6400x128xi32, #tpu.memory_space<hbm>> -> memref<2x128xi32, #tpu.memory_space<hbm>>
        %dma_start3A_105 = arith.constant 0 : i32
        %dma_start3A_106 = arith.constant 0 : i32
        %dma_start3A_107 = tpu.memref_slice %arg8[%run_scoped3A_25, %dma_start3A_105, %dma_start3A_106] : memref<4x2x128xi32, #tpu.memory_space<vmem>> -> memref<1x2x128xi32, #tpu.memory_space<vmem>>
        %dma_start3A_108 = tpu.memref_squeeze %dma_start3A_107 : memref<1x2x128xi32, #tpu.memory_space<vmem>> -> memref<2x128xi32, #tpu.memory_space<vmem>>
        %dma_start3A_109 = arith.constant 0 : i32
        %dma_start3A_110 = tpu.memref_slice %arg3[%add3A_24, %dma_start3A_109] : memref<6400x128xi32, #tpu.memory_space<hbm>> -> memref<2x128xi32, #tpu.memory_space<hbm>>
        tpu.enqueue_dma source(%dma_start3A_110 : memref<2x128xi32, #tpu.memory_space<hbm>>) target(%dma_start3A_108 : memref<2x128xi32, #tpu.memory_space<vmem>>) target_semaphore(%run_scoped3A_98 : memref<!tpu.dma_semaphore, #tpu.memory_space<semaphore_mem>>)
        %dma_wait3A_111 = arith.constant 0 : i32
        %dma_wait3A_112 = arith.constant 0 : i32
        %dma_wait3A_113 = tpu.memref_slice %arg8[%run_scoped3A_25, %dma_wait3A_111, %dma_wait3A_112] : memref<4x2x128xi32, #tpu.memory_space<vmem>> -> memref<1x2x128xi32, #tpu.memory_space<vmem>>
        %dma_wait3A_114 = tpu.memref_squeeze %dma_wait3A_113 : memref<1x2x128xi32, #tpu.memory_space<vmem>> -> memref<2x128xi32, #tpu.memory_space<vmem>>
        %dma_wait3A_115 = arith.constant 0 : i32
        %dma_wait3A_116 = tpu.memref_slice %arg3[%add3A_24, %dma_wait3A_115] : memref<6400x128xi32, #tpu.memory_space<hbm>> -> memref<2x128xi32, #tpu.memory_space<hbm>>
        %dma_wait3A_117 = arith.constant 0 : i32
        %dma_wait3A_118 = arith.constant 0 : i32
        %dma_wait3A_119 = tpu.memref_slice %arg8[%run_scoped3A_25, %dma_wait3A_117, %dma_wait3A_118] : memref<4x2x128xi32, #tpu.memory_space<vmem>> -> memref<1x2x128xi32, #tpu.memory_space<vmem>>
        %dma_wait3A_120 = tpu.memref_squeeze %dma_wait3A_119 : memref<1x2x128xi32, #tpu.memory_space<vmem>> -> memref<2x128xi32, #tpu.memory_space<vmem>>
        %dma_wait3A_121 = arith.constant 0 : i32
        %dma_wait3A_122 = tpu.memref_slice %arg3[%add3A_24, %dma_wait3A_121] : memref<6400x128xi32, #tpu.memory_space<hbm>> -> memref<2x128xi32, #tpu.memory_space<hbm>>
        tpu.wait_dma2 semaphore(%run_scoped3A_98 : memref<!tpu.dma_semaphore, #tpu.memory_space<semaphore_mem>>) src(%dma_wait3A_122 : memref<2x128xi32, #tpu.memory_space<hbm>>) dst(%dma_wait3A_120 : memref<2x128xi32, #tpu.memory_space<vmem>>)
        tpu.yield
      }) : () -> ()
      %dma_start3A = arith.constant 0 : i32
      %dma_start3A_26 = arith.constant 0 : i32
      %dma_start3A_27 = arith.constant 0 : i32
      %dma_start3A_28 = arith.constant 0 : i32
      %dma_start3A_29 = arith.constant 0 : i32
      %dma_start3A_30 = arith.constant 0 : i32
      %dma_start3A_31 = arith.constant 0 : i32
      %dma_start3A_32 = tpu.memref_slice %arg9[%dma_start3A_28, %dma_start3A_29, %dma_start3A_30, %dma_start3A_31] : memref<3x2x128x32xf32, #tpu.memory_space<vmem>> -> memref<1x1x128x32xf32, #tpu.memory_space<vmem>>
      %dma_start3A_33 = tpu.memref_squeeze %dma_start3A_32 : memref<1x1x128x32xf32, #tpu.memory_space<vmem>> -> memref<128x32xf32, #tpu.memory_space<vmem>>
      %dma_start3A_34 = arith.constant 0 : i32
      %dma_start3A_35 = tpu.memref_slice %arg7[%dma_start3A_26, %dma_start3A_27, %dma_start3A_34] : memref<4x2x128xi32, #tpu.memory_space<vmem>> -> memref<1x1x128xi32, #tpu.memory_space<vmem>>
      %dma_start3A_36 = tpu.memref_squeeze %dma_start3A_35 : memref<1x1x128xi32, #tpu.memory_space<vmem>> -> memref<128xi32, #tpu.memory_space<vmem>>
      %dma_start3A_37 = arith.constant 0 : i32
      %dma_start3A_38 = arith.constant 0 : i32
      %dma_start3A_39 = tpu.memref_slice %arg4[%dma_start3A, %dma_start3A_37, %dma_start3A_38] : memref<2x50176x32xf32, #tpu.memory_space<hbm>> -> memref<1x50176x32xf32, #tpu.memory_space<hbm>>
      %dma_start3A_40 = tpu.memref_squeeze %dma_start3A_39 : memref<1x50176x32xf32, #tpu.memory_space<hbm>> -> memref<50176x32xf32, #tpu.memory_space<hbm>>
      %dma_start3A_41 = arith.constant 0 : i32
      %dma_start3A_42 = arith.constant 0 : i32
      %dma_start3A_43 = tpu.memref_slice %dma_start3A_40[%dma_start3A_41, %dma_start3A_42] : memref<50176x32xf32, #tpu.memory_space<hbm>> -> memref<50176x32xf32, #tpu.memory_space<hbm>>
      tpu.enqueue_indirect_dma source(%dma_start3A_43 : memref<50176x32xf32, #tpu.memory_space<hbm>>) target(%dma_start3A_33 : memref<128x32xf32, #tpu.memory_space<vmem>>) offsets(%dma_start3A_36 : memref<128xi32, #tpu.memory_space<vmem>>) semaphore(%arg11 : memref<!tpu.dma_semaphore, #tpu.memory_space<semaphore_mem>>)
      %dma_start3A_44 = arith.constant 0 : i32
      %dma_start3A_45 = arith.constant 0 : i32
      %dma_start3A_46 = arith.constant 1 : i32
      %dma_start3A_47 = arith.constant 0 : i32
      %dma_start3A_48 = arith.constant 1 : i32
      %dma_start3A_49 = arith.constant 0 : i32
      %dma_start3A_50 = arith.constant 0 : i32
      %dma_start3A_51 = tpu.memref_slice %arg9[%dma_start3A_47, %dma_start3A_48, %dma_start3A_49, %dma_start3A_50] : memref<3x2x128x32xf32, #tpu.memory_space<vmem>> -> memref<1x1x128x32xf32, #tpu.memory_space<vmem>>
      %dma_start3A_52 = tpu.memref_squeeze %dma_start3A_51 : memref<1x1x128x32xf32, #tpu.memory_space<vmem>> -> memref<128x32xf32, #tpu.memory_space<vmem>>
      %dma_start3A_53 = arith.constant 0 : i32
      %dma_start3A_54 = tpu.memref_slice %arg7[%dma_start3A_45, %dma_start3A_46, %dma_start3A_53] : memref<4x2x128xi32, #tpu.memory_space<vmem>> -> memref<1x1x128xi32, #tpu.memory_space<vmem>>
      %dma_start3A_55 = tpu.memref_squeeze %dma_start3A_54 : memref<1x1x128xi32, #tpu.memory_space<vmem>> -> memref<128xi32, #tpu.memory_space<vmem>>
      %dma_start3A_56 = arith.constant 0 : i32
      %dma_start3A_57 = arith.constant 0 : i32
      %dma_start3A_58 = tpu.memref_slice %arg4[%dma_start3A_44, %dma_start3A_56, %dma_start3A_57] : memref<2x50176x32xf32, #tpu.memory_space<hbm>> -> memref<1x50176x32xf32, #tpu.memory_space<hbm>>
      %dma_start3A_59 = tpu.memref_squeeze %dma_start3A_58 : memref<1x50176x32xf32, #tpu.memory_space<hbm>> -> memref<50176x32xf32, #tpu.memory_space<hbm>>
      %dma_start3A_60 = arith.constant 0 : i32
      %dma_start3A_61 = arith.constant 0 : i32
      %dma_start3A_62 = tpu.memref_slice %dma_start3A_59[%dma_start3A_60, %dma_start3A_61] : memref<50176x32xf32, #tpu.memory_space<hbm>> -> memref<50176x32xf32, #tpu.memory_space<hbm>>
      tpu.enqueue_indirect_dma source(%dma_start3A_62 : memref<50176x32xf32, #tpu.memory_space<hbm>>) target(%dma_start3A_52 : memref<128x32xf32, #tpu.memory_space<vmem>>) offsets(%dma_start3A_55 : memref<128xi32, #tpu.memory_space<vmem>>) semaphore(%arg11 : memref<!tpu.dma_semaphore, #tpu.memory_space<semaphore_mem>>)
      %scan3A_63 = arith.constant 0 : i32
      %scan3A_64 = arith.constant 0 : i32
      %scan3A_65 = arith.constant 200 : i32
      %scan3A_66 = arith.addi %scan3A_64, %scan3A_65 : i32
      %scan3A_67 = arith.constant 1 : i32
      scf.for %scan3A_98 = %scan3A_64 to %scan3A_66 step %scan3A_67  : i32 {
        %mul3A_99 = arith.constant 1 : i32
        %mul3A_100 = arith.muli %scan3A_98, %mul3A_99 : i32
        %add3A_101 = arith.constant 0 : i32
        %add3A_102 = arith.addi %add3A_101, %mul3A_100 : i32
        %rem3A = arith.constant 4 : i32
        %rem3A_103 = arith.remsi %add3A_102, %rem3A : i32
        %add3A_104 = arith.constant 1 : i32
        %add3A_105 = arith.addi %add3A_102, %add3A_104 : i32
        %rem3A_106 = arith.constant 4 : i32
        %rem3A_107 = arith.remsi %add3A_105, %rem3A_106 : i32
        %add3A_108 = arith.constant 2 : i32
        %add3A_109 = arith.addi %add3A_102, %add3A_108 : i32
        %rem3A_110 = arith.constant 4 : i32
        %rem3A_111 = arith.remsi %add3A_109, %rem3A_110 : i32
        %rem3A_112 = arith.constant 3 : i32
        %rem3A_113 = arith.remsi %add3A_102, %rem3A_112 : i32
        %add3A_114 = arith.constant 1 : i32
        %add3A_115 = arith.addi %add3A_102, %add3A_114 : i32
        %rem3A_116 = arith.constant 3 : i32
        %rem3A_117 = arith.remsi %add3A_115, %rem3A_116 : i32
        %gt3A = arith.constant 0 : i32
        %gt3A_118 = arith.cmpi sgt, %add3A_102, %gt3A : i32
        %lt3A = arith.constant 199 : i32
        %lt3A_119 = arith.cmpi slt, %add3A_102, %lt3A : i32
        %and3A = arith.andi %gt3A_118, %lt3A_119 : i1
        %convert_element_type3A_120 = arith.extui %and3A : i1 to i32
        %cond3A_121 = arith.constant 0 : i32
        %cond3A_122 = arith.cmpi ne, %convert_element_type3A_120, %cond3A_121 : i32
        scf.if %cond3A_122 {
          %dma_wait3A_171 = arith.constant 0 : i32
          %dma_wait3A_172 = arith.constant 0 : i32
          %dma_wait3A_173 = arith.constant 0 : i32
          %dma_wait3A_174 = tpu.memref_slice %arg7[%dma_wait3A_171, %dma_wait3A_172, %dma_wait3A_173] : memref<4x2x128xi32, #tpu.memory_space<vmem>> -> memref<1x2x128xi32, #tpu.memory_space<vmem>>
          %dma_wait3A_175 = tpu.memref_squeeze %dma_wait3A_174 : memref<1x2x128xi32, #tpu.memory_space<vmem>> -> memref<2x128xi32, #tpu.memory_space<vmem>>
          %dma_wait3A_176 = arith.constant 0 : i32
          %dma_wait3A_177 = tpu.memref_slice %arg2[%mul3A_19, %dma_wait3A_176] : memref<6400x128xi32, #tpu.memory_space<hbm>> -> memref<2x128xi32, #tpu.memory_space<hbm>>
          %dma_wait3A_178 = arith.constant 0 : i32
          %dma_wait3A_179 = arith.constant 0 : i32
          %dma_wait3A_180 = tpu.memref_slice %arg7[%dma_wait3A_171, %dma_wait3A_178, %dma_wait3A_179] : memref<4x2x128xi32, #tpu.memory_space<vmem>> -> memref<1x2x128xi32, #tpu.memory_space<vmem>>
          %dma_wait3A_181 = tpu.memref_squeeze %dma_wait3A_180 : memref<1x2x128xi32, #tpu.memory_space<vmem>> -> memref<2x128xi32, #tpu.memory_space<vmem>>
          %dma_wait3A_182 = arith.constant 0 : i32
          %dma_wait3A_183 = tpu.memref_slice %arg2[%mul3A_19, %dma_wait3A_182] : memref<6400x128xi32, #tpu.memory_space<hbm>> -> memref<2x128xi32, #tpu.memory_space<hbm>>
          tpu.wait_dma2 semaphore(%arg14 : memref<!tpu.dma_semaphore, #tpu.memory_space<semaphore_mem>>) src(%dma_wait3A_183 : memref<2x128xi32, #tpu.memory_space<hbm>>) dst(%dma_wait3A_181 : memref<2x128xi32, #tpu.memory_space<vmem>>)
          %dma_wait3A_184 = arith.constant 0 : i32
          %dma_wait3A_185 = arith.constant 0 : i32
          %dma_wait3A_186 = arith.constant 0 : i32
          %dma_wait3A_187 = tpu.memref_slice %arg8[%dma_wait3A_184, %dma_wait3A_185, %dma_wait3A_186] : memref<4x2x128xi32, #tpu.memory_space<vmem>> -> memref<1x2x128xi32, #tpu.memory_space<vmem>>
          %dma_wait3A_188 = tpu.memref_squeeze %dma_wait3A_187 : memref<1x2x128xi32, #tpu.memory_space<vmem>> -> memref<2x128xi32, #tpu.memory_space<vmem>>
          %dma_wait3A_189 = arith.constant 0 : i32
          %dma_wait3A_190 = tpu.memref_slice %arg3[%mul3A_19, %dma_wait3A_189] : memref<6400x128xi32, #tpu.memory_space<hbm>> -> memref<2x128xi32, #tpu.memory_space<hbm>>
          %dma_wait3A_191 = arith.constant 0 : i32
          %dma_wait3A_192 = arith.constant 0 : i32
          %dma_wait3A_193 = tpu.memref_slice %arg8[%dma_wait3A_184, %dma_wait3A_191, %dma_wait3A_192] : memref<4x2x128xi32, #tpu.memory_space<vmem>> -> memref<1x2x128xi32, #tpu.memory_space<vmem>>
          %dma_wait3A_194 = tpu.memref_squeeze %dma_wait3A_193 : memref<1x2x128xi32, #tpu.memory_space<vmem>> -> memref<2x128xi32, #tpu.memory_space<vmem>>
          %dma_wait3A_195 = arith.constant 0 : i32
          %dma_wait3A_196 = tpu.memref_slice %arg3[%mul3A_19, %dma_wait3A_195] : memref<6400x128xi32, #tpu.memory_space<hbm>> -> memref<2x128xi32, #tpu.memory_space<hbm>>
          tpu.wait_dma2 semaphore(%arg14 : memref<!tpu.dma_semaphore, #tpu.memory_space<semaphore_mem>>) src(%dma_wait3A_196 : memref<2x128xi32, #tpu.memory_space<hbm>>) dst(%dma_wait3A_194 : memref<2x128xi32, #tpu.memory_space<vmem>>)
        } else {
        }
        %rem3A_123 = arith.constant 2 : i32
        %rem3A_124 = arith.remsi %add3A_102, %rem3A_123 : i32
        %eq3A_125 = arith.constant 0 : i32
        %eq3A_126 = arith.cmpi eq, %rem3A_124, %eq3A_125 : i32
        %convert_element_type3A_127 = arith.extui %eq3A_126 : i1 to i32
        %cond3A_128 = arith.constant 0 : i32
        %cond3A_129 = arith.cmpi ne, %convert_element_type3A_127, %cond3A_128 : i32
        scf.if %cond3A_129 {
          %lt3A_171 = arith.constant 199 : i32
          %lt3A_172 = arith.cmpi slt, %add3A_102, %lt3A_171 : i32
          %convert_element_type3A_173 = arith.extui %lt3A_172 : i1 to i32
          %cond3A_174 = arith.constant 0 : i32
          %cond3A_175 = arith.cmpi ne, %convert_element_type3A_173, %cond3A_174 : i32
          scf.if %cond3A_175 {
            %dma_start3A_212 = arith.constant 0 : i32
            %dma_start3A_213 = arith.constant 0 : i32
            %dma_start3A_214 = arith.constant 0 : i32
            %dma_start3A_215 = arith.constant 0 : i32
            %dma_start3A_216 = tpu.memref_slice %arg9[%rem3A_117, %dma_start3A_213, %dma_start3A_214, %dma_start3A_215] : memref<3x2x128x32xf32, #tpu.memory_space<vmem>> -> memref<1x1x128x32xf32, #tpu.memory_space<vmem>>
            %dma_start3A_217 = tpu.memref_squeeze %dma_start3A_216 : memref<1x1x128x32xf32, #tpu.memory_space<vmem>> -> memref<128x32xf32, #tpu.memory_space<vmem>>
            %dma_start3A_218 = arith.constant 0 : i32
            %dma_start3A_219 = tpu.memref_slice %arg7[%rem3A_107, %dma_start3A_212, %dma_start3A_218] : memref<4x2x128xi32, #tpu.memory_space<vmem>> -> memref<1x1x128xi32, #tpu.memory_space<vmem>>
            %dma_start3A_220 = tpu.memref_squeeze %dma_start3A_219 : memref<1x1x128xi32, #tpu.memory_space<vmem>> -> memref<128xi32, #tpu.memory_space<vmem>>
            %dma_start3A_221 = arith.constant 0 : i32
            %dma_start3A_222 = arith.constant 0 : i32
            %dma_start3A_223 = tpu.memref_slice %arg4[%scan3A_63, %dma_start3A_221, %dma_start3A_222] : memref<2x50176x32xf32, #tpu.memory_space<hbm>> -> memref<1x50176x32xf32, #tpu.memory_space<hbm>>
            %dma_start3A_224 = tpu.memref_squeeze %dma_start3A_223 : memref<1x50176x32xf32, #tpu.memory_space<hbm>> -> memref<50176x32xf32, #tpu.memory_space<hbm>>
            %dma_start3A_225 = arith.constant 0 : i32
            %dma_start3A_226 = arith.constant 0 : i32
            %dma_start3A_227 = tpu.memref_slice %dma_start3A_224[%dma_start3A_225, %dma_start3A_226] : memref<50176x32xf32, #tpu.memory_space<hbm>> -> memref<50176x32xf32, #tpu.memory_space<hbm>>
            tpu.enqueue_indirect_dma source(%dma_start3A_227 : memref<50176x32xf32, #tpu.memory_space<hbm>>) target(%dma_start3A_217 : memref<128x32xf32, #tpu.memory_space<vmem>>) offsets(%dma_start3A_220 : memref<128xi32, #tpu.memory_space<vmem>>) semaphore(%arg12 : memref<!tpu.dma_semaphore, #tpu.memory_space<semaphore_mem>>)
            %dma_start3A_228 = arith.constant 1 : i32
            %dma_start3A_229 = arith.constant 1 : i32
            %dma_start3A_230 = arith.constant 0 : i32
            %dma_start3A_231 = arith.constant 0 : i32
            %dma_start3A_232 = tpu.memref_slice %arg9[%rem3A_117, %dma_start3A_229, %dma_start3A_230, %dma_start3A_231] : memref<3x2x128x32xf32, #tpu.memory_space<vmem>> -> memref<1x1x128x32xf32, #tpu.memory_space<vmem>>
            %dma_start3A_233 = tpu.memref_squeeze %dma_start3A_232 : memref<1x1x128x32xf32, #tpu.memory_space<vmem>> -> memref<128x32xf32, #tpu.memory_space<vmem>>
            %dma_start3A_234 = arith.constant 0 : i32
            %dma_start3A_235 = tpu.memref_slice %arg7[%rem3A_107, %dma_start3A_228, %dma_start3A_234] : memref<4x2x128xi32, #tpu.memory_space<vmem>> -> memref<1x1x128xi32, #tpu.memory_space<vmem>>
            %dma_start3A_236 = tpu.memref_squeeze %dma_start3A_235 : memref<1x1x128xi32, #tpu.memory_space<vmem>> -> memref<128xi32, #tpu.memory_space<vmem>>
            %dma_start3A_237 = arith.constant 0 : i32
            %dma_start3A_238 = arith.constant 0 : i32
            %dma_start3A_239 = tpu.memref_slice %arg4[%scan3A_63, %dma_start3A_237, %dma_start3A_238] : memref<2x50176x32xf32, #tpu.memory_space<hbm>> -> memref<1x50176x32xf32, #tpu.memory_space<hbm>>
            %dma_start3A_240 = tpu.memref_squeeze %dma_start3A_239 : memref<1x50176x32xf32, #tpu.memory_space<hbm>> -> memref<50176x32xf32, #tpu.memory_space<hbm>>
            %dma_start3A_241 = arith.constant 0 : i32
            %dma_start3A_242 = arith.constant 0 : i32
            %dma_start3A_243 = tpu.memref_slice %dma_start3A_240[%dma_start3A_241, %dma_start3A_242] : memref<50176x32xf32, #tpu.memory_space<hbm>> -> memref<50176x32xf32, #tpu.memory_space<hbm>>
            tpu.enqueue_indirect_dma source(%dma_start3A_243 : memref<50176x32xf32, #tpu.memory_space<hbm>>) target(%dma_start3A_233 : memref<128x32xf32, #tpu.memory_space<vmem>>) offsets(%dma_start3A_236 : memref<128xi32, #tpu.memory_space<vmem>>) semaphore(%arg12 : memref<!tpu.dma_semaphore, #tpu.memory_space<semaphore_mem>>)
          } else {
          }
          %dma_wait3A_176 = arith.constant 0 : i32
          %dma_wait3A_177 = arith.constant 0 : i32
          %dma_wait3A_178 = arith.constant 0 : i32
          %dma_wait3A_179 = arith.constant 0 : i32
          %dma_wait3A_180 = arith.constant 0 : i32
          %dma_wait3A_181 = arith.constant 0 : i32
          %dma_wait3A_182 = tpu.memref_slice %arg9[%dma_wait3A_178, %dma_wait3A_179, %dma_wait3A_180, %dma_wait3A_181] : memref<3x2x128x32xf32, #tpu.memory_space<vmem>> -> memref<1x1x128x32xf32, #tpu.memory_space<vmem>>
          %dma_wait3A_183 = tpu.memref_squeeze %dma_wait3A_182 : memref<1x1x128x32xf32, #tpu.memory_space<vmem>> -> memref<128x32xf32, #tpu.memory_space<vmem>>
          %dma_wait3A_184 = arith.constant 0 : i32
          %dma_wait3A_185 = tpu.memref_slice %arg7[%dma_wait3A_176, %dma_wait3A_177, %dma_wait3A_184] : memref<4x2x128xi32, #tpu.memory_space<vmem>> -> memref<1x1x128xi32, #tpu.memory_space<vmem>>
          %dma_wait3A_186 = tpu.memref_squeeze %dma_wait3A_185 : memref<1x1x128xi32, #tpu.memory_space<vmem>> -> memref<128xi32, #tpu.memory_space<vmem>>
          %dma_wait3A_187 = arith.constant 0 : i32
          %dma_wait3A_188 = arith.constant 0 : i32
          %dma_wait3A_189 = tpu.memref_slice %arg4[%scan3A_63, %dma_wait3A_187, %dma_wait3A_188] : memref<2x50176x32xf32, #tpu.memory_space<hbm>> -> memref<1x50176x32xf32, #tpu.memory_space<hbm>>
          %dma_wait3A_190 = tpu.memref_squeeze %dma_wait3A_189 : memref<1x50176x32xf32, #tpu.memory_space<hbm>> -> memref<50176x32xf32, #tpu.memory_space<hbm>>
          %dma_wait3A_191 = arith.constant 0 : i32
          %dma_wait3A_192 = arith.constant 0 : i32
          %dma_wait3A_193 = tpu.memref_slice %dma_wait3A_190[%dma_wait3A_191, %dma_wait3A_192] : memref<50176x32xf32, #tpu.memory_space<hbm>> -> memref<50176x32xf32, #tpu.memory_space<hbm>>
          tpu.wait_indirect_dma semaphore(%arg11 : memref<!tpu.dma_semaphore, #tpu.memory_space<semaphore_mem>>) src(%dma_wait3A_193 : memref<50176x32xf32, #tpu.memory_space<hbm>>) dst(%dma_wait3A_183 : memref<128x32xf32, #tpu.memory_space<vmem>>)
          %dma_wait3A_194 = arith.constant 0 : i32
          %dma_wait3A_195 = arith.constant 1 : i32
          %dma_wait3A_196 = arith.constant 0 : i32
          %dma_wait3A_197 = arith.constant 1 : i32
          %dma_wait3A_198 = arith.constant 0 : i32
          %dma_wait3A_199 = arith.constant 0 : i32
          %dma_wait3A_200 = tpu.memref_slice %arg9[%dma_wait3A_196, %dma_wait3A_197, %dma_wait3A_198, %dma_wait3A_199] : memref<3x2x128x32xf32, #tpu.memory_space<vmem>> -> memref<1x1x128x32xf32, #tpu.memory_space<vmem>>
          %dma_wait3A_201 = tpu.memref_squeeze %dma_wait3A_200 : memref<1x1x128x32xf32, #tpu.memory_space<vmem>> -> memref<128x32xf32, #tpu.memory_space<vmem>>
          %dma_wait3A_202 = arith.constant 0 : i32
          %dma_wait3A_203 = tpu.memref_slice %arg7[%dma_wait3A_194, %dma_wait3A_195, %dma_wait3A_202] : memref<4x2x128xi32, #tpu.memory_space<vmem>> -> memref<1x1x128xi32, #tpu.memory_space<vmem>>
          %dma_wait3A_204 = tpu.memref_squeeze %dma_wait3A_203 : memref<1x1x128xi32, #tpu.memory_space<vmem>> -> memref<128xi32, #tpu.memory_space<vmem>>
          %dma_wait3A_205 = arith.constant 0 : i32
          %dma_wait3A_206 = arith.constant 0 : i32
          %dma_wait3A_207 = tpu.memref_slice %arg4[%scan3A_63, %dma_wait3A_205, %dma_wait3A_206] : memref<2x50176x32xf32, #tpu.memory_space<hbm>> -> memref<1x50176x32xf32, #tpu.memory_space<hbm>>
          %dma_wait3A_208 = tpu.memref_squeeze %dma_wait3A_207 : memref<1x50176x32xf32, #tpu.memory_space<hbm>> -> memref<50176x32xf32, #tpu.memory_space<hbm>>
          %dma_wait3A_209 = arith.constant 0 : i32
          %dma_wait3A_210 = arith.constant 0 : i32
          %dma_wait3A_211 = tpu.memref_slice %dma_wait3A_208[%dma_wait3A_209, %dma_wait3A_210] : memref<50176x32xf32, #tpu.memory_space<hbm>> -> memref<50176x32xf32, #tpu.memory_space<hbm>>
          tpu.wait_indirect_dma semaphore(%arg11 : memref<!tpu.dma_semaphore, #tpu.memory_space<semaphore_mem>>) src(%dma_wait3A_211 : memref<50176x32xf32, #tpu.memory_space<hbm>>) dst(%dma_wait3A_201 : memref<128x32xf32, #tpu.memory_space<vmem>>)
        } else {
        }
        %rem3A_130 = arith.constant 2 : i32
        %rem3A_131 = arith.remsi %add3A_102, %rem3A_130 : i32
        %eq3A_132 = arith.constant 1 : i32
        %eq3A_133 = arith.cmpi eq, %rem3A_131, %eq3A_132 : i32
        %convert_element_type3A_134 = arith.extui %eq3A_133 : i1 to i32
        %cond3A_135 = arith.constant 0 : i32
        %cond3A_136 = arith.cmpi ne, %convert_element_type3A_134, %cond3A_135 : i32
        scf.if %cond3A_136 {
          %lt3A_171 = arith.constant 199 : i32
          %lt3A_172 = arith.cmpi slt, %add3A_102, %lt3A_171 : i32
          %convert_element_type3A_173 = arith.extui %lt3A_172 : i1 to i32
          %cond3A_174 = arith.constant 0 : i32
          %cond3A_175 = arith.cmpi ne, %convert_element_type3A_173, %cond3A_174 : i32
          scf.if %cond3A_175 {
            %dma_start3A_212 = arith.constant 0 : i32
            %dma_start3A_213 = arith.constant 0 : i32
            %dma_start3A_214 = arith.constant 0 : i32
            %dma_start3A_215 = arith.constant 0 : i32
            %dma_start3A_216 = tpu.memref_slice %arg9[%rem3A_117, %dma_start3A_213, %dma_start3A_214, %dma_start3A_215] : memref<3x2x128x32xf32, #tpu.memory_space<vmem>> -> memref<1x1x128x32xf32, #tpu.memory_space<vmem>>
            %dma_start3A_217 = tpu.memref_squeeze %dma_start3A_216 : memref<1x1x128x32xf32, #tpu.memory_space<vmem>> -> memref<128x32xf32, #tpu.memory_space<vmem>>
            %dma_start3A_218 = arith.constant 0 : i32
            %dma_start3A_219 = tpu.memref_slice %arg7[%rem3A_107, %dma_start3A_212, %dma_start3A_218] : memref<4x2x128xi32, #tpu.memory_space<vmem>> -> memref<1x1x128xi32, #tpu.memory_space<vmem>>
            %dma_start3A_220 = tpu.memref_squeeze %dma_start3A_219 : memref<1x1x128xi32, #tpu.memory_space<vmem>> -> memref<128xi32, #tpu.memory_space<vmem>>
            %dma_start3A_221 = arith.constant 0 : i32
            %dma_start3A_222 = arith.constant 0 : i32
            %dma_start3A_223 = tpu.memref_slice %arg4[%scan3A_63, %dma_start3A_221, %dma_start3A_222] : memref<2x50176x32xf32, #tpu.memory_space<hbm>> -> memref<1x50176x32xf32, #tpu.memory_space<hbm>>
            %dma_start3A_224 = tpu.memref_squeeze %dma_start3A_223 : memref<1x50176x32xf32, #tpu.memory_space<hbm>> -> memref<50176x32xf32, #tpu.memory_space<hbm>>
            %dma_start3A_225 = arith.constant 0 : i32
            %dma_start3A_226 = arith.constant 0 : i32
            %dma_start3A_227 = tpu.memref_slice %dma_start3A_224[%dma_start3A_225, %dma_start3A_226] : memref<50176x32xf32, #tpu.memory_space<hbm>> -> memref<50176x32xf32, #tpu.memory_space<hbm>>
            tpu.enqueue_indirect_dma source(%dma_start3A_227 : memref<50176x32xf32, #tpu.memory_space<hbm>>) target(%dma_start3A_217 : memref<128x32xf32, #tpu.memory_space<vmem>>) offsets(%dma_start3A_220 : memref<128xi32, #tpu.memory_space<vmem>>) semaphore(%arg11 : memref<!tpu.dma_semaphore, #tpu.memory_space<semaphore_mem>>)
            %dma_start3A_228 = arith.constant 1 : i32
            %dma_start3A_229 = arith.constant 1 : i32
            %dma_start3A_230 = arith.constant 0 : i32
            %dma_start3A_231 = arith.constant 0 : i32
            %dma_start3A_232 = tpu.memref_slice %arg9[%rem3A_117, %dma_start3A_229, %dma_start3A_230, %dma_start3A_231] : memref<3x2x128x32xf32, #tpu.memory_space<vmem>> -> memref<1x1x128x32xf32, #tpu.memory_space<vmem>>
            %dma_start3A_233 = tpu.memref_squeeze %dma_start3A_232 : memref<1x1x128x32xf32, #tpu.memory_space<vmem>> -> memref<128x32xf32, #tpu.memory_space<vmem>>
            %dma_start3A_234 = arith.constant 0 : i32
            %dma_start3A_235 = tpu.memref_slice %arg7[%rem3A_107, %dma_start3A_228, %dma_start3A_234] : memref<4x2x128xi32, #tpu.memory_space<vmem>> -> memref<1x1x128xi32, #tpu.memory_space<vmem>>
            %dma_start3A_236 = tpu.memref_squeeze %dma_start3A_235 : memref<1x1x128xi32, #tpu.memory_space<vmem>> -> memref<128xi32, #tpu.memory_space<vmem>>
            %dma_start3A_237 = arith.constant 0 : i32
            %dma_start3A_238 = arith.constant 0 : i32
            %dma_start3A_239 = tpu.memref_slice %arg4[%scan3A_63, %dma_start3A_237, %dma_start3A_238] : memref<2x50176x32xf32, #tpu.memory_space<hbm>> -> memref<1x50176x32xf32, #tpu.memory_space<hbm>>
            %dma_start3A_240 = tpu.memref_squeeze %dma_start3A_239 : memref<1x50176x32xf32, #tpu.memory_space<hbm>> -> memref<50176x32xf32, #tpu.memory_space<hbm>>
            %dma_start3A_241 = arith.constant 0 : i32
            %dma_start3A_242 = arith.constant 0 : i32
            %dma_start3A_243 = tpu.memref_slice %dma_start3A_240[%dma_start3A_241, %dma_start3A_242] : memref<50176x32xf32, #tpu.memory_space<hbm>> -> memref<50176x32xf32, #tpu.memory_space<hbm>>
            tpu.enqueue_indirect_dma source(%dma_start3A_243 : memref<50176x32xf32, #tpu.memory_space<hbm>>) target(%dma_start3A_233 : memref<128x32xf32, #tpu.memory_space<vmem>>) offsets(%dma_start3A_236 : memref<128xi32, #tpu.memory_space<vmem>>) semaphore(%arg11 : memref<!tpu.dma_semaphore, #tpu.memory_space<semaphore_mem>>)
          } else {
          }
          %dma_wait3A_176 = arith.constant 0 : i32
          %dma_wait3A_177 = arith.constant 0 : i32
          %dma_wait3A_178 = arith.constant 0 : i32
          %dma_wait3A_179 = arith.constant 0 : i32
          %dma_wait3A_180 = arith.constant 0 : i32
          %dma_wait3A_181 = arith.constant 0 : i32
          %dma_wait3A_182 = tpu.memref_slice %arg9[%dma_wait3A_178, %dma_wait3A_179, %dma_wait3A_180, %dma_wait3A_181] : memref<3x2x128x32xf32, #tpu.memory_space<vmem>> -> memref<1x1x128x32xf32, #tpu.memory_space<vmem>>
          %dma_wait3A_183 = tpu.memref_squeeze %dma_wait3A_182 : memref<1x1x128x32xf32, #tpu.memory_space<vmem>> -> memref<128x32xf32, #tpu.memory_space<vmem>>
          %dma_wait3A_184 = arith.constant 0 : i32
          %dma_wait3A_185 = tpu.memref_slice %arg7[%dma_wait3A_176, %dma_wait3A_177, %dma_wait3A_184] : memref<4x2x128xi32, #tpu.memory_space<vmem>> -> memref<1x1x128xi32, #tpu.memory_space<vmem>>
          %dma_wait3A_186 = tpu.memref_squeeze %dma_wait3A_185 : memref<1x1x128xi32, #tpu.memory_space<vmem>> -> memref<128xi32, #tpu.memory_space<vmem>>
          %dma_wait3A_187 = arith.constant 0 : i32
          %dma_wait3A_188 = arith.constant 0 : i32
          %dma_wait3A_189 = tpu.memref_slice %arg4[%scan3A_63, %dma_wait3A_187, %dma_wait3A_188] : memref<2x50176x32xf32, #tpu.memory_space<hbm>> -> memref<1x50176x32xf32, #tpu.memory_space<hbm>>
          %dma_wait3A_190 = tpu.memref_squeeze %dma_wait3A_189 : memref<1x50176x32xf32, #tpu.memory_space<hbm>> -> memref<50176x32xf32, #tpu.memory_space<hbm>>
          %dma_wait3A_191 = arith.constant 0 : i32
          %dma_wait3A_192 = arith.constant 0 : i32
          %dma_wait3A_193 = tpu.memref_slice %dma_wait3A_190[%dma_wait3A_191, %dma_wait3A_192] : memref<50176x32xf32, #tpu.memory_space<hbm>> -> memref<50176x32xf32, #tpu.memory_space<hbm>>
          tpu.wait_indirect_dma semaphore(%arg12 : memref<!tpu.dma_semaphore, #tpu.memory_space<semaphore_mem>>) src(%dma_wait3A_193 : memref<50176x32xf32, #tpu.memory_space<hbm>>) dst(%dma_wait3A_183 : memref<128x32xf32, #tpu.memory_space<vmem>>)
          %dma_wait3A_194 = arith.constant 0 : i32
          %dma_wait3A_195 = arith.constant 1 : i32
          %dma_wait3A_196 = arith.constant 0 : i32
          %dma_wait3A_197 = arith.constant 1 : i32
          %dma_wait3A_198 = arith.constant 0 : i32
          %dma_wait3A_199 = arith.constant 0 : i32
          %dma_wait3A_200 = tpu.memref_slice %arg9[%dma_wait3A_196, %dma_wait3A_197, %dma_wait3A_198, %dma_wait3A_199] : memref<3x2x128x32xf32, #tpu.memory_space<vmem>> -> memref<1x1x128x32xf32, #tpu.memory_space<vmem>>
          %dma_wait3A_201 = tpu.memref_squeeze %dma_wait3A_200 : memref<1x1x128x32xf32, #tpu.memory_space<vmem>> -> memref<128x32xf32, #tpu.memory_space<vmem>>
          %dma_wait3A_202 = arith.constant 0 : i32
          %dma_wait3A_203 = tpu.memref_slice %arg7[%dma_wait3A_194, %dma_wait3A_195, %dma_wait3A_202] : memref<4x2x128xi32, #tpu.memory_space<vmem>> -> memref<1x1x128xi32, #tpu.memory_space<vmem>>
          %dma_wait3A_204 = tpu.memref_squeeze %dma_wait3A_203 : memref<1x1x128xi32, #tpu.memory_space<vmem>> -> memref<128xi32, #tpu.memory_space<vmem>>
          %dma_wait3A_205 = arith.constant 0 : i32
          %dma_wait3A_206 = arith.constant 0 : i32
          %dma_wait3A_207 = tpu.memref_slice %arg4[%scan3A_63, %dma_wait3A_205, %dma_wait3A_206] : memref<2x50176x32xf32, #tpu.memory_space<hbm>> -> memref<1x50176x32xf32, #tpu.memory_space<hbm>>
          %dma_wait3A_208 = tpu.memref_squeeze %dma_wait3A_207 : memref<1x50176x32xf32, #tpu.memory_space<hbm>> -> memref<50176x32xf32, #tpu.memory_space<hbm>>
          %dma_wait3A_209 = arith.constant 0 : i32
          %dma_wait3A_210 = arith.constant 0 : i32
          %dma_wait3A_211 = tpu.memref_slice %dma_wait3A_208[%dma_wait3A_209, %dma_wait3A_210] : memref<50176x32xf32, #tpu.memory_space<hbm>> -> memref<50176x32xf32, #tpu.memory_space<hbm>>
          tpu.wait_indirect_dma semaphore(%arg12 : memref<!tpu.dma_semaphore, #tpu.memory_space<semaphore_mem>>) src(%dma_wait3A_211 : memref<50176x32xf32, #tpu.memory_space<hbm>>) dst(%dma_wait3A_201 : memref<128x32xf32, #tpu.memory_space<vmem>>)
        } else {
        }
        %lt3A_137 = arith.constant 198 : i32
        %lt3A_138 = arith.cmpi slt, %add3A_102, %lt3A_137 : i32
        %convert_element_type3A_139 = arith.extui %lt3A_138 : i1 to i32
        %cond3A_140 = arith.constant 0 : i32
        %cond3A_141 = arith.cmpi ne, %convert_element_type3A_139, %cond3A_140 : i32
        scf.if %cond3A_141 {
          %mul3A_171 = arith.constant 400 : i32
          %mul3A_172 = arith.muli %arg1, %mul3A_171 : i32
          %add3A_173 = arith.constant 2 : i32
          %add3A_174 = arith.addi %add3A_102, %add3A_173 : i32
          %mul3A_175 = arith.constant 2 : i32
          %mul3A_176 = arith.muli %add3A_174, %mul3A_175 : i32
          %add3A_177 = arith.addi %mul3A_172, %mul3A_176 : i32
          %dma_start3A_178 = arith.constant 0 : i32
          %dma_start3A_179 = arith.constant 0 : i32
          %dma_start3A_180 = tpu.memref_slice %arg7[%rem3A_111, %dma_start3A_178, %dma_start3A_179] : memref<4x2x128xi32, #tpu.memory_space<vmem>> -> memref<1x2x128xi32, #tpu.memory_space<vmem>>
          %dma_start3A_181 = tpu.memref_squeeze %dma_start3A_180 : memref<1x2x128xi32, #tpu.memory_space<vmem>> -> memref<2x128xi32, #tpu.memory_space<vmem>>
          %dma_start3A_182 = arith.constant 0 : i32
          %dma_start3A_183 = tpu.memref_slice %arg2[%add3A_177, %dma_start3A_182] : memref<6400x128xi32, #tpu.memory_space<hbm>> -> memref<2x128xi32, #tpu.memory_space<hbm>>
          %dma_start3A_184 = arith.constant 0 : i32
          %dma_start3A_185 = arith.constant 0 : i32
          %dma_start3A_186 = tpu.memref_slice %arg7[%rem3A_111, %dma_start3A_184, %dma_start3A_185] : memref<4x2x128xi32, #tpu.memory_space<vmem>> -> memref<1x2x128xi32, #tpu.memory_space<vmem>>
          %dma_start3A_187 = tpu.memref_squeeze %dma_start3A_186 : memref<1x2x128xi32, #tpu.memory_space<vmem>> -> memref<2x128xi32, #tpu.memory_space<vmem>>
          %dma_start3A_188 = arith.constant 0 : i32
          %dma_start3A_189 = tpu.memref_slice %arg2[%add3A_177, %dma_start3A_188] : memref<6400x128xi32, #tpu.memory_space<hbm>> -> memref<2x128xi32, #tpu.memory_space<hbm>>
          tpu.enqueue_dma source(%dma_start3A_189 : memref<2x128xi32, #tpu.memory_space<hbm>>) target(%dma_start3A_187 : memref<2x128xi32, #tpu.memory_space<vmem>>) target_semaphore(%arg14 : memref<!tpu.dma_semaphore, #tpu.memory_space<semaphore_mem>>)
          %dma_start3A_190 = arith.constant 0 : i32
          %dma_start3A_191 = arith.constant 0 : i32
          %dma_start3A_192 = tpu.memref_slice %arg8[%rem3A_111, %dma_start3A_190, %dma_start3A_191] : memref<4x2x128xi32, #tpu.memory_space<vmem>> -> memref<1x2x128xi32, #tpu.memory_space<vmem>>
          %dma_start3A_193 = tpu.memref_squeeze %dma_start3A_192 : memref<1x2x128xi32, #tpu.memory_space<vmem>> -> memref<2x128xi32, #tpu.memory_space<vmem>>
          %dma_start3A_194 = arith.constant 0 : i32
          %dma_start3A_195 = tpu.memref_slice %arg3[%add3A_177, %dma_start3A_194] : memref<6400x128xi32, #tpu.memory_space<hbm>> -> memref<2x128xi32, #tpu.memory_space<hbm>>
          %dma_start3A_196 = arith.constant 0 : i32
          %dma_start3A_197 = arith.constant 0 : i32
          %dma_start3A_198 = tpu.memref_slice %arg8[%rem3A_111, %dma_start3A_196, %dma_start3A_197] : memref<4x2x128xi32, #tpu.memory_space<vmem>> -> memref<1x2x128xi32, #tpu.memory_space<vmem>>
          %dma_start3A_199 = tpu.memref_squeeze %dma_start3A_198 : memref<1x2x128xi32, #tpu.memory_space<vmem>> -> memref<2x128xi32, #tpu.memory_space<vmem>>
          %dma_start3A_200 = arith.constant 0 : i32
          %dma_start3A_201 = tpu.memref_slice %arg3[%add3A_177, %dma_start3A_200] : memref<6400x128xi32, #tpu.memory_space<hbm>> -> memref<2x128xi32, #tpu.memory_space<hbm>>
          tpu.enqueue_dma source(%dma_start3A_201 : memref<2x128xi32, #tpu.memory_space<hbm>>) target(%dma_start3A_199 : memref<2x128xi32, #tpu.memory_space<vmem>>) target_semaphore(%arg14 : memref<!tpu.dma_semaphore, #tpu.memory_space<semaphore_mem>>)
        } else {
        }
        %gt3A_142 = arith.constant 0 : i32
        %gt3A_143 = arith.cmpi sgt, %add3A_102, %gt3A_142 : i32
        %convert_element_type3A_144 = arith.extui %gt3A_143 : i1 to i32
        %cond3A_145 = arith.constant 0 : i32
        %cond3A_146 = arith.cmpi ne, %convert_element_type3A_144, %cond3A_145 : i32
        scf.if %cond3A_146 {
          %dma_wait3A_171 = arith.constant 0 : i32
          %dma_wait3A_172 = arith.constant 0 : i32
          %dma_wait3A_173 = arith.constant 0 : i32
          %dma_wait3A_174 = arith.constant 0 : i32
          %dma_wait3A_175 = arith.constant 0 : i32
          %dma_wait3A_176 = arith.constant 0 : i32
          %dma_wait3A_177 = tpu.memref_slice %arg9[%dma_wait3A_171, %dma_wait3A_172, %dma_wait3A_175, %dma_wait3A_176] : memref<3x2x128x32xf32, #tpu.memory_space<vmem>> -> memref<1x1x128x32xf32, #tpu.memory_space<vmem>>
          %dma_wait3A_178 = tpu.memref_squeeze %dma_wait3A_177 : memref<1x1x128x32xf32, #tpu.memory_space<vmem>> -> memref<128x32xf32, #tpu.memory_space<vmem>>
          %dma_wait3A_179 = arith.constant 0 : i32
          %dma_wait3A_180 = tpu.memref_slice %arg8[%dma_wait3A_173, %dma_wait3A_174, %dma_wait3A_179] : memref<4x2x128xi32, #tpu.memory_space<vmem>> -> memref<1x1x128xi32, #tpu.memory_space<vmem>>
          %dma_wait3A_181 = tpu.memref_squeeze %dma_wait3A_180 : memref<1x1x128xi32, #tpu.memory_space<vmem>> -> memref<128xi32, #tpu.memory_space<vmem>>
          %dma_wait3A_182 = arith.constant 0 : i32
          %dma_wait3A_183 = arith.constant 0 : i32
          %dma_wait3A_184 = tpu.memref_slice %arg6[%dma_wait3A_182, %dma_wait3A_183] : memref<50176x32xf32, #tpu.memory_space<vmem_shared>> -> memref<50176x32xf32, #tpu.memory_space<vmem_shared>>
          tpu.wait_indirect_dma semaphore(%arg13 : memref<!tpu.dma_semaphore, #tpu.memory_space<semaphore_mem>>) src(%dma_wait3A_178 : memref<128x32xf32, #tpu.memory_space<vmem>>) dst(%dma_wait3A_184 : memref<50176x32xf32, #tpu.memory_space<vmem_shared>>)
          %dma_wait3A_185 = arith.constant 0 : i32
          %dma_wait3A_186 = arith.constant 1 : i32
          %dma_wait3A_187 = arith.constant 0 : i32
          %dma_wait3A_188 = arith.constant 1 : i32
          %dma_wait3A_189 = arith.constant 0 : i32
          %dma_wait3A_190 = arith.constant 0 : i32
          %dma_wait3A_191 = tpu.memref_slice %arg9[%dma_wait3A_185, %dma_wait3A_186, %dma_wait3A_189, %dma_wait3A_190] : memref<3x2x128x32xf32, #tpu.memory_space<vmem>> -> memref<1x1x128x32xf32, #tpu.memory_space<vmem>>
          %dma_wait3A_192 = tpu.memref_squeeze %dma_wait3A_191 : memref<1x1x128x32xf32, #tpu.memory_space<vmem>> -> memref<128x32xf32, #tpu.memory_space<vmem>>
          %dma_wait3A_193 = arith.constant 0 : i32
          %dma_wait3A_194 = tpu.memref_slice %arg8[%dma_wait3A_187, %dma_wait3A_188, %dma_wait3A_193] : memref<4x2x128xi32, #tpu.memory_space<vmem>> -> memref<1x1x128xi32, #tpu.memory_space<vmem>>
          %dma_wait3A_195 = tpu.memref_squeeze %dma_wait3A_194 : memref<1x1x128xi32, #tpu.memory_space<vmem>> -> memref<128xi32, #tpu.memory_space<vmem>>
          %dma_wait3A_196 = arith.constant 0 : i32
          %dma_wait3A_197 = arith.constant 0 : i32
          %dma_wait3A_198 = tpu.memref_slice %arg6[%dma_wait3A_196, %dma_wait3A_197] : memref<50176x32xf32, #tpu.memory_space<vmem_shared>> -> memref<50176x32xf32, #tpu.memory_space<vmem_shared>>
          tpu.wait_indirect_dma semaphore(%arg13 : memref<!tpu.dma_semaphore, #tpu.memory_space<semaphore_mem>>) src(%dma_wait3A_192 : memref<128x32xf32, #tpu.memory_space<vmem>>) dst(%dma_wait3A_198 : memref<50176x32xf32, #tpu.memory_space<vmem_shared>>)
        } else {
        }
        %dma_start3A_147 = arith.constant 0 : i32
        %dma_start3A_148 = arith.constant 0 : i32
        %dma_start3A_149 = arith.constant 0 : i32
        %dma_start3A_150 = arith.constant 0 : i32
        %dma_start3A_151 = tpu.memref_slice %arg9[%rem3A_113, %dma_start3A_147, %dma_start3A_149, %dma_start3A_150] : memref<3x2x128x32xf32, #tpu.memory_space<vmem>> -> memref<1x1x128x32xf32, #tpu.memory_space<vmem>>
        %dma_start3A_152 = tpu.memref_squeeze %dma_start3A_151 : memref<1x1x128x32xf32, #tpu.memory_space<vmem>> -> memref<128x32xf32, #tpu.memory_space<vmem>>
        %dma_start3A_153 = arith.constant 0 : i32
        %dma_start3A_154 = tpu.memref_slice %arg8[%rem3A_103, %dma_start3A_148, %dma_start3A_153] : memref<4x2x128xi32, #tpu.memory_space<vmem>> -> memref<1x1x128xi32, #tpu.memory_space<vmem>>
        %dma_start3A_155 = tpu.memref_squeeze %dma_start3A_154 : memref<1x1x128xi32, #tpu.memory_space<vmem>> -> memref<128xi32, #tpu.memory_space<vmem>>
        %dma_start3A_156 = arith.constant 0 : i32
        %dma_start3A_157 = arith.constant 0 : i32
        %dma_start3A_158 = tpu.memref_slice %arg6[%dma_start3A_156, %dma_start3A_157] : memref<50176x32xf32, #tpu.memory_space<vmem_shared>> -> memref<50176x32xf32, #tpu.memory_space<vmem_shared>>
        tpu.enqueue_indirect_dma source(%dma_start3A_152 : memref<128x32xf32, #tpu.memory_space<vmem>>) target(%dma_start3A_158 : memref<50176x32xf32, #tpu.memory_space<vmem_shared>>) offsets(%dma_start3A_155 : memref<128xi32, #tpu.memory_space<vmem>>) semaphore(%arg13 : memref<!tpu.dma_semaphore, #tpu.memory_space<semaphore_mem>>) {add = true}
        %dma_start3A_159 = arith.constant 1 : i32
        %dma_start3A_160 = arith.constant 1 : i32
        %dma_start3A_161 = arith.constant 0 : i32
        %dma_start3A_162 = arith.constant 0 : i32
        %dma_start3A_163 = tpu.memref_slice %arg9[%rem3A_113, %dma_start3A_159, %dma_start3A_161, %dma_start3A_162] : memref<3x2x128x32xf32, #tpu.memory_space<vmem>> -> memref<1x1x128x32xf32, #tpu.memory_space<vmem>>
        %dma_start3A_164 = tpu.memref_squeeze %dma_start3A_163 : memref<1x1x128x32xf32, #tpu.memory_space<vmem>> -> memref<128x32xf32, #tpu.memory_space<vmem>>
        %dma_start3A_165 = arith.constant 0 : i32
        %dma_start3A_166 = tpu.memref_slice %arg8[%rem3A_103, %dma_start3A_160, %dma_start3A_165] : memref<4x2x128xi32, #tpu.memory_space<vmem>> -> memref<1x1x128xi32, #tpu.memory_space<vmem>>
        %dma_start3A_167 = tpu.memref_squeeze %dma_start3A_166 : memref<1x1x128xi32, #tpu.memory_space<vmem>> -> memref<128xi32, #tpu.memory_space<vmem>>
        %dma_start3A_168 = arith.constant 0 : i32
        %dma_start3A_169 = arith.constant 0 : i32
        %dma_start3A_170 = tpu.memref_slice %arg6[%dma_start3A_168, %dma_start3A_169] : memref<50176x32xf32, #tpu.memory_space<vmem_shared>> -> memref<50176x32xf32, #tpu.memory_space<vmem_shared>>
        tpu.enqueue_indirect_dma source(%dma_start3A_164 : memref<128x32xf32, #tpu.memory_space<vmem>>) target(%dma_start3A_170 : memref<50176x32xf32, #tpu.memory_space<vmem_shared>>) offsets(%dma_start3A_167 : memref<128xi32, #tpu.memory_space<vmem>>) semaphore(%arg13 : memref<!tpu.dma_semaphore, #tpu.memory_space<semaphore_mem>>) {add = true}
      }
      %scan3A_68 = arith.constant 200 : i32
      %dma_wait3A = arith.constant 0 : i32
      %dma_wait3A_69 = arith.constant 0 : i32
      %dma_wait3A_70 = arith.constant 0 : i32
      %dma_wait3A_71 = arith.constant 0 : i32
      %dma_wait3A_72 = arith.constant 0 : i32
      %dma_wait3A_73 = arith.constant 0 : i32
      %dma_wait3A_74 = tpu.memref_slice %arg9[%dma_wait3A, %dma_wait3A_69, %dma_wait3A_72, %dma_wait3A_73] : memref<3x2x128x32xf32, #tpu.memory_space<vmem>> -> memref<1x1x128x32xf32, #tpu.memory_space<vmem>>
      %dma_wait3A_75 = tpu.memref_squeeze %dma_wait3A_74 : memref<1x1x128x32xf32, #tpu.memory_space<vmem>> -> memref<128x32xf32, #tpu.memory_space<vmem>>
      %dma_wait3A_76 = arith.constant 0 : i32
      %dma_wait3A_77 = tpu.memref_slice %arg8[%dma_wait3A_70, %dma_wait3A_71, %dma_wait3A_76] : memref<4x2x128xi32, #tpu.memory_space<vmem>> -> memref<1x1x128xi32, #tpu.memory_space<vmem>>
      %dma_wait3A_78 = tpu.memref_squeeze %dma_wait3A_77 : memref<1x1x128xi32, #tpu.memory_space<vmem>> -> memref<128xi32, #tpu.memory_space<vmem>>
      %dma_wait3A_79 = arith.constant 0 : i32
      %dma_wait3A_80 = arith.constant 0 : i32
      %dma_wait3A_81 = tpu.memref_slice %arg6[%dma_wait3A_79, %dma_wait3A_80] : memref<50176x32xf32, #tpu.memory_space<vmem_shared>> -> memref<50176x32xf32, #tpu.memory_space<vmem_shared>>
      tpu.wait_indirect_dma semaphore(%arg13 : memref<!tpu.dma_semaphore, #tpu.memory_space<semaphore_mem>>) src(%dma_wait3A_75 : memref<128x32xf32, #tpu.memory_space<vmem>>) dst(%dma_wait3A_81 : memref<50176x32xf32, #tpu.memory_space<vmem_shared>>)
      %dma_wait3A_82 = arith.constant 0 : i32
      %dma_wait3A_83 = arith.constant 1 : i32
      %dma_wait3A_84 = arith.constant 0 : i32
      %dma_wait3A_85 = arith.constant 1 : i32
      %dma_wait3A_86 = arith.constant 0 : i32
      %dma_wait3A_87 = arith.constant 0 : i32
      %dma_wait3A_88 = tpu.memref_slice %arg9[%dma_wait3A_82, %dma_wait3A_83, %dma_wait3A_86, %dma_wait3A_87] : memref<3x2x128x32xf32, #tpu.memory_space<vmem>> -> memref<1x1x128x32xf32, #tpu.memory_space<vmem>>
      %dma_wait3A_89 = tpu.memref_squeeze %dma_wait3A_88 : memref<1x1x128x32xf32, #tpu.memory_space<vmem>> -> memref<128x32xf32, #tpu.memory_space<vmem>>
      %dma_wait3A_90 = arith.constant 0 : i32
      %dma_wait3A_91 = tpu.memref_slice %arg8[%dma_wait3A_84, %dma_wait3A_85, %dma_wait3A_90] : memref<4x2x128xi32, #tpu.memory_space<vmem>> -> memref<1x1x128xi32, #tpu.memory_space<vmem>>
      %dma_wait3A_92 = tpu.memref_squeeze %dma_wait3A_91 : memref<1x1x128xi32, #tpu.memory_space<vmem>> -> memref<128xi32, #tpu.memory_space<vmem>>
      %dma_wait3A_93 = arith.constant 0 : i32
      %dma_wait3A_94 = arith.constant 0 : i32
      %dma_wait3A_95 = tpu.memref_slice %arg6[%dma_wait3A_93, %dma_wait3A_94] : memref<50176x32xf32, #tpu.memory_space<vmem_shared>> -> memref<50176x32xf32, #tpu.memory_space<vmem_shared>>
      tpu.wait_indirect_dma semaphore(%arg13 : memref<!tpu.dma_semaphore, #tpu.memory_space<semaphore_mem>>) src(%dma_wait3A_89 : memref<128x32xf32, #tpu.memory_space<vmem>>) dst(%dma_wait3A_95 : memref<50176x32xf32, #tpu.memory_space<vmem_shared>>)
      %barrier3A_96 = arith.constant 0 : index
      tpu.barrier barrier_id(%barrier3A_96)
      %run_scoped3A_97 = arith.constant 0 : i32
      "tpu.region"() ({
        %run_scoped3A_98 = tpu.sem_alloc : memref<!tpu.dma_semaphore, #tpu.memory_space<semaphore_mem>>
        %dma_start3A_99 = arith.constant 0 : i32
        %dma_start3A_100 = tpu.memref_slice %arg5[%run_scoped3A_97, %multiple_of3A, %dma_start3A_99] : memref<2x50176x32xf32, #tpu.memory_space<hbm>> -> memref<1x3136x32xf32, #tpu.memory_space<hbm>>
        %dma_start3A_101 = tpu.memref_squeeze %dma_start3A_100 : memref<1x3136x32xf32, #tpu.memory_space<hbm>> -> memref<3136x32xf32, #tpu.memory_space<hbm>>
        %dma_start3A_102 = arith.constant 0 : i32
        %dma_start3A_103 = tpu.memref_slice %arg6[%multiple_of3A, %dma_start3A_102] : memref<50176x32xf32, #tpu.memory_space<vmem_shared>> -> memref<3136x32xf32, #tpu.memory_space<vmem_shared>>
        tpu.enqueue_dma source(%dma_start3A_103 : memref<3136x32xf32, #tpu.memory_space<vmem_shared>>) target(%dma_start3A_101 : memref<3136x32xf32, #tpu.memory_space<hbm>>) target_semaphore(%run_scoped3A_98 : memref<!tpu.dma_semaphore, #tpu.memory_space<semaphore_mem>>)
        %dma_wait3A_104 = arith.constant 0 : i32
        %dma_wait3A_105 = tpu.memref_slice %arg5[%run_scoped3A_97, %multiple_of3A, %dma_wait3A_104] : memref<2x50176x32xf32, #tpu.memory_space<hbm>> -> memref<1x3136x32xf32, #tpu.memory_space<hbm>>
        %dma_wait3A_106 = tpu.memref_squeeze %dma_wait3A_105 : memref<1x3136x32xf32, #tpu.memory_space<hbm>> -> memref<3136x32xf32, #tpu.memory_space<hbm>>
        %dma_wait3A_107 = arith.constant 0 : i32
        %dma_wait3A_108 = tpu.memref_slice %arg6[%multiple_of3A, %dma_wait3A_107] : memref<50176x32xf32, #tpu.memory_space<vmem_shared>> -> memref<3136x32xf32, #tpu.memory_space<vmem_shared>>
        tpu.wait_dma2 semaphore(%run_scoped3A_98 : memref<!tpu.dma_semaphore, #tpu.memory_space<semaphore_mem>>) src(%dma_wait3A_108 : memref<3136x32xf32, #tpu.memory_space<vmem_shared>>) dst(%dma_wait3A_106 : memref<3136x32xf32, #tpu.memory_space<hbm>>)
        tpu.yield
      }) : () -> ()
    } else {
    }
    %eq3A_7 = arith.constant 1 : i32
    %eq3A_8 = arith.cmpi eq, %arg0, %eq3A_7 : i32
    %convert_element_type3A_9 = arith.extui %eq3A_8 : i1 to i32
    %cond3A_10 = arith.constant 0 : i32
    %cond3A_11 = arith.cmpi ne, %convert_element_type3A_9, %cond3A_10 : i32
    scf.if %cond3A_11 {
      %mul3A = arith.constant 3136 : i32
      %mul3A_12 = arith.muli %arg1, %mul3A : i32
      %multiple_of3A = tpu.assume_multiple %mul3A_12, 8 : i32
      %scan3A_13 = arith.constant 0 : i32
      %scan3A_14 = arith.constant 32 : i32
      %scan3A_15 = arith.addi %scan3A_13, %scan3A_14 : i32
      %scan3A_16 = arith.constant 1 : i32
      scf.for %scan3A_98 = %scan3A_13 to %scan3A_15 step %scan3A_16  : i32 {
        %mul3A_99 = arith.constant 1 : i32
        %mul3A_100 = arith.muli %scan3A_98, %mul3A_99 : i32
        %add3A_101 = arith.constant 0 : i32
        %add3A_102 = arith.addi %add3A_101, %mul3A_100 : i32
        %mul3A_103 = arith.constant 98 : i32
        %mul3A_104 = arith.muli %add3A_102, %mul3A_103 : i32
        %add3A_105 = arith.addi %multiple_of3A, %mul3A_104 : i32
        "tpu.region"() ({
          %run_scoped3A_106 = tpu.sem_alloc : memref<!tpu.dma_semaphore, #tpu.memory_space<semaphore_mem>>
          %dma_start3A_107 = arith.constant 0 : i32
          %dma_start3A_108 = tpu.memref_slice %arg6[%add3A_105, %dma_start3A_107] : memref<50176x32xf32, #tpu.memory_space<vmem_shared>> -> memref<98x32xf32, #tpu.memory_space<vmem_shared>>
          %dma_start3A_109 = arith.constant 0 : i32
          %dma_start3A_110 = tpu.memref_slice %arg6[%add3A_105, %dma_start3A_109] : memref<50176x32xf32, #tpu.memory_space<vmem_shared>> -> memref<98x32xf32, #tpu.memory_space<vmem_shared>>
          tpu.enqueue_dma source(%arg10 : memref<98x32xf32, #tpu.memory_space<vmem>>) target(%dma_start3A_110 : memref<98x32xf32, #tpu.memory_space<vmem_shared>>) target_semaphore(%run_scoped3A_106 : memref<!tpu.dma_semaphore, #tpu.memory_space<semaphore_mem>>)
          %dma_wait3A_111 = arith.constant 0 : i32
          %dma_wait3A_112 = tpu.memref_slice %arg6[%add3A_105, %dma_wait3A_111] : memref<50176x32xf32, #tpu.memory_space<vmem_shared>> -> memref<98x32xf32, #tpu.memory_space<vmem_shared>>
          %dma_wait3A_113 = arith.constant 0 : i32
          %dma_wait3A_114 = tpu.memref_slice %arg6[%add3A_105, %dma_wait3A_113] : memref<50176x32xf32, #tpu.memory_space<vmem_shared>> -> memref<98x32xf32, #tpu.memory_space<vmem_shared>>
          tpu.wait_dma2 semaphore(%run_scoped3A_106 : memref<!tpu.dma_semaphore, #tpu.memory_space<semaphore_mem>>) src(%arg10 : memref<98x32xf32, #tpu.memory_space<vmem>>) dst(%dma_wait3A_114 : memref<98x32xf32, #tpu.memory_space<vmem_shared>>)
          tpu.yield
        }) : () -> ()
      }
      %scan3A_17 = arith.constant 32 : i32
      %barrier3A = arith.constant 0 : index
      tpu.barrier barrier_id(%barrier3A)
      %mul3A_18 = arith.constant 400 : i32
      %mul3A_19 = arith.muli %arg1, %mul3A_18 : i32
      %run_scoped3A = arith.constant 0 : i32
      "tpu.region"() ({
        %run_scoped3A_98 = tpu.sem_alloc : memref<!tpu.dma_semaphore, #tpu.memory_space<semaphore_mem>>
        %dma_start3A_99 = arith.constant 0 : i32
        %dma_start3A_100 = arith.constant 0 : i32
        %dma_start3A_101 = tpu.memref_slice %arg7[%run_scoped3A, %dma_start3A_99, %dma_start3A_100] : memref<4x2x128xi32, #tpu.memory_space<vmem>> -> memref<1x2x128xi32, #tpu.memory_space<vmem>>
        %dma_start3A_102 = tpu.memref_squeeze %dma_start3A_101 : memref<1x2x128xi32, #tpu.memory_space<vmem>> -> memref<2x128xi32, #tpu.memory_space<vmem>>
        %dma_start3A_103 = arith.constant 0 : i32
        %dma_start3A_104 = tpu.memref_slice %arg2[%mul3A_19, %dma_start3A_103] : memref<6400x128xi32, #tpu.memory_space<hbm>> -> memref<2x128xi32, #tpu.memory_space<hbm>>
        %dma_start3A_105 = arith.constant 0 : i32
        %dma_start3A_106 = arith.constant 0 : i32
        %dma_start3A_107 = tpu.memref_slice %arg7[%run_scoped3A, %dma_start3A_105, %dma_start3A_106] : memref<4x2x128xi32, #tpu.memory_space<vmem>> -> memref<1x2x128xi32, #tpu.memory_space<vmem>>
        %dma_start3A_108 = tpu.memref_squeeze %dma_start3A_107 : memref<1x2x128xi32, #tpu.memory_space<vmem>> -> memref<2x128xi32, #tpu.memory_space<vmem>>
        %dma_start3A_109 = arith.constant 0 : i32
        %dma_start3A_110 = tpu.memref_slice %arg2[%mul3A_19, %dma_start3A_109] : memref<6400x128xi32, #tpu.memory_space<hbm>> -> memref<2x128xi32, #tpu.memory_space<hbm>>
        tpu.enqueue_dma source(%dma_start3A_110 : memref<2x128xi32, #tpu.memory_space<hbm>>) target(%dma_start3A_108 : memref<2x128xi32, #tpu.memory_space<vmem>>) target_semaphore(%run_scoped3A_98 : memref<!tpu.dma_semaphore, #tpu.memory_space<semaphore_mem>>)
        %dma_wait3A_111 = arith.constant 0 : i32
        %dma_wait3A_112 = arith.constant 0 : i32
        %dma_wait3A_113 = tpu.memref_slice %arg7[%run_scoped3A, %dma_wait3A_111, %dma_wait3A_112] : memref<4x2x128xi32, #tpu.memory_space<vmem>> -> memref<1x2x128xi32, #tpu.memory_space<vmem>>
        %dma_wait3A_114 = tpu.memref_squeeze %dma_wait3A_113 : memref<1x2x128xi32, #tpu.memory_space<vmem>> -> memref<2x128xi32, #tpu.memory_space<vmem>>
        %dma_wait3A_115 = arith.constant 0 : i32
        %dma_wait3A_116 = tpu.memref_slice %arg2[%mul3A_19, %dma_wait3A_115] : memref<6400x128xi32, #tpu.memory_space<hbm>> -> memref<2x128xi32, #tpu.memory_space<hbm>>
        %dma_wait3A_117 = arith.constant 0 : i32
        %dma_wait3A_118 = arith.constant 0 : i32
        %dma_wait3A_119 = tpu.memref_slice %arg7[%run_scoped3A, %dma_wait3A_117, %dma_wait3A_118] : memref<4x2x128xi32, #tpu.memory_space<vmem>> -> memref<1x2x128xi32, #tpu.memory_space<vmem>>
        %dma_wait3A_120 = tpu.memref_squeeze %dma_wait3A_119 : memref<1x2x128xi32, #tpu.memory_space<vmem>> -> memref<2x128xi32, #tpu.memory_space<vmem>>
        %dma_wait3A_121 = arith.constant 0 : i32
        %dma_wait3A_122 = tpu.memref_slice %arg2[%mul3A_19, %dma_wait3A_121] : memref<6400x128xi32, #tpu.memory_space<hbm>> -> memref<2x128xi32, #tpu.memory_space<hbm>>
        tpu.wait_dma2 semaphore(%run_scoped3A_98 : memref<!tpu.dma_semaphore, #tpu.memory_space<semaphore_mem>>) src(%dma_wait3A_122 : memref<2x128xi32, #tpu.memory_space<hbm>>) dst(%dma_wait3A_120 : memref<2x128xi32, #tpu.memory_space<vmem>>)
        tpu.yield
      }) : () -> ()
      %run_scoped3A_20 = arith.constant 0 : i32
      "tpu.region"() ({
        %run_scoped3A_98 = tpu.sem_alloc : memref<!tpu.dma_semaphore, #tpu.memory_space<semaphore_mem>>
        %dma_start3A_99 = arith.constant 0 : i32
        %dma_start3A_100 = arith.constant 0 : i32
        %dma_start3A_101 = tpu.memref_slice %arg8[%run_scoped3A_20, %dma_start3A_99, %dma_start3A_100] : memref<4x2x128xi32, #tpu.memory_space<vmem>> -> memref<1x2x128xi32, #tpu.memory_space<vmem>>
        %dma_start3A_102 = tpu.memref_squeeze %dma_start3A_101 : memref<1x2x128xi32, #tpu.memory_space<vmem>> -> memref<2x128xi32, #tpu.memory_space<vmem>>
        %dma_start3A_103 = arith.constant 0 : i32
        %dma_start3A_104 = tpu.memref_slice %arg3[%mul3A_19, %dma_start3A_103] : memref<6400x128xi32, #tpu.memory_space<hbm>> -> memref<2x128xi32, #tpu.memory_space<hbm>>
        %dma_start3A_105 = arith.constant 0 : i32
        %dma_start3A_106 = arith.constant 0 : i32
        %dma_start3A_107 = tpu.memref_slice %arg8[%run_scoped3A_20, %dma_start3A_105, %dma_start3A_106] : memref<4x2x128xi32, #tpu.memory_space<vmem>> -> memref<1x2x128xi32, #tpu.memory_space<vmem>>
        %dma_start3A_108 = tpu.memref_squeeze %dma_start3A_107 : memref<1x2x128xi32, #tpu.memory_space<vmem>> -> memref<2x128xi32, #tpu.memory_space<vmem>>
        %dma_start3A_109 = arith.constant 0 : i32
        %dma_start3A_110 = tpu.memref_slice %arg3[%mul3A_19, %dma_start3A_109] : memref<6400x128xi32, #tpu.memory_space<hbm>> -> memref<2x128xi32, #tpu.memory_space<hbm>>
        tpu.enqueue_dma source(%dma_start3A_110 : memref<2x128xi32, #tpu.memory_space<hbm>>) target(%dma_start3A_108 : memref<2x128xi32, #tpu.memory_space<vmem>>) target_semaphore(%run_scoped3A_98 : memref<!tpu.dma_semaphore, #tpu.memory_space<semaphore_mem>>)
        %dma_wait3A_111 = arith.constant 0 : i32
        %dma_wait3A_112 = arith.constant 0 : i32
        %dma_wait3A_113 = tpu.memref_slice %arg8[%run_scoped3A_20, %dma_wait3A_111, %dma_wait3A_112] : memref<4x2x128xi32, #tpu.memory_space<vmem>> -> memref<1x2x128xi32, #tpu.memory_space<vmem>>
        %dma_wait3A_114 = tpu.memref_squeeze %dma_wait3A_113 : memref<1x2x128xi32, #tpu.memory_space<vmem>> -> memref<2x128xi32, #tpu.memory_space<vmem>>
        %dma_wait3A_115 = arith.constant 0 : i32
        %dma_wait3A_116 = tpu.memref_slice %arg3[%mul3A_19, %dma_wait3A_115] : memref<6400x128xi32, #tpu.memory_space<hbm>> -> memref<2x128xi32, #tpu.memory_space<hbm>>
        %dma_wait3A_117 = arith.constant 0 : i32
        %dma_wait3A_118 = arith.constant 0 : i32
        %dma_wait3A_119 = tpu.memref_slice %arg8[%run_scoped3A_20, %dma_wait3A_117, %dma_wait3A_118] : memref<4x2x128xi32, #tpu.memory_space<vmem>> -> memref<1x2x128xi32, #tpu.memory_space<vmem>>
        %dma_wait3A_120 = tpu.memref_squeeze %dma_wait3A_119 : memref<1x2x128xi32, #tpu.memory_space<vmem>> -> memref<2x128xi32, #tpu.memory_space<vmem>>
        %dma_wait3A_121 = arith.constant 0 : i32
        %dma_wait3A_122 = tpu.memref_slice %arg3[%mul3A_19, %dma_wait3A_121] : memref<6400x128xi32, #tpu.memory_space<hbm>> -> memref<2x128xi32, #tpu.memory_space<hbm>>
        tpu.wait_dma2 semaphore(%run_scoped3A_98 : memref<!tpu.dma_semaphore, #tpu.memory_space<semaphore_mem>>) src(%dma_wait3A_122 : memref<2x128xi32, #tpu.memory_space<hbm>>) dst(%dma_wait3A_120 : memref<2x128xi32, #tpu.memory_space<vmem>>)
        tpu.yield
      }) : () -> ()
      %add3A = arith.constant 2 : i32
      %add3A_21 = arith.addi %mul3A_19, %add3A : i32
      %run_scoped3A_22 = arith.constant 1 : i32
      "tpu.region"() ({
        %run_scoped3A_98 = tpu.sem_alloc : memref<!tpu.dma_semaphore, #tpu.memory_space<semaphore_mem>>
        %dma_start3A_99 = arith.constant 0 : i32
        %dma_start3A_100 = arith.constant 0 : i32
        %dma_start3A_101 = tpu.memref_slice %arg7[%run_scoped3A_22, %dma_start3A_99, %dma_start3A_100] : memref<4x2x128xi32, #tpu.memory_space<vmem>> -> memref<1x2x128xi32, #tpu.memory_space<vmem>>
        %dma_start3A_102 = tpu.memref_squeeze %dma_start3A_101 : memref<1x2x128xi32, #tpu.memory_space<vmem>> -> memref<2x128xi32, #tpu.memory_space<vmem>>
        %dma_start3A_103 = arith.constant 0 : i32
        %dma_start3A_104 = tpu.memref_slice %arg2[%add3A_21, %dma_start3A_103] : memref<6400x128xi32, #tpu.memory_space<hbm>> -> memref<2x128xi32, #tpu.memory_space<hbm>>
        %dma_start3A_105 = arith.constant 0 : i32
        %dma_start3A_106 = arith.constant 0 : i32
        %dma_start3A_107 = tpu.memref_slice %arg7[%run_scoped3A_22, %dma_start3A_105, %dma_start3A_106] : memref<4x2x128xi32, #tpu.memory_space<vmem>> -> memref<1x2x128xi32, #tpu.memory_space<vmem>>
        %dma_start3A_108 = tpu.memref_squeeze %dma_start3A_107 : memref<1x2x128xi32, #tpu.memory_space<vmem>> -> memref<2x128xi32, #tpu.memory_space<vmem>>
        %dma_start3A_109 = arith.constant 0 : i32
        %dma_start3A_110 = tpu.memref_slice %arg2[%add3A_21, %dma_start3A_109] : memref<6400x128xi32, #tpu.memory_space<hbm>> -> memref<2x128xi32, #tpu.memory_space<hbm>>
        tpu.enqueue_dma source(%dma_start3A_110 : memref<2x128xi32, #tpu.memory_space<hbm>>) target(%dma_start3A_108 : memref<2x128xi32, #tpu.memory_space<vmem>>) target_semaphore(%run_scoped3A_98 : memref<!tpu.dma_semaphore, #tpu.memory_space<semaphore_mem>>)
        %dma_wait3A_111 = arith.constant 0 : i32
        %dma_wait3A_112 = arith.constant 0 : i32
        %dma_wait3A_113 = tpu.memref_slice %arg7[%run_scoped3A_22, %dma_wait3A_111, %dma_wait3A_112] : memref<4x2x128xi32, #tpu.memory_space<vmem>> -> memref<1x2x128xi32, #tpu.memory_space<vmem>>
        %dma_wait3A_114 = tpu.memref_squeeze %dma_wait3A_113 : memref<1x2x128xi32, #tpu.memory_space<vmem>> -> memref<2x128xi32, #tpu.memory_space<vmem>>
        %dma_wait3A_115 = arith.constant 0 : i32
        %dma_wait3A_116 = tpu.memref_slice %arg2[%add3A_21, %dma_wait3A_115] : memref<6400x128xi32, #tpu.memory_space<hbm>> -> memref<2x128xi32, #tpu.memory_space<hbm>>
        %dma_wait3A_117 = arith.constant 0 : i32
        %dma_wait3A_118 = arith.constant 0 : i32
        %dma_wait3A_119 = tpu.memref_slice %arg7[%run_scoped3A_22, %dma_wait3A_117, %dma_wait3A_118] : memref<4x2x128xi32, #tpu.memory_space<vmem>> -> memref<1x2x128xi32, #tpu.memory_space<vmem>>
        %dma_wait3A_120 = tpu.memref_squeeze %dma_wait3A_119 : memref<1x2x128xi32, #tpu.memory_space<vmem>> -> memref<2x128xi32, #tpu.memory_space<vmem>>
        %dma_wait3A_121 = arith.constant 0 : i32
        %dma_wait3A_122 = tpu.memref_slice %arg2[%add3A_21, %dma_wait3A_121] : memref<6400x128xi32, #tpu.memory_space<hbm>> -> memref<2x128xi32, #tpu.memory_space<hbm>>
        tpu.wait_dma2 semaphore(%run_scoped3A_98 : memref<!tpu.dma_semaphore, #tpu.memory_space<semaphore_mem>>) src(%dma_wait3A_122 : memref<2x128xi32, #tpu.memory_space<hbm>>) dst(%dma_wait3A_120 : memref<2x128xi32, #tpu.memory_space<vmem>>)
        tpu.yield
      }) : () -> ()
      %add3A_23 = arith.constant 2 : i32
      %add3A_24 = arith.addi %mul3A_19, %add3A_23 : i32
      %run_scoped3A_25 = arith.constant 1 : i32
      "tpu.region"() ({
        %run_scoped3A_98 = tpu.sem_alloc : memref<!tpu.dma_semaphore, #tpu.memory_space<semaphore_mem>>
        %dma_start3A_99 = arith.constant 0 : i32
        %dma_start3A_100 = arith.constant 0 : i32
        %dma_start3A_101 = tpu.memref_slice %arg8[%run_scoped3A_25, %dma_start3A_99, %dma_start3A_100] : memref<4x2x128xi32, #tpu.memory_space<vmem>> -> memref<1x2x128xi32, #tpu.memory_space<vmem>>
        %dma_start3A_102 = tpu.memref_squeeze %dma_start3A_101 : memref<1x2x128xi32, #tpu.memory_space<vmem>> -> memref<2x128xi32, #tpu.memory_space<vmem>>
        %dma_start3A_103 = arith.constant 0 : i32
        %dma_start3A_104 = tpu.memref_slice %arg3[%add3A_24, %dma_start3A_103] : memref<6400x128xi32, #tpu.memory_space<hbm>> -> memref<2x128xi32, #tpu.memory_space<hbm>>
        %dma_start3A_105 = arith.constant 0 : i32
        %dma_start3A_106 = arith.constant 0 : i32
        %dma_start3A_107 = tpu.memref_slice %arg8[%run_scoped3A_25, %dma_start3A_105, %dma_start3A_106] : memref<4x2x128xi32, #tpu.memory_space<vmem>> -> memref<1x2x128xi32, #tpu.memory_space<vmem>>
        %dma_start3A_108 = tpu.memref_squeeze %dma_start3A_107 : memref<1x2x128xi32, #tpu.memory_space<vmem>> -> memref<2x128xi32, #tpu.memory_space<vmem>>
        %dma_start3A_109 = arith.constant 0 : i32
        %dma_start3A_110 = tpu.memref_slice %arg3[%add3A_24, %dma_start3A_109] : memref<6400x128xi32, #tpu.memory_space<hbm>> -> memref<2x128xi32, #tpu.memory_space<hbm>>
        tpu.enqueue_dma source(%dma_start3A_110 : memref<2x128xi32, #tpu.memory_space<hbm>>) target(%dma_start3A_108 : memref<2x128xi32, #tpu.memory_space<vmem>>) target_semaphore(%run_scoped3A_98 : memref<!tpu.dma_semaphore, #tpu.memory_space<semaphore_mem>>)
        %dma_wait3A_111 = arith.constant 0 : i32
        %dma_wait3A_112 = arith.constant 0 : i32
        %dma_wait3A_113 = tpu.memref_slice %arg8[%run_scoped3A_25, %dma_wait3A_111, %dma_wait3A_112] : memref<4x2x128xi32, #tpu.memory_space<vmem>> -> memref<1x2x128xi32, #tpu.memory_space<vmem>>
        %dma_wait3A_114 = tpu.memref_squeeze %dma_wait3A_113 : memref<1x2x128xi32, #tpu.memory_space<vmem>> -> memref<2x128xi32, #tpu.memory_space<vmem>>
        %dma_wait3A_115 = arith.constant 0 : i32
        %dma_wait3A_116 = tpu.memref_slice %arg3[%add3A_24, %dma_wait3A_115] : memref<6400x128xi32, #tpu.memory_space<hbm>> -> memref<2x128xi32, #tpu.memory_space<hbm>>
        %dma_wait3A_117 = arith.constant 0 : i32
        %dma_wait3A_118 = arith.constant 0 : i32
        %dma_wait3A_119 = tpu.memref_slice %arg8[%run_scoped3A_25, %dma_wait3A_117, %dma_wait3A_118] : memref<4x2x128xi32, #tpu.memory_space<vmem>> -> memref<1x2x128xi32, #tpu.memory_space<vmem>>
        %dma_wait3A_120 = tpu.memref_squeeze %dma_wait3A_119 : memref<1x2x128xi32, #tpu.memory_space<vmem>> -> memref<2x128xi32, #tpu.memory_space<vmem>>
        %dma_wait3A_121 = arith.constant 0 : i32
        %dma_wait3A_122 = tpu.memref_slice %arg3[%add3A_24, %dma_wait3A_121] : memref<6400x128xi32, #tpu.memory_space<hbm>> -> memref<2x128xi32, #tpu.memory_space<hbm>>
        tpu.wait_dma2 semaphore(%run_scoped3A_98 : memref<!tpu.dma_semaphore, #tpu.memory_space<semaphore_mem>>) src(%dma_wait3A_122 : memref<2x128xi32, #tpu.memory_space<hbm>>) dst(%dma_wait3A_120 : memref<2x128xi32, #tpu.memory_space<vmem>>)
        tpu.yield
      }) : () -> ()
      %dma_start3A = arith.constant 1 : i32
      %dma_start3A_26 = arith.constant 0 : i32
      %dma_start3A_27 = arith.constant 0 : i32
      %dma_start3A_28 = arith.constant 0 : i32
      %dma_start3A_29 = arith.constant 0 : i32
      %dma_start3A_30 = arith.constant 0 : i32
      %dma_start3A_31 = arith.constant 0 : i32
      %dma_start3A_32 = tpu.memref_slice %arg9[%dma_start3A_28, %dma_start3A_29, %dma_start3A_30, %dma_start3A_31] : memref<3x2x128x32xf32, #tpu.memory_space<vmem>> -> memref<1x1x128x32xf32, #tpu.memory_space<vmem>>
      %dma_start3A_33 = tpu.memref_squeeze %dma_start3A_32 : memref<1x1x128x32xf32, #tpu.memory_space<vmem>> -> memref<128x32xf32, #tpu.memory_space<vmem>>
      %dma_start3A_34 = arith.constant 0 : i32
      %dma_start3A_35 = tpu.memref_slice %arg7[%dma_start3A_26, %dma_start3A_27, %dma_start3A_34] : memref<4x2x128xi32, #tpu.memory_space<vmem>> -> memref<1x1x128xi32, #tpu.memory_space<vmem>>
      %dma_start3A_36 = tpu.memref_squeeze %dma_start3A_35 : memref<1x1x128xi32, #tpu.memory_space<vmem>> -> memref<128xi32, #tpu.memory_space<vmem>>
      %dma_start3A_37 = arith.constant 0 : i32
      %dma_start3A_38 = arith.constant 0 : i32
      %dma_start3A_39 = tpu.memref_slice %arg4[%dma_start3A, %dma_start3A_37, %dma_start3A_38] : memref<2x50176x32xf32, #tpu.memory_space<hbm>> -> memref<1x50176x32xf32, #tpu.memory_space<hbm>>
      %dma_start3A_40 = tpu.memref_squeeze %dma_start3A_39 : memref<1x50176x32xf32, #tpu.memory_space<hbm>> -> memref<50176x32xf32, #tpu.memory_space<hbm>>
      %dma_start3A_41 = arith.constant 0 : i32
      %dma_start3A_42 = arith.constant 0 : i32
      %dma_start3A_43 = tpu.memref_slice %dma_start3A_40[%dma_start3A_41, %dma_start3A_42] : memref<50176x32xf32, #tpu.memory_space<hbm>> -> memref<50176x32xf32, #tpu.memory_space<hbm>>
      tpu.enqueue_indirect_dma source(%dma_start3A_43 : memref<50176x32xf32, #tpu.memory_space<hbm>>) target(%dma_start3A_33 : memref<128x32xf32, #tpu.memory_space<vmem>>) offsets(%dma_start3A_36 : memref<128xi32, #tpu.memory_space<vmem>>) semaphore(%arg11 : memref<!tpu.dma_semaphore, #tpu.memory_space<semaphore_mem>>)
      %dma_start3A_44 = arith.constant 1 : i32
      %dma_start3A_45 = arith.constant 0 : i32
      %dma_start3A_46 = arith.constant 1 : i32
      %dma_start3A_47 = arith.constant 0 : i32
      %dma_start3A_48 = arith.constant 1 : i32
      %dma_start3A_49 = arith.constant 0 : i32
      %dma_start3A_50 = arith.constant 0 : i32
      %dma_start3A_51 = tpu.memref_slice %arg9[%dma_start3A_47, %dma_start3A_48, %dma_start3A_49, %dma_start3A_50] : memref<3x2x128x32xf32, #tpu.memory_space<vmem>> -> memref<1x1x128x32xf32, #tpu.memory_space<vmem>>
      %dma_start3A_52 = tpu.memref_squeeze %dma_start3A_51 : memref<1x1x128x32xf32, #tpu.memory_space<vmem>> -> memref<128x32xf32, #tpu.memory_space<vmem>>
      %dma_start3A_53 = arith.constant 0 : i32
      %dma_start3A_54 = tpu.memref_slice %arg7[%dma_start3A_45, %dma_start3A_46, %dma_start3A_53] : memref<4x2x128xi32, #tpu.memory_space<vmem>> -> memref<1x1x128xi32, #tpu.memory_space<vmem>>
      %dma_start3A_55 = tpu.memref_squeeze %dma_start3A_54 : memref<1x1x128xi32, #tpu.memory_space<vmem>> -> memref<128xi32, #tpu.memory_space<vmem>>
      %dma_start3A_56 = arith.constant 0 : i32
      %dma_start3A_57 = arith.constant 0 : i32
      %dma_start3A_58 = tpu.memref_slice %arg4[%dma_start3A_44, %dma_start3A_56, %dma_start3A_57] : memref<2x50176x32xf32, #tpu.memory_space<hbm>> -> memref<1x50176x32xf32, #tpu.memory_space<hbm>>
      %dma_start3A_59 = tpu.memref_squeeze %dma_start3A_58 : memref<1x50176x32xf32, #tpu.memory_space<hbm>> -> memref<50176x32xf32, #tpu.memory_space<hbm>>
      %dma_start3A_60 = arith.constant 0 : i32
      %dma_start3A_61 = arith.constant 0 : i32
      %dma_start3A_62 = tpu.memref_slice %dma_start3A_59[%dma_start3A_60, %dma_start3A_61] : memref<50176x32xf32, #tpu.memory_space<hbm>> -> memref<50176x32xf32, #tpu.memory_space<hbm>>
      tpu.enqueue_indirect_dma source(%dma_start3A_62 : memref<50176x32xf32, #tpu.memory_space<hbm>>) target(%dma_start3A_52 : memref<128x32xf32, #tpu.memory_space<vmem>>) offsets(%dma_start3A_55 : memref<128xi32, #tpu.memory_space<vmem>>) semaphore(%arg11 : memref<!tpu.dma_semaphore, #tpu.memory_space<semaphore_mem>>)
      %scan3A_63 = arith.constant 1 : i32
      %scan3A_64 = arith.constant 0 : i32
      %scan3A_65 = arith.constant 200 : i32
      %scan3A_66 = arith.addi %scan3A_64, %scan3A_65 : i32
      %scan3A_67 = arith.constant 1 : i32
      scf.for %scan3A_98 = %scan3A_64 to %scan3A_66 step %scan3A_67  : i32 {
        %mul3A_99 = arith.constant 1 : i32
        %mul3A_100 = arith.muli %scan3A_98, %mul3A_99 : i32
        %add3A_101 = arith.constant 0 : i32
        %add3A_102 = arith.addi %add3A_101, %mul3A_100 : i32
        %rem3A = arith.constant 4 : i32
        %rem3A_103 = arith.remsi %add3A_102, %rem3A : i32
        %add3A_104 = arith.constant 1 : i32
        %add3A_105 = arith.addi %add3A_102, %add3A_104 : i32
        %rem3A_106 = arith.constant 4 : i32
        %rem3A_107 = arith.remsi %add3A_105, %rem3A_106 : i32
        %add3A_108 = arith.constant 2 : i32
        %add3A_109 = arith.addi %add3A_102, %add3A_108 : i32
        %rem3A_110 = arith.constant 4 : i32
        %rem3A_111 = arith.remsi %add3A_109, %rem3A_110 : i32
        %rem3A_112 = arith.constant 3 : i32
        %rem3A_113 = arith.remsi %add3A_102, %rem3A_112 : i32
        %add3A_114 = arith.constant 1 : i32
        %add3A_115 = arith.addi %add3A_102, %add3A_114 : i32
        %rem3A_116 = arith.constant 3 : i32
        %rem3A_117 = arith.remsi %add3A_115, %rem3A_116 : i32
        %gt3A = arith.constant 0 : i32
        %gt3A_118 = arith.cmpi sgt, %add3A_102, %gt3A : i32
        %lt3A = arith.constant 199 : i32
        %lt3A_119 = arith.cmpi slt, %add3A_102, %lt3A : i32
        %and3A = arith.andi %gt3A_118, %lt3A_119 : i1
        %convert_element_type3A_120 = arith.extui %and3A : i1 to i32
        %cond3A_121 = arith.constant 0 : i32
        %cond3A_122 = arith.cmpi ne, %convert_element_type3A_120, %cond3A_121 : i32
        scf.if %cond3A_122 {
          %dma_wait3A_171 = arith.constant 0 : i32
          %dma_wait3A_172 = arith.constant 0 : i32
          %dma_wait3A_173 = arith.constant 0 : i32
          %dma_wait3A_174 = tpu.memref_slice %arg7[%dma_wait3A_171, %dma_wait3A_172, %dma_wait3A_173] : memref<4x2x128xi32, #tpu.memory_space<vmem>> -> memref<1x2x128xi32, #tpu.memory_space<vmem>>
          %dma_wait3A_175 = tpu.memref_squeeze %dma_wait3A_174 : memref<1x2x128xi32, #tpu.memory_space<vmem>> -> memref<2x128xi32, #tpu.memory_space<vmem>>
          %dma_wait3A_176 = arith.constant 0 : i32
          %dma_wait3A_177 = tpu.memref_slice %arg2[%mul3A_19, %dma_wait3A_176] : memref<6400x128xi32, #tpu.memory_space<hbm>> -> memref<2x128xi32, #tpu.memory_space<hbm>>
          %dma_wait3A_178 = arith.constant 0 : i32
          %dma_wait3A_179 = arith.constant 0 : i32
          %dma_wait3A_180 = tpu.memref_slice %arg7[%dma_wait3A_171, %dma_wait3A_178, %dma_wait3A_179] : memref<4x2x128xi32, #tpu.memory_space<vmem>> -> memref<1x2x128xi32, #tpu.memory_space<vmem>>
          %dma_wait3A_181 = tpu.memref_squeeze %dma_wait3A_180 : memref<1x2x128xi32, #tpu.memory_space<vmem>> -> memref<2x128xi32, #tpu.memory_space<vmem>>
          %dma_wait3A_182 = arith.constant 0 : i32
          %dma_wait3A_183 = tpu.memref_slice %arg2[%mul3A_19, %dma_wait3A_182] : memref<6400x128xi32, #tpu.memory_space<hbm>> -> memref<2x128xi32, #tpu.memory_space<hbm>>
          tpu.wait_dma2 semaphore(%arg14 : memref<!tpu.dma_semaphore, #tpu.memory_space<semaphore_mem>>) src(%dma_wait3A_183 : memref<2x128xi32, #tpu.memory_space<hbm>>) dst(%dma_wait3A_181 : memref<2x128xi32, #tpu.memory_space<vmem>>)
          %dma_wait3A_184 = arith.constant 0 : i32
          %dma_wait3A_185 = arith.constant 0 : i32
          %dma_wait3A_186 = arith.constant 0 : i32
          %dma_wait3A_187 = tpu.memref_slice %arg8[%dma_wait3A_184, %dma_wait3A_185, %dma_wait3A_186] : memref<4x2x128xi32, #tpu.memory_space<vmem>> -> memref<1x2x128xi32, #tpu.memory_space<vmem>>
          %dma_wait3A_188 = tpu.memref_squeeze %dma_wait3A_187 : memref<1x2x128xi32, #tpu.memory_space<vmem>> -> memref<2x128xi32, #tpu.memory_space<vmem>>
          %dma_wait3A_189 = arith.constant 0 : i32
          %dma_wait3A_190 = tpu.memref_slice %arg3[%mul3A_19, %dma_wait3A_189] : memref<6400x128xi32, #tpu.memory_space<hbm>> -> memref<2x128xi32, #tpu.memory_space<hbm>>
          %dma_wait3A_191 = arith.constant 0 : i32
          %dma_wait3A_192 = arith.constant 0 : i32
          %dma_wait3A_193 = tpu.memref_slice %arg8[%dma_wait3A_184, %dma_wait3A_191, %dma_wait3A_192] : memref<4x2x128xi32, #tpu.memory_space<vmem>> -> memref<1x2x128xi32, #tpu.memory_space<vmem>>
          %dma_wait3A_194 = tpu.memref_squeeze %dma_wait3A_193 : memref<1x2x128xi32, #tpu.memory_space<vmem>> -> memref<2x128xi32, #tpu.memory_space<vmem>>
          %dma_wait3A_195 = arith.constant 0 : i32
          %dma_wait3A_196 = tpu.memref_slice %arg3[%mul3A_19, %dma_wait3A_195] : memref<6400x128xi32, #tpu.memory_space<hbm>> -> memref<2x128xi32, #tpu.memory_space<hbm>>
          tpu.wait_dma2 semaphore(%arg14 : memref<!tpu.dma_semaphore, #tpu.memory_space<semaphore_mem>>) src(%dma_wait3A_196 : memref<2x128xi32, #tpu.memory_space<hbm>>) dst(%dma_wait3A_194 : memref<2x128xi32, #tpu.memory_space<vmem>>)
        } else {
        }
        %rem3A_123 = arith.constant 2 : i32
        %rem3A_124 = arith.remsi %add3A_102, %rem3A_123 : i32
        %eq3A_125 = arith.constant 0 : i32
        %eq3A_126 = arith.cmpi eq, %rem3A_124, %eq3A_125 : i32
        %convert_element_type3A_127 = arith.extui %eq3A_126 : i1 to i32
        %cond3A_128 = arith.constant 0 : i32
        %cond3A_129 = arith.cmpi ne, %convert_element_type3A_127, %cond3A_128 : i32
        scf.if %cond3A_129 {
          %lt3A_171 = arith.constant 199 : i32
          %lt3A_172 = arith.cmpi slt, %add3A_102, %lt3A_171 : i32
          %convert_element_type3A_173 = arith.extui %lt3A_172 : i1 to i32
          %cond3A_174 = arith.constant 0 : i32
          %cond3A_175 = arith.cmpi ne, %convert_element_type3A_173, %cond3A_174 : i32
          scf.if %cond3A_175 {
            %dma_start3A_212 = arith.constant 0 : i32
            %dma_start3A_213 = arith.constant 0 : i32
            %dma_start3A_214 = arith.constant 0 : i32
            %dma_start3A_215 = arith.constant 0 : i32
            %dma_start3A_216 = tpu.memref_slice %arg9[%rem3A_117, %dma_start3A_213, %dma_start3A_214, %dma_start3A_215] : memref<3x2x128x32xf32, #tpu.memory_space<vmem>> -> memref<1x1x128x32xf32, #tpu.memory_space<vmem>>
            %dma_start3A_217 = tpu.memref_squeeze %dma_start3A_216 : memref<1x1x128x32xf32, #tpu.memory_space<vmem>> -> memref<128x32xf32, #tpu.memory_space<vmem>>
            %dma_start3A_218 = arith.constant 0 : i32
            %dma_start3A_219 = tpu.memref_slice %arg7[%rem3A_107, %dma_start3A_212, %dma_start3A_218] : memref<4x2x128xi32, #tpu.memory_space<vmem>> -> memref<1x1x128xi32, #tpu.memory_space<vmem>>
            %dma_start3A_220 = tpu.memref_squeeze %dma_start3A_219 : memref<1x1x128xi32, #tpu.memory_space<vmem>> -> memref<128xi32, #tpu.memory_space<vmem>>
            %dma_start3A_221 = arith.constant 0 : i32
            %dma_start3A_222 = arith.constant 0 : i32
            %dma_start3A_223 = tpu.memref_slice %arg4[%scan3A_63, %dma_start3A_221, %dma_start3A_222] : memref<2x50176x32xf32, #tpu.memory_space<hbm>> -> memref<1x50176x32xf32, #tpu.memory_space<hbm>>
            %dma_start3A_224 = tpu.memref_squeeze %dma_start3A_223 : memref<1x50176x32xf32, #tpu.memory_space<hbm>> -> memref<50176x32xf32, #tpu.memory_space<hbm>>
            %dma_start3A_225 = arith.constant 0 : i32
            %dma_start3A_226 = arith.constant 0 : i32
            %dma_start3A_227 = tpu.memref_slice %dma_start3A_224[%dma_start3A_225, %dma_start3A_226] : memref<50176x32xf32, #tpu.memory_space<hbm>> -> memref<50176x32xf32, #tpu.memory_space<hbm>>
            tpu.enqueue_indirect_dma source(%dma_start3A_227 : memref<50176x32xf32, #tpu.memory_space<hbm>>) target(%dma_start3A_217 : memref<128x32xf32, #tpu.memory_space<vmem>>) offsets(%dma_start3A_220 : memref<128xi32, #tpu.memory_space<vmem>>) semaphore(%arg12 : memref<!tpu.dma_semaphore, #tpu.memory_space<semaphore_mem>>)
            %dma_start3A_228 = arith.constant 1 : i32
            %dma_start3A_229 = arith.constant 1 : i32
            %dma_start3A_230 = arith.constant 0 : i32
            %dma_start3A_231 = arith.constant 0 : i32
            %dma_start3A_232 = tpu.memref_slice %arg9[%rem3A_117, %dma_start3A_229, %dma_start3A_230, %dma_start3A_231] : memref<3x2x128x32xf32, #tpu.memory_space<vmem>> -> memref<1x1x128x32xf32, #tpu.memory_space<vmem>>
            %dma_start3A_233 = tpu.memref_squeeze %dma_start3A_232 : memref<1x1x128x32xf32, #tpu.memory_space<vmem>> -> memref<128x32xf32, #tpu.memory_space<vmem>>
            %dma_start3A_234 = arith.constant 0 : i32
            %dma_start3A_235 = tpu.memref_slice %arg7[%rem3A_107, %dma_start3A_228, %dma_start3A_234] : memref<4x2x128xi32, #tpu.memory_space<vmem>> -> memref<1x1x128xi32, #tpu.memory_space<vmem>>
            %dma_start3A_236 = tpu.memref_squeeze %dma_start3A_235 : memref<1x1x128xi32, #tpu.memory_space<vmem>> -> memref<128xi32, #tpu.memory_space<vmem>>
            %dma_start3A_237 = arith.constant 0 : i32
            %dma_start3A_238 = arith.constant 0 : i32
            %dma_start3A_239 = tpu.memref_slice %arg4[%scan3A_63, %dma_start3A_237, %dma_start3A_238] : memref<2x50176x32xf32, #tpu.memory_space<hbm>> -> memref<1x50176x32xf32, #tpu.memory_space<hbm>>
            %dma_start3A_240 = tpu.memref_squeeze %dma_start3A_239 : memref<1x50176x32xf32, #tpu.memory_space<hbm>> -> memref<50176x32xf32, #tpu.memory_space<hbm>>
            %dma_start3A_241 = arith.constant 0 : i32
            %dma_start3A_242 = arith.constant 0 : i32
            %dma_start3A_243 = tpu.memref_slice %dma_start3A_240[%dma_start3A_241, %dma_start3A_242] : memref<50176x32xf32, #tpu.memory_space<hbm>> -> memref<50176x32xf32, #tpu.memory_space<hbm>>
            tpu.enqueue_indirect_dma source(%dma_start3A_243 : memref<50176x32xf32, #tpu.memory_space<hbm>>) target(%dma_start3A_233 : memref<128x32xf32, #tpu.memory_space<vmem>>) offsets(%dma_start3A_236 : memref<128xi32, #tpu.memory_space<vmem>>) semaphore(%arg12 : memref<!tpu.dma_semaphore, #tpu.memory_space<semaphore_mem>>)
          } else {
          }
          %dma_wait3A_176 = arith.constant 0 : i32
          %dma_wait3A_177 = arith.constant 0 : i32
          %dma_wait3A_178 = arith.constant 0 : i32
          %dma_wait3A_179 = arith.constant 0 : i32
          %dma_wait3A_180 = arith.constant 0 : i32
          %dma_wait3A_181 = arith.constant 0 : i32
          %dma_wait3A_182 = tpu.memref_slice %arg9[%dma_wait3A_178, %dma_wait3A_179, %dma_wait3A_180, %dma_wait3A_181] : memref<3x2x128x32xf32, #tpu.memory_space<vmem>> -> memref<1x1x128x32xf32, #tpu.memory_space<vmem>>
          %dma_wait3A_183 = tpu.memref_squeeze %dma_wait3A_182 : memref<1x1x128x32xf32, #tpu.memory_space<vmem>> -> memref<128x32xf32, #tpu.memory_space<vmem>>
          %dma_wait3A_184 = arith.constant 0 : i32
          %dma_wait3A_185 = tpu.memref_slice %arg7[%dma_wait3A_176, %dma_wait3A_177, %dma_wait3A_184] : memref<4x2x128xi32, #tpu.memory_space<vmem>> -> memref<1x1x128xi32, #tpu.memory_space<vmem>>
          %dma_wait3A_186 = tpu.memref_squeeze %dma_wait3A_185 : memref<1x1x128xi32, #tpu.memory_space<vmem>> -> memref<128xi32, #tpu.memory_space<vmem>>
          %dma_wait3A_187 = arith.constant 0 : i32
          %dma_wait3A_188 = arith.constant 0 : i32
          %dma_wait3A_189 = tpu.memref_slice %arg4[%scan3A_63, %dma_wait3A_187, %dma_wait3A_188] : memref<2x50176x32xf32, #tpu.memory_space<hbm>> -> memref<1x50176x32xf32, #tpu.memory_space<hbm>>
          %dma_wait3A_190 = tpu.memref_squeeze %dma_wait3A_189 : memref<1x50176x32xf32, #tpu.memory_space<hbm>> -> memref<50176x32xf32, #tpu.memory_space<hbm>>
          %dma_wait3A_191 = arith.constant 0 : i32
          %dma_wait3A_192 = arith.constant 0 : i32
          %dma_wait3A_193 = tpu.memref_slice %dma_wait3A_190[%dma_wait3A_191, %dma_wait3A_192] : memref<50176x32xf32, #tpu.memory_space<hbm>> -> memref<50176x32xf32, #tpu.memory_space<hbm>>
          tpu.wait_indirect_dma semaphore(%arg11 : memref<!tpu.dma_semaphore, #tpu.memory_space<semaphore_mem>>) src(%dma_wait3A_193 : memref<50176x32xf32, #tpu.memory_space<hbm>>) dst(%dma_wait3A_183 : memref<128x32xf32, #tpu.memory_space<vmem>>)
          %dma_wait3A_194 = arith.constant 0 : i32
          %dma_wait3A_195 = arith.constant 1 : i32
          %dma_wait3A_196 = arith.constant 0 : i32
          %dma_wait3A_197 = arith.constant 1 : i32
          %dma_wait3A_198 = arith.constant 0 : i32
          %dma_wait3A_199 = arith.constant 0 : i32
          %dma_wait3A_200 = tpu.memref_slice %arg9[%dma_wait3A_196, %dma_wait3A_197, %dma_wait3A_198, %dma_wait3A_199] : memref<3x2x128x32xf32, #tpu.memory_space<vmem>> -> memref<1x1x128x32xf32, #tpu.memory_space<vmem>>
          %dma_wait3A_201 = tpu.memref_squeeze %dma_wait3A_200 : memref<1x1x128x32xf32, #tpu.memory_space<vmem>> -> memref<128x32xf32, #tpu.memory_space<vmem>>
          %dma_wait3A_202 = arith.constant 0 : i32
          %dma_wait3A_203 = tpu.memref_slice %arg7[%dma_wait3A_194, %dma_wait3A_195, %dma_wait3A_202] : memref<4x2x128xi32, #tpu.memory_space<vmem>> -> memref<1x1x128xi32, #tpu.memory_space<vmem>>
          %dma_wait3A_204 = tpu.memref_squeeze %dma_wait3A_203 : memref<1x1x128xi32, #tpu.memory_space<vmem>> -> memref<128xi32, #tpu.memory_space<vmem>>
          %dma_wait3A_205 = arith.constant 0 : i32
          %dma_wait3A_206 = arith.constant 0 : i32
          %dma_wait3A_207 = tpu.memref_slice %arg4[%scan3A_63, %dma_wait3A_205, %dma_wait3A_206] : memref<2x50176x32xf32, #tpu.memory_space<hbm>> -> memref<1x50176x32xf32, #tpu.memory_space<hbm>>
          %dma_wait3A_208 = tpu.memref_squeeze %dma_wait3A_207 : memref<1x50176x32xf32, #tpu.memory_space<hbm>> -> memref<50176x32xf32, #tpu.memory_space<hbm>>
          %dma_wait3A_209 = arith.constant 0 : i32
          %dma_wait3A_210 = arith.constant 0 : i32
          %dma_wait3A_211 = tpu.memref_slice %dma_wait3A_208[%dma_wait3A_209, %dma_wait3A_210] : memref<50176x32xf32, #tpu.memory_space<hbm>> -> memref<50176x32xf32, #tpu.memory_space<hbm>>
          tpu.wait_indirect_dma semaphore(%arg11 : memref<!tpu.dma_semaphore, #tpu.memory_space<semaphore_mem>>) src(%dma_wait3A_211 : memref<50176x32xf32, #tpu.memory_space<hbm>>) dst(%dma_wait3A_201 : memref<128x32xf32, #tpu.memory_space<vmem>>)
        } else {
        }
        %rem3A_130 = arith.constant 2 : i32
        %rem3A_131 = arith.remsi %add3A_102, %rem3A_130 : i32
        %eq3A_132 = arith.constant 1 : i32
        %eq3A_133 = arith.cmpi eq, %rem3A_131, %eq3A_132 : i32
        %convert_element_type3A_134 = arith.extui %eq3A_133 : i1 to i32
        %cond3A_135 = arith.constant 0 : i32
        %cond3A_136 = arith.cmpi ne, %convert_element_type3A_134, %cond3A_135 : i32
        scf.if %cond3A_136 {
          %lt3A_171 = arith.constant 199 : i32
          %lt3A_172 = arith.cmpi slt, %add3A_102, %lt3A_171 : i32
          %convert_element_type3A_173 = arith.extui %lt3A_172 : i1 to i32
          %cond3A_174 = arith.constant 0 : i32
          %cond3A_175 = arith.cmpi ne, %convert_element_type3A_173, %cond3A_174 : i32
          scf.if %cond3A_175 {
            %dma_start3A_212 = arith.constant 0 : i32
            %dma_start3A_213 = arith.constant 0 : i32
            %dma_start3A_214 = arith.constant 0 : i32
            %dma_start3A_215 = arith.constant 0 : i32
            %dma_start3A_216 = tpu.memref_slice %arg9[%rem3A_117, %dma_start3A_213, %dma_start3A_214, %dma_start3A_215] : memref<3x2x128x32xf32, #tpu.memory_space<vmem>> -> memref<1x1x128x32xf32, #tpu.memory_space<vmem>>
            %dma_start3A_217 = tpu.memref_squeeze %dma_start3A_216 : memref<1x1x128x32xf32, #tpu.memory_space<vmem>> -> memref<128x32xf32, #tpu.memory_space<vmem>>
            %dma_start3A_218 = arith.constant 0 : i32
            %dma_start3A_219 = tpu.memref_slice %arg7[%rem3A_107, %dma_start3A_212, %dma_start3A_218] : memref<4x2x128xi32, #tpu.memory_space<vmem>> -> memref<1x1x128xi32, #tpu.memory_space<vmem>>
            %dma_start3A_220 = tpu.memref_squeeze %dma_start3A_219 : memref<1x1x128xi32, #tpu.memory_space<vmem>> -> memref<128xi32, #tpu.memory_space<vmem>>
            %dma_start3A_221 = arith.constant 0 : i32
            %dma_start3A_222 = arith.constant 0 : i32
            %dma_start3A_223 = tpu.memref_slice %arg4[%scan3A_63, %dma_start3A_221, %dma_start3A_222] : memref<2x50176x32xf32, #tpu.memory_space<hbm>> -> memref<1x50176x32xf32, #tpu.memory_space<hbm>>
            %dma_start3A_224 = tpu.memref_squeeze %dma_start3A_223 : memref<1x50176x32xf32, #tpu.memory_space<hbm>> -> memref<50176x32xf32, #tpu.memory_space<hbm>>
            %dma_start3A_225 = arith.constant 0 : i32
            %dma_start3A_226 = arith.constant 0 : i32
            %dma_start3A_227 = tpu.memref_slice %dma_start3A_224[%dma_start3A_225, %dma_start3A_226] : memref<50176x32xf32, #tpu.memory_space<hbm>> -> memref<50176x32xf32, #tpu.memory_space<hbm>>
            tpu.enqueue_indirect_dma source(%dma_start3A_227 : memref<50176x32xf32, #tpu.memory_space<hbm>>) target(%dma_start3A_217 : memref<128x32xf32, #tpu.memory_space<vmem>>) offsets(%dma_start3A_220 : memref<128xi32, #tpu.memory_space<vmem>>) semaphore(%arg11 : memref<!tpu.dma_semaphore, #tpu.memory_space<semaphore_mem>>)
            %dma_start3A_228 = arith.constant 1 : i32
            %dma_start3A_229 = arith.constant 1 : i32
            %dma_start3A_230 = arith.constant 0 : i32
            %dma_start3A_231 = arith.constant 0 : i32
            %dma_start3A_232 = tpu.memref_slice %arg9[%rem3A_117, %dma_start3A_229, %dma_start3A_230, %dma_start3A_231] : memref<3x2x128x32xf32, #tpu.memory_space<vmem>> -> memref<1x1x128x32xf32, #tpu.memory_space<vmem>>
            %dma_start3A_233 = tpu.memref_squeeze %dma_start3A_232 : memref<1x1x128x32xf32, #tpu.memory_space<vmem>> -> memref<128x32xf32, #tpu.memory_space<vmem>>
            %dma_start3A_234 = arith.constant 0 : i32
            %dma_start3A_235 = tpu.memref_slice %arg7[%rem3A_107, %dma_start3A_228, %dma_start3A_234] : memref<4x2x128xi32, #tpu.memory_space<vmem>> -> memref<1x1x128xi32, #tpu.memory_space<vmem>>
            %dma_start3A_236 = tpu.memref_squeeze %dma_start3A_235 : memref<1x1x128xi32, #tpu.memory_space<vmem>> -> memref<128xi32, #tpu.memory_space<vmem>>
            %dma_start3A_237 = arith.constant 0 : i32
            %dma_start3A_238 = arith.constant 0 : i32
            %dma_start3A_239 = tpu.memref_slice %arg4[%scan3A_63, %dma_start3A_237, %dma_start3A_238] : memref<2x50176x32xf32, #tpu.memory_space<hbm>> -> memref<1x50176x32xf32, #tpu.memory_space<hbm>>
            %dma_start3A_240 = tpu.memref_squeeze %dma_start3A_239 : memref<1x50176x32xf32, #tpu.memory_space<hbm>> -> memref<50176x32xf32, #tpu.memory_space<hbm>>
            %dma_start3A_241 = arith.constant 0 : i32
            %dma_start3A_242 = arith.constant 0 : i32
            %dma_start3A_243 = tpu.memref_slice %dma_start3A_240[%dma_start3A_241, %dma_start3A_242] : memref<50176x32xf32, #tpu.memory_space<hbm>> -> memref<50176x32xf32, #tpu.memory_space<hbm>>
            tpu.enqueue_indirect_dma source(%dma_start3A_243 : memref<50176x32xf32, #tpu.memory_space<hbm>>) target(%dma_start3A_233 : memref<128x32xf32, #tpu.memory_space<vmem>>) offsets(%dma_start3A_236 : memref<128xi32, #tpu.memory_space<vmem>>) semaphore(%arg11 : memref<!tpu.dma_semaphore, #tpu.memory_space<semaphore_mem>>)
          } else {
          }
          %dma_wait3A_176 = arith.constant 0 : i32
          %dma_wait3A_177 = arith.constant 0 : i32
          %dma_wait3A_178 = arith.constant 0 : i32
          %dma_wait3A_179 = arith.constant 0 : i32
          %dma_wait3A_180 = arith.constant 0 : i32
          %dma_wait3A_181 = arith.constant 0 : i32
          %dma_wait3A_182 = tpu.memref_slice %arg9[%dma_wait3A_178, %dma_wait3A_179, %dma_wait3A_180, %dma_wait3A_181] : memref<3x2x128x32xf32, #tpu.memory_space<vmem>> -> memref<1x1x128x32xf32, #tpu.memory_space<vmem>>
          %dma_wait3A_183 = tpu.memref_squeeze %dma_wait3A_182 : memref<1x1x128x32xf32, #tpu.memory_space<vmem>> -> memref<128x32xf32, #tpu.memory_space<vmem>>
          %dma_wait3A_184 = arith.constant 0 : i32
          %dma_wait3A_185 = tpu.memref_slice %arg7[%dma_wait3A_176, %dma_wait3A_177, %dma_wait3A_184] : memref<4x2x128xi32, #tpu.memory_space<vmem>> -> memref<1x1x128xi32, #tpu.memory_space<vmem>>
          %dma_wait3A_186 = tpu.memref_squeeze %dma_wait3A_185 : memref<1x1x128xi32, #tpu.memory_space<vmem>> -> memref<128xi32, #tpu.memory_space<vmem>>
          %dma_wait3A_187 = arith.constant 0 : i32
          %dma_wait3A_188 = arith.constant 0 : i32
          %dma_wait3A_189 = tpu.memref_slice %arg4[%scan3A_63, %dma_wait3A_187, %dma_wait3A_188] : memref<2x50176x32xf32, #tpu.memory_space<hbm>> -> memref<1x50176x32xf32, #tpu.memory_space<hbm>>
          %dma_wait3A_190 = tpu.memref_squeeze %dma_wait3A_189 : memref<1x50176x32xf32, #tpu.memory_space<hbm>> -> memref<50176x32xf32, #tpu.memory_space<hbm>>
          %dma_wait3A_191 = arith.constant 0 : i32
          %dma_wait3A_192 = arith.constant 0 : i32
          %dma_wait3A_193 = tpu.memref_slice %dma_wait3A_190[%dma_wait3A_191, %dma_wait3A_192] : memref<50176x32xf32, #tpu.memory_space<hbm>> -> memref<50176x32xf32, #tpu.memory_space<hbm>>
          tpu.wait_indirect_dma semaphore(%arg12 : memref<!tpu.dma_semaphore, #tpu.memory_space<semaphore_mem>>) src(%dma_wait3A_193 : memref<50176x32xf32, #tpu.memory_space<hbm>>) dst(%dma_wait3A_183 : memref<128x32xf32, #tpu.memory_space<vmem>>)
          %dma_wait3A_194 = arith.constant 0 : i32
          %dma_wait3A_195 = arith.constant 1 : i32
          %dma_wait3A_196 = arith.constant 0 : i32
          %dma_wait3A_197 = arith.constant 1 : i32
          %dma_wait3A_198 = arith.constant 0 : i32
          %dma_wait3A_199 = arith.constant 0 : i32
          %dma_wait3A_200 = tpu.memref_slice %arg9[%dma_wait3A_196, %dma_wait3A_197, %dma_wait3A_198, %dma_wait3A_199] : memref<3x2x128x32xf32, #tpu.memory_space<vmem>> -> memref<1x1x128x32xf32, #tpu.memory_space<vmem>>
          %dma_wait3A_201 = tpu.memref_squeeze %dma_wait3A_200 : memref<1x1x128x32xf32, #tpu.memory_space<vmem>> -> memref<128x32xf32, #tpu.memory_space<vmem>>
          %dma_wait3A_202 = arith.constant 0 : i32
          %dma_wait3A_203 = tpu.memref_slice %arg7[%dma_wait3A_194, %dma_wait3A_195, %dma_wait3A_202] : memref<4x2x128xi32, #tpu.memory_space<vmem>> -> memref<1x1x128xi32, #tpu.memory_space<vmem>>
          %dma_wait3A_204 = tpu.memref_squeeze %dma_wait3A_203 : memref<1x1x128xi32, #tpu.memory_space<vmem>> -> memref<128xi32, #tpu.memory_space<vmem>>
          %dma_wait3A_205 = arith.constant 0 : i32
          %dma_wait3A_206 = arith.constant 0 : i32
          %dma_wait3A_207 = tpu.memref_slice %arg4[%scan3A_63, %dma_wait3A_205, %dma_wait3A_206] : memref<2x50176x32xf32, #tpu.memory_space<hbm>> -> memref<1x50176x32xf32, #tpu.memory_space<hbm>>
          %dma_wait3A_208 = tpu.memref_squeeze %dma_wait3A_207 : memref<1x50176x32xf32, #tpu.memory_space<hbm>> -> memref<50176x32xf32, #tpu.memory_space<hbm>>
          %dma_wait3A_209 = arith.constant 0 : i32
          %dma_wait3A_210 = arith.constant 0 : i32
          %dma_wait3A_211 = tpu.memref_slice %dma_wait3A_208[%dma_wait3A_209, %dma_wait3A_210] : memref<50176x32xf32, #tpu.memory_space<hbm>> -> memref<50176x32xf32, #tpu.memory_space<hbm>>
          tpu.wait_indirect_dma semaphore(%arg12 : memref<!tpu.dma_semaphore, #tpu.memory_space<semaphore_mem>>) src(%dma_wait3A_211 : memref<50176x32xf32, #tpu.memory_space<hbm>>) dst(%dma_wait3A_201 : memref<128x32xf32, #tpu.memory_space<vmem>>)
        } else {
        }
        %lt3A_137 = arith.constant 198 : i32
        %lt3A_138 = arith.cmpi slt, %add3A_102, %lt3A_137 : i32
        %convert_element_type3A_139 = arith.extui %lt3A_138 : i1 to i32
        %cond3A_140 = arith.constant 0 : i32
        %cond3A_141 = arith.cmpi ne, %convert_element_type3A_139, %cond3A_140 : i32
        scf.if %cond3A_141 {
          %mul3A_171 = arith.constant 400 : i32
          %mul3A_172 = arith.muli %arg1, %mul3A_171 : i32
          %add3A_173 = arith.constant 2 : i32
          %add3A_174 = arith.addi %add3A_102, %add3A_173 : i32
          %mul3A_175 = arith.constant 2 : i32
          %mul3A_176 = arith.muli %add3A_174, %mul3A_175 : i32
          %add3A_177 = arith.addi %mul3A_172, %mul3A_176 : i32
          %dma_start3A_178 = arith.constant 0 : i32
          %dma_start3A_179 = arith.constant 0 : i32
          %dma_start3A_180 = tpu.memref_slice %arg7[%rem3A_111, %dma_start3A_178, %dma_start3A_179] : memref<4x2x128xi32, #tpu.memory_space<vmem>> -> memref<1x2x128xi32, #tpu.memory_space<vmem>>
          %dma_start3A_181 = tpu.memref_squeeze %dma_start3A_180 : memref<1x2x128xi32, #tpu.memory_space<vmem>> -> memref<2x128xi32, #tpu.memory_space<vmem>>
          %dma_start3A_182 = arith.constant 0 : i32
          %dma_start3A_183 = tpu.memref_slice %arg2[%add3A_177, %dma_start3A_182] : memref<6400x128xi32, #tpu.memory_space<hbm>> -> memref<2x128xi32, #tpu.memory_space<hbm>>
          %dma_start3A_184 = arith.constant 0 : i32
          %dma_start3A_185 = arith.constant 0 : i32
          %dma_start3A_186 = tpu.memref_slice %arg7[%rem3A_111, %dma_start3A_184, %dma_start3A_185] : memref<4x2x128xi32, #tpu.memory_space<vmem>> -> memref<1x2x128xi32, #tpu.memory_space<vmem>>
          %dma_start3A_187 = tpu.memref_squeeze %dma_start3A_186 : memref<1x2x128xi32, #tpu.memory_space<vmem>> -> memref<2x128xi32, #tpu.memory_space<vmem>>
          %dma_start3A_188 = arith.constant 0 : i32
          %dma_start3A_189 = tpu.memref_slice %arg2[%add3A_177, %dma_start3A_188] : memref<6400x128xi32, #tpu.memory_space<hbm>> -> memref<2x128xi32, #tpu.memory_space<hbm>>
          tpu.enqueue_dma source(%dma_start3A_189 : memref<2x128xi32, #tpu.memory_space<hbm>>) target(%dma_start3A_187 : memref<2x128xi32, #tpu.memory_space<vmem>>) target_semaphore(%arg14 : memref<!tpu.dma_semaphore, #tpu.memory_space<semaphore_mem>>)
          %dma_start3A_190 = arith.constant 0 : i32
          %dma_start3A_191 = arith.constant 0 : i32
          %dma_start3A_192 = tpu.memref_slice %arg8[%rem3A_111, %dma_start3A_190, %dma_start3A_191] : memref<4x2x128xi32, #tpu.memory_space<vmem>> -> memref<1x2x128xi32, #tpu.memory_space<vmem>>
          %dma_start3A_193 = tpu.memref_squeeze %dma_start3A_192 : memref<1x2x128xi32, #tpu.memory_space<vmem>> -> memref<2x128xi32, #tpu.memory_space<vmem>>
          %dma_start3A_194 = arith.constant 0 : i32
          %dma_start3A_195 = tpu.memref_slice %arg3[%add3A_177, %dma_start3A_194] : memref<6400x128xi32, #tpu.memory_space<hbm>> -> memref<2x128xi32, #tpu.memory_space<hbm>>
          %dma_start3A_196 = arith.constant 0 : i32
          %dma_start3A_197 = arith.constant 0 : i32
          %dma_start3A_198 = tpu.memref_slice %arg8[%rem3A_111, %dma_start3A_196, %dma_start3A_197] : memref<4x2x128xi32, #tpu.memory_space<vmem>> -> memref<1x2x128xi32, #tpu.memory_space<vmem>>
          %dma_start3A_199 = tpu.memref_squeeze %dma_start3A_198 : memref<1x2x128xi32, #tpu.memory_space<vmem>> -> memref<2x128xi32, #tpu.memory_space<vmem>>
          %dma_start3A_200 = arith.constant 0 : i32
          %dma_start3A_201 = tpu.memref_slice %arg3[%add3A_177, %dma_start3A_200] : memref<6400x128xi32, #tpu.memory_space<hbm>> -> memref<2x128xi32, #tpu.memory_space<hbm>>
          tpu.enqueue_dma source(%dma_start3A_201 : memref<2x128xi32, #tpu.memory_space<hbm>>) target(%dma_start3A_199 : memref<2x128xi32, #tpu.memory_space<vmem>>) target_semaphore(%arg14 : memref<!tpu.dma_semaphore, #tpu.memory_space<semaphore_mem>>)
        } else {
        }
        %gt3A_142 = arith.constant 0 : i32
        %gt3A_143 = arith.cmpi sgt, %add3A_102, %gt3A_142 : i32
        %convert_element_type3A_144 = arith.extui %gt3A_143 : i1 to i32
        %cond3A_145 = arith.constant 0 : i32
        %cond3A_146 = arith.cmpi ne, %convert_element_type3A_144, %cond3A_145 : i32
        scf.if %cond3A_146 {
          %dma_wait3A_171 = arith.constant 0 : i32
          %dma_wait3A_172 = arith.constant 0 : i32
          %dma_wait3A_173 = arith.constant 0 : i32
          %dma_wait3A_174 = arith.constant 0 : i32
          %dma_wait3A_175 = arith.constant 0 : i32
          %dma_wait3A_176 = arith.constant 0 : i32
          %dma_wait3A_177 = tpu.memref_slice %arg9[%dma_wait3A_171, %dma_wait3A_172, %dma_wait3A_175, %dma_wait3A_176] : memref<3x2x128x32xf32, #tpu.memory_space<vmem>> -> memref<1x1x128x32xf32, #tpu.memory_space<vmem>>
          %dma_wait3A_178 = tpu.memref_squeeze %dma_wait3A_177 : memref<1x1x128x32xf32, #tpu.memory_space<vmem>> -> memref<128x32xf32, #tpu.memory_space<vmem>>
          %dma_wait3A_179 = arith.constant 0 : i32
          %dma_wait3A_180 = tpu.memref_slice %arg8[%dma_wait3A_173, %dma_wait3A_174, %dma_wait3A_179] : memref<4x2x128xi32, #tpu.memory_space<vmem>> -> memref<1x1x128xi32, #tpu.memory_space<vmem>>
          %dma_wait3A_181 = tpu.memref_squeeze %dma_wait3A_180 : memref<1x1x128xi32, #tpu.memory_space<vmem>> -> memref<128xi32, #tpu.memory_space<vmem>>
          %dma_wait3A_182 = arith.constant 0 : i32
          %dma_wait3A_183 = arith.constant 0 : i32
          %dma_wait3A_184 = tpu.memref_slice %arg6[%dma_wait3A_182, %dma_wait3A_183] : memref<50176x32xf32, #tpu.memory_space<vmem_shared>> -> memref<50176x32xf32, #tpu.memory_space<vmem_shared>>
          tpu.wait_indirect_dma semaphore(%arg13 : memref<!tpu.dma_semaphore, #tpu.memory_space<semaphore_mem>>) src(%dma_wait3A_178 : memref<128x32xf32, #tpu.memory_space<vmem>>) dst(%dma_wait3A_184 : memref<50176x32xf32, #tpu.memory_space<vmem_shared>>)
          %dma_wait3A_185 = arith.constant 0 : i32
          %dma_wait3A_186 = arith.constant 1 : i32
          %dma_wait3A_187 = arith.constant 0 : i32
          %dma_wait3A_188 = arith.constant 1 : i32
          %dma_wait3A_189 = arith.constant 0 : i32
          %dma_wait3A_190 = arith.constant 0 : i32
          %dma_wait3A_191 = tpu.memref_slice %arg9[%dma_wait3A_185, %dma_wait3A_186, %dma_wait3A_189, %dma_wait3A_190] : memref<3x2x128x32xf32, #tpu.memory_space<vmem>> -> memref<1x1x128x32xf32, #tpu.memory_space<vmem>>
          %dma_wait3A_192 = tpu.memref_squeeze %dma_wait3A_191 : memref<1x1x128x32xf32, #tpu.memory_space<vmem>> -> memref<128x32xf32, #tpu.memory_space<vmem>>
          %dma_wait3A_193 = arith.constant 0 : i32
          %dma_wait3A_194 = tpu.memref_slice %arg8[%dma_wait3A_187, %dma_wait3A_188, %dma_wait3A_193] : memref<4x2x128xi32, #tpu.memory_space<vmem>> -> memref<1x1x128xi32, #tpu.memory_space<vmem>>
          %dma_wait3A_195 = tpu.memref_squeeze %dma_wait3A_194 : memref<1x1x128xi32, #tpu.memory_space<vmem>> -> memref<128xi32, #tpu.memory_space<vmem>>
          %dma_wait3A_196 = arith.constant 0 : i32
          %dma_wait3A_197 = arith.constant 0 : i32
          %dma_wait3A_198 = tpu.memref_slice %arg6[%dma_wait3A_196, %dma_wait3A_197] : memref<50176x32xf32, #tpu.memory_space<vmem_shared>> -> memref<50176x32xf32, #tpu.memory_space<vmem_shared>>
          tpu.wait_indirect_dma semaphore(%arg13 : memref<!tpu.dma_semaphore, #tpu.memory_space<semaphore_mem>>) src(%dma_wait3A_192 : memref<128x32xf32, #tpu.memory_space<vmem>>) dst(%dma_wait3A_198 : memref<50176x32xf32, #tpu.memory_space<vmem_shared>>)
        } else {
        }
        %dma_start3A_147 = arith.constant 0 : i32
        %dma_start3A_148 = arith.constant 0 : i32
        %dma_start3A_149 = arith.constant 0 : i32
        %dma_start3A_150 = arith.constant 0 : i32
        %dma_start3A_151 = tpu.memref_slice %arg9[%rem3A_113, %dma_start3A_147, %dma_start3A_149, %dma_start3A_150] : memref<3x2x128x32xf32, #tpu.memory_space<vmem>> -> memref<1x1x128x32xf32, #tpu.memory_space<vmem>>
        %dma_start3A_152 = tpu.memref_squeeze %dma_start3A_151 : memref<1x1x128x32xf32, #tpu.memory_space<vmem>> -> memref<128x32xf32, #tpu.memory_space<vmem>>
        %dma_start3A_153 = arith.constant 0 : i32
        %dma_start3A_154 = tpu.memref_slice %arg8[%rem3A_103, %dma_start3A_148, %dma_start3A_153] : memref<4x2x128xi32, #tpu.memory_space<vmem>> -> memref<1x1x128xi32, #tpu.memory_space<vmem>>
        %dma_start3A_155 = tpu.memref_squeeze %dma_start3A_154 : memref<1x1x128xi32, #tpu.memory_space<vmem>> -> memref<128xi32, #tpu.memory_space<vmem>>
        %dma_start3A_156 = arith.constant 0 : i32
        %dma_start3A_157 = arith.constant 0 : i32
        %dma_start3A_158 = tpu.memref_slice %arg6[%dma_start3A_156, %dma_start3A_157] : memref<50176x32xf32, #tpu.memory_space<vmem_shared>> -> memref<50176x32xf32, #tpu.memory_space<vmem_shared>>
        tpu.enqueue_indirect_dma source(%dma_start3A_152 : memref<128x32xf32, #tpu.memory_space<vmem>>) target(%dma_start3A_158 : memref<50176x32xf32, #tpu.memory_space<vmem_shared>>) offsets(%dma_start3A_155 : memref<128xi32, #tpu.memory_space<vmem>>) semaphore(%arg13 : memref<!tpu.dma_semaphore, #tpu.memory_space<semaphore_mem>>) {add = true}
        %dma_start3A_159 = arith.constant 1 : i32
        %dma_start3A_160 = arith.constant 1 : i32
        %dma_start3A_161 = arith.constant 0 : i32
        %dma_start3A_162 = arith.constant 0 : i32
        %dma_start3A_163 = tpu.memref_slice %arg9[%rem3A_113, %dma_start3A_159, %dma_start3A_161, %dma_start3A_162] : memref<3x2x128x32xf32, #tpu.memory_space<vmem>> -> memref<1x1x128x32xf32, #tpu.memory_space<vmem>>
        %dma_start3A_164 = tpu.memref_squeeze %dma_start3A_163 : memref<1x1x128x32xf32, #tpu.memory_space<vmem>> -> memref<128x32xf32, #tpu.memory_space<vmem>>
        %dma_start3A_165 = arith.constant 0 : i32
        %dma_start3A_166 = tpu.memref_slice %arg8[%rem3A_103, %dma_start3A_160, %dma_start3A_165] : memref<4x2x128xi32, #tpu.memory_space<vmem>> -> memref<1x1x128xi32, #tpu.memory_space<vmem>>
        %dma_start3A_167 = tpu.memref_squeeze %dma_start3A_166 : memref<1x1x128xi32, #tpu.memory_space<vmem>> -> memref<128xi32, #tpu.memory_space<vmem>>
        %dma_start3A_168 = arith.constant 0 : i32
        %dma_start3A_169 = arith.constant 0 : i32
        %dma_start3A_170 = tpu.memref_slice %arg6[%dma_start3A_168, %dma_start3A_169] : memref<50176x32xf32, #tpu.memory_space<vmem_shared>> -> memref<50176x32xf32, #tpu.memory_space<vmem_shared>>
        tpu.enqueue_indirect_dma source(%dma_start3A_164 : memref<128x32xf32, #tpu.memory_space<vmem>>) target(%dma_start3A_170 : memref<50176x32xf32, #tpu.memory_space<vmem_shared>>) offsets(%dma_start3A_167 : memref<128xi32, #tpu.memory_space<vmem>>) semaphore(%arg13 : memref<!tpu.dma_semaphore, #tpu.memory_space<semaphore_mem>>) {add = true}
      }
      %scan3A_68 = arith.constant 200 : i32
      %dma_wait3A = arith.constant 0 : i32
      %dma_wait3A_69 = arith.constant 0 : i32
      %dma_wait3A_70 = arith.constant 0 : i32
      %dma_wait3A_71 = arith.constant 0 : i32
      %dma_wait3A_72 = arith.constant 0 : i32
      %dma_wait3A_73 = arith.constant 0 : i32
      %dma_wait3A_74 = tpu.memref_slice %arg9[%dma_wait3A, %dma_wait3A_69, %dma_wait3A_72, %dma_wait3A_73] : memref<3x2x128x32xf32, #tpu.memory_space<vmem>> -> memref<1x1x128x32xf32, #tpu.memory_space<vmem>>
      %dma_wait3A_75 = tpu.memref_squeeze %dma_wait3A_74 : memref<1x1x128x32xf32, #tpu.memory_space<vmem>> -> memref<128x32xf32, #tpu.memory_space<vmem>>
      %dma_wait3A_76 = arith.constant 0 : i32
      %dma_wait3A_77 = tpu.memref_slice %arg8[%dma_wait3A_70, %dma_wait3A_71, %dma_wait3A_76] : memref<4x2x128xi32, #tpu.memory_space<vmem>> -> memref<1x1x128xi32, #tpu.memory_space<vmem>>
      %dma_wait3A_78 = tpu.memref_squeeze %dma_wait3A_77 : memref<1x1x128xi32, #tpu.memory_space<vmem>> -> memref<128xi32, #tpu.memory_space<vmem>>
      %dma_wait3A_79 = arith.constant 0 : i32
      %dma_wait3A_80 = arith.constant 0 : i32
      %dma_wait3A_81 = tpu.memref_slice %arg6[%dma_wait3A_79, %dma_wait3A_80] : memref<50176x32xf32, #tpu.memory_space<vmem_shared>> -> memref<50176x32xf32, #tpu.memory_space<vmem_shared>>
      tpu.wait_indirect_dma semaphore(%arg13 : memref<!tpu.dma_semaphore, #tpu.memory_space<semaphore_mem>>) src(%dma_wait3A_75 : memref<128x32xf32, #tpu.memory_space<vmem>>) dst(%dma_wait3A_81 : memref<50176x32xf32, #tpu.memory_space<vmem_shared>>)
      %dma_wait3A_82 = arith.constant 0 : i32
      %dma_wait3A_83 = arith.constant 1 : i32
      %dma_wait3A_84 = arith.constant 0 : i32
      %dma_wait3A_85 = arith.constant 1 : i32
      %dma_wait3A_86 = arith.constant 0 : i32
      %dma_wait3A_87 = arith.constant 0 : i32
      %dma_wait3A_88 = tpu.memref_slice %arg9[%dma_wait3A_82, %dma_wait3A_83, %dma_wait3A_86, %dma_wait3A_87] : memref<3x2x128x32xf32, #tpu.memory_space<vmem>> -> memref<1x1x128x32xf32, #tpu.memory_space<vmem>>
      %dma_wait3A_89 = tpu.memref_squeeze %dma_wait3A_88 : memref<1x1x128x32xf32, #tpu.memory_space<vmem>> -> memref<128x32xf32, #tpu.memory_space<vmem>>
      %dma_wait3A_90 = arith.constant 0 : i32
      %dma_wait3A_91 = tpu.memref_slice %arg8[%dma_wait3A_84, %dma_wait3A_85, %dma_wait3A_90] : memref<4x2x128xi32, #tpu.memory_space<vmem>> -> memref<1x1x128xi32, #tpu.memory_space<vmem>>
      %dma_wait3A_92 = tpu.memref_squeeze %dma_wait3A_91 : memref<1x1x128xi32, #tpu.memory_space<vmem>> -> memref<128xi32, #tpu.memory_space<vmem>>
      %dma_wait3A_93 = arith.constant 0 : i32
      %dma_wait3A_94 = arith.constant 0 : i32
      %dma_wait3A_95 = tpu.memref_slice %arg6[%dma_wait3A_93, %dma_wait3A_94] : memref<50176x32xf32, #tpu.memory_space<vmem_shared>> -> memref<50176x32xf32, #tpu.memory_space<vmem_shared>>
      tpu.wait_indirect_dma semaphore(%arg13 : memref<!tpu.dma_semaphore, #tpu.memory_space<semaphore_mem>>) src(%dma_wait3A_89 : memref<128x32xf32, #tpu.memory_space<vmem>>) dst(%dma_wait3A_95 : memref<50176x32xf32, #tpu.memory_space<vmem_shared>>)
      %barrier3A_96 = arith.constant 0 : index
      tpu.barrier barrier_id(%barrier3A_96)
      %run_scoped3A_97 = arith.constant 1 : i32
      "tpu.region"() ({
        %run_scoped3A_98 = tpu.sem_alloc : memref<!tpu.dma_semaphore, #tpu.memory_space<semaphore_mem>>
        %dma_start3A_99 = arith.constant 0 : i32
        %dma_start3A_100 = tpu.memref_slice %arg5[%run_scoped3A_97, %multiple_of3A, %dma_start3A_99] : memref<2x50176x32xf32, #tpu.memory_space<hbm>> -> memref<1x3136x32xf32, #tpu.memory_space<hbm>>
        %dma_start3A_101 = tpu.memref_squeeze %dma_start3A_100 : memref<1x3136x32xf32, #tpu.memory_space<hbm>> -> memref<3136x32xf32, #tpu.memory_space<hbm>>
        %dma_start3A_102 = arith.constant 0 : i32
        %dma_start3A_103 = tpu.memref_slice %arg6[%multiple_of3A, %dma_start3A_102] : memref<50176x32xf32, #tpu.memory_space<vmem_shared>> -> memref<3136x32xf32, #tpu.memory_space<vmem_shared>>
        tpu.enqueue_dma source(%dma_start3A_103 : memref<3136x32xf32, #tpu.memory_space<vmem_shared>>) target(%dma_start3A_101 : memref<3136x32xf32, #tpu.memory_space<hbm>>) target_semaphore(%run_scoped3A_98 : memref<!tpu.dma_semaphore, #tpu.memory_space<semaphore_mem>>)
        %dma_wait3A_104 = arith.constant 0 : i32
        %dma_wait3A_105 = tpu.memref_slice %arg5[%run_scoped3A_97, %multiple_of3A, %dma_wait3A_104] : memref<2x50176x32xf32, #tpu.memory_space<hbm>> -> memref<1x3136x32xf32, #tpu.memory_space<hbm>>
        %dma_wait3A_106 = tpu.memref_squeeze %dma_wait3A_105 : memref<1x3136x32xf32, #tpu.memory_space<hbm>> -> memref<3136x32xf32, #tpu.memory_space<hbm>>
        %dma_wait3A_107 = arith.constant 0 : i32
        %dma_wait3A_108 = tpu.memref_slice %arg6[%multiple_of3A, %dma_wait3A_107] : memref<50176x32xf32, #tpu.memory_space<vmem_shared>> -> memref<3136x32xf32, #tpu.memory_space<vmem_shared>>
        tpu.wait_dma2 semaphore(%run_scoped3A_98 : memref<!tpu.dma_semaphore, #tpu.memory_space<semaphore_mem>>) src(%dma_wait3A_108 : memref<3136x32xf32, #tpu.memory_space<vmem_shared>>) dst(%dma_wait3A_106 : memref<3136x32xf32, #tpu.memory_space<hbm>>)
        tpu.yield
      }) : () -> ()
    } else {
    }
    return
  }
}

#map = affine_map<(d0, d1) -> (0, 0)>
#map1 = affine_map<(d0, d1) -> (0, 0, 0)>
module attributes {stable_mosaic.version = 14 : i64} {
  func.func @_agg(%arg0: i32, %arg1: i32, %arg2: memref<6400x128xi32, #tpu.memory_space<hbm>>, %arg3: memref<6400x128xi32, #tpu.memory_space<hbm>>, %arg4: memref<4x50176x32xf32, #tpu.memory_space<hbm>>, %arg5: memref<4x50176x32xf32, #tpu.memory_space<hbm>>, %arg6: memref<50176x32xf32, #tpu.memory_space<vmem_shared>>, %arg7: memref<4x2x128xi32, #tpu.memory_space<vmem>>, %arg8: memref<4x2x128xi32, #tpu.memory_space<vmem>>, %arg9: memref<3x2x128x32xf32, #tpu.memory_space<vmem>>, %arg10: memref<98x32xf32, #tpu.memory_space<vmem>>, %arg11: memref<!tpu.dma_semaphore, #tpu.memory_space<semaphore_mem>>, %arg12: memref<!tpu.dma_semaphore, #tpu.memory_space<semaphore_mem>>, %arg13: memref<!tpu.dma_semaphore, #tpu.memory_space<semaphore_mem>>, %arg14: memref<!tpu.dma_semaphore, #tpu.memory_space<semaphore_mem>>) attributes {dimension_semantics = [#tpu.dimension_semantics<core_parallel>, #tpu.dimension_semantics<subcore_parallel>], iteration_bounds = array<i64: 2, 16>, scalar_prefetch = 0 : i64, scratch_operands = 9 : i64, tpu.core_type = #tpu.core_type<sc_vector_subcore>, window_params = [{transform_indices = #map}, {transform_indices = #map}, {transform_indices = #map1}, {transform_indices = #map1}]} {
    %broadcast_in_dim3A = arith.constant 0.000000e+00 : f32
    %broadcast_in_dim3A_0 = vector.broadcast %broadcast_in_dim3A : f32 to vector<16xf32>
    %scan3A = arith.constant 0 : i32
    %scan3A_1 = arith.constant 98 : i32
    %scan3A_2 = arith.addi %scan3A, %scan3A_1 : i32
    %scan3A_3 = arith.constant 1 : i32
    scf.for %scan3A_22 = %scan3A to %scan3A_2 step %scan3A_3  : i32 {
      %mul3A = arith.constant 1 : i32
      %mul3A_23 = arith.muli %scan3A_22, %mul3A : i32
      %add3A = arith.constant 0 : i32
      %add3A_24 = arith.addi %add3A, %mul3A_23 : i32
      %swap3A = arith.index_cast %add3A_24 : i32 to index
      %swap3A_25 = arith.constant 0 : index
      %swap3A_26 = tpu.vector_load %arg10[%swap3A, %swap3A_25] {strides = array<i32>} : memref<98x32xf32, #tpu.memory_space<vmem>>, vector<16xf32>,
      tpu.vector_store %arg10[%swap3A, %swap3A_25], %broadcast_in_dim3A_0 {strides = array<i32>} : memref<98x32xf32, #tpu.memory_space<vmem>>, vector<16xf32>,
      %swap3A_27 = arith.index_cast %add3A_24 : i32 to index
      %swap3A_28 = arith.constant 16 : index
      %swap3A_29 = tpu.vector_load %arg10[%swap3A_27, %swap3A_28] {strides = array<i32>} : memref<98x32xf32, #tpu.memory_space<vmem>>, vector<16xf32>,
      tpu.vector_store %arg10[%swap3A_27, %swap3A_28], %broadcast_in_dim3A_0 {strides = array<i32>} : memref<98x32xf32, #tpu.memory_space<vmem>>, vector<16xf32>,
    }
    %scan3A_4 = arith.constant 98 : i32
    %eq3A = arith.constant 0 : i32
    %eq3A_5 = arith.cmpi eq, %arg0, %eq3A : i32
    %convert_element_type3A = arith.extui %eq3A_5 : i1 to i32
    %cond3A = arith.constant 0 : i32
    %cond3A_6 = arith.cmpi ne, %convert_element_type3A, %cond3A : i32
    scf.if %cond3A_6 {
      %mul3A = arith.constant 3136 : i32
      %mul3A_22 = arith.muli %arg1, %mul3A : i32
      %multiple_of3A = tpu.assume_multiple %mul3A_22, 8 : i32
      %scan3A_23 = arith.constant 0 : i32
      %scan3A_24 = arith.constant 32 : i32
      %scan3A_25 = arith.addi %scan3A_23, %scan3A_24 : i32
      %scan3A_26 = arith.constant 1 : i32
      scf.for %scan3A_108 = %scan3A_23 to %scan3A_25 step %scan3A_26  : i32 {
        %mul3A_109 = arith.constant 1 : i32
        %mul3A_110 = arith.muli %scan3A_108, %mul3A_109 : i32
        %add3A_111 = arith.constant 0 : i32
        %add3A_112 = arith.addi %add3A_111, %mul3A_110 : i32
        %mul3A_113 = arith.constant 98 : i32
        %mul3A_114 = arith.muli %add3A_112, %mul3A_113 : i32
        %add3A_115 = arith.addi %multiple_of3A, %mul3A_114 : i32
        "tpu.region"() ({
          %run_scoped3A_116 = tpu.sem_alloc : memref<!tpu.dma_semaphore, #tpu.memory_space<semaphore_mem>>
          %dma_start3A_117 = arith.constant 0 : i32
          %dma_start3A_118 = tpu.memref_slice %arg6[%add3A_115, %dma_start3A_117] : memref<50176x32xf32, #tpu.memory_space<vmem_shared>> -> memref<98x32xf32, #tpu.memory_space<vmem_shared>>
          %dma_start3A_119 = arith.constant 0 : i32
          %dma_start3A_120 = tpu.memref_slice %arg6[%add3A_115, %dma_start3A_119] : memref<50176x32xf32, #tpu.memory_space<vmem_shared>> -> memref<98x32xf32, #tpu.memory_space<vmem_shared>>
          tpu.enqueue_dma source(%arg10 : memref<98x32xf32, #tpu.memory_space<vmem>>) target(%dma_start3A_120 : memref<98x32xf32, #tpu.memory_space<vmem_shared>>) target_semaphore(%run_scoped3A_116 : memref<!tpu.dma_semaphore, #tpu.memory_space<semaphore_mem>>)
          %dma_wait3A_121 = arith.constant 0 : i32
          %dma_wait3A_122 = tpu.memref_slice %arg6[%add3A_115, %dma_wait3A_121] : memref<50176x32xf32, #tpu.memory_space<vmem_shared>> -> memref<98x32xf32, #tpu.memory_space<vmem_shared>>
          %dma_wait3A_123 = arith.constant 0 : i32
          %dma_wait3A_124 = tpu.memref_slice %arg6[%add3A_115, %dma_wait3A_123] : memref<50176x32xf32, #tpu.memory_space<vmem_shared>> -> memref<98x32xf32, #tpu.memory_space<vmem_shared>>
          tpu.wait_dma2 semaphore(%run_scoped3A_116 : memref<!tpu.dma_semaphore, #tpu.memory_space<semaphore_mem>>) src(%arg10 : memref<98x32xf32, #tpu.memory_space<vmem>>) dst(%dma_wait3A_124 : memref<98x32xf32, #tpu.memory_space<vmem_shared>>)
          tpu.yield
        }) : () -> ()
      }
      %scan3A_27 = arith.constant 32 : i32
      %barrier3A = arith.constant 0 : index
      tpu.barrier barrier_id(%barrier3A)
      %mul3A_28 = arith.constant 400 : i32
      %mul3A_29 = arith.muli %arg1, %mul3A_28 : i32
      %run_scoped3A = arith.constant 0 : i32
      "tpu.region"() ({
        %run_scoped3A_108 = tpu.sem_alloc : memref<!tpu.dma_semaphore, #tpu.memory_space<semaphore_mem>>
        %dma_start3A_109 = arith.constant 0 : i32
        %dma_start3A_110 = arith.constant 0 : i32
        %dma_start3A_111 = tpu.memref_slice %arg7[%run_scoped3A, %dma_start3A_109, %dma_start3A_110] : memref<4x2x128xi32, #tpu.memory_space<vmem>> -> memref<1x2x128xi32, #tpu.memory_space<vmem>>
        %dma_start3A_112 = tpu.memref_squeeze %dma_start3A_111 : memref<1x2x128xi32, #tpu.memory_space<vmem>> -> memref<2x128xi32, #tpu.memory_space<vmem>>
        %dma_start3A_113 = arith.constant 0 : i32
        %dma_start3A_114 = tpu.memref_slice %arg2[%mul3A_29, %dma_start3A_113] : memref<6400x128xi32, #tpu.memory_space<hbm>> -> memref<2x128xi32, #tpu.memory_space<hbm>>
        %dma_start3A_115 = arith.constant 0 : i32
        %dma_start3A_116 = arith.constant 0 : i32
        %dma_start3A_117 = tpu.memref_slice %arg7[%run_scoped3A, %dma_start3A_115, %dma_start3A_116] : memref<4x2x128xi32, #tpu.memory_space<vmem>> -> memref<1x2x128xi32, #tpu.memory_space<vmem>>
        %dma_start3A_118 = tpu.memref_squeeze %dma_start3A_117 : memref<1x2x128xi32, #tpu.memory_space<vmem>> -> memref<2x128xi32, #tpu.memory_space<vmem>>
        %dma_start3A_119 = arith.constant 0 : i32
        %dma_start3A_120 = tpu.memref_slice %arg2[%mul3A_29, %dma_start3A_119] : memref<6400x128xi32, #tpu.memory_space<hbm>> -> memref<2x128xi32, #tpu.memory_space<hbm>>
        tpu.enqueue_dma source(%dma_start3A_120 : memref<2x128xi32, #tpu.memory_space<hbm>>) target(%dma_start3A_118 : memref<2x128xi32, #tpu.memory_space<vmem>>) target_semaphore(%run_scoped3A_108 : memref<!tpu.dma_semaphore, #tpu.memory_space<semaphore_mem>>)
        %dma_wait3A_121 = arith.constant 0 : i32
        %dma_wait3A_122 = arith.constant 0 : i32
        %dma_wait3A_123 = tpu.memref_slice %arg7[%run_scoped3A, %dma_wait3A_121, %dma_wait3A_122] : memref<4x2x128xi32, #tpu.memory_space<vmem>> -> memref<1x2x128xi32, #tpu.memory_space<vmem>>
        %dma_wait3A_124 = tpu.memref_squeeze %dma_wait3A_123 : memref<1x2x128xi32, #tpu.memory_space<vmem>> -> memref<2x128xi32, #tpu.memory_space<vmem>>
        %dma_wait3A_125 = arith.constant 0 : i32
        %dma_wait3A_126 = tpu.memref_slice %arg2[%mul3A_29, %dma_wait3A_125] : memref<6400x128xi32, #tpu.memory_space<hbm>> -> memref<2x128xi32, #tpu.memory_space<hbm>>
        %dma_wait3A_127 = arith.constant 0 : i32
        %dma_wait3A_128 = arith.constant 0 : i32
        %dma_wait3A_129 = tpu.memref_slice %arg7[%run_scoped3A, %dma_wait3A_127, %dma_wait3A_128] : memref<4x2x128xi32, #tpu.memory_space<vmem>> -> memref<1x2x128xi32, #tpu.memory_space<vmem>>
        %dma_wait3A_130 = tpu.memref_squeeze %dma_wait3A_129 : memref<1x2x128xi32, #tpu.memory_space<vmem>> -> memref<2x128xi32, #tpu.memory_space<vmem>>
        %dma_wait3A_131 = arith.constant 0 : i32
        %dma_wait3A_132 = tpu.memref_slice %arg2[%mul3A_29, %dma_wait3A_131] : memref<6400x128xi32, #tpu.memory_space<hbm>> -> memref<2x128xi32, #tpu.memory_space<hbm>>
        tpu.wait_dma2 semaphore(%run_scoped3A_108 : memref<!tpu.dma_semaphore, #tpu.memory_space<semaphore_mem>>) src(%dma_wait3A_132 : memref<2x128xi32, #tpu.memory_space<hbm>>) dst(%dma_wait3A_130 : memref<2x128xi32, #tpu.memory_space<vmem>>)
        tpu.yield
      }) : () -> ()
      %run_scoped3A_30 = arith.constant 0 : i32
      "tpu.region"() ({
        %run_scoped3A_108 = tpu.sem_alloc : memref<!tpu.dma_semaphore, #tpu.memory_space<semaphore_mem>>
        %dma_start3A_109 = arith.constant 0 : i32
        %dma_start3A_110 = arith.constant 0 : i32
        %dma_start3A_111 = tpu.memref_slice %arg8[%run_scoped3A_30, %dma_start3A_109, %dma_start3A_110] : memref<4x2x128xi32, #tpu.memory_space<vmem>> -> memref<1x2x128xi32, #tpu.memory_space<vmem>>
        %dma_start3A_112 = tpu.memref_squeeze %dma_start3A_111 : memref<1x2x128xi32, #tpu.memory_space<vmem>> -> memref<2x128xi32, #tpu.memory_space<vmem>>
        %dma_start3A_113 = arith.constant 0 : i32
        %dma_start3A_114 = tpu.memref_slice %arg3[%mul3A_29, %dma_start3A_113] : memref<6400x128xi32, #tpu.memory_space<hbm>> -> memref<2x128xi32, #tpu.memory_space<hbm>>
        %dma_start3A_115 = arith.constant 0 : i32
        %dma_start3A_116 = arith.constant 0 : i32
        %dma_start3A_117 = tpu.memref_slice %arg8[%run_scoped3A_30, %dma_start3A_115, %dma_start3A_116] : memref<4x2x128xi32, #tpu.memory_space<vmem>> -> memref<1x2x128xi32, #tpu.memory_space<vmem>>
        %dma_start3A_118 = tpu.memref_squeeze %dma_start3A_117 : memref<1x2x128xi32, #tpu.memory_space<vmem>> -> memref<2x128xi32, #tpu.memory_space<vmem>>
        %dma_start3A_119 = arith.constant 0 : i32
        %dma_start3A_120 = tpu.memref_slice %arg3[%mul3A_29, %dma_start3A_119] : memref<6400x128xi32, #tpu.memory_space<hbm>> -> memref<2x128xi32, #tpu.memory_space<hbm>>
        tpu.enqueue_dma source(%dma_start3A_120 : memref<2x128xi32, #tpu.memory_space<hbm>>) target(%dma_start3A_118 : memref<2x128xi32, #tpu.memory_space<vmem>>) target_semaphore(%run_scoped3A_108 : memref<!tpu.dma_semaphore, #tpu.memory_space<semaphore_mem>>)
        %dma_wait3A_121 = arith.constant 0 : i32
        %dma_wait3A_122 = arith.constant 0 : i32
        %dma_wait3A_123 = tpu.memref_slice %arg8[%run_scoped3A_30, %dma_wait3A_121, %dma_wait3A_122] : memref<4x2x128xi32, #tpu.memory_space<vmem>> -> memref<1x2x128xi32, #tpu.memory_space<vmem>>
        %dma_wait3A_124 = tpu.memref_squeeze %dma_wait3A_123 : memref<1x2x128xi32, #tpu.memory_space<vmem>> -> memref<2x128xi32, #tpu.memory_space<vmem>>
        %dma_wait3A_125 = arith.constant 0 : i32
        %dma_wait3A_126 = tpu.memref_slice %arg3[%mul3A_29, %dma_wait3A_125] : memref<6400x128xi32, #tpu.memory_space<hbm>> -> memref<2x128xi32, #tpu.memory_space<hbm>>
        %dma_wait3A_127 = arith.constant 0 : i32
        %dma_wait3A_128 = arith.constant 0 : i32
        %dma_wait3A_129 = tpu.memref_slice %arg8[%run_scoped3A_30, %dma_wait3A_127, %dma_wait3A_128] : memref<4x2x128xi32, #tpu.memory_space<vmem>> -> memref<1x2x128xi32, #tpu.memory_space<vmem>>
        %dma_wait3A_130 = tpu.memref_squeeze %dma_wait3A_129 : memref<1x2x128xi32, #tpu.memory_space<vmem>> -> memref<2x128xi32, #tpu.memory_space<vmem>>
        %dma_wait3A_131 = arith.constant 0 : i32
        %dma_wait3A_132 = tpu.memref_slice %arg3[%mul3A_29, %dma_wait3A_131] : memref<6400x128xi32, #tpu.memory_space<hbm>> -> memref<2x128xi32, #tpu.memory_space<hbm>>
        tpu.wait_dma2 semaphore(%run_scoped3A_108 : memref<!tpu.dma_semaphore, #tpu.memory_space<semaphore_mem>>) src(%dma_wait3A_132 : memref<2x128xi32, #tpu.memory_space<hbm>>) dst(%dma_wait3A_130 : memref<2x128xi32, #tpu.memory_space<vmem>>)
        tpu.yield
      }) : () -> ()
      %add3A = arith.constant 2 : i32
      %add3A_31 = arith.addi %mul3A_29, %add3A : i32
      %run_scoped3A_32 = arith.constant 1 : i32
      "tpu.region"() ({
        %run_scoped3A_108 = tpu.sem_alloc : memref<!tpu.dma_semaphore, #tpu.memory_space<semaphore_mem>>
        %dma_start3A_109 = arith.constant 0 : i32
        %dma_start3A_110 = arith.constant 0 : i32
        %dma_start3A_111 = tpu.memref_slice %arg7[%run_scoped3A_32, %dma_start3A_109, %dma_start3A_110] : memref<4x2x128xi32, #tpu.memory_space<vmem>> -> memref<1x2x128xi32, #tpu.memory_space<vmem>>
        %dma_start3A_112 = tpu.memref_squeeze %dma_start3A_111 : memref<1x2x128xi32, #tpu.memory_space<vmem>> -> memref<2x128xi32, #tpu.memory_space<vmem>>
        %dma_start3A_113 = arith.constant 0 : i32
        %dma_start3A_114 = tpu.memref_slice %arg2[%add3A_31, %dma_start3A_113] : memref<6400x128xi32, #tpu.memory_space<hbm>> -> memref<2x128xi32, #tpu.memory_space<hbm>>
        %dma_start3A_115 = arith.constant 0 : i32
        %dma_start3A_116 = arith.constant 0 : i32
        %dma_start3A_117 = tpu.memref_slice %arg7[%run_scoped3A_32, %dma_start3A_115, %dma_start3A_116] : memref<4x2x128xi32, #tpu.memory_space<vmem>> -> memref<1x2x128xi32, #tpu.memory_space<vmem>>
        %dma_start3A_118 = tpu.memref_squeeze %dma_start3A_117 : memref<1x2x128xi32, #tpu.memory_space<vmem>> -> memref<2x128xi32, #tpu.memory_space<vmem>>
        %dma_start3A_119 = arith.constant 0 : i32
        %dma_start3A_120 = tpu.memref_slice %arg2[%add3A_31, %dma_start3A_119] : memref<6400x128xi32, #tpu.memory_space<hbm>> -> memref<2x128xi32, #tpu.memory_space<hbm>>
        tpu.enqueue_dma source(%dma_start3A_120 : memref<2x128xi32, #tpu.memory_space<hbm>>) target(%dma_start3A_118 : memref<2x128xi32, #tpu.memory_space<vmem>>) target_semaphore(%run_scoped3A_108 : memref<!tpu.dma_semaphore, #tpu.memory_space<semaphore_mem>>)
        %dma_wait3A_121 = arith.constant 0 : i32
        %dma_wait3A_122 = arith.constant 0 : i32
        %dma_wait3A_123 = tpu.memref_slice %arg7[%run_scoped3A_32, %dma_wait3A_121, %dma_wait3A_122] : memref<4x2x128xi32, #tpu.memory_space<vmem>> -> memref<1x2x128xi32, #tpu.memory_space<vmem>>
        %dma_wait3A_124 = tpu.memref_squeeze %dma_wait3A_123 : memref<1x2x128xi32, #tpu.memory_space<vmem>> -> memref<2x128xi32, #tpu.memory_space<vmem>>
        %dma_wait3A_125 = arith.constant 0 : i32
        %dma_wait3A_126 = tpu.memref_slice %arg2[%add3A_31, %dma_wait3A_125] : memref<6400x128xi32, #tpu.memory_space<hbm>> -> memref<2x128xi32, #tpu.memory_space<hbm>>
        %dma_wait3A_127 = arith.constant 0 : i32
        %dma_wait3A_128 = arith.constant 0 : i32
        %dma_wait3A_129 = tpu.memref_slice %arg7[%run_scoped3A_32, %dma_wait3A_127, %dma_wait3A_128] : memref<4x2x128xi32, #tpu.memory_space<vmem>> -> memref<1x2x128xi32, #tpu.memory_space<vmem>>
        %dma_wait3A_130 = tpu.memref_squeeze %dma_wait3A_129 : memref<1x2x128xi32, #tpu.memory_space<vmem>> -> memref<2x128xi32, #tpu.memory_space<vmem>>
        %dma_wait3A_131 = arith.constant 0 : i32
        %dma_wait3A_132 = tpu.memref_slice %arg2[%add3A_31, %dma_wait3A_131] : memref<6400x128xi32, #tpu.memory_space<hbm>> -> memref<2x128xi32, #tpu.memory_space<hbm>>
        tpu.wait_dma2 semaphore(%run_scoped3A_108 : memref<!tpu.dma_semaphore, #tpu.memory_space<semaphore_mem>>) src(%dma_wait3A_132 : memref<2x128xi32, #tpu.memory_space<hbm>>) dst(%dma_wait3A_130 : memref<2x128xi32, #tpu.memory_space<vmem>>)
        tpu.yield
      }) : () -> ()
      %add3A_33 = arith.constant 2 : i32
      %add3A_34 = arith.addi %mul3A_29, %add3A_33 : i32
      %run_scoped3A_35 = arith.constant 1 : i32
      "tpu.region"() ({
        %run_scoped3A_108 = tpu.sem_alloc : memref<!tpu.dma_semaphore, #tpu.memory_space<semaphore_mem>>
        %dma_start3A_109 = arith.constant 0 : i32
        %dma_start3A_110 = arith.constant 0 : i32
        %dma_start3A_111 = tpu.memref_slice %arg8[%run_scoped3A_35, %dma_start3A_109, %dma_start3A_110] : memref<4x2x128xi32, #tpu.memory_space<vmem>> -> memref<1x2x128xi32, #tpu.memory_space<vmem>>
        %dma_start3A_112 = tpu.memref_squeeze %dma_start3A_111 : memref<1x2x128xi32, #tpu.memory_space<vmem>> -> memref<2x128xi32, #tpu.memory_space<vmem>>
        %dma_start3A_113 = arith.constant 0 : i32
        %dma_start3A_114 = tpu.memref_slice %arg3[%add3A_34, %dma_start3A_113] : memref<6400x128xi32, #tpu.memory_space<hbm>> -> memref<2x128xi32, #tpu.memory_space<hbm>>
        %dma_start3A_115 = arith.constant 0 : i32
        %dma_start3A_116 = arith.constant 0 : i32
        %dma_start3A_117 = tpu.memref_slice %arg8[%run_scoped3A_35, %dma_start3A_115, %dma_start3A_116] : memref<4x2x128xi32, #tpu.memory_space<vmem>> -> memref<1x2x128xi32, #tpu.memory_space<vmem>>
        %dma_start3A_118 = tpu.memref_squeeze %dma_start3A_117 : memref<1x2x128xi32, #tpu.memory_space<vmem>> -> memref<2x128xi32, #tpu.memory_space<vmem>>
        %dma_start3A_119 = arith.constant 0 : i32
        %dma_start3A_120 = tpu.memref_slice %arg3[%add3A_34, %dma_start3A_119] : memref<6400x128xi32, #tpu.memory_space<hbm>> -> memref<2x128xi32, #tpu.memory_space<hbm>>
        tpu.enqueue_dma source(%dma_start3A_120 : memref<2x128xi32, #tpu.memory_space<hbm>>) target(%dma_start3A_118 : memref<2x128xi32, #tpu.memory_space<vmem>>) target_semaphore(%run_scoped3A_108 : memref<!tpu.dma_semaphore, #tpu.memory_space<semaphore_mem>>)
        %dma_wait3A_121 = arith.constant 0 : i32
        %dma_wait3A_122 = arith.constant 0 : i32
        %dma_wait3A_123 = tpu.memref_slice %arg8[%run_scoped3A_35, %dma_wait3A_121, %dma_wait3A_122] : memref<4x2x128xi32, #tpu.memory_space<vmem>> -> memref<1x2x128xi32, #tpu.memory_space<vmem>>
        %dma_wait3A_124 = tpu.memref_squeeze %dma_wait3A_123 : memref<1x2x128xi32, #tpu.memory_space<vmem>> -> memref<2x128xi32, #tpu.memory_space<vmem>>
        %dma_wait3A_125 = arith.constant 0 : i32
        %dma_wait3A_126 = tpu.memref_slice %arg3[%add3A_34, %dma_wait3A_125] : memref<6400x128xi32, #tpu.memory_space<hbm>> -> memref<2x128xi32, #tpu.memory_space<hbm>>
        %dma_wait3A_127 = arith.constant 0 : i32
        %dma_wait3A_128 = arith.constant 0 : i32
        %dma_wait3A_129 = tpu.memref_slice %arg8[%run_scoped3A_35, %dma_wait3A_127, %dma_wait3A_128] : memref<4x2x128xi32, #tpu.memory_space<vmem>> -> memref<1x2x128xi32, #tpu.memory_space<vmem>>
        %dma_wait3A_130 = tpu.memref_squeeze %dma_wait3A_129 : memref<1x2x128xi32, #tpu.memory_space<vmem>> -> memref<2x128xi32, #tpu.memory_space<vmem>>
        %dma_wait3A_131 = arith.constant 0 : i32
        %dma_wait3A_132 = tpu.memref_slice %arg3[%add3A_34, %dma_wait3A_131] : memref<6400x128xi32, #tpu.memory_space<hbm>> -> memref<2x128xi32, #tpu.memory_space<hbm>>
        tpu.wait_dma2 semaphore(%run_scoped3A_108 : memref<!tpu.dma_semaphore, #tpu.memory_space<semaphore_mem>>) src(%dma_wait3A_132 : memref<2x128xi32, #tpu.memory_space<hbm>>) dst(%dma_wait3A_130 : memref<2x128xi32, #tpu.memory_space<vmem>>)
        tpu.yield
      }) : () -> ()
      %dma_start3A = arith.constant 0 : i32
      %dma_start3A_36 = arith.constant 0 : i32
      %dma_start3A_37 = arith.constant 0 : i32
      %dma_start3A_38 = arith.constant 0 : i32
      %dma_start3A_39 = arith.constant 0 : i32
      %dma_start3A_40 = arith.constant 0 : i32
      %dma_start3A_41 = arith.constant 0 : i32
      %dma_start3A_42 = tpu.memref_slice %arg9[%dma_start3A_38, %dma_start3A_39, %dma_start3A_40, %dma_start3A_41] : memref<3x2x128x32xf32, #tpu.memory_space<vmem>> -> memref<1x1x128x32xf32, #tpu.memory_space<vmem>>
      %dma_start3A_43 = tpu.memref_squeeze %dma_start3A_42 : memref<1x1x128x32xf32, #tpu.memory_space<vmem>> -> memref<128x32xf32, #tpu.memory_space<vmem>>
      %dma_start3A_44 = arith.constant 0 : i32
      %dma_start3A_45 = tpu.memref_slice %arg7[%dma_start3A_36, %dma_start3A_37, %dma_start3A_44] : memref<4x2x128xi32, #tpu.memory_space<vmem>> -> memref<1x1x128xi32, #tpu.memory_space<vmem>>
      %dma_start3A_46 = tpu.memref_squeeze %dma_start3A_45 : memref<1x1x128xi32, #tpu.memory_space<vmem>> -> memref<128xi32, #tpu.memory_space<vmem>>
      %dma_start3A_47 = arith.constant 0 : i32
      %dma_start3A_48 = arith.constant 0 : i32
      %dma_start3A_49 = tpu.memref_slice %arg4[%dma_start3A, %dma_start3A_47, %dma_start3A_48] : memref<4x50176x32xf32, #tpu.memory_space<hbm>> -> memref<1x50176x32xf32, #tpu.memory_space<hbm>>
      %dma_start3A_50 = tpu.memref_squeeze %dma_start3A_49 : memref<1x50176x32xf32, #tpu.memory_space<hbm>> -> memref<50176x32xf32, #tpu.memory_space<hbm>>
      %dma_start3A_51 = arith.constant 0 : i32
      %dma_start3A_52 = arith.constant 0 : i32
      %dma_start3A_53 = tpu.memref_slice %dma_start3A_50[%dma_start3A_51, %dma_start3A_52] : memref<50176x32xf32, #tpu.memory_space<hbm>> -> memref<50176x32xf32, #tpu.memory_space<hbm>>
      tpu.enqueue_indirect_dma source(%dma_start3A_53 : memref<50176x32xf32, #tpu.memory_space<hbm>>) target(%dma_start3A_43 : memref<128x32xf32, #tpu.memory_space<vmem>>) offsets(%dma_start3A_46 : memref<128xi32, #tpu.memory_space<vmem>>) semaphore(%arg11 : memref<!tpu.dma_semaphore, #tpu.memory_space<semaphore_mem>>)
      %dma_start3A_54 = arith.constant 0 : i32
      %dma_start3A_55 = arith.constant 0 : i32
      %dma_start3A_56 = arith.constant 1 : i32
      %dma_start3A_57 = arith.constant 0 : i32
      %dma_start3A_58 = arith.constant 1 : i32
      %dma_start3A_59 = arith.constant 0 : i32
      %dma_start3A_60 = arith.constant 0 : i32
      %dma_start3A_61 = tpu.memref_slice %arg9[%dma_start3A_57, %dma_start3A_58, %dma_start3A_59, %dma_start3A_60] : memref<3x2x128x32xf32, #tpu.memory_space<vmem>> -> memref<1x1x128x32xf32, #tpu.memory_space<vmem>>
      %dma_start3A_62 = tpu.memref_squeeze %dma_start3A_61 : memref<1x1x128x32xf32, #tpu.memory_space<vmem>> -> memref<128x32xf32, #tpu.memory_space<vmem>>
      %dma_start3A_63 = arith.constant 0 : i32
      %dma_start3A_64 = tpu.memref_slice %arg7[%dma_start3A_55, %dma_start3A_56, %dma_start3A_63] : memref<4x2x128xi32, #tpu.memory_space<vmem>> -> memref<1x1x128xi32, #tpu.memory_space<vmem>>
      %dma_start3A_65 = tpu.memref_squeeze %dma_start3A_64 : memref<1x1x128xi32, #tpu.memory_space<vmem>> -> memref<128xi32, #tpu.memory_space<vmem>>
      %dma_start3A_66 = arith.constant 0 : i32
      %dma_start3A_67 = arith.constant 0 : i32
      %dma_start3A_68 = tpu.memref_slice %arg4[%dma_start3A_54, %dma_start3A_66, %dma_start3A_67] : memref<4x50176x32xf32, #tpu.memory_space<hbm>> -> memref<1x50176x32xf32, #tpu.memory_space<hbm>>
      %dma_start3A_69 = tpu.memref_squeeze %dma_start3A_68 : memref<1x50176x32xf32, #tpu.memory_space<hbm>> -> memref<50176x32xf32, #tpu.memory_space<hbm>>
      %dma_start3A_70 = arith.constant 0 : i32
      %dma_start3A_71 = arith.constant 0 : i32
      %dma_start3A_72 = tpu.memref_slice %dma_start3A_69[%dma_start3A_70, %dma_start3A_71] : memref<50176x32xf32, #tpu.memory_space<hbm>> -> memref<50176x32xf32, #tpu.memory_space<hbm>>
      tpu.enqueue_indirect_dma source(%dma_start3A_72 : memref<50176x32xf32, #tpu.memory_space<hbm>>) target(%dma_start3A_62 : memref<128x32xf32, #tpu.memory_space<vmem>>) offsets(%dma_start3A_65 : memref<128xi32, #tpu.memory_space<vmem>>) semaphore(%arg11 : memref<!tpu.dma_semaphore, #tpu.memory_space<semaphore_mem>>)
      %scan3A_73 = arith.constant 0 : i32
      %scan3A_74 = arith.constant 0 : i32
      %scan3A_75 = arith.constant 200 : i32
      %scan3A_76 = arith.addi %scan3A_74, %scan3A_75 : i32
      %scan3A_77 = arith.constant 1 : i32
      scf.for %scan3A_108 = %scan3A_74 to %scan3A_76 step %scan3A_77  : i32 {
        %mul3A_109 = arith.constant 1 : i32
        %mul3A_110 = arith.muli %scan3A_108, %mul3A_109 : i32
        %add3A_111 = arith.constant 0 : i32
        %add3A_112 = arith.addi %add3A_111, %mul3A_110 : i32
        %rem3A = arith.constant 4 : i32
        %rem3A_113 = arith.remsi %add3A_112, %rem3A : i32
        %add3A_114 = arith.constant 1 : i32
        %add3A_115 = arith.addi %add3A_112, %add3A_114 : i32
        %rem3A_116 = arith.constant 4 : i32
        %rem3A_117 = arith.remsi %add3A_115, %rem3A_116 : i32
        %add3A_118 = arith.constant 2 : i32
        %add3A_119 = arith.addi %add3A_112, %add3A_118 : i32
        %rem3A_120 = arith.constant 4 : i32
        %rem3A_121 = arith.remsi %add3A_119, %rem3A_120 : i32
        %rem3A_122 = arith.constant 3 : i32
        %rem3A_123 = arith.remsi %add3A_112, %rem3A_122 : i32
        %add3A_124 = arith.constant 1 : i32
        %add3A_125 = arith.addi %add3A_112, %add3A_124 : i32
        %rem3A_126 = arith.constant 3 : i32
        %rem3A_127 = arith.remsi %add3A_125, %rem3A_126 : i32
        %gt3A = arith.constant 0 : i32
        %gt3A_128 = arith.cmpi sgt, %add3A_112, %gt3A : i32
        %lt3A = arith.constant 199 : i32
        %lt3A_129 = arith.cmpi slt, %add3A_112, %lt3A : i32
        %and3A = arith.andi %gt3A_128, %lt3A_129 : i1
        %convert_element_type3A_130 = arith.extui %and3A : i1 to i32
        %cond3A_131 = arith.constant 0 : i32
        %cond3A_132 = arith.cmpi ne, %convert_element_type3A_130, %cond3A_131 : i32
        scf.if %cond3A_132 {
          %dma_wait3A_181 = arith.constant 0 : i32
          %dma_wait3A_182 = arith.constant 0 : i32
          %dma_wait3A_183 = arith.constant 0 : i32
          %dma_wait3A_184 = tpu.memref_slice %arg7[%dma_wait3A_181, %dma_wait3A_182, %dma_wait3A_183] : memref<4x2x128xi32, #tpu.memory_space<vmem>> -> memref<1x2x128xi32, #tpu.memory_space<vmem>>
          %dma_wait3A_185 = tpu.memref_squeeze %dma_wait3A_184 : memref<1x2x128xi32, #tpu.memory_space<vmem>> -> memref<2x128xi32, #tpu.memory_space<vmem>>
          %dma_wait3A_186 = arith.constant 0 : i32
          %dma_wait3A_187 = tpu.memref_slice %arg2[%mul3A_29, %dma_wait3A_186] : memref<6400x128xi32, #tpu.memory_space<hbm>> -> memref<2x128xi32, #tpu.memory_space<hbm>>
          %dma_wait3A_188 = arith.constant 0 : i32
          %dma_wait3A_189 = arith.constant 0 : i32
          %dma_wait3A_190 = tpu.memref_slice %arg7[%dma_wait3A_181, %dma_wait3A_188, %dma_wait3A_189] : memref<4x2x128xi32, #tpu.memory_space<vmem>> -> memref<1x2x128xi32, #tpu.memory_space<vmem>>
          %dma_wait3A_191 = tpu.memref_squeeze %dma_wait3A_190 : memref<1x2x128xi32, #tpu.memory_space<vmem>> -> memref<2x128xi32, #tpu.memory_space<vmem>>
          %dma_wait3A_192 = arith.constant 0 : i32
          %dma_wait3A_193 = tpu.memref_slice %arg2[%mul3A_29, %dma_wait3A_192] : memref<6400x128xi32, #tpu.memory_space<hbm>> -> memref<2x128xi32, #tpu.memory_space<hbm>>
          tpu.wait_dma2 semaphore(%arg14 : memref<!tpu.dma_semaphore, #tpu.memory_space<semaphore_mem>>) src(%dma_wait3A_193 : memref<2x128xi32, #tpu.memory_space<hbm>>) dst(%dma_wait3A_191 : memref<2x128xi32, #tpu.memory_space<vmem>>)
          %dma_wait3A_194 = arith.constant 0 : i32
          %dma_wait3A_195 = arith.constant 0 : i32
          %dma_wait3A_196 = arith.constant 0 : i32
          %dma_wait3A_197 = tpu.memref_slice %arg8[%dma_wait3A_194, %dma_wait3A_195, %dma_wait3A_196] : memref<4x2x128xi32, #tpu.memory_space<vmem>> -> memref<1x2x128xi32, #tpu.memory_space<vmem>>
          %dma_wait3A_198 = tpu.memref_squeeze %dma_wait3A_197 : memref<1x2x128xi32, #tpu.memory_space<vmem>> -> memref<2x128xi32, #tpu.memory_space<vmem>>
          %dma_wait3A_199 = arith.constant 0 : i32
          %dma_wait3A_200 = tpu.memref_slice %arg3[%mul3A_29, %dma_wait3A_199] : memref<6400x128xi32, #tpu.memory_space<hbm>> -> memref<2x128xi32, #tpu.memory_space<hbm>>
          %dma_wait3A_201 = arith.constant 0 : i32
          %dma_wait3A_202 = arith.constant 0 : i32
          %dma_wait3A_203 = tpu.memref_slice %arg8[%dma_wait3A_194, %dma_wait3A_201, %dma_wait3A_202] : memref<4x2x128xi32, #tpu.memory_space<vmem>> -> memref<1x2x128xi32, #tpu.memory_space<vmem>>
          %dma_wait3A_204 = tpu.memref_squeeze %dma_wait3A_203 : memref<1x2x128xi32, #tpu.memory_space<vmem>> -> memref<2x128xi32, #tpu.memory_space<vmem>>
          %dma_wait3A_205 = arith.constant 0 : i32
          %dma_wait3A_206 = tpu.memref_slice %arg3[%mul3A_29, %dma_wait3A_205] : memref<6400x128xi32, #tpu.memory_space<hbm>> -> memref<2x128xi32, #tpu.memory_space<hbm>>
          tpu.wait_dma2 semaphore(%arg14 : memref<!tpu.dma_semaphore, #tpu.memory_space<semaphore_mem>>) src(%dma_wait3A_206 : memref<2x128xi32, #tpu.memory_space<hbm>>) dst(%dma_wait3A_204 : memref<2x128xi32, #tpu.memory_space<vmem>>)
        } else {
        }
        %rem3A_133 = arith.constant 2 : i32
        %rem3A_134 = arith.remsi %add3A_112, %rem3A_133 : i32
        %eq3A_135 = arith.constant 0 : i32
        %eq3A_136 = arith.cmpi eq, %rem3A_134, %eq3A_135 : i32
        %convert_element_type3A_137 = arith.extui %eq3A_136 : i1 to i32
        %cond3A_138 = arith.constant 0 : i32
        %cond3A_139 = arith.cmpi ne, %convert_element_type3A_137, %cond3A_138 : i32
        scf.if %cond3A_139 {
          %lt3A_181 = arith.constant 199 : i32
          %lt3A_182 = arith.cmpi slt, %add3A_112, %lt3A_181 : i32
          %convert_element_type3A_183 = arith.extui %lt3A_182 : i1 to i32
          %cond3A_184 = arith.constant 0 : i32
          %cond3A_185 = arith.cmpi ne, %convert_element_type3A_183, %cond3A_184 : i32
          scf.if %cond3A_185 {
            %dma_start3A_222 = arith.constant 0 : i32
            %dma_start3A_223 = arith.constant 0 : i32
            %dma_start3A_224 = arith.constant 0 : i32
            %dma_start3A_225 = arith.constant 0 : i32
            %dma_start3A_226 = tpu.memref_slice %arg9[%rem3A_127, %dma_start3A_223, %dma_start3A_224, %dma_start3A_225] : memref<3x2x128x32xf32, #tpu.memory_space<vmem>> -> memref<1x1x128x32xf32, #tpu.memory_space<vmem>>
            %dma_start3A_227 = tpu.memref_squeeze %dma_start3A_226 : memref<1x1x128x32xf32, #tpu.memory_space<vmem>> -> memref<128x32xf32, #tpu.memory_space<vmem>>
            %dma_start3A_228 = arith.constant 0 : i32
            %dma_start3A_229 = tpu.memref_slice %arg7[%rem3A_117, %dma_start3A_222, %dma_start3A_228] : memref<4x2x128xi32, #tpu.memory_space<vmem>> -> memref<1x1x128xi32, #tpu.memory_space<vmem>>
            %dma_start3A_230 = tpu.memref_squeeze %dma_start3A_229 : memref<1x1x128xi32, #tpu.memory_space<vmem>> -> memref<128xi32, #tpu.memory_space<vmem>>
            %dma_start3A_231 = arith.constant 0 : i32
            %dma_start3A_232 = arith.constant 0 : i32
            %dma_start3A_233 = tpu.memref_slice %arg4[%scan3A_73, %dma_start3A_231, %dma_start3A_232] : memref<4x50176x32xf32, #tpu.memory_space<hbm>> -> memref<1x50176x32xf32, #tpu.memory_space<hbm>>
            %dma_start3A_234 = tpu.memref_squeeze %dma_start3A_233 : memref<1x50176x32xf32, #tpu.memory_space<hbm>> -> memref<50176x32xf32, #tpu.memory_space<hbm>>
            %dma_start3A_235 = arith.constant 0 : i32
            %dma_start3A_236 = arith.constant 0 : i32
            %dma_start3A_237 = tpu.memref_slice %dma_start3A_234[%dma_start3A_235, %dma_start3A_236] : memref<50176x32xf32, #tpu.memory_space<hbm>> -> memref<50176x32xf32, #tpu.memory_space<hbm>>
            tpu.enqueue_indirect_dma source(%dma_start3A_237 : memref<50176x32xf32, #tpu.memory_space<hbm>>) target(%dma_start3A_227 : memref<128x32xf32, #tpu.memory_space<vmem>>) offsets(%dma_start3A_230 : memref<128xi32, #tpu.memory_space<vmem>>) semaphore(%arg12 : memref<!tpu.dma_semaphore, #tpu.memory_space<semaphore_mem>>)
            %dma_start3A_238 = arith.constant 1 : i32
            %dma_start3A_239 = arith.constant 1 : i32
            %dma_start3A_240 = arith.constant 0 : i32
            %dma_start3A_241 = arith.constant 0 : i32
            %dma_start3A_242 = tpu.memref_slice %arg9[%rem3A_127, %dma_start3A_239, %dma_start3A_240, %dma_start3A_241] : memref<3x2x128x32xf32, #tpu.memory_space<vmem>> -> memref<1x1x128x32xf32, #tpu.memory_space<vmem>>
            %dma_start3A_243 = tpu.memref_squeeze %dma_start3A_242 : memref<1x1x128x32xf32, #tpu.memory_space<vmem>> -> memref<128x32xf32, #tpu.memory_space<vmem>>
            %dma_start3A_244 = arith.constant 0 : i32
            %dma_start3A_245 = tpu.memref_slice %arg7[%rem3A_117, %dma_start3A_238, %dma_start3A_244] : memref<4x2x128xi32, #tpu.memory_space<vmem>> -> memref<1x1x128xi32, #tpu.memory_space<vmem>>
            %dma_start3A_246 = tpu.memref_squeeze %dma_start3A_245 : memref<1x1x128xi32, #tpu.memory_space<vmem>> -> memref<128xi32, #tpu.memory_space<vmem>>
            %dma_start3A_247 = arith.constant 0 : i32
            %dma_start3A_248 = arith.constant 0 : i32
            %dma_start3A_249 = tpu.memref_slice %arg4[%scan3A_73, %dma_start3A_247, %dma_start3A_248] : memref<4x50176x32xf32, #tpu.memory_space<hbm>> -> memref<1x50176x32xf32, #tpu.memory_space<hbm>>
            %dma_start3A_250 = tpu.memref_squeeze %dma_start3A_249 : memref<1x50176x32xf32, #tpu.memory_space<hbm>> -> memref<50176x32xf32, #tpu.memory_space<hbm>>
            %dma_start3A_251 = arith.constant 0 : i32
            %dma_start3A_252 = arith.constant 0 : i32
            %dma_start3A_253 = tpu.memref_slice %dma_start3A_250[%dma_start3A_251, %dma_start3A_252] : memref<50176x32xf32, #tpu.memory_space<hbm>> -> memref<50176x32xf32, #tpu.memory_space<hbm>>
            tpu.enqueue_indirect_dma source(%dma_start3A_253 : memref<50176x32xf32, #tpu.memory_space<hbm>>) target(%dma_start3A_243 : memref<128x32xf32, #tpu.memory_space<vmem>>) offsets(%dma_start3A_246 : memref<128xi32, #tpu.memory_space<vmem>>) semaphore(%arg12 : memref<!tpu.dma_semaphore, #tpu.memory_space<semaphore_mem>>)
          } else {
          }
          %dma_wait3A_186 = arith.constant 0 : i32
          %dma_wait3A_187 = arith.constant 0 : i32
          %dma_wait3A_188 = arith.constant 0 : i32
          %dma_wait3A_189 = arith.constant 0 : i32
          %dma_wait3A_190 = arith.constant 0 : i32
          %dma_wait3A_191 = arith.constant 0 : i32
          %dma_wait3A_192 = tpu.memref_slice %arg9[%dma_wait3A_188, %dma_wait3A_189, %dma_wait3A_190, %dma_wait3A_191] : memref<3x2x128x32xf32, #tpu.memory_space<vmem>> -> memref<1x1x128x32xf32, #tpu.memory_space<vmem>>
          %dma_wait3A_193 = tpu.memref_squeeze %dma_wait3A_192 : memref<1x1x128x32xf32, #tpu.memory_space<vmem>> -> memref<128x32xf32, #tpu.memory_space<vmem>>
          %dma_wait3A_194 = arith.constant 0 : i32
          %dma_wait3A_195 = tpu.memref_slice %arg7[%dma_wait3A_186, %dma_wait3A_187, %dma_wait3A_194] : memref<4x2x128xi32, #tpu.memory_space<vmem>> -> memref<1x1x128xi32, #tpu.memory_space<vmem>>
          %dma_wait3A_196 = tpu.memref_squeeze %dma_wait3A_195 : memref<1x1x128xi32, #tpu.memory_space<vmem>> -> memref<128xi32, #tpu.memory_space<vmem>>
          %dma_wait3A_197 = arith.constant 0 : i32
          %dma_wait3A_198 = arith.constant 0 : i32
          %dma_wait3A_199 = tpu.memref_slice %arg4[%scan3A_73, %dma_wait3A_197, %dma_wait3A_198] : memref<4x50176x32xf32, #tpu.memory_space<hbm>> -> memref<1x50176x32xf32, #tpu.memory_space<hbm>>
          %dma_wait3A_200 = tpu.memref_squeeze %dma_wait3A_199 : memref<1x50176x32xf32, #tpu.memory_space<hbm>> -> memref<50176x32xf32, #tpu.memory_space<hbm>>
          %dma_wait3A_201 = arith.constant 0 : i32
          %dma_wait3A_202 = arith.constant 0 : i32
          %dma_wait3A_203 = tpu.memref_slice %dma_wait3A_200[%dma_wait3A_201, %dma_wait3A_202] : memref<50176x32xf32, #tpu.memory_space<hbm>> -> memref<50176x32xf32, #tpu.memory_space<hbm>>
          tpu.wait_indirect_dma semaphore(%arg11 : memref<!tpu.dma_semaphore, #tpu.memory_space<semaphore_mem>>) src(%dma_wait3A_203 : memref<50176x32xf32, #tpu.memory_space<hbm>>) dst(%dma_wait3A_193 : memref<128x32xf32, #tpu.memory_space<vmem>>)
          %dma_wait3A_204 = arith.constant 0 : i32
          %dma_wait3A_205 = arith.constant 1 : i32
          %dma_wait3A_206 = arith.constant 0 : i32
          %dma_wait3A_207 = arith.constant 1 : i32
          %dma_wait3A_208 = arith.constant 0 : i32
          %dma_wait3A_209 = arith.constant 0 : i32
          %dma_wait3A_210 = tpu.memref_slice %arg9[%dma_wait3A_206, %dma_wait3A_207, %dma_wait3A_208, %dma_wait3A_209] : memref<3x2x128x32xf32, #tpu.memory_space<vmem>> -> memref<1x1x128x32xf32, #tpu.memory_space<vmem>>
          %dma_wait3A_211 = tpu.memref_squeeze %dma_wait3A_210 : memref<1x1x128x32xf32, #tpu.memory_space<vmem>> -> memref<128x32xf32, #tpu.memory_space<vmem>>
          %dma_wait3A_212 = arith.constant 0 : i32
          %dma_wait3A_213 = tpu.memref_slice %arg7[%dma_wait3A_204, %dma_wait3A_205, %dma_wait3A_212] : memref<4x2x128xi32, #tpu.memory_space<vmem>> -> memref<1x1x128xi32, #tpu.memory_space<vmem>>
          %dma_wait3A_214 = tpu.memref_squeeze %dma_wait3A_213 : memref<1x1x128xi32, #tpu.memory_space<vmem>> -> memref<128xi32, #tpu.memory_space<vmem>>
          %dma_wait3A_215 = arith.constant 0 : i32
          %dma_wait3A_216 = arith.constant 0 : i32
          %dma_wait3A_217 = tpu.memref_slice %arg4[%scan3A_73, %dma_wait3A_215, %dma_wait3A_216] : memref<4x50176x32xf32, #tpu.memory_space<hbm>> -> memref<1x50176x32xf32, #tpu.memory_space<hbm>>
          %dma_wait3A_218 = tpu.memref_squeeze %dma_wait3A_217 : memref<1x50176x32xf32, #tpu.memory_space<hbm>> -> memref<50176x32xf32, #tpu.memory_space<hbm>>
          %dma_wait3A_219 = arith.constant 0 : i32
          %dma_wait3A_220 = arith.constant 0 : i32
          %dma_wait3A_221 = tpu.memref_slice %dma_wait3A_218[%dma_wait3A_219, %dma_wait3A_220] : memref<50176x32xf32, #tpu.memory_space<hbm>> -> memref<50176x32xf32, #tpu.memory_space<hbm>>
          tpu.wait_indirect_dma semaphore(%arg11 : memref<!tpu.dma_semaphore, #tpu.memory_space<semaphore_mem>>) src(%dma_wait3A_221 : memref<50176x32xf32, #tpu.memory_space<hbm>>) dst(%dma_wait3A_211 : memref<128x32xf32, #tpu.memory_space<vmem>>)
        } else {
        }
        %rem3A_140 = arith.constant 2 : i32
        %rem3A_141 = arith.remsi %add3A_112, %rem3A_140 : i32
        %eq3A_142 = arith.constant 1 : i32
        %eq3A_143 = arith.cmpi eq, %rem3A_141, %eq3A_142 : i32
        %convert_element_type3A_144 = arith.extui %eq3A_143 : i1 to i32
        %cond3A_145 = arith.constant 0 : i32
        %cond3A_146 = arith.cmpi ne, %convert_element_type3A_144, %cond3A_145 : i32
        scf.if %cond3A_146 {
          %lt3A_181 = arith.constant 199 : i32
          %lt3A_182 = arith.cmpi slt, %add3A_112, %lt3A_181 : i32
          %convert_element_type3A_183 = arith.extui %lt3A_182 : i1 to i32
          %cond3A_184 = arith.constant 0 : i32
          %cond3A_185 = arith.cmpi ne, %convert_element_type3A_183, %cond3A_184 : i32
          scf.if %cond3A_185 {
            %dma_start3A_222 = arith.constant 0 : i32
            %dma_start3A_223 = arith.constant 0 : i32
            %dma_start3A_224 = arith.constant 0 : i32
            %dma_start3A_225 = arith.constant 0 : i32
            %dma_start3A_226 = tpu.memref_slice %arg9[%rem3A_127, %dma_start3A_223, %dma_start3A_224, %dma_start3A_225] : memref<3x2x128x32xf32, #tpu.memory_space<vmem>> -> memref<1x1x128x32xf32, #tpu.memory_space<vmem>>
            %dma_start3A_227 = tpu.memref_squeeze %dma_start3A_226 : memref<1x1x128x32xf32, #tpu.memory_space<vmem>> -> memref<128x32xf32, #tpu.memory_space<vmem>>
            %dma_start3A_228 = arith.constant 0 : i32
            %dma_start3A_229 = tpu.memref_slice %arg7[%rem3A_117, %dma_start3A_222, %dma_start3A_228] : memref<4x2x128xi32, #tpu.memory_space<vmem>> -> memref<1x1x128xi32, #tpu.memory_space<vmem>>
            %dma_start3A_230 = tpu.memref_squeeze %dma_start3A_229 : memref<1x1x128xi32, #tpu.memory_space<vmem>> -> memref<128xi32, #tpu.memory_space<vmem>>
            %dma_start3A_231 = arith.constant 0 : i32
            %dma_start3A_232 = arith.constant 0 : i32
            %dma_start3A_233 = tpu.memref_slice %arg4[%scan3A_73, %dma_start3A_231, %dma_start3A_232] : memref<4x50176x32xf32, #tpu.memory_space<hbm>> -> memref<1x50176x32xf32, #tpu.memory_space<hbm>>
            %dma_start3A_234 = tpu.memref_squeeze %dma_start3A_233 : memref<1x50176x32xf32, #tpu.memory_space<hbm>> -> memref<50176x32xf32, #tpu.memory_space<hbm>>
            %dma_start3A_235 = arith.constant 0 : i32
            %dma_start3A_236 = arith.constant 0 : i32
            %dma_start3A_237 = tpu.memref_slice %dma_start3A_234[%dma_start3A_235, %dma_start3A_236] : memref<50176x32xf32, #tpu.memory_space<hbm>> -> memref<50176x32xf32, #tpu.memory_space<hbm>>
            tpu.enqueue_indirect_dma source(%dma_start3A_237 : memref<50176x32xf32, #tpu.memory_space<hbm>>) target(%dma_start3A_227 : memref<128x32xf32, #tpu.memory_space<vmem>>) offsets(%dma_start3A_230 : memref<128xi32, #tpu.memory_space<vmem>>) semaphore(%arg11 : memref<!tpu.dma_semaphore, #tpu.memory_space<semaphore_mem>>)
            %dma_start3A_238 = arith.constant 1 : i32
            %dma_start3A_239 = arith.constant 1 : i32
            %dma_start3A_240 = arith.constant 0 : i32
            %dma_start3A_241 = arith.constant 0 : i32
            %dma_start3A_242 = tpu.memref_slice %arg9[%rem3A_127, %dma_start3A_239, %dma_start3A_240, %dma_start3A_241] : memref<3x2x128x32xf32, #tpu.memory_space<vmem>> -> memref<1x1x128x32xf32, #tpu.memory_space<vmem>>
            %dma_start3A_243 = tpu.memref_squeeze %dma_start3A_242 : memref<1x1x128x32xf32, #tpu.memory_space<vmem>> -> memref<128x32xf32, #tpu.memory_space<vmem>>
            %dma_start3A_244 = arith.constant 0 : i32
            %dma_start3A_245 = tpu.memref_slice %arg7[%rem3A_117, %dma_start3A_238, %dma_start3A_244] : memref<4x2x128xi32, #tpu.memory_space<vmem>> -> memref<1x1x128xi32, #tpu.memory_space<vmem>>
            %dma_start3A_246 = tpu.memref_squeeze %dma_start3A_245 : memref<1x1x128xi32, #tpu.memory_space<vmem>> -> memref<128xi32, #tpu.memory_space<vmem>>
            %dma_start3A_247 = arith.constant 0 : i32
            %dma_start3A_248 = arith.constant 0 : i32
            %dma_start3A_249 = tpu.memref_slice %arg4[%scan3A_73, %dma_start3A_247, %dma_start3A_248] : memref<4x50176x32xf32, #tpu.memory_space<hbm>> -> memref<1x50176x32xf32, #tpu.memory_space<hbm>>
            %dma_start3A_250 = tpu.memref_squeeze %dma_start3A_249 : memref<1x50176x32xf32, #tpu.memory_space<hbm>> -> memref<50176x32xf32, #tpu.memory_space<hbm>>
            %dma_start3A_251 = arith.constant 0 : i32
            %dma_start3A_252 = arith.constant 0 : i32
            %dma_start3A_253 = tpu.memref_slice %dma_start3A_250[%dma_start3A_251, %dma_start3A_252] : memref<50176x32xf32, #tpu.memory_space<hbm>> -> memref<50176x32xf32, #tpu.memory_space<hbm>>
            tpu.enqueue_indirect_dma source(%dma_start3A_253 : memref<50176x32xf32, #tpu.memory_space<hbm>>) target(%dma_start3A_243 : memref<128x32xf32, #tpu.memory_space<vmem>>) offsets(%dma_start3A_246 : memref<128xi32, #tpu.memory_space<vmem>>) semaphore(%arg11 : memref<!tpu.dma_semaphore, #tpu.memory_space<semaphore_mem>>)
          } else {
          }
          %dma_wait3A_186 = arith.constant 0 : i32
          %dma_wait3A_187 = arith.constant 0 : i32
          %dma_wait3A_188 = arith.constant 0 : i32
          %dma_wait3A_189 = arith.constant 0 : i32
          %dma_wait3A_190 = arith.constant 0 : i32
          %dma_wait3A_191 = arith.constant 0 : i32
          %dma_wait3A_192 = tpu.memref_slice %arg9[%dma_wait3A_188, %dma_wait3A_189, %dma_wait3A_190, %dma_wait3A_191] : memref<3x2x128x32xf32, #tpu.memory_space<vmem>> -> memref<1x1x128x32xf32, #tpu.memory_space<vmem>>
          %dma_wait3A_193 = tpu.memref_squeeze %dma_wait3A_192 : memref<1x1x128x32xf32, #tpu.memory_space<vmem>> -> memref<128x32xf32, #tpu.memory_space<vmem>>
          %dma_wait3A_194 = arith.constant 0 : i32
          %dma_wait3A_195 = tpu.memref_slice %arg7[%dma_wait3A_186, %dma_wait3A_187, %dma_wait3A_194] : memref<4x2x128xi32, #tpu.memory_space<vmem>> -> memref<1x1x128xi32, #tpu.memory_space<vmem>>
          %dma_wait3A_196 = tpu.memref_squeeze %dma_wait3A_195 : memref<1x1x128xi32, #tpu.memory_space<vmem>> -> memref<128xi32, #tpu.memory_space<vmem>>
          %dma_wait3A_197 = arith.constant 0 : i32
          %dma_wait3A_198 = arith.constant 0 : i32
          %dma_wait3A_199 = tpu.memref_slice %arg4[%scan3A_73, %dma_wait3A_197, %dma_wait3A_198] : memref<4x50176x32xf32, #tpu.memory_space<hbm>> -> memref<1x50176x32xf32, #tpu.memory_space<hbm>>
          %dma_wait3A_200 = tpu.memref_squeeze %dma_wait3A_199 : memref<1x50176x32xf32, #tpu.memory_space<hbm>> -> memref<50176x32xf32, #tpu.memory_space<hbm>>
          %dma_wait3A_201 = arith.constant 0 : i32
          %dma_wait3A_202 = arith.constant 0 : i32
          %dma_wait3A_203 = tpu.memref_slice %dma_wait3A_200[%dma_wait3A_201, %dma_wait3A_202] : memref<50176x32xf32, #tpu.memory_space<hbm>> -> memref<50176x32xf32, #tpu.memory_space<hbm>>
          tpu.wait_indirect_dma semaphore(%arg12 : memref<!tpu.dma_semaphore, #tpu.memory_space<semaphore_mem>>) src(%dma_wait3A_203 : memref<50176x32xf32, #tpu.memory_space<hbm>>) dst(%dma_wait3A_193 : memref<128x32xf32, #tpu.memory_space<vmem>>)
          %dma_wait3A_204 = arith.constant 0 : i32
          %dma_wait3A_205 = arith.constant 1 : i32
          %dma_wait3A_206 = arith.constant 0 : i32
          %dma_wait3A_207 = arith.constant 1 : i32
          %dma_wait3A_208 = arith.constant 0 : i32
          %dma_wait3A_209 = arith.constant 0 : i32
          %dma_wait3A_210 = tpu.memref_slice %arg9[%dma_wait3A_206, %dma_wait3A_207, %dma_wait3A_208, %dma_wait3A_209] : memref<3x2x128x32xf32, #tpu.memory_space<vmem>> -> memref<1x1x128x32xf32, #tpu.memory_space<vmem>>
          %dma_wait3A_211 = tpu.memref_squeeze %dma_wait3A_210 : memref<1x1x128x32xf32, #tpu.memory_space<vmem>> -> memref<128x32xf32, #tpu.memory_space<vmem>>
          %dma_wait3A_212 = arith.constant 0 : i32
          %dma_wait3A_213 = tpu.memref_slice %arg7[%dma_wait3A_204, %dma_wait3A_205, %dma_wait3A_212] : memref<4x2x128xi32, #tpu.memory_space<vmem>> -> memref<1x1x128xi32, #tpu.memory_space<vmem>>
          %dma_wait3A_214 = tpu.memref_squeeze %dma_wait3A_213 : memref<1x1x128xi32, #tpu.memory_space<vmem>> -> memref<128xi32, #tpu.memory_space<vmem>>
          %dma_wait3A_215 = arith.constant 0 : i32
          %dma_wait3A_216 = arith.constant 0 : i32
          %dma_wait3A_217 = tpu.memref_slice %arg4[%scan3A_73, %dma_wait3A_215, %dma_wait3A_216] : memref<4x50176x32xf32, #tpu.memory_space<hbm>> -> memref<1x50176x32xf32, #tpu.memory_space<hbm>>
          %dma_wait3A_218 = tpu.memref_squeeze %dma_wait3A_217 : memref<1x50176x32xf32, #tpu.memory_space<hbm>> -> memref<50176x32xf32, #tpu.memory_space<hbm>>
          %dma_wait3A_219 = arith.constant 0 : i32
          %dma_wait3A_220 = arith.constant 0 : i32
          %dma_wait3A_221 = tpu.memref_slice %dma_wait3A_218[%dma_wait3A_219, %dma_wait3A_220] : memref<50176x32xf32, #tpu.memory_space<hbm>> -> memref<50176x32xf32, #tpu.memory_space<hbm>>
          tpu.wait_indirect_dma semaphore(%arg12 : memref<!tpu.dma_semaphore, #tpu.memory_space<semaphore_mem>>) src(%dma_wait3A_221 : memref<50176x32xf32, #tpu.memory_space<hbm>>) dst(%dma_wait3A_211 : memref<128x32xf32, #tpu.memory_space<vmem>>)
        } else {
        }
        %lt3A_147 = arith.constant 198 : i32
        %lt3A_148 = arith.cmpi slt, %add3A_112, %lt3A_147 : i32
        %convert_element_type3A_149 = arith.extui %lt3A_148 : i1 to i32
        %cond3A_150 = arith.constant 0 : i32
        %cond3A_151 = arith.cmpi ne, %convert_element_type3A_149, %cond3A_150 : i32
        scf.if %cond3A_151 {
          %mul3A_181 = arith.constant 400 : i32
          %mul3A_182 = arith.muli %arg1, %mul3A_181 : i32
          %add3A_183 = arith.constant 2 : i32
          %add3A_184 = arith.addi %add3A_112, %add3A_183 : i32
          %mul3A_185 = arith.constant 2 : i32
          %mul3A_186 = arith.muli %add3A_184, %mul3A_185 : i32
          %add3A_187 = arith.addi %mul3A_182, %mul3A_186 : i32
          %dma_start3A_188 = arith.constant 0 : i32
          %dma_start3A_189 = arith.constant 0 : i32
          %dma_start3A_190 = tpu.memref_slice %arg7[%rem3A_121, %dma_start3A_188, %dma_start3A_189] : memref<4x2x128xi32, #tpu.memory_space<vmem>> -> memref<1x2x128xi32, #tpu.memory_space<vmem>>
          %dma_start3A_191 = tpu.memref_squeeze %dma_start3A_190 : memref<1x2x128xi32, #tpu.memory_space<vmem>> -> memref<2x128xi32, #tpu.memory_space<vmem>>
          %dma_start3A_192 = arith.constant 0 : i32
          %dma_start3A_193 = tpu.memref_slice %arg2[%add3A_187, %dma_start3A_192] : memref<6400x128xi32, #tpu.memory_space<hbm>> -> memref<2x128xi32, #tpu.memory_space<hbm>>
          %dma_start3A_194 = arith.constant 0 : i32
          %dma_start3A_195 = arith.constant 0 : i32
          %dma_start3A_196 = tpu.memref_slice %arg7[%rem3A_121, %dma_start3A_194, %dma_start3A_195] : memref<4x2x128xi32, #tpu.memory_space<vmem>> -> memref<1x2x128xi32, #tpu.memory_space<vmem>>
          %dma_start3A_197 = tpu.memref_squeeze %dma_start3A_196 : memref<1x2x128xi32, #tpu.memory_space<vmem>> -> memref<2x128xi32, #tpu.memory_space<vmem>>
          %dma_start3A_198 = arith.constant 0 : i32
          %dma_start3A_199 = tpu.memref_slice %arg2[%add3A_187, %dma_start3A_198] : memref<6400x128xi32, #tpu.memory_space<hbm>> -> memref<2x128xi32, #tpu.memory_space<hbm>>
          tpu.enqueue_dma source(%dma_start3A_199 : memref<2x128xi32, #tpu.memory_space<hbm>>) target(%dma_start3A_197 : memref<2x128xi32, #tpu.memory_space<vmem>>) target_semaphore(%arg14 : memref<!tpu.dma_semaphore, #tpu.memory_space<semaphore_mem>>)
          %dma_start3A_200 = arith.constant 0 : i32
          %dma_start3A_201 = arith.constant 0 : i32
          %dma_start3A_202 = tpu.memref_slice %arg8[%rem3A_121, %dma_start3A_200, %dma_start3A_201] : memref<4x2x128xi32, #tpu.memory_space<vmem>> -> memref<1x2x128xi32, #tpu.memory_space<vmem>>
          %dma_start3A_203 = tpu.memref_squeeze %dma_start3A_202 : memref<1x2x128xi32, #tpu.memory_space<vmem>> -> memref<2x128xi32, #tpu.memory_space<vmem>>
          %dma_start3A_204 = arith.constant 0 : i32
          %dma_start3A_205 = tpu.memref_slice %arg3[%add3A_187, %dma_start3A_204] : memref<6400x128xi32, #tpu.memory_space<hbm>> -> memref<2x128xi32, #tpu.memory_space<hbm>>
          %dma_start3A_206 = arith.constant 0 : i32
          %dma_start3A_207 = arith.constant 0 : i32
          %dma_start3A_208 = tpu.memref_slice %arg8[%rem3A_121, %dma_start3A_206, %dma_start3A_207] : memref<4x2x128xi32, #tpu.memory_space<vmem>> -> memref<1x2x128xi32, #tpu.memory_space<vmem>>
          %dma_start3A_209 = tpu.memref_squeeze %dma_start3A_208 : memref<1x2x128xi32, #tpu.memory_space<vmem>> -> memref<2x128xi32, #tpu.memory_space<vmem>>
          %dma_start3A_210 = arith.constant 0 : i32
          %dma_start3A_211 = tpu.memref_slice %arg3[%add3A_187, %dma_start3A_210] : memref<6400x128xi32, #tpu.memory_space<hbm>> -> memref<2x128xi32, #tpu.memory_space<hbm>>
          tpu.enqueue_dma source(%dma_start3A_211 : memref<2x128xi32, #tpu.memory_space<hbm>>) target(%dma_start3A_209 : memref<2x128xi32, #tpu.memory_space<vmem>>) target_semaphore(%arg14 : memref<!tpu.dma_semaphore, #tpu.memory_space<semaphore_mem>>)
        } else {
        }
        %gt3A_152 = arith.constant 0 : i32
        %gt3A_153 = arith.cmpi sgt, %add3A_112, %gt3A_152 : i32
        %convert_element_type3A_154 = arith.extui %gt3A_153 : i1 to i32
        %cond3A_155 = arith.constant 0 : i32
        %cond3A_156 = arith.cmpi ne, %convert_element_type3A_154, %cond3A_155 : i32
        scf.if %cond3A_156 {
          %dma_wait3A_181 = arith.constant 0 : i32
          %dma_wait3A_182 = arith.constant 0 : i32
          %dma_wait3A_183 = arith.constant 0 : i32
          %dma_wait3A_184 = arith.constant 0 : i32
          %dma_wait3A_185 = arith.constant 0 : i32
          %dma_wait3A_186 = arith.constant 0 : i32
          %dma_wait3A_187 = tpu.memref_slice %arg9[%dma_wait3A_181, %dma_wait3A_182, %dma_wait3A_185, %dma_wait3A_186] : memref<3x2x128x32xf32, #tpu.memory_space<vmem>> -> memref<1x1x128x32xf32, #tpu.memory_space<vmem>>
          %dma_wait3A_188 = tpu.memref_squeeze %dma_wait3A_187 : memref<1x1x128x32xf32, #tpu.memory_space<vmem>> -> memref<128x32xf32, #tpu.memory_space<vmem>>
          %dma_wait3A_189 = arith.constant 0 : i32
          %dma_wait3A_190 = tpu.memref_slice %arg8[%dma_wait3A_183, %dma_wait3A_184, %dma_wait3A_189] : memref<4x2x128xi32, #tpu.memory_space<vmem>> -> memref<1x1x128xi32, #tpu.memory_space<vmem>>
          %dma_wait3A_191 = tpu.memref_squeeze %dma_wait3A_190 : memref<1x1x128xi32, #tpu.memory_space<vmem>> -> memref<128xi32, #tpu.memory_space<vmem>>
          %dma_wait3A_192 = arith.constant 0 : i32
          %dma_wait3A_193 = arith.constant 0 : i32
          %dma_wait3A_194 = tpu.memref_slice %arg6[%dma_wait3A_192, %dma_wait3A_193] : memref<50176x32xf32, #tpu.memory_space<vmem_shared>> -> memref<50176x32xf32, #tpu.memory_space<vmem_shared>>
          tpu.wait_indirect_dma semaphore(%arg13 : memref<!tpu.dma_semaphore, #tpu.memory_space<semaphore_mem>>) src(%dma_wait3A_188 : memref<128x32xf32, #tpu.memory_space<vmem>>) dst(%dma_wait3A_194 : memref<50176x32xf32, #tpu.memory_space<vmem_shared>>)
          %dma_wait3A_195 = arith.constant 0 : i32
          %dma_wait3A_196 = arith.constant 1 : i32
          %dma_wait3A_197 = arith.constant 0 : i32
          %dma_wait3A_198 = arith.constant 1 : i32
          %dma_wait3A_199 = arith.constant 0 : i32
          %dma_wait3A_200 = arith.constant 0 : i32
          %dma_wait3A_201 = tpu.memref_slice %arg9[%dma_wait3A_195, %dma_wait3A_196, %dma_wait3A_199, %dma_wait3A_200] : memref<3x2x128x32xf32, #tpu.memory_space<vmem>> -> memref<1x1x128x32xf32, #tpu.memory_space<vmem>>
          %dma_wait3A_202 = tpu.memref_squeeze %dma_wait3A_201 : memref<1x1x128x32xf32, #tpu.memory_space<vmem>> -> memref<128x32xf32, #tpu.memory_space<vmem>>
          %dma_wait3A_203 = arith.constant 0 : i32
          %dma_wait3A_204 = tpu.memref_slice %arg8[%dma_wait3A_197, %dma_wait3A_198, %dma_wait3A_203] : memref<4x2x128xi32, #tpu.memory_space<vmem>> -> memref<1x1x128xi32, #tpu.memory_space<vmem>>
          %dma_wait3A_205 = tpu.memref_squeeze %dma_wait3A_204 : memref<1x1x128xi32, #tpu.memory_space<vmem>> -> memref<128xi32, #tpu.memory_space<vmem>>
          %dma_wait3A_206 = arith.constant 0 : i32
          %dma_wait3A_207 = arith.constant 0 : i32
          %dma_wait3A_208 = tpu.memref_slice %arg6[%dma_wait3A_206, %dma_wait3A_207] : memref<50176x32xf32, #tpu.memory_space<vmem_shared>> -> memref<50176x32xf32, #tpu.memory_space<vmem_shared>>
          tpu.wait_indirect_dma semaphore(%arg13 : memref<!tpu.dma_semaphore, #tpu.memory_space<semaphore_mem>>) src(%dma_wait3A_202 : memref<128x32xf32, #tpu.memory_space<vmem>>) dst(%dma_wait3A_208 : memref<50176x32xf32, #tpu.memory_space<vmem_shared>>)
        } else {
        }
        %dma_start3A_157 = arith.constant 0 : i32
        %dma_start3A_158 = arith.constant 0 : i32
        %dma_start3A_159 = arith.constant 0 : i32
        %dma_start3A_160 = arith.constant 0 : i32
        %dma_start3A_161 = tpu.memref_slice %arg9[%rem3A_123, %dma_start3A_157, %dma_start3A_159, %dma_start3A_160] : memref<3x2x128x32xf32, #tpu.memory_space<vmem>> -> memref<1x1x128x32xf32, #tpu.memory_space<vmem>>
        %dma_start3A_162 = tpu.memref_squeeze %dma_start3A_161 : memref<1x1x128x32xf32, #tpu.memory_space<vmem>> -> memref<128x32xf32, #tpu.memory_space<vmem>>
        %dma_start3A_163 = arith.constant 0 : i32
        %dma_start3A_164 = tpu.memref_slice %arg8[%rem3A_113, %dma_start3A_158, %dma_start3A_163] : memref<4x2x128xi32, #tpu.memory_space<vmem>> -> memref<1x1x128xi32, #tpu.memory_space<vmem>>
        %dma_start3A_165 = tpu.memref_squeeze %dma_start3A_164 : memref<1x1x128xi32, #tpu.memory_space<vmem>> -> memref<128xi32, #tpu.memory_space<vmem>>
        %dma_start3A_166 = arith.constant 0 : i32
        %dma_start3A_167 = arith.constant 0 : i32
        %dma_start3A_168 = tpu.memref_slice %arg6[%dma_start3A_166, %dma_start3A_167] : memref<50176x32xf32, #tpu.memory_space<vmem_shared>> -> memref<50176x32xf32, #tpu.memory_space<vmem_shared>>
        tpu.enqueue_indirect_dma source(%dma_start3A_162 : memref<128x32xf32, #tpu.memory_space<vmem>>) target(%dma_start3A_168 : memref<50176x32xf32, #tpu.memory_space<vmem_shared>>) offsets(%dma_start3A_165 : memref<128xi32, #tpu.memory_space<vmem>>) semaphore(%arg13 : memref<!tpu.dma_semaphore, #tpu.memory_space<semaphore_mem>>) {add = true}
        %dma_start3A_169 = arith.constant 1 : i32
        %dma_start3A_170 = arith.constant 1 : i32
        %dma_start3A_171 = arith.constant 0 : i32
        %dma_start3A_172 = arith.constant 0 : i32
        %dma_start3A_173 = tpu.memref_slice %arg9[%rem3A_123, %dma_start3A_169, %dma_start3A_171, %dma_start3A_172] : memref<3x2x128x32xf32, #tpu.memory_space<vmem>> -> memref<1x1x128x32xf32, #tpu.memory_space<vmem>>
        %dma_start3A_174 = tpu.memref_squeeze %dma_start3A_173 : memref<1x1x128x32xf32, #tpu.memory_space<vmem>> -> memref<128x32xf32, #tpu.memory_space<vmem>>
        %dma_start3A_175 = arith.constant 0 : i32
        %dma_start3A_176 = tpu.memref_slice %arg8[%rem3A_113, %dma_start3A_170, %dma_start3A_175] : memref<4x2x128xi32, #tpu.memory_space<vmem>> -> memref<1x1x128xi32, #tpu.memory_space<vmem>>
        %dma_start3A_177 = tpu.memref_squeeze %dma_start3A_176 : memref<1x1x128xi32, #tpu.memory_space<vmem>> -> memref<128xi32, #tpu.memory_space<vmem>>
        %dma_start3A_178 = arith.constant 0 : i32
        %dma_start3A_179 = arith.constant 0 : i32
        %dma_start3A_180 = tpu.memref_slice %arg6[%dma_start3A_178, %dma_start3A_179] : memref<50176x32xf32, #tpu.memory_space<vmem_shared>> -> memref<50176x32xf32, #tpu.memory_space<vmem_shared>>
        tpu.enqueue_indirect_dma source(%dma_start3A_174 : memref<128x32xf32, #tpu.memory_space<vmem>>) target(%dma_start3A_180 : memref<50176x32xf32, #tpu.memory_space<vmem_shared>>) offsets(%dma_start3A_177 : memref<128xi32, #tpu.memory_space<vmem>>) semaphore(%arg13 : memref<!tpu.dma_semaphore, #tpu.memory_space<semaphore_mem>>) {add = true}
      }
      %scan3A_78 = arith.constant 200 : i32
      %dma_wait3A = arith.constant 0 : i32
      %dma_wait3A_79 = arith.constant 0 : i32
      %dma_wait3A_80 = arith.constant 0 : i32
      %dma_wait3A_81 = arith.constant 0 : i32
      %dma_wait3A_82 = arith.constant 0 : i32
      %dma_wait3A_83 = arith.constant 0 : i32
      %dma_wait3A_84 = tpu.memref_slice %arg9[%dma_wait3A, %dma_wait3A_79, %dma_wait3A_82, %dma_wait3A_83] : memref<3x2x128x32xf32, #tpu.memory_space<vmem>> -> memref<1x1x128x32xf32, #tpu.memory_space<vmem>>
      %dma_wait3A_85 = tpu.memref_squeeze %dma_wait3A_84 : memref<1x1x128x32xf32, #tpu.memory_space<vmem>> -> memref<128x32xf32, #tpu.memory_space<vmem>>
      %dma_wait3A_86 = arith.constant 0 : i32
      %dma_wait3A_87 = tpu.memref_slice %arg8[%dma_wait3A_80, %dma_wait3A_81, %dma_wait3A_86] : memref<4x2x128xi32, #tpu.memory_space<vmem>> -> memref<1x1x128xi32, #tpu.memory_space<vmem>>
      %dma_wait3A_88 = tpu.memref_squeeze %dma_wait3A_87 : memref<1x1x128xi32, #tpu.memory_space<vmem>> -> memref<128xi32, #tpu.memory_space<vmem>>
      %dma_wait3A_89 = arith.constant 0 : i32
      %dma_wait3A_90 = arith.constant 0 : i32
      %dma_wait3A_91 = tpu.memref_slice %arg6[%dma_wait3A_89, %dma_wait3A_90] : memref<50176x32xf32, #tpu.memory_space<vmem_shared>> -> memref<50176x32xf32, #tpu.memory_space<vmem_shared>>
      tpu.wait_indirect_dma semaphore(%arg13 : memref<!tpu.dma_semaphore, #tpu.memory_space<semaphore_mem>>) src(%dma_wait3A_85 : memref<128x32xf32, #tpu.memory_space<vmem>>) dst(%dma_wait3A_91 : memref<50176x32xf32, #tpu.memory_space<vmem_shared>>)
      %dma_wait3A_92 = arith.constant 0 : i32
      %dma_wait3A_93 = arith.constant 1 : i32
      %dma_wait3A_94 = arith.constant 0 : i32
      %dma_wait3A_95 = arith.constant 1 : i32
      %dma_wait3A_96 = arith.constant 0 : i32
      %dma_wait3A_97 = arith.constant 0 : i32
      %dma_wait3A_98 = tpu.memref_slice %arg9[%dma_wait3A_92, %dma_wait3A_93, %dma_wait3A_96, %dma_wait3A_97] : memref<3x2x128x32xf32, #tpu.memory_space<vmem>> -> memref<1x1x128x32xf32, #tpu.memory_space<vmem>>
      %dma_wait3A_99 = tpu.memref_squeeze %dma_wait3A_98 : memref<1x1x128x32xf32, #tpu.memory_space<vmem>> -> memref<128x32xf32, #tpu.memory_space<vmem>>
      %dma_wait3A_100 = arith.constant 0 : i32
      %dma_wait3A_101 = tpu.memref_slice %arg8[%dma_wait3A_94, %dma_wait3A_95, %dma_wait3A_100] : memref<4x2x128xi32, #tpu.memory_space<vmem>> -> memref<1x1x128xi32, #tpu.memory_space<vmem>>
      %dma_wait3A_102 = tpu.memref_squeeze %dma_wait3A_101 : memref<1x1x128xi32, #tpu.memory_space<vmem>> -> memref<128xi32, #tpu.memory_space<vmem>>
      %dma_wait3A_103 = arith.constant 0 : i32
      %dma_wait3A_104 = arith.constant 0 : i32
      %dma_wait3A_105 = tpu.memref_slice %arg6[%dma_wait3A_103, %dma_wait3A_104] : memref<50176x32xf32, #tpu.memory_space<vmem_shared>> -> memref<50176x32xf32, #tpu.memory_space<vmem_shared>>
      tpu.wait_indirect_dma semaphore(%arg13 : memref<!tpu.dma_semaphore, #tpu.memory_space<semaphore_mem>>) src(%dma_wait3A_99 : memref<128x32xf32, #tpu.memory_space<vmem>>) dst(%dma_wait3A_105 : memref<50176x32xf32, #tpu.memory_space<vmem_shared>>)
      %barrier3A_106 = arith.constant 0 : index
      tpu.barrier barrier_id(%barrier3A_106)
      %run_scoped3A_107 = arith.constant 0 : i32
      "tpu.region"() ({
        %run_scoped3A_108 = tpu.sem_alloc : memref<!tpu.dma_semaphore, #tpu.memory_space<semaphore_mem>>
        %dma_start3A_109 = arith.constant 0 : i32
        %dma_start3A_110 = tpu.memref_slice %arg5[%run_scoped3A_107, %multiple_of3A, %dma_start3A_109] : memref<4x50176x32xf32, #tpu.memory_space<hbm>> -> memref<1x3136x32xf32, #tpu.memory_space<hbm>>
        %dma_start3A_111 = tpu.memref_squeeze %dma_start3A_110 : memref<1x3136x32xf32, #tpu.memory_space<hbm>> -> memref<3136x32xf32, #tpu.memory_space<hbm>>
        %dma_start3A_112 = arith.constant 0 : i32
        %dma_start3A_113 = tpu.memref_slice %arg6[%multiple_of3A, %dma_start3A_112] : memref<50176x32xf32, #tpu.memory_space<vmem_shared>> -> memref<3136x32xf32, #tpu.memory_space<vmem_shared>>
        tpu.enqueue_dma source(%dma_start3A_113 : memref<3136x32xf32, #tpu.memory_space<vmem_shared>>) target(%dma_start3A_111 : memref<3136x32xf32, #tpu.memory_space<hbm>>) target_semaphore(%run_scoped3A_108 : memref<!tpu.dma_semaphore, #tpu.memory_space<semaphore_mem>>)
        %dma_wait3A_114 = arith.constant 0 : i32
        %dma_wait3A_115 = tpu.memref_slice %arg5[%run_scoped3A_107, %multiple_of3A, %dma_wait3A_114] : memref<4x50176x32xf32, #tpu.memory_space<hbm>> -> memref<1x3136x32xf32, #tpu.memory_space<hbm>>
        %dma_wait3A_116 = tpu.memref_squeeze %dma_wait3A_115 : memref<1x3136x32xf32, #tpu.memory_space<hbm>> -> memref<3136x32xf32, #tpu.memory_space<hbm>>
        %dma_wait3A_117 = arith.constant 0 : i32
        %dma_wait3A_118 = tpu.memref_slice %arg6[%multiple_of3A, %dma_wait3A_117] : memref<50176x32xf32, #tpu.memory_space<vmem_shared>> -> memref<3136x32xf32, #tpu.memory_space<vmem_shared>>
        tpu.wait_dma2 semaphore(%run_scoped3A_108 : memref<!tpu.dma_semaphore, #tpu.memory_space<semaphore_mem>>) src(%dma_wait3A_118 : memref<3136x32xf32, #tpu.memory_space<vmem_shared>>) dst(%dma_wait3A_116 : memref<3136x32xf32, #tpu.memory_space<hbm>>)
        tpu.yield
      }) : () -> ()
    } else {
    }
    %eq3A_7 = arith.constant 1 : i32
    %eq3A_8 = arith.cmpi eq, %arg0, %eq3A_7 : i32
    %convert_element_type3A_9 = arith.extui %eq3A_8 : i1 to i32
    %cond3A_10 = arith.constant 0 : i32
    %cond3A_11 = arith.cmpi ne, %convert_element_type3A_9, %cond3A_10 : i32
    scf.if %cond3A_11 {
      %mul3A = arith.constant 3136 : i32
      %mul3A_22 = arith.muli %arg1, %mul3A : i32
      %multiple_of3A = tpu.assume_multiple %mul3A_22, 8 : i32
      %scan3A_23 = arith.constant 0 : i32
      %scan3A_24 = arith.constant 32 : i32
      %scan3A_25 = arith.addi %scan3A_23, %scan3A_24 : i32
      %scan3A_26 = arith.constant 1 : i32
      scf.for %scan3A_108 = %scan3A_23 to %scan3A_25 step %scan3A_26  : i32 {
        %mul3A_109 = arith.constant 1 : i32
        %mul3A_110 = arith.muli %scan3A_108, %mul3A_109 : i32
        %add3A_111 = arith.constant 0 : i32
        %add3A_112 = arith.addi %add3A_111, %mul3A_110 : i32
        %mul3A_113 = arith.constant 98 : i32
        %mul3A_114 = arith.muli %add3A_112, %mul3A_113 : i32
        %add3A_115 = arith.addi %multiple_of3A, %mul3A_114 : i32
        "tpu.region"() ({
          %run_scoped3A_116 = tpu.sem_alloc : memref<!tpu.dma_semaphore, #tpu.memory_space<semaphore_mem>>
          %dma_start3A_117 = arith.constant 0 : i32
          %dma_start3A_118 = tpu.memref_slice %arg6[%add3A_115, %dma_start3A_117] : memref<50176x32xf32, #tpu.memory_space<vmem_shared>> -> memref<98x32xf32, #tpu.memory_space<vmem_shared>>
          %dma_start3A_119 = arith.constant 0 : i32
          %dma_start3A_120 = tpu.memref_slice %arg6[%add3A_115, %dma_start3A_119] : memref<50176x32xf32, #tpu.memory_space<vmem_shared>> -> memref<98x32xf32, #tpu.memory_space<vmem_shared>>
          tpu.enqueue_dma source(%arg10 : memref<98x32xf32, #tpu.memory_space<vmem>>) target(%dma_start3A_120 : memref<98x32xf32, #tpu.memory_space<vmem_shared>>) target_semaphore(%run_scoped3A_116 : memref<!tpu.dma_semaphore, #tpu.memory_space<semaphore_mem>>)
          %dma_wait3A_121 = arith.constant 0 : i32
          %dma_wait3A_122 = tpu.memref_slice %arg6[%add3A_115, %dma_wait3A_121] : memref<50176x32xf32, #tpu.memory_space<vmem_shared>> -> memref<98x32xf32, #tpu.memory_space<vmem_shared>>
          %dma_wait3A_123 = arith.constant 0 : i32
          %dma_wait3A_124 = tpu.memref_slice %arg6[%add3A_115, %dma_wait3A_123] : memref<50176x32xf32, #tpu.memory_space<vmem_shared>> -> memref<98x32xf32, #tpu.memory_space<vmem_shared>>
          tpu.wait_dma2 semaphore(%run_scoped3A_116 : memref<!tpu.dma_semaphore, #tpu.memory_space<semaphore_mem>>) src(%arg10 : memref<98x32xf32, #tpu.memory_space<vmem>>) dst(%dma_wait3A_124 : memref<98x32xf32, #tpu.memory_space<vmem_shared>>)
          tpu.yield
        }) : () -> ()
      }
      %scan3A_27 = arith.constant 32 : i32
      %barrier3A = arith.constant 0 : index
      tpu.barrier barrier_id(%barrier3A)
      %mul3A_28 = arith.constant 400 : i32
      %mul3A_29 = arith.muli %arg1, %mul3A_28 : i32
      %run_scoped3A = arith.constant 0 : i32
      "tpu.region"() ({
        %run_scoped3A_108 = tpu.sem_alloc : memref<!tpu.dma_semaphore, #tpu.memory_space<semaphore_mem>>
        %dma_start3A_109 = arith.constant 0 : i32
        %dma_start3A_110 = arith.constant 0 : i32
        %dma_start3A_111 = tpu.memref_slice %arg7[%run_scoped3A, %dma_start3A_109, %dma_start3A_110] : memref<4x2x128xi32, #tpu.memory_space<vmem>> -> memref<1x2x128xi32, #tpu.memory_space<vmem>>
        %dma_start3A_112 = tpu.memref_squeeze %dma_start3A_111 : memref<1x2x128xi32, #tpu.memory_space<vmem>> -> memref<2x128xi32, #tpu.memory_space<vmem>>
        %dma_start3A_113 = arith.constant 0 : i32
        %dma_start3A_114 = tpu.memref_slice %arg2[%mul3A_29, %dma_start3A_113] : memref<6400x128xi32, #tpu.memory_space<hbm>> -> memref<2x128xi32, #tpu.memory_space<hbm>>
        %dma_start3A_115 = arith.constant 0 : i32
        %dma_start3A_116 = arith.constant 0 : i32
        %dma_start3A_117 = tpu.memref_slice %arg7[%run_scoped3A, %dma_start3A_115, %dma_start3A_116] : memref<4x2x128xi32, #tpu.memory_space<vmem>> -> memref<1x2x128xi32, #tpu.memory_space<vmem>>
        %dma_start3A_118 = tpu.memref_squeeze %dma_start3A_117 : memref<1x2x128xi32, #tpu.memory_space<vmem>> -> memref<2x128xi32, #tpu.memory_space<vmem>>
        %dma_start3A_119 = arith.constant 0 : i32
        %dma_start3A_120 = tpu.memref_slice %arg2[%mul3A_29, %dma_start3A_119] : memref<6400x128xi32, #tpu.memory_space<hbm>> -> memref<2x128xi32, #tpu.memory_space<hbm>>
        tpu.enqueue_dma source(%dma_start3A_120 : memref<2x128xi32, #tpu.memory_space<hbm>>) target(%dma_start3A_118 : memref<2x128xi32, #tpu.memory_space<vmem>>) target_semaphore(%run_scoped3A_108 : memref<!tpu.dma_semaphore, #tpu.memory_space<semaphore_mem>>)
        %dma_wait3A_121 = arith.constant 0 : i32
        %dma_wait3A_122 = arith.constant 0 : i32
        %dma_wait3A_123 = tpu.memref_slice %arg7[%run_scoped3A, %dma_wait3A_121, %dma_wait3A_122] : memref<4x2x128xi32, #tpu.memory_space<vmem>> -> memref<1x2x128xi32, #tpu.memory_space<vmem>>
        %dma_wait3A_124 = tpu.memref_squeeze %dma_wait3A_123 : memref<1x2x128xi32, #tpu.memory_space<vmem>> -> memref<2x128xi32, #tpu.memory_space<vmem>>
        %dma_wait3A_125 = arith.constant 0 : i32
        %dma_wait3A_126 = tpu.memref_slice %arg2[%mul3A_29, %dma_wait3A_125] : memref<6400x128xi32, #tpu.memory_space<hbm>> -> memref<2x128xi32, #tpu.memory_space<hbm>>
        %dma_wait3A_127 = arith.constant 0 : i32
        %dma_wait3A_128 = arith.constant 0 : i32
        %dma_wait3A_129 = tpu.memref_slice %arg7[%run_scoped3A, %dma_wait3A_127, %dma_wait3A_128] : memref<4x2x128xi32, #tpu.memory_space<vmem>> -> memref<1x2x128xi32, #tpu.memory_space<vmem>>
        %dma_wait3A_130 = tpu.memref_squeeze %dma_wait3A_129 : memref<1x2x128xi32, #tpu.memory_space<vmem>> -> memref<2x128xi32, #tpu.memory_space<vmem>>
        %dma_wait3A_131 = arith.constant 0 : i32
        %dma_wait3A_132 = tpu.memref_slice %arg2[%mul3A_29, %dma_wait3A_131] : memref<6400x128xi32, #tpu.memory_space<hbm>> -> memref<2x128xi32, #tpu.memory_space<hbm>>
        tpu.wait_dma2 semaphore(%run_scoped3A_108 : memref<!tpu.dma_semaphore, #tpu.memory_space<semaphore_mem>>) src(%dma_wait3A_132 : memref<2x128xi32, #tpu.memory_space<hbm>>) dst(%dma_wait3A_130 : memref<2x128xi32, #tpu.memory_space<vmem>>)
        tpu.yield
      }) : () -> ()
      %run_scoped3A_30 = arith.constant 0 : i32
      "tpu.region"() ({
        %run_scoped3A_108 = tpu.sem_alloc : memref<!tpu.dma_semaphore, #tpu.memory_space<semaphore_mem>>
        %dma_start3A_109 = arith.constant 0 : i32
        %dma_start3A_110 = arith.constant 0 : i32
        %dma_start3A_111 = tpu.memref_slice %arg8[%run_scoped3A_30, %dma_start3A_109, %dma_start3A_110] : memref<4x2x128xi32, #tpu.memory_space<vmem>> -> memref<1x2x128xi32, #tpu.memory_space<vmem>>
        %dma_start3A_112 = tpu.memref_squeeze %dma_start3A_111 : memref<1x2x128xi32, #tpu.memory_space<vmem>> -> memref<2x128xi32, #tpu.memory_space<vmem>>
        %dma_start3A_113 = arith.constant 0 : i32
        %dma_start3A_114 = tpu.memref_slice %arg3[%mul3A_29, %dma_start3A_113] : memref<6400x128xi32, #tpu.memory_space<hbm>> -> memref<2x128xi32, #tpu.memory_space<hbm>>
        %dma_start3A_115 = arith.constant 0 : i32
        %dma_start3A_116 = arith.constant 0 : i32
        %dma_start3A_117 = tpu.memref_slice %arg8[%run_scoped3A_30, %dma_start3A_115, %dma_start3A_116] : memref<4x2x128xi32, #tpu.memory_space<vmem>> -> memref<1x2x128xi32, #tpu.memory_space<vmem>>
        %dma_start3A_118 = tpu.memref_squeeze %dma_start3A_117 : memref<1x2x128xi32, #tpu.memory_space<vmem>> -> memref<2x128xi32, #tpu.memory_space<vmem>>
        %dma_start3A_119 = arith.constant 0 : i32
        %dma_start3A_120 = tpu.memref_slice %arg3[%mul3A_29, %dma_start3A_119] : memref<6400x128xi32, #tpu.memory_space<hbm>> -> memref<2x128xi32, #tpu.memory_space<hbm>>
        tpu.enqueue_dma source(%dma_start3A_120 : memref<2x128xi32, #tpu.memory_space<hbm>>) target(%dma_start3A_118 : memref<2x128xi32, #tpu.memory_space<vmem>>) target_semaphore(%run_scoped3A_108 : memref<!tpu.dma_semaphore, #tpu.memory_space<semaphore_mem>>)
        %dma_wait3A_121 = arith.constant 0 : i32
        %dma_wait3A_122 = arith.constant 0 : i32
        %dma_wait3A_123 = tpu.memref_slice %arg8[%run_scoped3A_30, %dma_wait3A_121, %dma_wait3A_122] : memref<4x2x128xi32, #tpu.memory_space<vmem>> -> memref<1x2x128xi32, #tpu.memory_space<vmem>>
        %dma_wait3A_124 = tpu.memref_squeeze %dma_wait3A_123 : memref<1x2x128xi32, #tpu.memory_space<vmem>> -> memref<2x128xi32, #tpu.memory_space<vmem>>
        %dma_wait3A_125 = arith.constant 0 : i32
        %dma_wait3A_126 = tpu.memref_slice %arg3[%mul3A_29, %dma_wait3A_125] : memref<6400x128xi32, #tpu.memory_space<hbm>> -> memref<2x128xi32, #tpu.memory_space<hbm>>
        %dma_wait3A_127 = arith.constant 0 : i32
        %dma_wait3A_128 = arith.constant 0 : i32
        %dma_wait3A_129 = tpu.memref_slice %arg8[%run_scoped3A_30, %dma_wait3A_127, %dma_wait3A_128] : memref<4x2x128xi32, #tpu.memory_space<vmem>> -> memref<1x2x128xi32, #tpu.memory_space<vmem>>
        %dma_wait3A_130 = tpu.memref_squeeze %dma_wait3A_129 : memref<1x2x128xi32, #tpu.memory_space<vmem>> -> memref<2x128xi32, #tpu.memory_space<vmem>>
        %dma_wait3A_131 = arith.constant 0 : i32
        %dma_wait3A_132 = tpu.memref_slice %arg3[%mul3A_29, %dma_wait3A_131] : memref<6400x128xi32, #tpu.memory_space<hbm>> -> memref<2x128xi32, #tpu.memory_space<hbm>>
        tpu.wait_dma2 semaphore(%run_scoped3A_108 : memref<!tpu.dma_semaphore, #tpu.memory_space<semaphore_mem>>) src(%dma_wait3A_132 : memref<2x128xi32, #tpu.memory_space<hbm>>) dst(%dma_wait3A_130 : memref<2x128xi32, #tpu.memory_space<vmem>>)
        tpu.yield
      }) : () -> ()
      %add3A = arith.constant 2 : i32
      %add3A_31 = arith.addi %mul3A_29, %add3A : i32
      %run_scoped3A_32 = arith.constant 1 : i32
      "tpu.region"() ({
        %run_scoped3A_108 = tpu.sem_alloc : memref<!tpu.dma_semaphore, #tpu.memory_space<semaphore_mem>>
        %dma_start3A_109 = arith.constant 0 : i32
        %dma_start3A_110 = arith.constant 0 : i32
        %dma_start3A_111 = tpu.memref_slice %arg7[%run_scoped3A_32, %dma_start3A_109, %dma_start3A_110] : memref<4x2x128xi32, #tpu.memory_space<vmem>> -> memref<1x2x128xi32, #tpu.memory_space<vmem>>
        %dma_start3A_112 = tpu.memref_squeeze %dma_start3A_111 : memref<1x2x128xi32, #tpu.memory_space<vmem>> -> memref<2x128xi32, #tpu.memory_space<vmem>>
        %dma_start3A_113 = arith.constant 0 : i32
        %dma_start3A_114 = tpu.memref_slice %arg2[%add3A_31, %dma_start3A_113] : memref<6400x128xi32, #tpu.memory_space<hbm>> -> memref<2x128xi32, #tpu.memory_space<hbm>>
        %dma_start3A_115 = arith.constant 0 : i32
        %dma_start3A_116 = arith.constant 0 : i32
        %dma_start3A_117 = tpu.memref_slice %arg7[%run_scoped3A_32, %dma_start3A_115, %dma_start3A_116] : memref<4x2x128xi32, #tpu.memory_space<vmem>> -> memref<1x2x128xi32, #tpu.memory_space<vmem>>
        %dma_start3A_118 = tpu.memref_squeeze %dma_start3A_117 : memref<1x2x128xi32, #tpu.memory_space<vmem>> -> memref<2x128xi32, #tpu.memory_space<vmem>>
        %dma_start3A_119 = arith.constant 0 : i32
        %dma_start3A_120 = tpu.memref_slice %arg2[%add3A_31, %dma_start3A_119] : memref<6400x128xi32, #tpu.memory_space<hbm>> -> memref<2x128xi32, #tpu.memory_space<hbm>>
        tpu.enqueue_dma source(%dma_start3A_120 : memref<2x128xi32, #tpu.memory_space<hbm>>) target(%dma_start3A_118 : memref<2x128xi32, #tpu.memory_space<vmem>>) target_semaphore(%run_scoped3A_108 : memref<!tpu.dma_semaphore, #tpu.memory_space<semaphore_mem>>)
        %dma_wait3A_121 = arith.constant 0 : i32
        %dma_wait3A_122 = arith.constant 0 : i32
        %dma_wait3A_123 = tpu.memref_slice %arg7[%run_scoped3A_32, %dma_wait3A_121, %dma_wait3A_122] : memref<4x2x128xi32, #tpu.memory_space<vmem>> -> memref<1x2x128xi32, #tpu.memory_space<vmem>>
        %dma_wait3A_124 = tpu.memref_squeeze %dma_wait3A_123 : memref<1x2x128xi32, #tpu.memory_space<vmem>> -> memref<2x128xi32, #tpu.memory_space<vmem>>
        %dma_wait3A_125 = arith.constant 0 : i32
        %dma_wait3A_126 = tpu.memref_slice %arg2[%add3A_31, %dma_wait3A_125] : memref<6400x128xi32, #tpu.memory_space<hbm>> -> memref<2x128xi32, #tpu.memory_space<hbm>>
        %dma_wait3A_127 = arith.constant 0 : i32
        %dma_wait3A_128 = arith.constant 0 : i32
        %dma_wait3A_129 = tpu.memref_slice %arg7[%run_scoped3A_32, %dma_wait3A_127, %dma_wait3A_128] : memref<4x2x128xi32, #tpu.memory_space<vmem>> -> memref<1x2x128xi32, #tpu.memory_space<vmem>>
        %dma_wait3A_130 = tpu.memref_squeeze %dma_wait3A_129 : memref<1x2x128xi32, #tpu.memory_space<vmem>> -> memref<2x128xi32, #tpu.memory_space<vmem>>
        %dma_wait3A_131 = arith.constant 0 : i32
        %dma_wait3A_132 = tpu.memref_slice %arg2[%add3A_31, %dma_wait3A_131] : memref<6400x128xi32, #tpu.memory_space<hbm>> -> memref<2x128xi32, #tpu.memory_space<hbm>>
        tpu.wait_dma2 semaphore(%run_scoped3A_108 : memref<!tpu.dma_semaphore, #tpu.memory_space<semaphore_mem>>) src(%dma_wait3A_132 : memref<2x128xi32, #tpu.memory_space<hbm>>) dst(%dma_wait3A_130 : memref<2x128xi32, #tpu.memory_space<vmem>>)
        tpu.yield
      }) : () -> ()
      %add3A_33 = arith.constant 2 : i32
      %add3A_34 = arith.addi %mul3A_29, %add3A_33 : i32
      %run_scoped3A_35 = arith.constant 1 : i32
      "tpu.region"() ({
        %run_scoped3A_108 = tpu.sem_alloc : memref<!tpu.dma_semaphore, #tpu.memory_space<semaphore_mem>>
        %dma_start3A_109 = arith.constant 0 : i32
        %dma_start3A_110 = arith.constant 0 : i32
        %dma_start3A_111 = tpu.memref_slice %arg8[%run_scoped3A_35, %dma_start3A_109, %dma_start3A_110] : memref<4x2x128xi32, #tpu.memory_space<vmem>> -> memref<1x2x128xi32, #tpu.memory_space<vmem>>
        %dma_start3A_112 = tpu.memref_squeeze %dma_start3A_111 : memref<1x2x128xi32, #tpu.memory_space<vmem>> -> memref<2x128xi32, #tpu.memory_space<vmem>>
        %dma_start3A_113 = arith.constant 0 : i32
        %dma_start3A_114 = tpu.memref_slice %arg3[%add3A_34, %dma_start3A_113] : memref<6400x128xi32, #tpu.memory_space<hbm>> -> memref<2x128xi32, #tpu.memory_space<hbm>>
        %dma_start3A_115 = arith.constant 0 : i32
        %dma_start3A_116 = arith.constant 0 : i32
        %dma_start3A_117 = tpu.memref_slice %arg8[%run_scoped3A_35, %dma_start3A_115, %dma_start3A_116] : memref<4x2x128xi32, #tpu.memory_space<vmem>> -> memref<1x2x128xi32, #tpu.memory_space<vmem>>
        %dma_start3A_118 = tpu.memref_squeeze %dma_start3A_117 : memref<1x2x128xi32, #tpu.memory_space<vmem>> -> memref<2x128xi32, #tpu.memory_space<vmem>>
        %dma_start3A_119 = arith.constant 0 : i32
        %dma_start3A_120 = tpu.memref_slice %arg3[%add3A_34, %dma_start3A_119] : memref<6400x128xi32, #tpu.memory_space<hbm>> -> memref<2x128xi32, #tpu.memory_space<hbm>>
        tpu.enqueue_dma source(%dma_start3A_120 : memref<2x128xi32, #tpu.memory_space<hbm>>) target(%dma_start3A_118 : memref<2x128xi32, #tpu.memory_space<vmem>>) target_semaphore(%run_scoped3A_108 : memref<!tpu.dma_semaphore, #tpu.memory_space<semaphore_mem>>)
        %dma_wait3A_121 = arith.constant 0 : i32
        %dma_wait3A_122 = arith.constant 0 : i32
        %dma_wait3A_123 = tpu.memref_slice %arg8[%run_scoped3A_35, %dma_wait3A_121, %dma_wait3A_122] : memref<4x2x128xi32, #tpu.memory_space<vmem>> -> memref<1x2x128xi32, #tpu.memory_space<vmem>>
        %dma_wait3A_124 = tpu.memref_squeeze %dma_wait3A_123 : memref<1x2x128xi32, #tpu.memory_space<vmem>> -> memref<2x128xi32, #tpu.memory_space<vmem>>
        %dma_wait3A_125 = arith.constant 0 : i32
        %dma_wait3A_126 = tpu.memref_slice %arg3[%add3A_34, %dma_wait3A_125] : memref<6400x128xi32, #tpu.memory_space<hbm>> -> memref<2x128xi32, #tpu.memory_space<hbm>>
        %dma_wait3A_127 = arith.constant 0 : i32
        %dma_wait3A_128 = arith.constant 0 : i32
        %dma_wait3A_129 = tpu.memref_slice %arg8[%run_scoped3A_35, %dma_wait3A_127, %dma_wait3A_128] : memref<4x2x128xi32, #tpu.memory_space<vmem>> -> memref<1x2x128xi32, #tpu.memory_space<vmem>>
        %dma_wait3A_130 = tpu.memref_squeeze %dma_wait3A_129 : memref<1x2x128xi32, #tpu.memory_space<vmem>> -> memref<2x128xi32, #tpu.memory_space<vmem>>
        %dma_wait3A_131 = arith.constant 0 : i32
        %dma_wait3A_132 = tpu.memref_slice %arg3[%add3A_34, %dma_wait3A_131] : memref<6400x128xi32, #tpu.memory_space<hbm>> -> memref<2x128xi32, #tpu.memory_space<hbm>>
        tpu.wait_dma2 semaphore(%run_scoped3A_108 : memref<!tpu.dma_semaphore, #tpu.memory_space<semaphore_mem>>) src(%dma_wait3A_132 : memref<2x128xi32, #tpu.memory_space<hbm>>) dst(%dma_wait3A_130 : memref<2x128xi32, #tpu.memory_space<vmem>>)
        tpu.yield
      }) : () -> ()
      %dma_start3A = arith.constant 1 : i32
      %dma_start3A_36 = arith.constant 0 : i32
      %dma_start3A_37 = arith.constant 0 : i32
      %dma_start3A_38 = arith.constant 0 : i32
      %dma_start3A_39 = arith.constant 0 : i32
      %dma_start3A_40 = arith.constant 0 : i32
      %dma_start3A_41 = arith.constant 0 : i32
      %dma_start3A_42 = tpu.memref_slice %arg9[%dma_start3A_38, %dma_start3A_39, %dma_start3A_40, %dma_start3A_41] : memref<3x2x128x32xf32, #tpu.memory_space<vmem>> -> memref<1x1x128x32xf32, #tpu.memory_space<vmem>>
      %dma_start3A_43 = tpu.memref_squeeze %dma_start3A_42 : memref<1x1x128x32xf32, #tpu.memory_space<vmem>> -> memref<128x32xf32, #tpu.memory_space<vmem>>
      %dma_start3A_44 = arith.constant 0 : i32
      %dma_start3A_45 = tpu.memref_slice %arg7[%dma_start3A_36, %dma_start3A_37, %dma_start3A_44] : memref<4x2x128xi32, #tpu.memory_space<vmem>> -> memref<1x1x128xi32, #tpu.memory_space<vmem>>
      %dma_start3A_46 = tpu.memref_squeeze %dma_start3A_45 : memref<1x1x128xi32, #tpu.memory_space<vmem>> -> memref<128xi32, #tpu.memory_space<vmem>>
      %dma_start3A_47 = arith.constant 0 : i32
      %dma_start3A_48 = arith.constant 0 : i32
      %dma_start3A_49 = tpu.memref_slice %arg4[%dma_start3A, %dma_start3A_47, %dma_start3A_48] : memref<4x50176x32xf32, #tpu.memory_space<hbm>> -> memref<1x50176x32xf32, #tpu.memory_space<hbm>>
      %dma_start3A_50 = tpu.memref_squeeze %dma_start3A_49 : memref<1x50176x32xf32, #tpu.memory_space<hbm>> -> memref<50176x32xf32, #tpu.memory_space<hbm>>
      %dma_start3A_51 = arith.constant 0 : i32
      %dma_start3A_52 = arith.constant 0 : i32
      %dma_start3A_53 = tpu.memref_slice %dma_start3A_50[%dma_start3A_51, %dma_start3A_52] : memref<50176x32xf32, #tpu.memory_space<hbm>> -> memref<50176x32xf32, #tpu.memory_space<hbm>>
      tpu.enqueue_indirect_dma source(%dma_start3A_53 : memref<50176x32xf32, #tpu.memory_space<hbm>>) target(%dma_start3A_43 : memref<128x32xf32, #tpu.memory_space<vmem>>) offsets(%dma_start3A_46 : memref<128xi32, #tpu.memory_space<vmem>>) semaphore(%arg11 : memref<!tpu.dma_semaphore, #tpu.memory_space<semaphore_mem>>)
      %dma_start3A_54 = arith.constant 1 : i32
      %dma_start3A_55 = arith.constant 0 : i32
      %dma_start3A_56 = arith.constant 1 : i32
      %dma_start3A_57 = arith.constant 0 : i32
      %dma_start3A_58 = arith.constant 1 : i32
      %dma_start3A_59 = arith.constant 0 : i32
      %dma_start3A_60 = arith.constant 0 : i32
      %dma_start3A_61 = tpu.memref_slice %arg9[%dma_start3A_57, %dma_start3A_58, %dma_start3A_59, %dma_start3A_60] : memref<3x2x128x32xf32, #tpu.memory_space<vmem>> -> memref<1x1x128x32xf32, #tpu.memory_space<vmem>>
      %dma_start3A_62 = tpu.memref_squeeze %dma_start3A_61 : memref<1x1x128x32xf32, #tpu.memory_space<vmem>> -> memref<128x32xf32, #tpu.memory_space<vmem>>
      %dma_start3A_63 = arith.constant 0 : i32
      %dma_start3A_64 = tpu.memref_slice %arg7[%dma_start3A_55, %dma_start3A_56, %dma_start3A_63] : memref<4x2x128xi32, #tpu.memory_space<vmem>> -> memref<1x1x128xi32, #tpu.memory_space<vmem>>
      %dma_start3A_65 = tpu.memref_squeeze %dma_start3A_64 : memref<1x1x128xi32, #tpu.memory_space<vmem>> -> memref<128xi32, #tpu.memory_space<vmem>>
      %dma_start3A_66 = arith.constant 0 : i32
      %dma_start3A_67 = arith.constant 0 : i32
      %dma_start3A_68 = tpu.memref_slice %arg4[%dma_start3A_54, %dma_start3A_66, %dma_start3A_67] : memref<4x50176x32xf32, #tpu.memory_space<hbm>> -> memref<1x50176x32xf32, #tpu.memory_space<hbm>>
      %dma_start3A_69 = tpu.memref_squeeze %dma_start3A_68 : memref<1x50176x32xf32, #tpu.memory_space<hbm>> -> memref<50176x32xf32, #tpu.memory_space<hbm>>
      %dma_start3A_70 = arith.constant 0 : i32
      %dma_start3A_71 = arith.constant 0 : i32
      %dma_start3A_72 = tpu.memref_slice %dma_start3A_69[%dma_start3A_70, %dma_start3A_71] : memref<50176x32xf32, #tpu.memory_space<hbm>> -> memref<50176x32xf32, #tpu.memory_space<hbm>>
      tpu.enqueue_indirect_dma source(%dma_start3A_72 : memref<50176x32xf32, #tpu.memory_space<hbm>>) target(%dma_start3A_62 : memref<128x32xf32, #tpu.memory_space<vmem>>) offsets(%dma_start3A_65 : memref<128xi32, #tpu.memory_space<vmem>>) semaphore(%arg11 : memref<!tpu.dma_semaphore, #tpu.memory_space<semaphore_mem>>)
      %scan3A_73 = arith.constant 1 : i32
      %scan3A_74 = arith.constant 0 : i32
      %scan3A_75 = arith.constant 200 : i32
      %scan3A_76 = arith.addi %scan3A_74, %scan3A_75 : i32
      %scan3A_77 = arith.constant 1 : i32
      scf.for %scan3A_108 = %scan3A_74 to %scan3A_76 step %scan3A_77  : i32 {
        %mul3A_109 = arith.constant 1 : i32
        %mul3A_110 = arith.muli %scan3A_108, %mul3A_109 : i32
        %add3A_111 = arith.constant 0 : i32
        %add3A_112 = arith.addi %add3A_111, %mul3A_110 : i32
        %rem3A = arith.constant 4 : i32
        %rem3A_113 = arith.remsi %add3A_112, %rem3A : i32
        %add3A_114 = arith.constant 1 : i32
        %add3A_115 = arith.addi %add3A_112, %add3A_114 : i32
        %rem3A_116 = arith.constant 4 : i32
        %rem3A_117 = arith.remsi %add3A_115, %rem3A_116 : i32
        %add3A_118 = arith.constant 2 : i32
        %add3A_119 = arith.addi %add3A_112, %add3A_118 : i32
        %rem3A_120 = arith.constant 4 : i32
        %rem3A_121 = arith.remsi %add3A_119, %rem3A_120 : i32
        %rem3A_122 = arith.constant 3 : i32
        %rem3A_123 = arith.remsi %add3A_112, %rem3A_122 : i32
        %add3A_124 = arith.constant 1 : i32
        %add3A_125 = arith.addi %add3A_112, %add3A_124 : i32
        %rem3A_126 = arith.constant 3 : i32
        %rem3A_127 = arith.remsi %add3A_125, %rem3A_126 : i32
        %gt3A = arith.constant 0 : i32
        %gt3A_128 = arith.cmpi sgt, %add3A_112, %gt3A : i32
        %lt3A = arith.constant 199 : i32
        %lt3A_129 = arith.cmpi slt, %add3A_112, %lt3A : i32
        %and3A = arith.andi %gt3A_128, %lt3A_129 : i1
        %convert_element_type3A_130 = arith.extui %and3A : i1 to i32
        %cond3A_131 = arith.constant 0 : i32
        %cond3A_132 = arith.cmpi ne, %convert_element_type3A_130, %cond3A_131 : i32
        scf.if %cond3A_132 {
          %dma_wait3A_181 = arith.constant 0 : i32
          %dma_wait3A_182 = arith.constant 0 : i32
          %dma_wait3A_183 = arith.constant 0 : i32
          %dma_wait3A_184 = tpu.memref_slice %arg7[%dma_wait3A_181, %dma_wait3A_182, %dma_wait3A_183] : memref<4x2x128xi32, #tpu.memory_space<vmem>> -> memref<1x2x128xi32, #tpu.memory_space<vmem>>
          %dma_wait3A_185 = tpu.memref_squeeze %dma_wait3A_184 : memref<1x2x128xi32, #tpu.memory_space<vmem>> -> memref<2x128xi32, #tpu.memory_space<vmem>>
          %dma_wait3A_186 = arith.constant 0 : i32
          %dma_wait3A_187 = tpu.memref_slice %arg2[%mul3A_29, %dma_wait3A_186] : memref<6400x128xi32, #tpu.memory_space<hbm>> -> memref<2x128xi32, #tpu.memory_space<hbm>>
          %dma_wait3A_188 = arith.constant 0 : i32
          %dma_wait3A_189 = arith.constant 0 : i32
          %dma_wait3A_190 = tpu.memref_slice %arg7[%dma_wait3A_181, %dma_wait3A_188, %dma_wait3A_189] : memref<4x2x128xi32, #tpu.memory_space<vmem>> -> memref<1x2x128xi32, #tpu.memory_space<vmem>>
          %dma_wait3A_191 = tpu.memref_squeeze %dma_wait3A_190 : memref<1x2x128xi32, #tpu.memory_space<vmem>> -> memref<2x128xi32, #tpu.memory_space<vmem>>
          %dma_wait3A_192 = arith.constant 0 : i32
          %dma_wait3A_193 = tpu.memref_slice %arg2[%mul3A_29, %dma_wait3A_192] : memref<6400x128xi32, #tpu.memory_space<hbm>> -> memref<2x128xi32, #tpu.memory_space<hbm>>
          tpu.wait_dma2 semaphore(%arg14 : memref<!tpu.dma_semaphore, #tpu.memory_space<semaphore_mem>>) src(%dma_wait3A_193 : memref<2x128xi32, #tpu.memory_space<hbm>>) dst(%dma_wait3A_191 : memref<2x128xi32, #tpu.memory_space<vmem>>)
          %dma_wait3A_194 = arith.constant 0 : i32
          %dma_wait3A_195 = arith.constant 0 : i32
          %dma_wait3A_196 = arith.constant 0 : i32
          %dma_wait3A_197 = tpu.memref_slice %arg8[%dma_wait3A_194, %dma_wait3A_195, %dma_wait3A_196] : memref<4x2x128xi32, #tpu.memory_space<vmem>> -> memref<1x2x128xi32, #tpu.memory_space<vmem>>
          %dma_wait3A_198 = tpu.memref_squeeze %dma_wait3A_197 : memref<1x2x128xi32, #tpu.memory_space<vmem>> -> memref<2x128xi32, #tpu.memory_space<vmem>>
          %dma_wait3A_199 = arith.constant 0 : i32
          %dma_wait3A_200 = tpu.memref_slice %arg3[%mul3A_29, %dma_wait3A_199] : memref<6400x128xi32, #tpu.memory_space<hbm>> -> memref<2x128xi32, #tpu.memory_space<hbm>>
          %dma_wait3A_201 = arith.constant 0 : i32
          %dma_wait3A_202 = arith.constant 0 : i32
          %dma_wait3A_203 = tpu.memref_slice %arg8[%dma_wait3A_194, %dma_wait3A_201, %dma_wait3A_202] : memref<4x2x128xi32, #tpu.memory_space<vmem>> -> memref<1x2x128xi32, #tpu.memory_space<vmem>>
          %dma_wait3A_204 = tpu.memref_squeeze %dma_wait3A_203 : memref<1x2x128xi32, #tpu.memory_space<vmem>> -> memref<2x128xi32, #tpu.memory_space<vmem>>
          %dma_wait3A_205 = arith.constant 0 : i32
          %dma_wait3A_206 = tpu.memref_slice %arg3[%mul3A_29, %dma_wait3A_205] : memref<6400x128xi32, #tpu.memory_space<hbm>> -> memref<2x128xi32, #tpu.memory_space<hbm>>
          tpu.wait_dma2 semaphore(%arg14 : memref<!tpu.dma_semaphore, #tpu.memory_space<semaphore_mem>>) src(%dma_wait3A_206 : memref<2x128xi32, #tpu.memory_space<hbm>>) dst(%dma_wait3A_204 : memref<2x128xi32, #tpu.memory_space<vmem>>)
        } else {
        }
        %rem3A_133 = arith.constant 2 : i32
        %rem3A_134 = arith.remsi %add3A_112, %rem3A_133 : i32
        %eq3A_135 = arith.constant 0 : i32
        %eq3A_136 = arith.cmpi eq, %rem3A_134, %eq3A_135 : i32
        %convert_element_type3A_137 = arith.extui %eq3A_136 : i1 to i32
        %cond3A_138 = arith.constant 0 : i32
        %cond3A_139 = arith.cmpi ne, %convert_element_type3A_137, %cond3A_138 : i32
        scf.if %cond3A_139 {
          %lt3A_181 = arith.constant 199 : i32
          %lt3A_182 = arith.cmpi slt, %add3A_112, %lt3A_181 : i32
          %convert_element_type3A_183 = arith.extui %lt3A_182 : i1 to i32
          %cond3A_184 = arith.constant 0 : i32
          %cond3A_185 = arith.cmpi ne, %convert_element_type3A_183, %cond3A_184 : i32
          scf.if %cond3A_185 {
            %dma_start3A_222 = arith.constant 0 : i32
            %dma_start3A_223 = arith.constant 0 : i32
            %dma_start3A_224 = arith.constant 0 : i32
            %dma_start3A_225 = arith.constant 0 : i32
            %dma_start3A_226 = tpu.memref_slice %arg9[%rem3A_127, %dma_start3A_223, %dma_start3A_224, %dma_start3A_225] : memref<3x2x128x32xf32, #tpu.memory_space<vmem>> -> memref<1x1x128x32xf32, #tpu.memory_space<vmem>>
            %dma_start3A_227 = tpu.memref_squeeze %dma_start3A_226 : memref<1x1x128x32xf32, #tpu.memory_space<vmem>> -> memref<128x32xf32, #tpu.memory_space<vmem>>
            %dma_start3A_228 = arith.constant 0 : i32
            %dma_start3A_229 = tpu.memref_slice %arg7[%rem3A_117, %dma_start3A_222, %dma_start3A_228] : memref<4x2x128xi32, #tpu.memory_space<vmem>> -> memref<1x1x128xi32, #tpu.memory_space<vmem>>
            %dma_start3A_230 = tpu.memref_squeeze %dma_start3A_229 : memref<1x1x128xi32, #tpu.memory_space<vmem>> -> memref<128xi32, #tpu.memory_space<vmem>>
            %dma_start3A_231 = arith.constant 0 : i32
            %dma_start3A_232 = arith.constant 0 : i32
            %dma_start3A_233 = tpu.memref_slice %arg4[%scan3A_73, %dma_start3A_231, %dma_start3A_232] : memref<4x50176x32xf32, #tpu.memory_space<hbm>> -> memref<1x50176x32xf32, #tpu.memory_space<hbm>>
            %dma_start3A_234 = tpu.memref_squeeze %dma_start3A_233 : memref<1x50176x32xf32, #tpu.memory_space<hbm>> -> memref<50176x32xf32, #tpu.memory_space<hbm>>
            %dma_start3A_235 = arith.constant 0 : i32
            %dma_start3A_236 = arith.constant 0 : i32
            %dma_start3A_237 = tpu.memref_slice %dma_start3A_234[%dma_start3A_235, %dma_start3A_236] : memref<50176x32xf32, #tpu.memory_space<hbm>> -> memref<50176x32xf32, #tpu.memory_space<hbm>>
            tpu.enqueue_indirect_dma source(%dma_start3A_237 : memref<50176x32xf32, #tpu.memory_space<hbm>>) target(%dma_start3A_227 : memref<128x32xf32, #tpu.memory_space<vmem>>) offsets(%dma_start3A_230 : memref<128xi32, #tpu.memory_space<vmem>>) semaphore(%arg12 : memref<!tpu.dma_semaphore, #tpu.memory_space<semaphore_mem>>)
            %dma_start3A_238 = arith.constant 1 : i32
            %dma_start3A_239 = arith.constant 1 : i32
            %dma_start3A_240 = arith.constant 0 : i32
            %dma_start3A_241 = arith.constant 0 : i32
            %dma_start3A_242 = tpu.memref_slice %arg9[%rem3A_127, %dma_start3A_239, %dma_start3A_240, %dma_start3A_241] : memref<3x2x128x32xf32, #tpu.memory_space<vmem>> -> memref<1x1x128x32xf32, #tpu.memory_space<vmem>>
            %dma_start3A_243 = tpu.memref_squeeze %dma_start3A_242 : memref<1x1x128x32xf32, #tpu.memory_space<vmem>> -> memref<128x32xf32, #tpu.memory_space<vmem>>
            %dma_start3A_244 = arith.constant 0 : i32
            %dma_start3A_245 = tpu.memref_slice %arg7[%rem3A_117, %dma_start3A_238, %dma_start3A_244] : memref<4x2x128xi32, #tpu.memory_space<vmem>> -> memref<1x1x128xi32, #tpu.memory_space<vmem>>
            %dma_start3A_246 = tpu.memref_squeeze %dma_start3A_245 : memref<1x1x128xi32, #tpu.memory_space<vmem>> -> memref<128xi32, #tpu.memory_space<vmem>>
            %dma_start3A_247 = arith.constant 0 : i32
            %dma_start3A_248 = arith.constant 0 : i32
            %dma_start3A_249 = tpu.memref_slice %arg4[%scan3A_73, %dma_start3A_247, %dma_start3A_248] : memref<4x50176x32xf32, #tpu.memory_space<hbm>> -> memref<1x50176x32xf32, #tpu.memory_space<hbm>>
            %dma_start3A_250 = tpu.memref_squeeze %dma_start3A_249 : memref<1x50176x32xf32, #tpu.memory_space<hbm>> -> memref<50176x32xf32, #tpu.memory_space<hbm>>
            %dma_start3A_251 = arith.constant 0 : i32
            %dma_start3A_252 = arith.constant 0 : i32
            %dma_start3A_253 = tpu.memref_slice %dma_start3A_250[%dma_start3A_251, %dma_start3A_252] : memref<50176x32xf32, #tpu.memory_space<hbm>> -> memref<50176x32xf32, #tpu.memory_space<hbm>>
            tpu.enqueue_indirect_dma source(%dma_start3A_253 : memref<50176x32xf32, #tpu.memory_space<hbm>>) target(%dma_start3A_243 : memref<128x32xf32, #tpu.memory_space<vmem>>) offsets(%dma_start3A_246 : memref<128xi32, #tpu.memory_space<vmem>>) semaphore(%arg12 : memref<!tpu.dma_semaphore, #tpu.memory_space<semaphore_mem>>)
          } else {
          }
          %dma_wait3A_186 = arith.constant 0 : i32
          %dma_wait3A_187 = arith.constant 0 : i32
          %dma_wait3A_188 = arith.constant 0 : i32
          %dma_wait3A_189 = arith.constant 0 : i32
          %dma_wait3A_190 = arith.constant 0 : i32
          %dma_wait3A_191 = arith.constant 0 : i32
          %dma_wait3A_192 = tpu.memref_slice %arg9[%dma_wait3A_188, %dma_wait3A_189, %dma_wait3A_190, %dma_wait3A_191] : memref<3x2x128x32xf32, #tpu.memory_space<vmem>> -> memref<1x1x128x32xf32, #tpu.memory_space<vmem>>
          %dma_wait3A_193 = tpu.memref_squeeze %dma_wait3A_192 : memref<1x1x128x32xf32, #tpu.memory_space<vmem>> -> memref<128x32xf32, #tpu.memory_space<vmem>>
          %dma_wait3A_194 = arith.constant 0 : i32
          %dma_wait3A_195 = tpu.memref_slice %arg7[%dma_wait3A_186, %dma_wait3A_187, %dma_wait3A_194] : memref<4x2x128xi32, #tpu.memory_space<vmem>> -> memref<1x1x128xi32, #tpu.memory_space<vmem>>
          %dma_wait3A_196 = tpu.memref_squeeze %dma_wait3A_195 : memref<1x1x128xi32, #tpu.memory_space<vmem>> -> memref<128xi32, #tpu.memory_space<vmem>>
          %dma_wait3A_197 = arith.constant 0 : i32
          %dma_wait3A_198 = arith.constant 0 : i32
          %dma_wait3A_199 = tpu.memref_slice %arg4[%scan3A_73, %dma_wait3A_197, %dma_wait3A_198] : memref<4x50176x32xf32, #tpu.memory_space<hbm>> -> memref<1x50176x32xf32, #tpu.memory_space<hbm>>
          %dma_wait3A_200 = tpu.memref_squeeze %dma_wait3A_199 : memref<1x50176x32xf32, #tpu.memory_space<hbm>> -> memref<50176x32xf32, #tpu.memory_space<hbm>>
          %dma_wait3A_201 = arith.constant 0 : i32
          %dma_wait3A_202 = arith.constant 0 : i32
          %dma_wait3A_203 = tpu.memref_slice %dma_wait3A_200[%dma_wait3A_201, %dma_wait3A_202] : memref<50176x32xf32, #tpu.memory_space<hbm>> -> memref<50176x32xf32, #tpu.memory_space<hbm>>
          tpu.wait_indirect_dma semaphore(%arg11 : memref<!tpu.dma_semaphore, #tpu.memory_space<semaphore_mem>>) src(%dma_wait3A_203 : memref<50176x32xf32, #tpu.memory_space<hbm>>) dst(%dma_wait3A_193 : memref<128x32xf32, #tpu.memory_space<vmem>>)
          %dma_wait3A_204 = arith.constant 0 : i32
          %dma_wait3A_205 = arith.constant 1 : i32
          %dma_wait3A_206 = arith.constant 0 : i32
          %dma_wait3A_207 = arith.constant 1 : i32
          %dma_wait3A_208 = arith.constant 0 : i32
          %dma_wait3A_209 = arith.constant 0 : i32
          %dma_wait3A_210 = tpu.memref_slice %arg9[%dma_wait3A_206, %dma_wait3A_207, %dma_wait3A_208, %dma_wait3A_209] : memref<3x2x128x32xf32, #tpu.memory_space<vmem>> -> memref<1x1x128x32xf32, #tpu.memory_space<vmem>>
          %dma_wait3A_211 = tpu.memref_squeeze %dma_wait3A_210 : memref<1x1x128x32xf32, #tpu.memory_space<vmem>> -> memref<128x32xf32, #tpu.memory_space<vmem>>
          %dma_wait3A_212 = arith.constant 0 : i32
          %dma_wait3A_213 = tpu.memref_slice %arg7[%dma_wait3A_204, %dma_wait3A_205, %dma_wait3A_212] : memref<4x2x128xi32, #tpu.memory_space<vmem>> -> memref<1x1x128xi32, #tpu.memory_space<vmem>>
          %dma_wait3A_214 = tpu.memref_squeeze %dma_wait3A_213 : memref<1x1x128xi32, #tpu.memory_space<vmem>> -> memref<128xi32, #tpu.memory_space<vmem>>
          %dma_wait3A_215 = arith.constant 0 : i32
          %dma_wait3A_216 = arith.constant 0 : i32
          %dma_wait3A_217 = tpu.memref_slice %arg4[%scan3A_73, %dma_wait3A_215, %dma_wait3A_216] : memref<4x50176x32xf32, #tpu.memory_space<hbm>> -> memref<1x50176x32xf32, #tpu.memory_space<hbm>>
          %dma_wait3A_218 = tpu.memref_squeeze %dma_wait3A_217 : memref<1x50176x32xf32, #tpu.memory_space<hbm>> -> memref<50176x32xf32, #tpu.memory_space<hbm>>
          %dma_wait3A_219 = arith.constant 0 : i32
          %dma_wait3A_220 = arith.constant 0 : i32
          %dma_wait3A_221 = tpu.memref_slice %dma_wait3A_218[%dma_wait3A_219, %dma_wait3A_220] : memref<50176x32xf32, #tpu.memory_space<hbm>> -> memref<50176x32xf32, #tpu.memory_space<hbm>>
          tpu.wait_indirect_dma semaphore(%arg11 : memref<!tpu.dma_semaphore, #tpu.memory_space<semaphore_mem>>) src(%dma_wait3A_221 : memref<50176x32xf32, #tpu.memory_space<hbm>>) dst(%dma_wait3A_211 : memref<128x32xf32, #tpu.memory_space<vmem>>)
        } else {
        }
        %rem3A_140 = arith.constant 2 : i32
        %rem3A_141 = arith.remsi %add3A_112, %rem3A_140 : i32
        %eq3A_142 = arith.constant 1 : i32
        %eq3A_143 = arith.cmpi eq, %rem3A_141, %eq3A_142 : i32
        %convert_element_type3A_144 = arith.extui %eq3A_143 : i1 to i32
        %cond3A_145 = arith.constant 0 : i32
        %cond3A_146 = arith.cmpi ne, %convert_element_type3A_144, %cond3A_145 : i32
        scf.if %cond3A_146 {
          %lt3A_181 = arith.constant 199 : i32
          %lt3A_182 = arith.cmpi slt, %add3A_112, %lt3A_181 : i32
          %convert_element_type3A_183 = arith.extui %lt3A_182 : i1 to i32
          %cond3A_184 = arith.constant 0 : i32
          %cond3A_185 = arith.cmpi ne, %convert_element_type3A_183, %cond3A_184 : i32
          scf.if %cond3A_185 {
            %dma_start3A_222 = arith.constant 0 : i32
            %dma_start3A_223 = arith.constant 0 : i32
            %dma_start3A_224 = arith.constant 0 : i32
            %dma_start3A_225 = arith.constant 0 : i32
            %dma_start3A_226 = tpu.memref_slice %arg9[%rem3A_127, %dma_start3A_223, %dma_start3A_224, %dma_start3A_225] : memref<3x2x128x32xf32, #tpu.memory_space<vmem>> -> memref<1x1x128x32xf32, #tpu.memory_space<vmem>>
            %dma_start3A_227 = tpu.memref_squeeze %dma_start3A_226 : memref<1x1x128x32xf32, #tpu.memory_space<vmem>> -> memref<128x32xf32, #tpu.memory_space<vmem>>
            %dma_start3A_228 = arith.constant 0 : i32
            %dma_start3A_229 = tpu.memref_slice %arg7[%rem3A_117, %dma_start3A_222, %dma_start3A_228] : memref<4x2x128xi32, #tpu.memory_space<vmem>> -> memref<1x1x128xi32, #tpu.memory_space<vmem>>
            %dma_start3A_230 = tpu.memref_squeeze %dma_start3A_229 : memref<1x1x128xi32, #tpu.memory_space<vmem>> -> memref<128xi32, #tpu.memory_space<vmem>>
            %dma_start3A_231 = arith.constant 0 : i32
            %dma_start3A_232 = arith.constant 0 : i32
            %dma_start3A_233 = tpu.memref_slice %arg4[%scan3A_73, %dma_start3A_231, %dma_start3A_232] : memref<4x50176x32xf32, #tpu.memory_space<hbm>> -> memref<1x50176x32xf32, #tpu.memory_space<hbm>>
            %dma_start3A_234 = tpu.memref_squeeze %dma_start3A_233 : memref<1x50176x32xf32, #tpu.memory_space<hbm>> -> memref<50176x32xf32, #tpu.memory_space<hbm>>
            %dma_start3A_235 = arith.constant 0 : i32
            %dma_start3A_236 = arith.constant 0 : i32
            %dma_start3A_237 = tpu.memref_slice %dma_start3A_234[%dma_start3A_235, %dma_start3A_236] : memref<50176x32xf32, #tpu.memory_space<hbm>> -> memref<50176x32xf32, #tpu.memory_space<hbm>>
            tpu.enqueue_indirect_dma source(%dma_start3A_237 : memref<50176x32xf32, #tpu.memory_space<hbm>>) target(%dma_start3A_227 : memref<128x32xf32, #tpu.memory_space<vmem>>) offsets(%dma_start3A_230 : memref<128xi32, #tpu.memory_space<vmem>>) semaphore(%arg11 : memref<!tpu.dma_semaphore, #tpu.memory_space<semaphore_mem>>)
            %dma_start3A_238 = arith.constant 1 : i32
            %dma_start3A_239 = arith.constant 1 : i32
            %dma_start3A_240 = arith.constant 0 : i32
            %dma_start3A_241 = arith.constant 0 : i32
            %dma_start3A_242 = tpu.memref_slice %arg9[%rem3A_127, %dma_start3A_239, %dma_start3A_240, %dma_start3A_241] : memref<3x2x128x32xf32, #tpu.memory_space<vmem>> -> memref<1x1x128x32xf32, #tpu.memory_space<vmem>>
            %dma_start3A_243 = tpu.memref_squeeze %dma_start3A_242 : memref<1x1x128x32xf32, #tpu.memory_space<vmem>> -> memref<128x32xf32, #tpu.memory_space<vmem>>
            %dma_start3A_244 = arith.constant 0 : i32
            %dma_start3A_245 = tpu.memref_slice %arg7[%rem3A_117, %dma_start3A_238, %dma_start3A_244] : memref<4x2x128xi32, #tpu.memory_space<vmem>> -> memref<1x1x128xi32, #tpu.memory_space<vmem>>
            %dma_start3A_246 = tpu.memref_squeeze %dma_start3A_245 : memref<1x1x128xi32, #tpu.memory_space<vmem>> -> memref<128xi32, #tpu.memory_space<vmem>>
            %dma_start3A_247 = arith.constant 0 : i32
            %dma_start3A_248 = arith.constant 0 : i32
            %dma_start3A_249 = tpu.memref_slice %arg4[%scan3A_73, %dma_start3A_247, %dma_start3A_248] : memref<4x50176x32xf32, #tpu.memory_space<hbm>> -> memref<1x50176x32xf32, #tpu.memory_space<hbm>>
            %dma_start3A_250 = tpu.memref_squeeze %dma_start3A_249 : memref<1x50176x32xf32, #tpu.memory_space<hbm>> -> memref<50176x32xf32, #tpu.memory_space<hbm>>
            %dma_start3A_251 = arith.constant 0 : i32
            %dma_start3A_252 = arith.constant 0 : i32
            %dma_start3A_253 = tpu.memref_slice %dma_start3A_250[%dma_start3A_251, %dma_start3A_252] : memref<50176x32xf32, #tpu.memory_space<hbm>> -> memref<50176x32xf32, #tpu.memory_space<hbm>>
            tpu.enqueue_indirect_dma source(%dma_start3A_253 : memref<50176x32xf32, #tpu.memory_space<hbm>>) target(%dma_start3A_243 : memref<128x32xf32, #tpu.memory_space<vmem>>) offsets(%dma_start3A_246 : memref<128xi32, #tpu.memory_space<vmem>>) semaphore(%arg11 : memref<!tpu.dma_semaphore, #tpu.memory_space<semaphore_mem>>)
          } else {
          }
          %dma_wait3A_186 = arith.constant 0 : i32
          %dma_wait3A_187 = arith.constant 0 : i32
          %dma_wait3A_188 = arith.constant 0 : i32
          %dma_wait3A_189 = arith.constant 0 : i32
          %dma_wait3A_190 = arith.constant 0 : i32
          %dma_wait3A_191 = arith.constant 0 : i32
          %dma_wait3A_192 = tpu.memref_slice %arg9[%dma_wait3A_188, %dma_wait3A_189, %dma_wait3A_190, %dma_wait3A_191] : memref<3x2x128x32xf32, #tpu.memory_space<vmem>> -> memref<1x1x128x32xf32, #tpu.memory_space<vmem>>
          %dma_wait3A_193 = tpu.memref_squeeze %dma_wait3A_192 : memref<1x1x128x32xf32, #tpu.memory_space<vmem>> -> memref<128x32xf32, #tpu.memory_space<vmem>>
          %dma_wait3A_194 = arith.constant 0 : i32
          %dma_wait3A_195 = tpu.memref_slice %arg7[%dma_wait3A_186, %dma_wait3A_187, %dma_wait3A_194] : memref<4x2x128xi32, #tpu.memory_space<vmem>> -> memref<1x1x128xi32, #tpu.memory_space<vmem>>
          %dma_wait3A_196 = tpu.memref_squeeze %dma_wait3A_195 : memref<1x1x128xi32, #tpu.memory_space<vmem>> -> memref<128xi32, #tpu.memory_space<vmem>>
          %dma_wait3A_197 = arith.constant 0 : i32
          %dma_wait3A_198 = arith.constant 0 : i32
          %dma_wait3A_199 = tpu.memref_slice %arg4[%scan3A_73, %dma_wait3A_197, %dma_wait3A_198] : memref<4x50176x32xf32, #tpu.memory_space<hbm>> -> memref<1x50176x32xf32, #tpu.memory_space<hbm>>
          %dma_wait3A_200 = tpu.memref_squeeze %dma_wait3A_199 : memref<1x50176x32xf32, #tpu.memory_space<hbm>> -> memref<50176x32xf32, #tpu.memory_space<hbm>>
          %dma_wait3A_201 = arith.constant 0 : i32
          %dma_wait3A_202 = arith.constant 0 : i32
          %dma_wait3A_203 = tpu.memref_slice %dma_wait3A_200[%dma_wait3A_201, %dma_wait3A_202] : memref<50176x32xf32, #tpu.memory_space<hbm>> -> memref<50176x32xf32, #tpu.memory_space<hbm>>
          tpu.wait_indirect_dma semaphore(%arg12 : memref<!tpu.dma_semaphore, #tpu.memory_space<semaphore_mem>>) src(%dma_wait3A_203 : memref<50176x32xf32, #tpu.memory_space<hbm>>) dst(%dma_wait3A_193 : memref<128x32xf32, #tpu.memory_space<vmem>>)
          %dma_wait3A_204 = arith.constant 0 : i32
          %dma_wait3A_205 = arith.constant 1 : i32
          %dma_wait3A_206 = arith.constant 0 : i32
          %dma_wait3A_207 = arith.constant 1 : i32
          %dma_wait3A_208 = arith.constant 0 : i32
          %dma_wait3A_209 = arith.constant 0 : i32
          %dma_wait3A_210 = tpu.memref_slice %arg9[%dma_wait3A_206, %dma_wait3A_207, %dma_wait3A_208, %dma_wait3A_209] : memref<3x2x128x32xf32, #tpu.memory_space<vmem>> -> memref<1x1x128x32xf32, #tpu.memory_space<vmem>>
          %dma_wait3A_211 = tpu.memref_squeeze %dma_wait3A_210 : memref<1x1x128x32xf32, #tpu.memory_space<vmem>> -> memref<128x32xf32, #tpu.memory_space<vmem>>
          %dma_wait3A_212 = arith.constant 0 : i32
          %dma_wait3A_213 = tpu.memref_slice %arg7[%dma_wait3A_204, %dma_wait3A_205, %dma_wait3A_212] : memref<4x2x128xi32, #tpu.memory_space<vmem>> -> memref<1x1x128xi32, #tpu.memory_space<vmem>>
          %dma_wait3A_214 = tpu.memref_squeeze %dma_wait3A_213 : memref<1x1x128xi32, #tpu.memory_space<vmem>> -> memref<128xi32, #tpu.memory_space<vmem>>
          %dma_wait3A_215 = arith.constant 0 : i32
          %dma_wait3A_216 = arith.constant 0 : i32
          %dma_wait3A_217 = tpu.memref_slice %arg4[%scan3A_73, %dma_wait3A_215, %dma_wait3A_216] : memref<4x50176x32xf32, #tpu.memory_space<hbm>> -> memref<1x50176x32xf32, #tpu.memory_space<hbm>>
          %dma_wait3A_218 = tpu.memref_squeeze %dma_wait3A_217 : memref<1x50176x32xf32, #tpu.memory_space<hbm>> -> memref<50176x32xf32, #tpu.memory_space<hbm>>
          %dma_wait3A_219 = arith.constant 0 : i32
          %dma_wait3A_220 = arith.constant 0 : i32
          %dma_wait3A_221 = tpu.memref_slice %dma_wait3A_218[%dma_wait3A_219, %dma_wait3A_220] : memref<50176x32xf32, #tpu.memory_space<hbm>> -> memref<50176x32xf32, #tpu.memory_space<hbm>>
          tpu.wait_indirect_dma semaphore(%arg12 : memref<!tpu.dma_semaphore, #tpu.memory_space<semaphore_mem>>) src(%dma_wait3A_221 : memref<50176x32xf32, #tpu.memory_space<hbm>>) dst(%dma_wait3A_211 : memref<128x32xf32, #tpu.memory_space<vmem>>)
        } else {
        }
        %lt3A_147 = arith.constant 198 : i32
        %lt3A_148 = arith.cmpi slt, %add3A_112, %lt3A_147 : i32
        %convert_element_type3A_149 = arith.extui %lt3A_148 : i1 to i32
        %cond3A_150 = arith.constant 0 : i32
        %cond3A_151 = arith.cmpi ne, %convert_element_type3A_149, %cond3A_150 : i32
        scf.if %cond3A_151 {
          %mul3A_181 = arith.constant 400 : i32
          %mul3A_182 = arith.muli %arg1, %mul3A_181 : i32
          %add3A_183 = arith.constant 2 : i32
          %add3A_184 = arith.addi %add3A_112, %add3A_183 : i32
          %mul3A_185 = arith.constant 2 : i32
          %mul3A_186 = arith.muli %add3A_184, %mul3A_185 : i32
          %add3A_187 = arith.addi %mul3A_182, %mul3A_186 : i32
          %dma_start3A_188 = arith.constant 0 : i32
          %dma_start3A_189 = arith.constant 0 : i32
          %dma_start3A_190 = tpu.memref_slice %arg7[%rem3A_121, %dma_start3A_188, %dma_start3A_189] : memref<4x2x128xi32, #tpu.memory_space<vmem>> -> memref<1x2x128xi32, #tpu.memory_space<vmem>>
          %dma_start3A_191 = tpu.memref_squeeze %dma_start3A_190 : memref<1x2x128xi32, #tpu.memory_space<vmem>> -> memref<2x128xi32, #tpu.memory_space<vmem>>
          %dma_start3A_192 = arith.constant 0 : i32
          %dma_start3A_193 = tpu.memref_slice %arg2[%add3A_187, %dma_start3A_192] : memref<6400x128xi32, #tpu.memory_space<hbm>> -> memref<2x128xi32, #tpu.memory_space<hbm>>
          %dma_start3A_194 = arith.constant 0 : i32
          %dma_start3A_195 = arith.constant 0 : i32
          %dma_start3A_196 = tpu.memref_slice %arg7[%rem3A_121, %dma_start3A_194, %dma_start3A_195] : memref<4x2x128xi32, #tpu.memory_space<vmem>> -> memref<1x2x128xi32, #tpu.memory_space<vmem>>
          %dma_start3A_197 = tpu.memref_squeeze %dma_start3A_196 : memref<1x2x128xi32, #tpu.memory_space<vmem>> -> memref<2x128xi32, #tpu.memory_space<vmem>>
          %dma_start3A_198 = arith.constant 0 : i32
          %dma_start3A_199 = tpu.memref_slice %arg2[%add3A_187, %dma_start3A_198] : memref<6400x128xi32, #tpu.memory_space<hbm>> -> memref<2x128xi32, #tpu.memory_space<hbm>>
          tpu.enqueue_dma source(%dma_start3A_199 : memref<2x128xi32, #tpu.memory_space<hbm>>) target(%dma_start3A_197 : memref<2x128xi32, #tpu.memory_space<vmem>>) target_semaphore(%arg14 : memref<!tpu.dma_semaphore, #tpu.memory_space<semaphore_mem>>)
          %dma_start3A_200 = arith.constant 0 : i32
          %dma_start3A_201 = arith.constant 0 : i32
          %dma_start3A_202 = tpu.memref_slice %arg8[%rem3A_121, %dma_start3A_200, %dma_start3A_201] : memref<4x2x128xi32, #tpu.memory_space<vmem>> -> memref<1x2x128xi32, #tpu.memory_space<vmem>>
          %dma_start3A_203 = tpu.memref_squeeze %dma_start3A_202 : memref<1x2x128xi32, #tpu.memory_space<vmem>> -> memref<2x128xi32, #tpu.memory_space<vmem>>
          %dma_start3A_204 = arith.constant 0 : i32
          %dma_start3A_205 = tpu.memref_slice %arg3[%add3A_187, %dma_start3A_204] : memref<6400x128xi32, #tpu.memory_space<hbm>> -> memref<2x128xi32, #tpu.memory_space<hbm>>
          %dma_start3A_206 = arith.constant 0 : i32
          %dma_start3A_207 = arith.constant 0 : i32
          %dma_start3A_208 = tpu.memref_slice %arg8[%rem3A_121, %dma_start3A_206, %dma_start3A_207] : memref<4x2x128xi32, #tpu.memory_space<vmem>> -> memref<1x2x128xi32, #tpu.memory_space<vmem>>
          %dma_start3A_209 = tpu.memref_squeeze %dma_start3A_208 : memref<1x2x128xi32, #tpu.memory_space<vmem>> -> memref<2x128xi32, #tpu.memory_space<vmem>>
          %dma_start3A_210 = arith.constant 0 : i32
          %dma_start3A_211 = tpu.memref_slice %arg3[%add3A_187, %dma_start3A_210] : memref<6400x128xi32, #tpu.memory_space<hbm>> -> memref<2x128xi32, #tpu.memory_space<hbm>>
          tpu.enqueue_dma source(%dma_start3A_211 : memref<2x128xi32, #tpu.memory_space<hbm>>) target(%dma_start3A_209 : memref<2x128xi32, #tpu.memory_space<vmem>>) target_semaphore(%arg14 : memref<!tpu.dma_semaphore, #tpu.memory_space<semaphore_mem>>)
        } else {
        }
        %gt3A_152 = arith.constant 0 : i32
        %gt3A_153 = arith.cmpi sgt, %add3A_112, %gt3A_152 : i32
        %convert_element_type3A_154 = arith.extui %gt3A_153 : i1 to i32
        %cond3A_155 = arith.constant 0 : i32
        %cond3A_156 = arith.cmpi ne, %convert_element_type3A_154, %cond3A_155 : i32
        scf.if %cond3A_156 {
          %dma_wait3A_181 = arith.constant 0 : i32
          %dma_wait3A_182 = arith.constant 0 : i32
          %dma_wait3A_183 = arith.constant 0 : i32
          %dma_wait3A_184 = arith.constant 0 : i32
          %dma_wait3A_185 = arith.constant 0 : i32
          %dma_wait3A_186 = arith.constant 0 : i32
          %dma_wait3A_187 = tpu.memref_slice %arg9[%dma_wait3A_181, %dma_wait3A_182, %dma_wait3A_185, %dma_wait3A_186] : memref<3x2x128x32xf32, #tpu.memory_space<vmem>> -> memref<1x1x128x32xf32, #tpu.memory_space<vmem>>
          %dma_wait3A_188 = tpu.memref_squeeze %dma_wait3A_187 : memref<1x1x128x32xf32, #tpu.memory_space<vmem>> -> memref<128x32xf32, #tpu.memory_space<vmem>>
          %dma_wait3A_189 = arith.constant 0 : i32
          %dma_wait3A_190 = tpu.memref_slice %arg8[%dma_wait3A_183, %dma_wait3A_184, %dma_wait3A_189] : memref<4x2x128xi32, #tpu.memory_space<vmem>> -> memref<1x1x128xi32, #tpu.memory_space<vmem>>
          %dma_wait3A_191 = tpu.memref_squeeze %dma_wait3A_190 : memref<1x1x128xi32, #tpu.memory_space<vmem>> -> memref<128xi32, #tpu.memory_space<vmem>>
          %dma_wait3A_192 = arith.constant 0 : i32
          %dma_wait3A_193 = arith.constant 0 : i32
          %dma_wait3A_194 = tpu.memref_slice %arg6[%dma_wait3A_192, %dma_wait3A_193] : memref<50176x32xf32, #tpu.memory_space<vmem_shared>> -> memref<50176x32xf32, #tpu.memory_space<vmem_shared>>
          tpu.wait_indirect_dma semaphore(%arg13 : memref<!tpu.dma_semaphore, #tpu.memory_space<semaphore_mem>>) src(%dma_wait3A_188 : memref<128x32xf32, #tpu.memory_space<vmem>>) dst(%dma_wait3A_194 : memref<50176x32xf32, #tpu.memory_space<vmem_shared>>)
          %dma_wait3A_195 = arith.constant 0 : i32
          %dma_wait3A_196 = arith.constant 1 : i32
          %dma_wait3A_197 = arith.constant 0 : i32
          %dma_wait3A_198 = arith.constant 1 : i32
          %dma_wait3A_199 = arith.constant 0 : i32
          %dma_wait3A_200 = arith.constant 0 : i32
          %dma_wait3A_201 = tpu.memref_slice %arg9[%dma_wait3A_195, %dma_wait3A_196, %dma_wait3A_199, %dma_wait3A_200] : memref<3x2x128x32xf32, #tpu.memory_space<vmem>> -> memref<1x1x128x32xf32, #tpu.memory_space<vmem>>
          %dma_wait3A_202 = tpu.memref_squeeze %dma_wait3A_201 : memref<1x1x128x32xf32, #tpu.memory_space<vmem>> -> memref<128x32xf32, #tpu.memory_space<vmem>>
          %dma_wait3A_203 = arith.constant 0 : i32
          %dma_wait3A_204 = tpu.memref_slice %arg8[%dma_wait3A_197, %dma_wait3A_198, %dma_wait3A_203] : memref<4x2x128xi32, #tpu.memory_space<vmem>> -> memref<1x1x128xi32, #tpu.memory_space<vmem>>
          %dma_wait3A_205 = tpu.memref_squeeze %dma_wait3A_204 : memref<1x1x128xi32, #tpu.memory_space<vmem>> -> memref<128xi32, #tpu.memory_space<vmem>>
          %dma_wait3A_206 = arith.constant 0 : i32
          %dma_wait3A_207 = arith.constant 0 : i32
          %dma_wait3A_208 = tpu.memref_slice %arg6[%dma_wait3A_206, %dma_wait3A_207] : memref<50176x32xf32, #tpu.memory_space<vmem_shared>> -> memref<50176x32xf32, #tpu.memory_space<vmem_shared>>
          tpu.wait_indirect_dma semaphore(%arg13 : memref<!tpu.dma_semaphore, #tpu.memory_space<semaphore_mem>>) src(%dma_wait3A_202 : memref<128x32xf32, #tpu.memory_space<vmem>>) dst(%dma_wait3A_208 : memref<50176x32xf32, #tpu.memory_space<vmem_shared>>)
        } else {
        }
        %dma_start3A_157 = arith.constant 0 : i32
        %dma_start3A_158 = arith.constant 0 : i32
        %dma_start3A_159 = arith.constant 0 : i32
        %dma_start3A_160 = arith.constant 0 : i32
        %dma_start3A_161 = tpu.memref_slice %arg9[%rem3A_123, %dma_start3A_157, %dma_start3A_159, %dma_start3A_160] : memref<3x2x128x32xf32, #tpu.memory_space<vmem>> -> memref<1x1x128x32xf32, #tpu.memory_space<vmem>>
        %dma_start3A_162 = tpu.memref_squeeze %dma_start3A_161 : memref<1x1x128x32xf32, #tpu.memory_space<vmem>> -> memref<128x32xf32, #tpu.memory_space<vmem>>
        %dma_start3A_163 = arith.constant 0 : i32
        %dma_start3A_164 = tpu.memref_slice %arg8[%rem3A_113, %dma_start3A_158, %dma_start3A_163] : memref<4x2x128xi32, #tpu.memory_space<vmem>> -> memref<1x1x128xi32, #tpu.memory_space<vmem>>
        %dma_start3A_165 = tpu.memref_squeeze %dma_start3A_164 : memref<1x1x128xi32, #tpu.memory_space<vmem>> -> memref<128xi32, #tpu.memory_space<vmem>>
        %dma_start3A_166 = arith.constant 0 : i32
        %dma_start3A_167 = arith.constant 0 : i32
        %dma_start3A_168 = tpu.memref_slice %arg6[%dma_start3A_166, %dma_start3A_167] : memref<50176x32xf32, #tpu.memory_space<vmem_shared>> -> memref<50176x32xf32, #tpu.memory_space<vmem_shared>>
        tpu.enqueue_indirect_dma source(%dma_start3A_162 : memref<128x32xf32, #tpu.memory_space<vmem>>) target(%dma_start3A_168 : memref<50176x32xf32, #tpu.memory_space<vmem_shared>>) offsets(%dma_start3A_165 : memref<128xi32, #tpu.memory_space<vmem>>) semaphore(%arg13 : memref<!tpu.dma_semaphore, #tpu.memory_space<semaphore_mem>>) {add = true}
        %dma_start3A_169 = arith.constant 1 : i32
        %dma_start3A_170 = arith.constant 1 : i32
        %dma_start3A_171 = arith.constant 0 : i32
        %dma_start3A_172 = arith.constant 0 : i32
        %dma_start3A_173 = tpu.memref_slice %arg9[%rem3A_123, %dma_start3A_169, %dma_start3A_171, %dma_start3A_172] : memref<3x2x128x32xf32, #tpu.memory_space<vmem>> -> memref<1x1x128x32xf32, #tpu.memory_space<vmem>>
        %dma_start3A_174 = tpu.memref_squeeze %dma_start3A_173 : memref<1x1x128x32xf32, #tpu.memory_space<vmem>> -> memref<128x32xf32, #tpu.memory_space<vmem>>
        %dma_start3A_175 = arith.constant 0 : i32
        %dma_start3A_176 = tpu.memref_slice %arg8[%rem3A_113, %dma_start3A_170, %dma_start3A_175] : memref<4x2x128xi32, #tpu.memory_space<vmem>> -> memref<1x1x128xi32, #tpu.memory_space<vmem>>
        %dma_start3A_177 = tpu.memref_squeeze %dma_start3A_176 : memref<1x1x128xi32, #tpu.memory_space<vmem>> -> memref<128xi32, #tpu.memory_space<vmem>>
        %dma_start3A_178 = arith.constant 0 : i32
        %dma_start3A_179 = arith.constant 0 : i32
        %dma_start3A_180 = tpu.memref_slice %arg6[%dma_start3A_178, %dma_start3A_179] : memref<50176x32xf32, #tpu.memory_space<vmem_shared>> -> memref<50176x32xf32, #tpu.memory_space<vmem_shared>>
        tpu.enqueue_indirect_dma source(%dma_start3A_174 : memref<128x32xf32, #tpu.memory_space<vmem>>) target(%dma_start3A_180 : memref<50176x32xf32, #tpu.memory_space<vmem_shared>>) offsets(%dma_start3A_177 : memref<128xi32, #tpu.memory_space<vmem>>) semaphore(%arg13 : memref<!tpu.dma_semaphore, #tpu.memory_space<semaphore_mem>>) {add = true}
      }
      %scan3A_78 = arith.constant 200 : i32
      %dma_wait3A = arith.constant 0 : i32
      %dma_wait3A_79 = arith.constant 0 : i32
      %dma_wait3A_80 = arith.constant 0 : i32
      %dma_wait3A_81 = arith.constant 0 : i32
      %dma_wait3A_82 = arith.constant 0 : i32
      %dma_wait3A_83 = arith.constant 0 : i32
      %dma_wait3A_84 = tpu.memref_slice %arg9[%dma_wait3A, %dma_wait3A_79, %dma_wait3A_82, %dma_wait3A_83] : memref<3x2x128x32xf32, #tpu.memory_space<vmem>> -> memref<1x1x128x32xf32, #tpu.memory_space<vmem>>
      %dma_wait3A_85 = tpu.memref_squeeze %dma_wait3A_84 : memref<1x1x128x32xf32, #tpu.memory_space<vmem>> -> memref<128x32xf32, #tpu.memory_space<vmem>>
      %dma_wait3A_86 = arith.constant 0 : i32
      %dma_wait3A_87 = tpu.memref_slice %arg8[%dma_wait3A_80, %dma_wait3A_81, %dma_wait3A_86] : memref<4x2x128xi32, #tpu.memory_space<vmem>> -> memref<1x1x128xi32, #tpu.memory_space<vmem>>
      %dma_wait3A_88 = tpu.memref_squeeze %dma_wait3A_87 : memref<1x1x128xi32, #tpu.memory_space<vmem>> -> memref<128xi32, #tpu.memory_space<vmem>>
      %dma_wait3A_89 = arith.constant 0 : i32
      %dma_wait3A_90 = arith.constant 0 : i32
      %dma_wait3A_91 = tpu.memref_slice %arg6[%dma_wait3A_89, %dma_wait3A_90] : memref<50176x32xf32, #tpu.memory_space<vmem_shared>> -> memref<50176x32xf32, #tpu.memory_space<vmem_shared>>
      tpu.wait_indirect_dma semaphore(%arg13 : memref<!tpu.dma_semaphore, #tpu.memory_space<semaphore_mem>>) src(%dma_wait3A_85 : memref<128x32xf32, #tpu.memory_space<vmem>>) dst(%dma_wait3A_91 : memref<50176x32xf32, #tpu.memory_space<vmem_shared>>)
      %dma_wait3A_92 = arith.constant 0 : i32
      %dma_wait3A_93 = arith.constant 1 : i32
      %dma_wait3A_94 = arith.constant 0 : i32
      %dma_wait3A_95 = arith.constant 1 : i32
      %dma_wait3A_96 = arith.constant 0 : i32
      %dma_wait3A_97 = arith.constant 0 : i32
      %dma_wait3A_98 = tpu.memref_slice %arg9[%dma_wait3A_92, %dma_wait3A_93, %dma_wait3A_96, %dma_wait3A_97] : memref<3x2x128x32xf32, #tpu.memory_space<vmem>> -> memref<1x1x128x32xf32, #tpu.memory_space<vmem>>
      %dma_wait3A_99 = tpu.memref_squeeze %dma_wait3A_98 : memref<1x1x128x32xf32, #tpu.memory_space<vmem>> -> memref<128x32xf32, #tpu.memory_space<vmem>>
      %dma_wait3A_100 = arith.constant 0 : i32
      %dma_wait3A_101 = tpu.memref_slice %arg8[%dma_wait3A_94, %dma_wait3A_95, %dma_wait3A_100] : memref<4x2x128xi32, #tpu.memory_space<vmem>> -> memref<1x1x128xi32, #tpu.memory_space<vmem>>
      %dma_wait3A_102 = tpu.memref_squeeze %dma_wait3A_101 : memref<1x1x128xi32, #tpu.memory_space<vmem>> -> memref<128xi32, #tpu.memory_space<vmem>>
      %dma_wait3A_103 = arith.constant 0 : i32
      %dma_wait3A_104 = arith.constant 0 : i32
      %dma_wait3A_105 = tpu.memref_slice %arg6[%dma_wait3A_103, %dma_wait3A_104] : memref<50176x32xf32, #tpu.memory_space<vmem_shared>> -> memref<50176x32xf32, #tpu.memory_space<vmem_shared>>
      tpu.wait_indirect_dma semaphore(%arg13 : memref<!tpu.dma_semaphore, #tpu.memory_space<semaphore_mem>>) src(%dma_wait3A_99 : memref<128x32xf32, #tpu.memory_space<vmem>>) dst(%dma_wait3A_105 : memref<50176x32xf32, #tpu.memory_space<vmem_shared>>)
      %barrier3A_106 = arith.constant 0 : index
      tpu.barrier barrier_id(%barrier3A_106)
      %run_scoped3A_107 = arith.constant 1 : i32
      "tpu.region"() ({
        %run_scoped3A_108 = tpu.sem_alloc : memref<!tpu.dma_semaphore, #tpu.memory_space<semaphore_mem>>
        %dma_start3A_109 = arith.constant 0 : i32
        %dma_start3A_110 = tpu.memref_slice %arg5[%run_scoped3A_107, %multiple_of3A, %dma_start3A_109] : memref<4x50176x32xf32, #tpu.memory_space<hbm>> -> memref<1x3136x32xf32, #tpu.memory_space<hbm>>
        %dma_start3A_111 = tpu.memref_squeeze %dma_start3A_110 : memref<1x3136x32xf32, #tpu.memory_space<hbm>> -> memref<3136x32xf32, #tpu.memory_space<hbm>>
        %dma_start3A_112 = arith.constant 0 : i32
        %dma_start3A_113 = tpu.memref_slice %arg6[%multiple_of3A, %dma_start3A_112] : memref<50176x32xf32, #tpu.memory_space<vmem_shared>> -> memref<3136x32xf32, #tpu.memory_space<vmem_shared>>
        tpu.enqueue_dma source(%dma_start3A_113 : memref<3136x32xf32, #tpu.memory_space<vmem_shared>>) target(%dma_start3A_111 : memref<3136x32xf32, #tpu.memory_space<hbm>>) target_semaphore(%run_scoped3A_108 : memref<!tpu.dma_semaphore, #tpu.memory_space<semaphore_mem>>)
        %dma_wait3A_114 = arith.constant 0 : i32
        %dma_wait3A_115 = tpu.memref_slice %arg5[%run_scoped3A_107, %multiple_of3A, %dma_wait3A_114] : memref<4x50176x32xf32, #tpu.memory_space<hbm>> -> memref<1x3136x32xf32, #tpu.memory_space<hbm>>
        %dma_wait3A_116 = tpu.memref_squeeze %dma_wait3A_115 : memref<1x3136x32xf32, #tpu.memory_space<hbm>> -> memref<3136x32xf32, #tpu.memory_space<hbm>>
        %dma_wait3A_117 = arith.constant 0 : i32
        %dma_wait3A_118 = tpu.memref_slice %arg6[%multiple_of3A, %dma_wait3A_117] : memref<50176x32xf32, #tpu.memory_space<vmem_shared>> -> memref<3136x32xf32, #tpu.memory_space<vmem_shared>>
        tpu.wait_dma2 semaphore(%run_scoped3A_108 : memref<!tpu.dma_semaphore, #tpu.memory_space<semaphore_mem>>) src(%dma_wait3A_118 : memref<3136x32xf32, #tpu.memory_space<vmem_shared>>) dst(%dma_wait3A_116 : memref<3136x32xf32, #tpu.memory_space<hbm>>)
        tpu.yield
      }) : () -> ()
    } else {
    }
    %eq3A_12 = arith.constant 0 : i32
    %eq3A_13 = arith.cmpi eq, %arg0, %eq3A_12 : i32
    %convert_element_type3A_14 = arith.extui %eq3A_13 : i1 to i32
    %cond3A_15 = arith.constant 0 : i32
    %cond3A_16 = arith.cmpi ne, %convert_element_type3A_14, %cond3A_15 : i32
    scf.if %cond3A_16 {
      %mul3A = arith.constant 3136 : i32
      %mul3A_22 = arith.muli %arg1, %mul3A : i32
      %multiple_of3A = tpu.assume_multiple %mul3A_22, 8 : i32
      %scan3A_23 = arith.constant 0 : i32
      %scan3A_24 = arith.constant 32 : i32
      %scan3A_25 = arith.addi %scan3A_23, %scan3A_24 : i32
      %scan3A_26 = arith.constant 1 : i32
      scf.for %scan3A_108 = %scan3A_23 to %scan3A_25 step %scan3A_26  : i32 {
        %mul3A_109 = arith.constant 1 : i32
        %mul3A_110 = arith.muli %scan3A_108, %mul3A_109 : i32
        %add3A_111 = arith.constant 0 : i32
        %add3A_112 = arith.addi %add3A_111, %mul3A_110 : i32
        %mul3A_113 = arith.constant 98 : i32
        %mul3A_114 = arith.muli %add3A_112, %mul3A_113 : i32
        %add3A_115 = arith.addi %multiple_of3A, %mul3A_114 : i32
        "tpu.region"() ({
          %run_scoped3A_116 = tpu.sem_alloc : memref<!tpu.dma_semaphore, #tpu.memory_space<semaphore_mem>>
          %dma_start3A_117 = arith.constant 0 : i32
          %dma_start3A_118 = tpu.memref_slice %arg6[%add3A_115, %dma_start3A_117] : memref<50176x32xf32, #tpu.memory_space<vmem_shared>> -> memref<98x32xf32, #tpu.memory_space<vmem_shared>>
          %dma_start3A_119 = arith.constant 0 : i32
          %dma_start3A_120 = tpu.memref_slice %arg6[%add3A_115, %dma_start3A_119] : memref<50176x32xf32, #tpu.memory_space<vmem_shared>> -> memref<98x32xf32, #tpu.memory_space<vmem_shared>>
          tpu.enqueue_dma source(%arg10 : memref<98x32xf32, #tpu.memory_space<vmem>>) target(%dma_start3A_120 : memref<98x32xf32, #tpu.memory_space<vmem_shared>>) target_semaphore(%run_scoped3A_116 : memref<!tpu.dma_semaphore, #tpu.memory_space<semaphore_mem>>)
          %dma_wait3A_121 = arith.constant 0 : i32
          %dma_wait3A_122 = tpu.memref_slice %arg6[%add3A_115, %dma_wait3A_121] : memref<50176x32xf32, #tpu.memory_space<vmem_shared>> -> memref<98x32xf32, #tpu.memory_space<vmem_shared>>
          %dma_wait3A_123 = arith.constant 0 : i32
          %dma_wait3A_124 = tpu.memref_slice %arg6[%add3A_115, %dma_wait3A_123] : memref<50176x32xf32, #tpu.memory_space<vmem_shared>> -> memref<98x32xf32, #tpu.memory_space<vmem_shared>>
          tpu.wait_dma2 semaphore(%run_scoped3A_116 : memref<!tpu.dma_semaphore, #tpu.memory_space<semaphore_mem>>) src(%arg10 : memref<98x32xf32, #tpu.memory_space<vmem>>) dst(%dma_wait3A_124 : memref<98x32xf32, #tpu.memory_space<vmem_shared>>)
          tpu.yield
        }) : () -> ()
      }
      %scan3A_27 = arith.constant 32 : i32
      %barrier3A = arith.constant 0 : index
      tpu.barrier barrier_id(%barrier3A)
      %mul3A_28 = arith.constant 400 : i32
      %mul3A_29 = arith.muli %arg1, %mul3A_28 : i32
      %run_scoped3A = arith.constant 0 : i32
      "tpu.region"() ({
        %run_scoped3A_108 = tpu.sem_alloc : memref<!tpu.dma_semaphore, #tpu.memory_space<semaphore_mem>>
        %dma_start3A_109 = arith.constant 0 : i32
        %dma_start3A_110 = arith.constant 0 : i32
        %dma_start3A_111 = tpu.memref_slice %arg7[%run_scoped3A, %dma_start3A_109, %dma_start3A_110] : memref<4x2x128xi32, #tpu.memory_space<vmem>> -> memref<1x2x128xi32, #tpu.memory_space<vmem>>
        %dma_start3A_112 = tpu.memref_squeeze %dma_start3A_111 : memref<1x2x128xi32, #tpu.memory_space<vmem>> -> memref<2x128xi32, #tpu.memory_space<vmem>>
        %dma_start3A_113 = arith.constant 0 : i32
        %dma_start3A_114 = tpu.memref_slice %arg2[%mul3A_29, %dma_start3A_113] : memref<6400x128xi32, #tpu.memory_space<hbm>> -> memref<2x128xi32, #tpu.memory_space<hbm>>
        %dma_start3A_115 = arith.constant 0 : i32
        %dma_start3A_116 = arith.constant 0 : i32
        %dma_start3A_117 = tpu.memref_slice %arg7[%run_scoped3A, %dma_start3A_115, %dma_start3A_116] : memref<4x2x128xi32, #tpu.memory_space<vmem>> -> memref<1x2x128xi32, #tpu.memory_space<vmem>>
        %dma_start3A_118 = tpu.memref_squeeze %dma_start3A_117 : memref<1x2x128xi32, #tpu.memory_space<vmem>> -> memref<2x128xi32, #tpu.memory_space<vmem>>
        %dma_start3A_119 = arith.constant 0 : i32
        %dma_start3A_120 = tpu.memref_slice %arg2[%mul3A_29, %dma_start3A_119] : memref<6400x128xi32, #tpu.memory_space<hbm>> -> memref<2x128xi32, #tpu.memory_space<hbm>>
        tpu.enqueue_dma source(%dma_start3A_120 : memref<2x128xi32, #tpu.memory_space<hbm>>) target(%dma_start3A_118 : memref<2x128xi32, #tpu.memory_space<vmem>>) target_semaphore(%run_scoped3A_108 : memref<!tpu.dma_semaphore, #tpu.memory_space<semaphore_mem>>)
        %dma_wait3A_121 = arith.constant 0 : i32
        %dma_wait3A_122 = arith.constant 0 : i32
        %dma_wait3A_123 = tpu.memref_slice %arg7[%run_scoped3A, %dma_wait3A_121, %dma_wait3A_122] : memref<4x2x128xi32, #tpu.memory_space<vmem>> -> memref<1x2x128xi32, #tpu.memory_space<vmem>>
        %dma_wait3A_124 = tpu.memref_squeeze %dma_wait3A_123 : memref<1x2x128xi32, #tpu.memory_space<vmem>> -> memref<2x128xi32, #tpu.memory_space<vmem>>
        %dma_wait3A_125 = arith.constant 0 : i32
        %dma_wait3A_126 = tpu.memref_slice %arg2[%mul3A_29, %dma_wait3A_125] : memref<6400x128xi32, #tpu.memory_space<hbm>> -> memref<2x128xi32, #tpu.memory_space<hbm>>
        %dma_wait3A_127 = arith.constant 0 : i32
        %dma_wait3A_128 = arith.constant 0 : i32
        %dma_wait3A_129 = tpu.memref_slice %arg7[%run_scoped3A, %dma_wait3A_127, %dma_wait3A_128] : memref<4x2x128xi32, #tpu.memory_space<vmem>> -> memref<1x2x128xi32, #tpu.memory_space<vmem>>
        %dma_wait3A_130 = tpu.memref_squeeze %dma_wait3A_129 : memref<1x2x128xi32, #tpu.memory_space<vmem>> -> memref<2x128xi32, #tpu.memory_space<vmem>>
        %dma_wait3A_131 = arith.constant 0 : i32
        %dma_wait3A_132 = tpu.memref_slice %arg2[%mul3A_29, %dma_wait3A_131] : memref<6400x128xi32, #tpu.memory_space<hbm>> -> memref<2x128xi32, #tpu.memory_space<hbm>>
        tpu.wait_dma2 semaphore(%run_scoped3A_108 : memref<!tpu.dma_semaphore, #tpu.memory_space<semaphore_mem>>) src(%dma_wait3A_132 : memref<2x128xi32, #tpu.memory_space<hbm>>) dst(%dma_wait3A_130 : memref<2x128xi32, #tpu.memory_space<vmem>>)
        tpu.yield
      }) : () -> ()
      %run_scoped3A_30 = arith.constant 0 : i32
      "tpu.region"() ({
        %run_scoped3A_108 = tpu.sem_alloc : memref<!tpu.dma_semaphore, #tpu.memory_space<semaphore_mem>>
        %dma_start3A_109 = arith.constant 0 : i32
        %dma_start3A_110 = arith.constant 0 : i32
        %dma_start3A_111 = tpu.memref_slice %arg8[%run_scoped3A_30, %dma_start3A_109, %dma_start3A_110] : memref<4x2x128xi32, #tpu.memory_space<vmem>> -> memref<1x2x128xi32, #tpu.memory_space<vmem>>
        %dma_start3A_112 = tpu.memref_squeeze %dma_start3A_111 : memref<1x2x128xi32, #tpu.memory_space<vmem>> -> memref<2x128xi32, #tpu.memory_space<vmem>>
        %dma_start3A_113 = arith.constant 0 : i32
        %dma_start3A_114 = tpu.memref_slice %arg3[%mul3A_29, %dma_start3A_113] : memref<6400x128xi32, #tpu.memory_space<hbm>> -> memref<2x128xi32, #tpu.memory_space<hbm>>
        %dma_start3A_115 = arith.constant 0 : i32
        %dma_start3A_116 = arith.constant 0 : i32
        %dma_start3A_117 = tpu.memref_slice %arg8[%run_scoped3A_30, %dma_start3A_115, %dma_start3A_116] : memref<4x2x128xi32, #tpu.memory_space<vmem>> -> memref<1x2x128xi32, #tpu.memory_space<vmem>>
        %dma_start3A_118 = tpu.memref_squeeze %dma_start3A_117 : memref<1x2x128xi32, #tpu.memory_space<vmem>> -> memref<2x128xi32, #tpu.memory_space<vmem>>
        %dma_start3A_119 = arith.constant 0 : i32
        %dma_start3A_120 = tpu.memref_slice %arg3[%mul3A_29, %dma_start3A_119] : memref<6400x128xi32, #tpu.memory_space<hbm>> -> memref<2x128xi32, #tpu.memory_space<hbm>>
        tpu.enqueue_dma source(%dma_start3A_120 : memref<2x128xi32, #tpu.memory_space<hbm>>) target(%dma_start3A_118 : memref<2x128xi32, #tpu.memory_space<vmem>>) target_semaphore(%run_scoped3A_108 : memref<!tpu.dma_semaphore, #tpu.memory_space<semaphore_mem>>)
        %dma_wait3A_121 = arith.constant 0 : i32
        %dma_wait3A_122 = arith.constant 0 : i32
        %dma_wait3A_123 = tpu.memref_slice %arg8[%run_scoped3A_30, %dma_wait3A_121, %dma_wait3A_122] : memref<4x2x128xi32, #tpu.memory_space<vmem>> -> memref<1x2x128xi32, #tpu.memory_space<vmem>>
        %dma_wait3A_124 = tpu.memref_squeeze %dma_wait3A_123 : memref<1x2x128xi32, #tpu.memory_space<vmem>> -> memref<2x128xi32, #tpu.memory_space<vmem>>
        %dma_wait3A_125 = arith.constant 0 : i32
        %dma_wait3A_126 = tpu.memref_slice %arg3[%mul3A_29, %dma_wait3A_125] : memref<6400x128xi32, #tpu.memory_space<hbm>> -> memref<2x128xi32, #tpu.memory_space<hbm>>
        %dma_wait3A_127 = arith.constant 0 : i32
        %dma_wait3A_128 = arith.constant 0 : i32
        %dma_wait3A_129 = tpu.memref_slice %arg8[%run_scoped3A_30, %dma_wait3A_127, %dma_wait3A_128] : memref<4x2x128xi32, #tpu.memory_space<vmem>> -> memref<1x2x128xi32, #tpu.memory_space<vmem>>
        %dma_wait3A_130 = tpu.memref_squeeze %dma_wait3A_129 : memref<1x2x128xi32, #tpu.memory_space<vmem>> -> memref<2x128xi32, #tpu.memory_space<vmem>>
        %dma_wait3A_131 = arith.constant 0 : i32
        %dma_wait3A_132 = tpu.memref_slice %arg3[%mul3A_29, %dma_wait3A_131] : memref<6400x128xi32, #tpu.memory_space<hbm>> -> memref<2x128xi32, #tpu.memory_space<hbm>>
        tpu.wait_dma2 semaphore(%run_scoped3A_108 : memref<!tpu.dma_semaphore, #tpu.memory_space<semaphore_mem>>) src(%dma_wait3A_132 : memref<2x128xi32, #tpu.memory_space<hbm>>) dst(%dma_wait3A_130 : memref<2x128xi32, #tpu.memory_space<vmem>>)
        tpu.yield
      }) : () -> ()
      %add3A = arith.constant 2 : i32
      %add3A_31 = arith.addi %mul3A_29, %add3A : i32
      %run_scoped3A_32 = arith.constant 1 : i32
      "tpu.region"() ({
        %run_scoped3A_108 = tpu.sem_alloc : memref<!tpu.dma_semaphore, #tpu.memory_space<semaphore_mem>>
        %dma_start3A_109 = arith.constant 0 : i32
        %dma_start3A_110 = arith.constant 0 : i32
        %dma_start3A_111 = tpu.memref_slice %arg7[%run_scoped3A_32, %dma_start3A_109, %dma_start3A_110] : memref<4x2x128xi32, #tpu.memory_space<vmem>> -> memref<1x2x128xi32, #tpu.memory_space<vmem>>
        %dma_start3A_112 = tpu.memref_squeeze %dma_start3A_111 : memref<1x2x128xi32, #tpu.memory_space<vmem>> -> memref<2x128xi32, #tpu.memory_space<vmem>>
        %dma_start3A_113 = arith.constant 0 : i32
        %dma_start3A_114 = tpu.memref_slice %arg2[%add3A_31, %dma_start3A_113] : memref<6400x128xi32, #tpu.memory_space<hbm>> -> memref<2x128xi32, #tpu.memory_space<hbm>>
        %dma_start3A_115 = arith.constant 0 : i32
        %dma_start3A_116 = arith.constant 0 : i32
        %dma_start3A_117 = tpu.memref_slice %arg7[%run_scoped3A_32, %dma_start3A_115, %dma_start3A_116] : memref<4x2x128xi32, #tpu.memory_space<vmem>> -> memref<1x2x128xi32, #tpu.memory_space<vmem>>
        %dma_start3A_118 = tpu.memref_squeeze %dma_start3A_117 : memref<1x2x128xi32, #tpu.memory_space<vmem>> -> memref<2x128xi32, #tpu.memory_space<vmem>>
        %dma_start3A_119 = arith.constant 0 : i32
        %dma_start3A_120 = tpu.memref_slice %arg2[%add3A_31, %dma_start3A_119] : memref<6400x128xi32, #tpu.memory_space<hbm>> -> memref<2x128xi32, #tpu.memory_space<hbm>>
        tpu.enqueue_dma source(%dma_start3A_120 : memref<2x128xi32, #tpu.memory_space<hbm>>) target(%dma_start3A_118 : memref<2x128xi32, #tpu.memory_space<vmem>>) target_semaphore(%run_scoped3A_108 : memref<!tpu.dma_semaphore, #tpu.memory_space<semaphore_mem>>)
        %dma_wait3A_121 = arith.constant 0 : i32
        %dma_wait3A_122 = arith.constant 0 : i32
        %dma_wait3A_123 = tpu.memref_slice %arg7[%run_scoped3A_32, %dma_wait3A_121, %dma_wait3A_122] : memref<4x2x128xi32, #tpu.memory_space<vmem>> -> memref<1x2x128xi32, #tpu.memory_space<vmem>>
        %dma_wait3A_124 = tpu.memref_squeeze %dma_wait3A_123 : memref<1x2x128xi32, #tpu.memory_space<vmem>> -> memref<2x128xi32, #tpu.memory_space<vmem>>
        %dma_wait3A_125 = arith.constant 0 : i32
        %dma_wait3A_126 = tpu.memref_slice %arg2[%add3A_31, %dma_wait3A_125] : memref<6400x128xi32, #tpu.memory_space<hbm>> -> memref<2x128xi32, #tpu.memory_space<hbm>>
        %dma_wait3A_127 = arith.constant 0 : i32
        %dma_wait3A_128 = arith.constant 0 : i32
        %dma_wait3A_129 = tpu.memref_slice %arg7[%run_scoped3A_32, %dma_wait3A_127, %dma_wait3A_128] : memref<4x2x128xi32, #tpu.memory_space<vmem>> -> memref<1x2x128xi32, #tpu.memory_space<vmem>>
        %dma_wait3A_130 = tpu.memref_squeeze %dma_wait3A_129 : memref<1x2x128xi32, #tpu.memory_space<vmem>> -> memref<2x128xi32, #tpu.memory_space<vmem>>
        %dma_wait3A_131 = arith.constant 0 : i32
        %dma_wait3A_132 = tpu.memref_slice %arg2[%add3A_31, %dma_wait3A_131] : memref<6400x128xi32, #tpu.memory_space<hbm>> -> memref<2x128xi32, #tpu.memory_space<hbm>>
        tpu.wait_dma2 semaphore(%run_scoped3A_108 : memref<!tpu.dma_semaphore, #tpu.memory_space<semaphore_mem>>) src(%dma_wait3A_132 : memref<2x128xi32, #tpu.memory_space<hbm>>) dst(%dma_wait3A_130 : memref<2x128xi32, #tpu.memory_space<vmem>>)
        tpu.yield
      }) : () -> ()
      %add3A_33 = arith.constant 2 : i32
      %add3A_34 = arith.addi %mul3A_29, %add3A_33 : i32
      %run_scoped3A_35 = arith.constant 1 : i32
      "tpu.region"() ({
        %run_scoped3A_108 = tpu.sem_alloc : memref<!tpu.dma_semaphore, #tpu.memory_space<semaphore_mem>>
        %dma_start3A_109 = arith.constant 0 : i32
        %dma_start3A_110 = arith.constant 0 : i32
        %dma_start3A_111 = tpu.memref_slice %arg8[%run_scoped3A_35, %dma_start3A_109, %dma_start3A_110] : memref<4x2x128xi32, #tpu.memory_space<vmem>> -> memref<1x2x128xi32, #tpu.memory_space<vmem>>
        %dma_start3A_112 = tpu.memref_squeeze %dma_start3A_111 : memref<1x2x128xi32, #tpu.memory_space<vmem>> -> memref<2x128xi32, #tpu.memory_space<vmem>>
        %dma_start3A_113 = arith.constant 0 : i32
        %dma_start3A_114 = tpu.memref_slice %arg3[%add3A_34, %dma_start3A_113] : memref<6400x128xi32, #tpu.memory_space<hbm>> -> memref<2x128xi32, #tpu.memory_space<hbm>>
        %dma_start3A_115 = arith.constant 0 : i32
        %dma_start3A_116 = arith.constant 0 : i32
        %dma_start3A_117 = tpu.memref_slice %arg8[%run_scoped3A_35, %dma_start3A_115, %dma_start3A_116] : memref<4x2x128xi32, #tpu.memory_space<vmem>> -> memref<1x2x128xi32, #tpu.memory_space<vmem>>
        %dma_start3A_118 = tpu.memref_squeeze %dma_start3A_117 : memref<1x2x128xi32, #tpu.memory_space<vmem>> -> memref<2x128xi32, #tpu.memory_space<vmem>>
        %dma_start3A_119 = arith.constant 0 : i32
        %dma_start3A_120 = tpu.memref_slice %arg3[%add3A_34, %dma_start3A_119] : memref<6400x128xi32, #tpu.memory_space<hbm>> -> memref<2x128xi32, #tpu.memory_space<hbm>>
        tpu.enqueue_dma source(%dma_start3A_120 : memref<2x128xi32, #tpu.memory_space<hbm>>) target(%dma_start3A_118 : memref<2x128xi32, #tpu.memory_space<vmem>>) target_semaphore(%run_scoped3A_108 : memref<!tpu.dma_semaphore, #tpu.memory_space<semaphore_mem>>)
        %dma_wait3A_121 = arith.constant 0 : i32
        %dma_wait3A_122 = arith.constant 0 : i32
        %dma_wait3A_123 = tpu.memref_slice %arg8[%run_scoped3A_35, %dma_wait3A_121, %dma_wait3A_122] : memref<4x2x128xi32, #tpu.memory_space<vmem>> -> memref<1x2x128xi32, #tpu.memory_space<vmem>>
        %dma_wait3A_124 = tpu.memref_squeeze %dma_wait3A_123 : memref<1x2x128xi32, #tpu.memory_space<vmem>> -> memref<2x128xi32, #tpu.memory_space<vmem>>
        %dma_wait3A_125 = arith.constant 0 : i32
        %dma_wait3A_126 = tpu.memref_slice %arg3[%add3A_34, %dma_wait3A_125] : memref<6400x128xi32, #tpu.memory_space<hbm>> -> memref<2x128xi32, #tpu.memory_space<hbm>>
        %dma_wait3A_127 = arith.constant 0 : i32
        %dma_wait3A_128 = arith.constant 0 : i32
        %dma_wait3A_129 = tpu.memref_slice %arg8[%run_scoped3A_35, %dma_wait3A_127, %dma_wait3A_128] : memref<4x2x128xi32, #tpu.memory_space<vmem>> -> memref<1x2x128xi32, #tpu.memory_space<vmem>>
        %dma_wait3A_130 = tpu.memref_squeeze %dma_wait3A_129 : memref<1x2x128xi32, #tpu.memory_space<vmem>> -> memref<2x128xi32, #tpu.memory_space<vmem>>
        %dma_wait3A_131 = arith.constant 0 : i32
        %dma_wait3A_132 = tpu.memref_slice %arg3[%add3A_34, %dma_wait3A_131] : memref<6400x128xi32, #tpu.memory_space<hbm>> -> memref<2x128xi32, #tpu.memory_space<hbm>>
        tpu.wait_dma2 semaphore(%run_scoped3A_108 : memref<!tpu.dma_semaphore, #tpu.memory_space<semaphore_mem>>) src(%dma_wait3A_132 : memref<2x128xi32, #tpu.memory_space<hbm>>) dst(%dma_wait3A_130 : memref<2x128xi32, #tpu.memory_space<vmem>>)
        tpu.yield
      }) : () -> ()
      %dma_start3A = arith.constant 2 : i32
      %dma_start3A_36 = arith.constant 0 : i32
      %dma_start3A_37 = arith.constant 0 : i32
      %dma_start3A_38 = arith.constant 0 : i32
      %dma_start3A_39 = arith.constant 0 : i32
      %dma_start3A_40 = arith.constant 0 : i32
      %dma_start3A_41 = arith.constant 0 : i32
      %dma_start3A_42 = tpu.memref_slice %arg9[%dma_start3A_38, %dma_start3A_39, %dma_start3A_40, %dma_start3A_41] : memref<3x2x128x32xf32, #tpu.memory_space<vmem>> -> memref<1x1x128x32xf32, #tpu.memory_space<vmem>>
      %dma_start3A_43 = tpu.memref_squeeze %dma_start3A_42 : memref<1x1x128x32xf32, #tpu.memory_space<vmem>> -> memref<128x32xf32, #tpu.memory_space<vmem>>
      %dma_start3A_44 = arith.constant 0 : i32
      %dma_start3A_45 = tpu.memref_slice %arg7[%dma_start3A_36, %dma_start3A_37, %dma_start3A_44] : memref<4x2x128xi32, #tpu.memory_space<vmem>> -> memref<1x1x128xi32, #tpu.memory_space<vmem>>
      %dma_start3A_46 = tpu.memref_squeeze %dma_start3A_45 : memref<1x1x128xi32, #tpu.memory_space<vmem>> -> memref<128xi32, #tpu.memory_space<vmem>>
      %dma_start3A_47 = arith.constant 0 : i32
      %dma_start3A_48 = arith.constant 0 : i32
      %dma_start3A_49 = tpu.memref_slice %arg4[%dma_start3A, %dma_start3A_47, %dma_start3A_48] : memref<4x50176x32xf32, #tpu.memory_space<hbm>> -> memref<1x50176x32xf32, #tpu.memory_space<hbm>>
      %dma_start3A_50 = tpu.memref_squeeze %dma_start3A_49 : memref<1x50176x32xf32, #tpu.memory_space<hbm>> -> memref<50176x32xf32, #tpu.memory_space<hbm>>
      %dma_start3A_51 = arith.constant 0 : i32
      %dma_start3A_52 = arith.constant 0 : i32
      %dma_start3A_53 = tpu.memref_slice %dma_start3A_50[%dma_start3A_51, %dma_start3A_52] : memref<50176x32xf32, #tpu.memory_space<hbm>> -> memref<50176x32xf32, #tpu.memory_space<hbm>>
      tpu.enqueue_indirect_dma source(%dma_start3A_53 : memref<50176x32xf32, #tpu.memory_space<hbm>>) target(%dma_start3A_43 : memref<128x32xf32, #tpu.memory_space<vmem>>) offsets(%dma_start3A_46 : memref<128xi32, #tpu.memory_space<vmem>>) semaphore(%arg11 : memref<!tpu.dma_semaphore, #tpu.memory_space<semaphore_mem>>)
      %dma_start3A_54 = arith.constant 2 : i32
      %dma_start3A_55 = arith.constant 0 : i32
      %dma_start3A_56 = arith.constant 1 : i32
      %dma_start3A_57 = arith.constant 0 : i32
      %dma_start3A_58 = arith.constant 1 : i32
      %dma_start3A_59 = arith.constant 0 : i32
      %dma_start3A_60 = arith.constant 0 : i32
      %dma_start3A_61 = tpu.memref_slice %arg9[%dma_start3A_57, %dma_start3A_58, %dma_start3A_59, %dma_start3A_60] : memref<3x2x128x32xf32, #tpu.memory_space<vmem>> -> memref<1x1x128x32xf32, #tpu.memory_space<vmem>>
      %dma_start3A_62 = tpu.memref_squeeze %dma_start3A_61 : memref<1x1x128x32xf32, #tpu.memory_space<vmem>> -> memref<128x32xf32, #tpu.memory_space<vmem>>
      %dma_start3A_63 = arith.constant 0 : i32
      %dma_start3A_64 = tpu.memref_slice %arg7[%dma_start3A_55, %dma_start3A_56, %dma_start3A_63] : memref<4x2x128xi32, #tpu.memory_space<vmem>> -> memref<1x1x128xi32, #tpu.memory_space<vmem>>
      %dma_start3A_65 = tpu.memref_squeeze %dma_start3A_64 : memref<1x1x128xi32, #tpu.memory_space<vmem>> -> memref<128xi32, #tpu.memory_space<vmem>>
      %dma_start3A_66 = arith.constant 0 : i32
      %dma_start3A_67 = arith.constant 0 : i32
      %dma_start3A_68 = tpu.memref_slice %arg4[%dma_start3A_54, %dma_start3A_66, %dma_start3A_67] : memref<4x50176x32xf32, #tpu.memory_space<hbm>> -> memref<1x50176x32xf32, #tpu.memory_space<hbm>>
      %dma_start3A_69 = tpu.memref_squeeze %dma_start3A_68 : memref<1x50176x32xf32, #tpu.memory_space<hbm>> -> memref<50176x32xf32, #tpu.memory_space<hbm>>
      %dma_start3A_70 = arith.constant 0 : i32
      %dma_start3A_71 = arith.constant 0 : i32
      %dma_start3A_72 = tpu.memref_slice %dma_start3A_69[%dma_start3A_70, %dma_start3A_71] : memref<50176x32xf32, #tpu.memory_space<hbm>> -> memref<50176x32xf32, #tpu.memory_space<hbm>>
      tpu.enqueue_indirect_dma source(%dma_start3A_72 : memref<50176x32xf32, #tpu.memory_space<hbm>>) target(%dma_start3A_62 : memref<128x32xf32, #tpu.memory_space<vmem>>) offsets(%dma_start3A_65 : memref<128xi32, #tpu.memory_space<vmem>>) semaphore(%arg11 : memref<!tpu.dma_semaphore, #tpu.memory_space<semaphore_mem>>)
      %scan3A_73 = arith.constant 2 : i32
      %scan3A_74 = arith.constant 0 : i32
      %scan3A_75 = arith.constant 200 : i32
      %scan3A_76 = arith.addi %scan3A_74, %scan3A_75 : i32
      %scan3A_77 = arith.constant 1 : i32
      scf.for %scan3A_108 = %scan3A_74 to %scan3A_76 step %scan3A_77  : i32 {
        %mul3A_109 = arith.constant 1 : i32
        %mul3A_110 = arith.muli %scan3A_108, %mul3A_109 : i32
        %add3A_111 = arith.constant 0 : i32
        %add3A_112 = arith.addi %add3A_111, %mul3A_110 : i32
        %rem3A = arith.constant 4 : i32
        %rem3A_113 = arith.remsi %add3A_112, %rem3A : i32
        %add3A_114 = arith.constant 1 : i32
        %add3A_115 = arith.addi %add3A_112, %add3A_114 : i32
        %rem3A_116 = arith.constant 4 : i32
        %rem3A_117 = arith.remsi %add3A_115, %rem3A_116 : i32
        %add3A_118 = arith.constant 2 : i32
        %add3A_119 = arith.addi %add3A_112, %add3A_118 : i32
        %rem3A_120 = arith.constant 4 : i32
        %rem3A_121 = arith.remsi %add3A_119, %rem3A_120 : i32
        %rem3A_122 = arith.constant 3 : i32
        %rem3A_123 = arith.remsi %add3A_112, %rem3A_122 : i32
        %add3A_124 = arith.constant 1 : i32
        %add3A_125 = arith.addi %add3A_112, %add3A_124 : i32
        %rem3A_126 = arith.constant 3 : i32
        %rem3A_127 = arith.remsi %add3A_125, %rem3A_126 : i32
        %gt3A = arith.constant 0 : i32
        %gt3A_128 = arith.cmpi sgt, %add3A_112, %gt3A : i32
        %lt3A = arith.constant 199 : i32
        %lt3A_129 = arith.cmpi slt, %add3A_112, %lt3A : i32
        %and3A = arith.andi %gt3A_128, %lt3A_129 : i1
        %convert_element_type3A_130 = arith.extui %and3A : i1 to i32
        %cond3A_131 = arith.constant 0 : i32
        %cond3A_132 = arith.cmpi ne, %convert_element_type3A_130, %cond3A_131 : i32
        scf.if %cond3A_132 {
          %dma_wait3A_181 = arith.constant 0 : i32
          %dma_wait3A_182 = arith.constant 0 : i32
          %dma_wait3A_183 = arith.constant 0 : i32
          %dma_wait3A_184 = tpu.memref_slice %arg7[%dma_wait3A_181, %dma_wait3A_182, %dma_wait3A_183] : memref<4x2x128xi32, #tpu.memory_space<vmem>> -> memref<1x2x128xi32, #tpu.memory_space<vmem>>
          %dma_wait3A_185 = tpu.memref_squeeze %dma_wait3A_184 : memref<1x2x128xi32, #tpu.memory_space<vmem>> -> memref<2x128xi32, #tpu.memory_space<vmem>>
          %dma_wait3A_186 = arith.constant 0 : i32
          %dma_wait3A_187 = tpu.memref_slice %arg2[%mul3A_29, %dma_wait3A_186] : memref<6400x128xi32, #tpu.memory_space<hbm>> -> memref<2x128xi32, #tpu.memory_space<hbm>>
          %dma_wait3A_188 = arith.constant 0 : i32
          %dma_wait3A_189 = arith.constant 0 : i32
          %dma_wait3A_190 = tpu.memref_slice %arg7[%dma_wait3A_181, %dma_wait3A_188, %dma_wait3A_189] : memref<4x2x128xi32, #tpu.memory_space<vmem>> -> memref<1x2x128xi32, #tpu.memory_space<vmem>>
          %dma_wait3A_191 = tpu.memref_squeeze %dma_wait3A_190 : memref<1x2x128xi32, #tpu.memory_space<vmem>> -> memref<2x128xi32, #tpu.memory_space<vmem>>
          %dma_wait3A_192 = arith.constant 0 : i32
          %dma_wait3A_193 = tpu.memref_slice %arg2[%mul3A_29, %dma_wait3A_192] : memref<6400x128xi32, #tpu.memory_space<hbm>> -> memref<2x128xi32, #tpu.memory_space<hbm>>
          tpu.wait_dma2 semaphore(%arg14 : memref<!tpu.dma_semaphore, #tpu.memory_space<semaphore_mem>>) src(%dma_wait3A_193 : memref<2x128xi32, #tpu.memory_space<hbm>>) dst(%dma_wait3A_191 : memref<2x128xi32, #tpu.memory_space<vmem>>)
          %dma_wait3A_194 = arith.constant 0 : i32
          %dma_wait3A_195 = arith.constant 0 : i32
          %dma_wait3A_196 = arith.constant 0 : i32
          %dma_wait3A_197 = tpu.memref_slice %arg8[%dma_wait3A_194, %dma_wait3A_195, %dma_wait3A_196] : memref<4x2x128xi32, #tpu.memory_space<vmem>> -> memref<1x2x128xi32, #tpu.memory_space<vmem>>
          %dma_wait3A_198 = tpu.memref_squeeze %dma_wait3A_197 : memref<1x2x128xi32, #tpu.memory_space<vmem>> -> memref<2x128xi32, #tpu.memory_space<vmem>>
          %dma_wait3A_199 = arith.constant 0 : i32
          %dma_wait3A_200 = tpu.memref_slice %arg3[%mul3A_29, %dma_wait3A_199] : memref<6400x128xi32, #tpu.memory_space<hbm>> -> memref<2x128xi32, #tpu.memory_space<hbm>>
          %dma_wait3A_201 = arith.constant 0 : i32
          %dma_wait3A_202 = arith.constant 0 : i32
          %dma_wait3A_203 = tpu.memref_slice %arg8[%dma_wait3A_194, %dma_wait3A_201, %dma_wait3A_202] : memref<4x2x128xi32, #tpu.memory_space<vmem>> -> memref<1x2x128xi32, #tpu.memory_space<vmem>>
          %dma_wait3A_204 = tpu.memref_squeeze %dma_wait3A_203 : memref<1x2x128xi32, #tpu.memory_space<vmem>> -> memref<2x128xi32, #tpu.memory_space<vmem>>
          %dma_wait3A_205 = arith.constant 0 : i32
          %dma_wait3A_206 = tpu.memref_slice %arg3[%mul3A_29, %dma_wait3A_205] : memref<6400x128xi32, #tpu.memory_space<hbm>> -> memref<2x128xi32, #tpu.memory_space<hbm>>
          tpu.wait_dma2 semaphore(%arg14 : memref<!tpu.dma_semaphore, #tpu.memory_space<semaphore_mem>>) src(%dma_wait3A_206 : memref<2x128xi32, #tpu.memory_space<hbm>>) dst(%dma_wait3A_204 : memref<2x128xi32, #tpu.memory_space<vmem>>)
        } else {
        }
        %rem3A_133 = arith.constant 2 : i32
        %rem3A_134 = arith.remsi %add3A_112, %rem3A_133 : i32
        %eq3A_135 = arith.constant 0 : i32
        %eq3A_136 = arith.cmpi eq, %rem3A_134, %eq3A_135 : i32
        %convert_element_type3A_137 = arith.extui %eq3A_136 : i1 to i32
        %cond3A_138 = arith.constant 0 : i32
        %cond3A_139 = arith.cmpi ne, %convert_element_type3A_137, %cond3A_138 : i32
        scf.if %cond3A_139 {
          %lt3A_181 = arith.constant 199 : i32
          %lt3A_182 = arith.cmpi slt, %add3A_112, %lt3A_181 : i32
          %convert_element_type3A_183 = arith.extui %lt3A_182 : i1 to i32
          %cond3A_184 = arith.constant 0 : i32
          %cond3A_185 = arith.cmpi ne, %convert_element_type3A_183, %cond3A_184 : i32
          scf.if %cond3A_185 {
            %dma_start3A_222 = arith.constant 0 : i32
            %dma_start3A_223 = arith.constant 0 : i32
            %dma_start3A_224 = arith.constant 0 : i32
            %dma_start3A_225 = arith.constant 0 : i32
            %dma_start3A_226 = tpu.memref_slice %arg9[%rem3A_127, %dma_start3A_223, %dma_start3A_224, %dma_start3A_225] : memref<3x2x128x32xf32, #tpu.memory_space<vmem>> -> memref<1x1x128x32xf32, #tpu.memory_space<vmem>>
            %dma_start3A_227 = tpu.memref_squeeze %dma_start3A_226 : memref<1x1x128x32xf32, #tpu.memory_space<vmem>> -> memref<128x32xf32, #tpu.memory_space<vmem>>
            %dma_start3A_228 = arith.constant 0 : i32
            %dma_start3A_229 = tpu.memref_slice %arg7[%rem3A_117, %dma_start3A_222, %dma_start3A_228] : memref<4x2x128xi32, #tpu.memory_space<vmem>> -> memref<1x1x128xi32, #tpu.memory_space<vmem>>
            %dma_start3A_230 = tpu.memref_squeeze %dma_start3A_229 : memref<1x1x128xi32, #tpu.memory_space<vmem>> -> memref<128xi32, #tpu.memory_space<vmem>>
            %dma_start3A_231 = arith.constant 0 : i32
            %dma_start3A_232 = arith.constant 0 : i32
            %dma_start3A_233 = tpu.memref_slice %arg4[%scan3A_73, %dma_start3A_231, %dma_start3A_232] : memref<4x50176x32xf32, #tpu.memory_space<hbm>> -> memref<1x50176x32xf32, #tpu.memory_space<hbm>>
            %dma_start3A_234 = tpu.memref_squeeze %dma_start3A_233 : memref<1x50176x32xf32, #tpu.memory_space<hbm>> -> memref<50176x32xf32, #tpu.memory_space<hbm>>
            %dma_start3A_235 = arith.constant 0 : i32
            %dma_start3A_236 = arith.constant 0 : i32
            %dma_start3A_237 = tpu.memref_slice %dma_start3A_234[%dma_start3A_235, %dma_start3A_236] : memref<50176x32xf32, #tpu.memory_space<hbm>> -> memref<50176x32xf32, #tpu.memory_space<hbm>>
            tpu.enqueue_indirect_dma source(%dma_start3A_237 : memref<50176x32xf32, #tpu.memory_space<hbm>>) target(%dma_start3A_227 : memref<128x32xf32, #tpu.memory_space<vmem>>) offsets(%dma_start3A_230 : memref<128xi32, #tpu.memory_space<vmem>>) semaphore(%arg12 : memref<!tpu.dma_semaphore, #tpu.memory_space<semaphore_mem>>)
            %dma_start3A_238 = arith.constant 1 : i32
            %dma_start3A_239 = arith.constant 1 : i32
            %dma_start3A_240 = arith.constant 0 : i32
            %dma_start3A_241 = arith.constant 0 : i32
            %dma_start3A_242 = tpu.memref_slice %arg9[%rem3A_127, %dma_start3A_239, %dma_start3A_240, %dma_start3A_241] : memref<3x2x128x32xf32, #tpu.memory_space<vmem>> -> memref<1x1x128x32xf32, #tpu.memory_space<vmem>>
            %dma_start3A_243 = tpu.memref_squeeze %dma_start3A_242 : memref<1x1x128x32xf32, #tpu.memory_space<vmem>> -> memref<128x32xf32, #tpu.memory_space<vmem>>
            %dma_start3A_244 = arith.constant 0 : i32
            %dma_start3A_245 = tpu.memref_slice %arg7[%rem3A_117, %dma_start3A_238, %dma_start3A_244] : memref<4x2x128xi32, #tpu.memory_space<vmem>> -> memref<1x1x128xi32, #tpu.memory_space<vmem>>
            %dma_start3A_246 = tpu.memref_squeeze %dma_start3A_245 : memref<1x1x128xi32, #tpu.memory_space<vmem>> -> memref<128xi32, #tpu.memory_space<vmem>>
            %dma_start3A_247 = arith.constant 0 : i32
            %dma_start3A_248 = arith.constant 0 : i32
            %dma_start3A_249 = tpu.memref_slice %arg4[%scan3A_73, %dma_start3A_247, %dma_start3A_248] : memref<4x50176x32xf32, #tpu.memory_space<hbm>> -> memref<1x50176x32xf32, #tpu.memory_space<hbm>>
            %dma_start3A_250 = tpu.memref_squeeze %dma_start3A_249 : memref<1x50176x32xf32, #tpu.memory_space<hbm>> -> memref<50176x32xf32, #tpu.memory_space<hbm>>
            %dma_start3A_251 = arith.constant 0 : i32
            %dma_start3A_252 = arith.constant 0 : i32
            %dma_start3A_253 = tpu.memref_slice %dma_start3A_250[%dma_start3A_251, %dma_start3A_252] : memref<50176x32xf32, #tpu.memory_space<hbm>> -> memref<50176x32xf32, #tpu.memory_space<hbm>>
            tpu.enqueue_indirect_dma source(%dma_start3A_253 : memref<50176x32xf32, #tpu.memory_space<hbm>>) target(%dma_start3A_243 : memref<128x32xf32, #tpu.memory_space<vmem>>) offsets(%dma_start3A_246 : memref<128xi32, #tpu.memory_space<vmem>>) semaphore(%arg12 : memref<!tpu.dma_semaphore, #tpu.memory_space<semaphore_mem>>)
          } else {
          }
          %dma_wait3A_186 = arith.constant 0 : i32
          %dma_wait3A_187 = arith.constant 0 : i32
          %dma_wait3A_188 = arith.constant 0 : i32
          %dma_wait3A_189 = arith.constant 0 : i32
          %dma_wait3A_190 = arith.constant 0 : i32
          %dma_wait3A_191 = arith.constant 0 : i32
          %dma_wait3A_192 = tpu.memref_slice %arg9[%dma_wait3A_188, %dma_wait3A_189, %dma_wait3A_190, %dma_wait3A_191] : memref<3x2x128x32xf32, #tpu.memory_space<vmem>> -> memref<1x1x128x32xf32, #tpu.memory_space<vmem>>
          %dma_wait3A_193 = tpu.memref_squeeze %dma_wait3A_192 : memref<1x1x128x32xf32, #tpu.memory_space<vmem>> -> memref<128x32xf32, #tpu.memory_space<vmem>>
          %dma_wait3A_194 = arith.constant 0 : i32
          %dma_wait3A_195 = tpu.memref_slice %arg7[%dma_wait3A_186, %dma_wait3A_187, %dma_wait3A_194] : memref<4x2x128xi32, #tpu.memory_space<vmem>> -> memref<1x1x128xi32, #tpu.memory_space<vmem>>
          %dma_wait3A_196 = tpu.memref_squeeze %dma_wait3A_195 : memref<1x1x128xi32, #tpu.memory_space<vmem>> -> memref<128xi32, #tpu.memory_space<vmem>>
          %dma_wait3A_197 = arith.constant 0 : i32
          %dma_wait3A_198 = arith.constant 0 : i32
          %dma_wait3A_199 = tpu.memref_slice %arg4[%scan3A_73, %dma_wait3A_197, %dma_wait3A_198] : memref<4x50176x32xf32, #tpu.memory_space<hbm>> -> memref<1x50176x32xf32, #tpu.memory_space<hbm>>
          %dma_wait3A_200 = tpu.memref_squeeze %dma_wait3A_199 : memref<1x50176x32xf32, #tpu.memory_space<hbm>> -> memref<50176x32xf32, #tpu.memory_space<hbm>>
          %dma_wait3A_201 = arith.constant 0 : i32
          %dma_wait3A_202 = arith.constant 0 : i32
          %dma_wait3A_203 = tpu.memref_slice %dma_wait3A_200[%dma_wait3A_201, %dma_wait3A_202] : memref<50176x32xf32, #tpu.memory_space<hbm>> -> memref<50176x32xf32, #tpu.memory_space<hbm>>
          tpu.wait_indirect_dma semaphore(%arg11 : memref<!tpu.dma_semaphore, #tpu.memory_space<semaphore_mem>>) src(%dma_wait3A_203 : memref<50176x32xf32, #tpu.memory_space<hbm>>) dst(%dma_wait3A_193 : memref<128x32xf32, #tpu.memory_space<vmem>>)
          %dma_wait3A_204 = arith.constant 0 : i32
          %dma_wait3A_205 = arith.constant 1 : i32
          %dma_wait3A_206 = arith.constant 0 : i32
          %dma_wait3A_207 = arith.constant 1 : i32
          %dma_wait3A_208 = arith.constant 0 : i32
          %dma_wait3A_209 = arith.constant 0 : i32
          %dma_wait3A_210 = tpu.memref_slice %arg9[%dma_wait3A_206, %dma_wait3A_207, %dma_wait3A_208, %dma_wait3A_209] : memref<3x2x128x32xf32, #tpu.memory_space<vmem>> -> memref<1x1x128x32xf32, #tpu.memory_space<vmem>>
          %dma_wait3A_211 = tpu.memref_squeeze %dma_wait3A_210 : memref<1x1x128x32xf32, #tpu.memory_space<vmem>> -> memref<128x32xf32, #tpu.memory_space<vmem>>
          %dma_wait3A_212 = arith.constant 0 : i32
          %dma_wait3A_213 = tpu.memref_slice %arg7[%dma_wait3A_204, %dma_wait3A_205, %dma_wait3A_212] : memref<4x2x128xi32, #tpu.memory_space<vmem>> -> memref<1x1x128xi32, #tpu.memory_space<vmem>>
          %dma_wait3A_214 = tpu.memref_squeeze %dma_wait3A_213 : memref<1x1x128xi32, #tpu.memory_space<vmem>> -> memref<128xi32, #tpu.memory_space<vmem>>
          %dma_wait3A_215 = arith.constant 0 : i32
          %dma_wait3A_216 = arith.constant 0 : i32
          %dma_wait3A_217 = tpu.memref_slice %arg4[%scan3A_73, %dma_wait3A_215, %dma_wait3A_216] : memref<4x50176x32xf32, #tpu.memory_space<hbm>> -> memref<1x50176x32xf32, #tpu.memory_space<hbm>>
          %dma_wait3A_218 = tpu.memref_squeeze %dma_wait3A_217 : memref<1x50176x32xf32, #tpu.memory_space<hbm>> -> memref<50176x32xf32, #tpu.memory_space<hbm>>
          %dma_wait3A_219 = arith.constant 0 : i32
          %dma_wait3A_220 = arith.constant 0 : i32
          %dma_wait3A_221 = tpu.memref_slice %dma_wait3A_218[%dma_wait3A_219, %dma_wait3A_220] : memref<50176x32xf32, #tpu.memory_space<hbm>> -> memref<50176x32xf32, #tpu.memory_space<hbm>>
          tpu.wait_indirect_dma semaphore(%arg11 : memref<!tpu.dma_semaphore, #tpu.memory_space<semaphore_mem>>) src(%dma_wait3A_221 : memref<50176x32xf32, #tpu.memory_space<hbm>>) dst(%dma_wait3A_211 : memref<128x32xf32, #tpu.memory_space<vmem>>)
        } else {
        }
        %rem3A_140 = arith.constant 2 : i32
        %rem3A_141 = arith.remsi %add3A_112, %rem3A_140 : i32
        %eq3A_142 = arith.constant 1 : i32
        %eq3A_143 = arith.cmpi eq, %rem3A_141, %eq3A_142 : i32
        %convert_element_type3A_144 = arith.extui %eq3A_143 : i1 to i32
        %cond3A_145 = arith.constant 0 : i32
        %cond3A_146 = arith.cmpi ne, %convert_element_type3A_144, %cond3A_145 : i32
        scf.if %cond3A_146 {
          %lt3A_181 = arith.constant 199 : i32
          %lt3A_182 = arith.cmpi slt, %add3A_112, %lt3A_181 : i32
          %convert_element_type3A_183 = arith.extui %lt3A_182 : i1 to i32
          %cond3A_184 = arith.constant 0 : i32
          %cond3A_185 = arith.cmpi ne, %convert_element_type3A_183, %cond3A_184 : i32
          scf.if %cond3A_185 {
            %dma_start3A_222 = arith.constant 0 : i32
            %dma_start3A_223 = arith.constant 0 : i32
            %dma_start3A_224 = arith.constant 0 : i32
            %dma_start3A_225 = arith.constant 0 : i32
            %dma_start3A_226 = tpu.memref_slice %arg9[%rem3A_127, %dma_start3A_223, %dma_start3A_224, %dma_start3A_225] : memref<3x2x128x32xf32, #tpu.memory_space<vmem>> -> memref<1x1x128x32xf32, #tpu.memory_space<vmem>>
            %dma_start3A_227 = tpu.memref_squeeze %dma_start3A_226 : memref<1x1x128x32xf32, #tpu.memory_space<vmem>> -> memref<128x32xf32, #tpu.memory_space<vmem>>
            %dma_start3A_228 = arith.constant 0 : i32
            %dma_start3A_229 = tpu.memref_slice %arg7[%rem3A_117, %dma_start3A_222, %dma_start3A_228] : memref<4x2x128xi32, #tpu.memory_space<vmem>> -> memref<1x1x128xi32, #tpu.memory_space<vmem>>
            %dma_start3A_230 = tpu.memref_squeeze %dma_start3A_229 : memref<1x1x128xi32, #tpu.memory_space<vmem>> -> memref<128xi32, #tpu.memory_space<vmem>>
            %dma_start3A_231 = arith.constant 0 : i32
            %dma_start3A_232 = arith.constant 0 : i32
            %dma_start3A_233 = tpu.memref_slice %arg4[%scan3A_73, %dma_start3A_231, %dma_start3A_232] : memref<4x50176x32xf32, #tpu.memory_space<hbm>> -> memref<1x50176x32xf32, #tpu.memory_space<hbm>>
            %dma_start3A_234 = tpu.memref_squeeze %dma_start3A_233 : memref<1x50176x32xf32, #tpu.memory_space<hbm>> -> memref<50176x32xf32, #tpu.memory_space<hbm>>
            %dma_start3A_235 = arith.constant 0 : i32
            %dma_start3A_236 = arith.constant 0 : i32
            %dma_start3A_237 = tpu.memref_slice %dma_start3A_234[%dma_start3A_235, %dma_start3A_236] : memref<50176x32xf32, #tpu.memory_space<hbm>> -> memref<50176x32xf32, #tpu.memory_space<hbm>>
            tpu.enqueue_indirect_dma source(%dma_start3A_237 : memref<50176x32xf32, #tpu.memory_space<hbm>>) target(%dma_start3A_227 : memref<128x32xf32, #tpu.memory_space<vmem>>) offsets(%dma_start3A_230 : memref<128xi32, #tpu.memory_space<vmem>>) semaphore(%arg11 : memref<!tpu.dma_semaphore, #tpu.memory_space<semaphore_mem>>)
            %dma_start3A_238 = arith.constant 1 : i32
            %dma_start3A_239 = arith.constant 1 : i32
            %dma_start3A_240 = arith.constant 0 : i32
            %dma_start3A_241 = arith.constant 0 : i32
            %dma_start3A_242 = tpu.memref_slice %arg9[%rem3A_127, %dma_start3A_239, %dma_start3A_240, %dma_start3A_241] : memref<3x2x128x32xf32, #tpu.memory_space<vmem>> -> memref<1x1x128x32xf32, #tpu.memory_space<vmem>>
            %dma_start3A_243 = tpu.memref_squeeze %dma_start3A_242 : memref<1x1x128x32xf32, #tpu.memory_space<vmem>> -> memref<128x32xf32, #tpu.memory_space<vmem>>
            %dma_start3A_244 = arith.constant 0 : i32
            %dma_start3A_245 = tpu.memref_slice %arg7[%rem3A_117, %dma_start3A_238, %dma_start3A_244] : memref<4x2x128xi32, #tpu.memory_space<vmem>> -> memref<1x1x128xi32, #tpu.memory_space<vmem>>
            %dma_start3A_246 = tpu.memref_squeeze %dma_start3A_245 : memref<1x1x128xi32, #tpu.memory_space<vmem>> -> memref<128xi32, #tpu.memory_space<vmem>>
            %dma_start3A_247 = arith.constant 0 : i32
            %dma_start3A_248 = arith.constant 0 : i32
            %dma_start3A_249 = tpu.memref_slice %arg4[%scan3A_73, %dma_start3A_247, %dma_start3A_248] : memref<4x50176x32xf32, #tpu.memory_space<hbm>> -> memref<1x50176x32xf32, #tpu.memory_space<hbm>>
            %dma_start3A_250 = tpu.memref_squeeze %dma_start3A_249 : memref<1x50176x32xf32, #tpu.memory_space<hbm>> -> memref<50176x32xf32, #tpu.memory_space<hbm>>
            %dma_start3A_251 = arith.constant 0 : i32
            %dma_start3A_252 = arith.constant 0 : i32
            %dma_start3A_253 = tpu.memref_slice %dma_start3A_250[%dma_start3A_251, %dma_start3A_252] : memref<50176x32xf32, #tpu.memory_space<hbm>> -> memref<50176x32xf32, #tpu.memory_space<hbm>>
            tpu.enqueue_indirect_dma source(%dma_start3A_253 : memref<50176x32xf32, #tpu.memory_space<hbm>>) target(%dma_start3A_243 : memref<128x32xf32, #tpu.memory_space<vmem>>) offsets(%dma_start3A_246 : memref<128xi32, #tpu.memory_space<vmem>>) semaphore(%arg11 : memref<!tpu.dma_semaphore, #tpu.memory_space<semaphore_mem>>)
          } else {
          }
          %dma_wait3A_186 = arith.constant 0 : i32
          %dma_wait3A_187 = arith.constant 0 : i32
          %dma_wait3A_188 = arith.constant 0 : i32
          %dma_wait3A_189 = arith.constant 0 : i32
          %dma_wait3A_190 = arith.constant 0 : i32
          %dma_wait3A_191 = arith.constant 0 : i32
          %dma_wait3A_192 = tpu.memref_slice %arg9[%dma_wait3A_188, %dma_wait3A_189, %dma_wait3A_190, %dma_wait3A_191] : memref<3x2x128x32xf32, #tpu.memory_space<vmem>> -> memref<1x1x128x32xf32, #tpu.memory_space<vmem>>
          %dma_wait3A_193 = tpu.memref_squeeze %dma_wait3A_192 : memref<1x1x128x32xf32, #tpu.memory_space<vmem>> -> memref<128x32xf32, #tpu.memory_space<vmem>>
          %dma_wait3A_194 = arith.constant 0 : i32
          %dma_wait3A_195 = tpu.memref_slice %arg7[%dma_wait3A_186, %dma_wait3A_187, %dma_wait3A_194] : memref<4x2x128xi32, #tpu.memory_space<vmem>> -> memref<1x1x128xi32, #tpu.memory_space<vmem>>
          %dma_wait3A_196 = tpu.memref_squeeze %dma_wait3A_195 : memref<1x1x128xi32, #tpu.memory_space<vmem>> -> memref<128xi32, #tpu.memory_space<vmem>>
          %dma_wait3A_197 = arith.constant 0 : i32
          %dma_wait3A_198 = arith.constant 0 : i32
          %dma_wait3A_199 = tpu.memref_slice %arg4[%scan3A_73, %dma_wait3A_197, %dma_wait3A_198] : memref<4x50176x32xf32, #tpu.memory_space<hbm>> -> memref<1x50176x32xf32, #tpu.memory_space<hbm>>
          %dma_wait3A_200 = tpu.memref_squeeze %dma_wait3A_199 : memref<1x50176x32xf32, #tpu.memory_space<hbm>> -> memref<50176x32xf32, #tpu.memory_space<hbm>>
          %dma_wait3A_201 = arith.constant 0 : i32
          %dma_wait3A_202 = arith.constant 0 : i32
          %dma_wait3A_203 = tpu.memref_slice %dma_wait3A_200[%dma_wait3A_201, %dma_wait3A_202] : memref<50176x32xf32, #tpu.memory_space<hbm>> -> memref<50176x32xf32, #tpu.memory_space<hbm>>
          tpu.wait_indirect_dma semaphore(%arg12 : memref<!tpu.dma_semaphore, #tpu.memory_space<semaphore_mem>>) src(%dma_wait3A_203 : memref<50176x32xf32, #tpu.memory_space<hbm>>) dst(%dma_wait3A_193 : memref<128x32xf32, #tpu.memory_space<vmem>>)
          %dma_wait3A_204 = arith.constant 0 : i32
          %dma_wait3A_205 = arith.constant 1 : i32
          %dma_wait3A_206 = arith.constant 0 : i32
          %dma_wait3A_207 = arith.constant 1 : i32
          %dma_wait3A_208 = arith.constant 0 : i32
          %dma_wait3A_209 = arith.constant 0 : i32
          %dma_wait3A_210 = tpu.memref_slice %arg9[%dma_wait3A_206, %dma_wait3A_207, %dma_wait3A_208, %dma_wait3A_209] : memref<3x2x128x32xf32, #tpu.memory_space<vmem>> -> memref<1x1x128x32xf32, #tpu.memory_space<vmem>>
          %dma_wait3A_211 = tpu.memref_squeeze %dma_wait3A_210 : memref<1x1x128x32xf32, #tpu.memory_space<vmem>> -> memref<128x32xf32, #tpu.memory_space<vmem>>
          %dma_wait3A_212 = arith.constant 0 : i32
          %dma_wait3A_213 = tpu.memref_slice %arg7[%dma_wait3A_204, %dma_wait3A_205, %dma_wait3A_212] : memref<4x2x128xi32, #tpu.memory_space<vmem>> -> memref<1x1x128xi32, #tpu.memory_space<vmem>>
          %dma_wait3A_214 = tpu.memref_squeeze %dma_wait3A_213 : memref<1x1x128xi32, #tpu.memory_space<vmem>> -> memref<128xi32, #tpu.memory_space<vmem>>
          %dma_wait3A_215 = arith.constant 0 : i32
          %dma_wait3A_216 = arith.constant 0 : i32
          %dma_wait3A_217 = tpu.memref_slice %arg4[%scan3A_73, %dma_wait3A_215, %dma_wait3A_216] : memref<4x50176x32xf32, #tpu.memory_space<hbm>> -> memref<1x50176x32xf32, #tpu.memory_space<hbm>>
          %dma_wait3A_218 = tpu.memref_squeeze %dma_wait3A_217 : memref<1x50176x32xf32, #tpu.memory_space<hbm>> -> memref<50176x32xf32, #tpu.memory_space<hbm>>
          %dma_wait3A_219 = arith.constant 0 : i32
          %dma_wait3A_220 = arith.constant 0 : i32
          %dma_wait3A_221 = tpu.memref_slice %dma_wait3A_218[%dma_wait3A_219, %dma_wait3A_220] : memref<50176x32xf32, #tpu.memory_space<hbm>> -> memref<50176x32xf32, #tpu.memory_space<hbm>>
          tpu.wait_indirect_dma semaphore(%arg12 : memref<!tpu.dma_semaphore, #tpu.memory_space<semaphore_mem>>) src(%dma_wait3A_221 : memref<50176x32xf32, #tpu.memory_space<hbm>>) dst(%dma_wait3A_211 : memref<128x32xf32, #tpu.memory_space<vmem>>)
        } else {
        }
        %lt3A_147 = arith.constant 198 : i32
        %lt3A_148 = arith.cmpi slt, %add3A_112, %lt3A_147 : i32
        %convert_element_type3A_149 = arith.extui %lt3A_148 : i1 to i32
        %cond3A_150 = arith.constant 0 : i32
        %cond3A_151 = arith.cmpi ne, %convert_element_type3A_149, %cond3A_150 : i32
        scf.if %cond3A_151 {
          %mul3A_181 = arith.constant 400 : i32
          %mul3A_182 = arith.muli %arg1, %mul3A_181 : i32
          %add3A_183 = arith.constant 2 : i32
          %add3A_184 = arith.addi %add3A_112, %add3A_183 : i32
          %mul3A_185 = arith.constant 2 : i32
          %mul3A_186 = arith.muli %add3A_184, %mul3A_185 : i32
          %add3A_187 = arith.addi %mul3A_182, %mul3A_186 : i32
          %dma_start3A_188 = arith.constant 0 : i32
          %dma_start3A_189 = arith.constant 0 : i32
          %dma_start3A_190 = tpu.memref_slice %arg7[%rem3A_121, %dma_start3A_188, %dma_start3A_189] : memref<4x2x128xi32, #tpu.memory_space<vmem>> -> memref<1x2x128xi32, #tpu.memory_space<vmem>>
          %dma_start3A_191 = tpu.memref_squeeze %dma_start3A_190 : memref<1x2x128xi32, #tpu.memory_space<vmem>> -> memref<2x128xi32, #tpu.memory_space<vmem>>
          %dma_start3A_192 = arith.constant 0 : i32
          %dma_start3A_193 = tpu.memref_slice %arg2[%add3A_187, %dma_start3A_192] : memref<6400x128xi32, #tpu.memory_space<hbm>> -> memref<2x128xi32, #tpu.memory_space<hbm>>
          %dma_start3A_194 = arith.constant 0 : i32
          %dma_start3A_195 = arith.constant 0 : i32
          %dma_start3A_196 = tpu.memref_slice %arg7[%rem3A_121, %dma_start3A_194, %dma_start3A_195] : memref<4x2x128xi32, #tpu.memory_space<vmem>> -> memref<1x2x128xi32, #tpu.memory_space<vmem>>
          %dma_start3A_197 = tpu.memref_squeeze %dma_start3A_196 : memref<1x2x128xi32, #tpu.memory_space<vmem>> -> memref<2x128xi32, #tpu.memory_space<vmem>>
          %dma_start3A_198 = arith.constant 0 : i32
          %dma_start3A_199 = tpu.memref_slice %arg2[%add3A_187, %dma_start3A_198] : memref<6400x128xi32, #tpu.memory_space<hbm>> -> memref<2x128xi32, #tpu.memory_space<hbm>>
          tpu.enqueue_dma source(%dma_start3A_199 : memref<2x128xi32, #tpu.memory_space<hbm>>) target(%dma_start3A_197 : memref<2x128xi32, #tpu.memory_space<vmem>>) target_semaphore(%arg14 : memref<!tpu.dma_semaphore, #tpu.memory_space<semaphore_mem>>)
          %dma_start3A_200 = arith.constant 0 : i32
          %dma_start3A_201 = arith.constant 0 : i32
          %dma_start3A_202 = tpu.memref_slice %arg8[%rem3A_121, %dma_start3A_200, %dma_start3A_201] : memref<4x2x128xi32, #tpu.memory_space<vmem>> -> memref<1x2x128xi32, #tpu.memory_space<vmem>>
          %dma_start3A_203 = tpu.memref_squeeze %dma_start3A_202 : memref<1x2x128xi32, #tpu.memory_space<vmem>> -> memref<2x128xi32, #tpu.memory_space<vmem>>
          %dma_start3A_204 = arith.constant 0 : i32
          %dma_start3A_205 = tpu.memref_slice %arg3[%add3A_187, %dma_start3A_204] : memref<6400x128xi32, #tpu.memory_space<hbm>> -> memref<2x128xi32, #tpu.memory_space<hbm>>
          %dma_start3A_206 = arith.constant 0 : i32
          %dma_start3A_207 = arith.constant 0 : i32
          %dma_start3A_208 = tpu.memref_slice %arg8[%rem3A_121, %dma_start3A_206, %dma_start3A_207] : memref<4x2x128xi32, #tpu.memory_space<vmem>> -> memref<1x2x128xi32, #tpu.memory_space<vmem>>
          %dma_start3A_209 = tpu.memref_squeeze %dma_start3A_208 : memref<1x2x128xi32, #tpu.memory_space<vmem>> -> memref<2x128xi32, #tpu.memory_space<vmem>>
          %dma_start3A_210 = arith.constant 0 : i32
          %dma_start3A_211 = tpu.memref_slice %arg3[%add3A_187, %dma_start3A_210] : memref<6400x128xi32, #tpu.memory_space<hbm>> -> memref<2x128xi32, #tpu.memory_space<hbm>>
          tpu.enqueue_dma source(%dma_start3A_211 : memref<2x128xi32, #tpu.memory_space<hbm>>) target(%dma_start3A_209 : memref<2x128xi32, #tpu.memory_space<vmem>>) target_semaphore(%arg14 : memref<!tpu.dma_semaphore, #tpu.memory_space<semaphore_mem>>)
        } else {
        }
        %gt3A_152 = arith.constant 0 : i32
        %gt3A_153 = arith.cmpi sgt, %add3A_112, %gt3A_152 : i32
        %convert_element_type3A_154 = arith.extui %gt3A_153 : i1 to i32
        %cond3A_155 = arith.constant 0 : i32
        %cond3A_156 = arith.cmpi ne, %convert_element_type3A_154, %cond3A_155 : i32
        scf.if %cond3A_156 {
          %dma_wait3A_181 = arith.constant 0 : i32
          %dma_wait3A_182 = arith.constant 0 : i32
          %dma_wait3A_183 = arith.constant 0 : i32
          %dma_wait3A_184 = arith.constant 0 : i32
          %dma_wait3A_185 = arith.constant 0 : i32
          %dma_wait3A_186 = arith.constant 0 : i32
          %dma_wait3A_187 = tpu.memref_slice %arg9[%dma_wait3A_181, %dma_wait3A_182, %dma_wait3A_185, %dma_wait3A_186] : memref<3x2x128x32xf32, #tpu.memory_space<vmem>> -> memref<1x1x128x32xf32, #tpu.memory_space<vmem>>
          %dma_wait3A_188 = tpu.memref_squeeze %dma_wait3A_187 : memref<1x1x128x32xf32, #tpu.memory_space<vmem>> -> memref<128x32xf32, #tpu.memory_space<vmem>>
          %dma_wait3A_189 = arith.constant 0 : i32
          %dma_wait3A_190 = tpu.memref_slice %arg8[%dma_wait3A_183, %dma_wait3A_184, %dma_wait3A_189] : memref<4x2x128xi32, #tpu.memory_space<vmem>> -> memref<1x1x128xi32, #tpu.memory_space<vmem>>
          %dma_wait3A_191 = tpu.memref_squeeze %dma_wait3A_190 : memref<1x1x128xi32, #tpu.memory_space<vmem>> -> memref<128xi32, #tpu.memory_space<vmem>>
          %dma_wait3A_192 = arith.constant 0 : i32
          %dma_wait3A_193 = arith.constant 0 : i32
          %dma_wait3A_194 = tpu.memref_slice %arg6[%dma_wait3A_192, %dma_wait3A_193] : memref<50176x32xf32, #tpu.memory_space<vmem_shared>> -> memref<50176x32xf32, #tpu.memory_space<vmem_shared>>
          tpu.wait_indirect_dma semaphore(%arg13 : memref<!tpu.dma_semaphore, #tpu.memory_space<semaphore_mem>>) src(%dma_wait3A_188 : memref<128x32xf32, #tpu.memory_space<vmem>>) dst(%dma_wait3A_194 : memref<50176x32xf32, #tpu.memory_space<vmem_shared>>)
          %dma_wait3A_195 = arith.constant 0 : i32
          %dma_wait3A_196 = arith.constant 1 : i32
          %dma_wait3A_197 = arith.constant 0 : i32
          %dma_wait3A_198 = arith.constant 1 : i32
          %dma_wait3A_199 = arith.constant 0 : i32
          %dma_wait3A_200 = arith.constant 0 : i32
          %dma_wait3A_201 = tpu.memref_slice %arg9[%dma_wait3A_195, %dma_wait3A_196, %dma_wait3A_199, %dma_wait3A_200] : memref<3x2x128x32xf32, #tpu.memory_space<vmem>> -> memref<1x1x128x32xf32, #tpu.memory_space<vmem>>
          %dma_wait3A_202 = tpu.memref_squeeze %dma_wait3A_201 : memref<1x1x128x32xf32, #tpu.memory_space<vmem>> -> memref<128x32xf32, #tpu.memory_space<vmem>>
          %dma_wait3A_203 = arith.constant 0 : i32
          %dma_wait3A_204 = tpu.memref_slice %arg8[%dma_wait3A_197, %dma_wait3A_198, %dma_wait3A_203] : memref<4x2x128xi32, #tpu.memory_space<vmem>> -> memref<1x1x128xi32, #tpu.memory_space<vmem>>
          %dma_wait3A_205 = tpu.memref_squeeze %dma_wait3A_204 : memref<1x1x128xi32, #tpu.memory_space<vmem>> -> memref<128xi32, #tpu.memory_space<vmem>>
          %dma_wait3A_206 = arith.constant 0 : i32
          %dma_wait3A_207 = arith.constant 0 : i32
          %dma_wait3A_208 = tpu.memref_slice %arg6[%dma_wait3A_206, %dma_wait3A_207] : memref<50176x32xf32, #tpu.memory_space<vmem_shared>> -> memref<50176x32xf32, #tpu.memory_space<vmem_shared>>
          tpu.wait_indirect_dma semaphore(%arg13 : memref<!tpu.dma_semaphore, #tpu.memory_space<semaphore_mem>>) src(%dma_wait3A_202 : memref<128x32xf32, #tpu.memory_space<vmem>>) dst(%dma_wait3A_208 : memref<50176x32xf32, #tpu.memory_space<vmem_shared>>)
        } else {
        }
        %dma_start3A_157 = arith.constant 0 : i32
        %dma_start3A_158 = arith.constant 0 : i32
        %dma_start3A_159 = arith.constant 0 : i32
        %dma_start3A_160 = arith.constant 0 : i32
        %dma_start3A_161 = tpu.memref_slice %arg9[%rem3A_123, %dma_start3A_157, %dma_start3A_159, %dma_start3A_160] : memref<3x2x128x32xf32, #tpu.memory_space<vmem>> -> memref<1x1x128x32xf32, #tpu.memory_space<vmem>>
        %dma_start3A_162 = tpu.memref_squeeze %dma_start3A_161 : memref<1x1x128x32xf32, #tpu.memory_space<vmem>> -> memref<128x32xf32, #tpu.memory_space<vmem>>
        %dma_start3A_163 = arith.constant 0 : i32
        %dma_start3A_164 = tpu.memref_slice %arg8[%rem3A_113, %dma_start3A_158, %dma_start3A_163] : memref<4x2x128xi32, #tpu.memory_space<vmem>> -> memref<1x1x128xi32, #tpu.memory_space<vmem>>
        %dma_start3A_165 = tpu.memref_squeeze %dma_start3A_164 : memref<1x1x128xi32, #tpu.memory_space<vmem>> -> memref<128xi32, #tpu.memory_space<vmem>>
        %dma_start3A_166 = arith.constant 0 : i32
        %dma_start3A_167 = arith.constant 0 : i32
        %dma_start3A_168 = tpu.memref_slice %arg6[%dma_start3A_166, %dma_start3A_167] : memref<50176x32xf32, #tpu.memory_space<vmem_shared>> -> memref<50176x32xf32, #tpu.memory_space<vmem_shared>>
        tpu.enqueue_indirect_dma source(%dma_start3A_162 : memref<128x32xf32, #tpu.memory_space<vmem>>) target(%dma_start3A_168 : memref<50176x32xf32, #tpu.memory_space<vmem_shared>>) offsets(%dma_start3A_165 : memref<128xi32, #tpu.memory_space<vmem>>) semaphore(%arg13 : memref<!tpu.dma_semaphore, #tpu.memory_space<semaphore_mem>>) {add = true}
        %dma_start3A_169 = arith.constant 1 : i32
        %dma_start3A_170 = arith.constant 1 : i32
        %dma_start3A_171 = arith.constant 0 : i32
        %dma_start3A_172 = arith.constant 0 : i32
        %dma_start3A_173 = tpu.memref_slice %arg9[%rem3A_123, %dma_start3A_169, %dma_start3A_171, %dma_start3A_172] : memref<3x2x128x32xf32, #tpu.memory_space<vmem>> -> memref<1x1x128x32xf32, #tpu.memory_space<vmem>>
        %dma_start3A_174 = tpu.memref_squeeze %dma_start3A_173 : memref<1x1x128x32xf32, #tpu.memory_space<vmem>> -> memref<128x32xf32, #tpu.memory_space<vmem>>
        %dma_start3A_175 = arith.constant 0 : i32
        %dma_start3A_176 = tpu.memref_slice %arg8[%rem3A_113, %dma_start3A_170, %dma_start3A_175] : memref<4x2x128xi32, #tpu.memory_space<vmem>> -> memref<1x1x128xi32, #tpu.memory_space<vmem>>
        %dma_start3A_177 = tpu.memref_squeeze %dma_start3A_176 : memref<1x1x128xi32, #tpu.memory_space<vmem>> -> memref<128xi32, #tpu.memory_space<vmem>>
        %dma_start3A_178 = arith.constant 0 : i32
        %dma_start3A_179 = arith.constant 0 : i32
        %dma_start3A_180 = tpu.memref_slice %arg6[%dma_start3A_178, %dma_start3A_179] : memref<50176x32xf32, #tpu.memory_space<vmem_shared>> -> memref<50176x32xf32, #tpu.memory_space<vmem_shared>>
        tpu.enqueue_indirect_dma source(%dma_start3A_174 : memref<128x32xf32, #tpu.memory_space<vmem>>) target(%dma_start3A_180 : memref<50176x32xf32, #tpu.memory_space<vmem_shared>>) offsets(%dma_start3A_177 : memref<128xi32, #tpu.memory_space<vmem>>) semaphore(%arg13 : memref<!tpu.dma_semaphore, #tpu.memory_space<semaphore_mem>>) {add = true}
      }
      %scan3A_78 = arith.constant 200 : i32
      %dma_wait3A = arith.constant 0 : i32
      %dma_wait3A_79 = arith.constant 0 : i32
      %dma_wait3A_80 = arith.constant 0 : i32
      %dma_wait3A_81 = arith.constant 0 : i32
      %dma_wait3A_82 = arith.constant 0 : i32
      %dma_wait3A_83 = arith.constant 0 : i32
      %dma_wait3A_84 = tpu.memref_slice %arg9[%dma_wait3A, %dma_wait3A_79, %dma_wait3A_82, %dma_wait3A_83] : memref<3x2x128x32xf32, #tpu.memory_space<vmem>> -> memref<1x1x128x32xf32, #tpu.memory_space<vmem>>
      %dma_wait3A_85 = tpu.memref_squeeze %dma_wait3A_84 : memref<1x1x128x32xf32, #tpu.memory_space<vmem>> -> memref<128x32xf32, #tpu.memory_space<vmem>>
      %dma_wait3A_86 = arith.constant 0 : i32
      %dma_wait3A_87 = tpu.memref_slice %arg8[%dma_wait3A_80, %dma_wait3A_81, %dma_wait3A_86] : memref<4x2x128xi32, #tpu.memory_space<vmem>> -> memref<1x1x128xi32, #tpu.memory_space<vmem>>
      %dma_wait3A_88 = tpu.memref_squeeze %dma_wait3A_87 : memref<1x1x128xi32, #tpu.memory_space<vmem>> -> memref<128xi32, #tpu.memory_space<vmem>>
      %dma_wait3A_89 = arith.constant 0 : i32
      %dma_wait3A_90 = arith.constant 0 : i32
      %dma_wait3A_91 = tpu.memref_slice %arg6[%dma_wait3A_89, %dma_wait3A_90] : memref<50176x32xf32, #tpu.memory_space<vmem_shared>> -> memref<50176x32xf32, #tpu.memory_space<vmem_shared>>
      tpu.wait_indirect_dma semaphore(%arg13 : memref<!tpu.dma_semaphore, #tpu.memory_space<semaphore_mem>>) src(%dma_wait3A_85 : memref<128x32xf32, #tpu.memory_space<vmem>>) dst(%dma_wait3A_91 : memref<50176x32xf32, #tpu.memory_space<vmem_shared>>)
      %dma_wait3A_92 = arith.constant 0 : i32
      %dma_wait3A_93 = arith.constant 1 : i32
      %dma_wait3A_94 = arith.constant 0 : i32
      %dma_wait3A_95 = arith.constant 1 : i32
      %dma_wait3A_96 = arith.constant 0 : i32
      %dma_wait3A_97 = arith.constant 0 : i32
      %dma_wait3A_98 = tpu.memref_slice %arg9[%dma_wait3A_92, %dma_wait3A_93, %dma_wait3A_96, %dma_wait3A_97] : memref<3x2x128x32xf32, #tpu.memory_space<vmem>> -> memref<1x1x128x32xf32, #tpu.memory_space<vmem>>
      %dma_wait3A_99 = tpu.memref_squeeze %dma_wait3A_98 : memref<1x1x128x32xf32, #tpu.memory_space<vmem>> -> memref<128x32xf32, #tpu.memory_space<vmem>>
      %dma_wait3A_100 = arith.constant 0 : i32
      %dma_wait3A_101 = tpu.memref_slice %arg8[%dma_wait3A_94, %dma_wait3A_95, %dma_wait3A_100] : memref<4x2x128xi32, #tpu.memory_space<vmem>> -> memref<1x1x128xi32, #tpu.memory_space<vmem>>
      %dma_wait3A_102 = tpu.memref_squeeze %dma_wait3A_101 : memref<1x1x128xi32, #tpu.memory_space<vmem>> -> memref<128xi32, #tpu.memory_space<vmem>>
      %dma_wait3A_103 = arith.constant 0 : i32
      %dma_wait3A_104 = arith.constant 0 : i32
      %dma_wait3A_105 = tpu.memref_slice %arg6[%dma_wait3A_103, %dma_wait3A_104] : memref<50176x32xf32, #tpu.memory_space<vmem_shared>> -> memref<50176x32xf32, #tpu.memory_space<vmem_shared>>
      tpu.wait_indirect_dma semaphore(%arg13 : memref<!tpu.dma_semaphore, #tpu.memory_space<semaphore_mem>>) src(%dma_wait3A_99 : memref<128x32xf32, #tpu.memory_space<vmem>>) dst(%dma_wait3A_105 : memref<50176x32xf32, #tpu.memory_space<vmem_shared>>)
      %barrier3A_106 = arith.constant 0 : index
      tpu.barrier barrier_id(%barrier3A_106)
      %run_scoped3A_107 = arith.constant 2 : i32
      "tpu.region"() ({
        %run_scoped3A_108 = tpu.sem_alloc : memref<!tpu.dma_semaphore, #tpu.memory_space<semaphore_mem>>
        %dma_start3A_109 = arith.constant 0 : i32
        %dma_start3A_110 = tpu.memref_slice %arg5[%run_scoped3A_107, %multiple_of3A, %dma_start3A_109] : memref<4x50176x32xf32, #tpu.memory_space<hbm>> -> memref<1x3136x32xf32, #tpu.memory_space<hbm>>
        %dma_start3A_111 = tpu.memref_squeeze %dma_start3A_110 : memref<1x3136x32xf32, #tpu.memory_space<hbm>> -> memref<3136x32xf32, #tpu.memory_space<hbm>>
        %dma_start3A_112 = arith.constant 0 : i32
        %dma_start3A_113 = tpu.memref_slice %arg6[%multiple_of3A, %dma_start3A_112] : memref<50176x32xf32, #tpu.memory_space<vmem_shared>> -> memref<3136x32xf32, #tpu.memory_space<vmem_shared>>
        tpu.enqueue_dma source(%dma_start3A_113 : memref<3136x32xf32, #tpu.memory_space<vmem_shared>>) target(%dma_start3A_111 : memref<3136x32xf32, #tpu.memory_space<hbm>>) target_semaphore(%run_scoped3A_108 : memref<!tpu.dma_semaphore, #tpu.memory_space<semaphore_mem>>)
        %dma_wait3A_114 = arith.constant 0 : i32
        %dma_wait3A_115 = tpu.memref_slice %arg5[%run_scoped3A_107, %multiple_of3A, %dma_wait3A_114] : memref<4x50176x32xf32, #tpu.memory_space<hbm>> -> memref<1x3136x32xf32, #tpu.memory_space<hbm>>
        %dma_wait3A_116 = tpu.memref_squeeze %dma_wait3A_115 : memref<1x3136x32xf32, #tpu.memory_space<hbm>> -> memref<3136x32xf32, #tpu.memory_space<hbm>>
        %dma_wait3A_117 = arith.constant 0 : i32
        %dma_wait3A_118 = tpu.memref_slice %arg6[%multiple_of3A, %dma_wait3A_117] : memref<50176x32xf32, #tpu.memory_space<vmem_shared>> -> memref<3136x32xf32, #tpu.memory_space<vmem_shared>>
        tpu.wait_dma2 semaphore(%run_scoped3A_108 : memref<!tpu.dma_semaphore, #tpu.memory_space<semaphore_mem>>) src(%dma_wait3A_118 : memref<3136x32xf32, #tpu.memory_space<vmem_shared>>) dst(%dma_wait3A_116 : memref<3136x32xf32, #tpu.memory_space<hbm>>)
        tpu.yield
      }) : () -> ()
    } else {
    }
    %eq3A_17 = arith.constant 1 : i32
    %eq3A_18 = arith.cmpi eq, %arg0, %eq3A_17 : i32
    %convert_element_type3A_19 = arith.extui %eq3A_18 : i1 to i32
    %cond3A_20 = arith.constant 0 : i32
    %cond3A_21 = arith.cmpi ne, %convert_element_type3A_19, %cond3A_20 : i32
    scf.if %cond3A_21 {
      %mul3A = arith.constant 3136 : i32
      %mul3A_22 = arith.muli %arg1, %mul3A : i32
      %multiple_of3A = tpu.assume_multiple %mul3A_22, 8 : i32
      %scan3A_23 = arith.constant 0 : i32
      %scan3A_24 = arith.constant 32 : i32
      %scan3A_25 = arith.addi %scan3A_23, %scan3A_24 : i32
      %scan3A_26 = arith.constant 1 : i32
      scf.for %scan3A_108 = %scan3A_23 to %scan3A_25 step %scan3A_26  : i32 {
        %mul3A_109 = arith.constant 1 : i32
        %mul3A_110 = arith.muli %scan3A_108, %mul3A_109 : i32
        %add3A_111 = arith.constant 0 : i32
        %add3A_112 = arith.addi %add3A_111, %mul3A_110 : i32
        %mul3A_113 = arith.constant 98 : i32
        %mul3A_114 = arith.muli %add3A_112, %mul3A_113 : i32
        %add3A_115 = arith.addi %multiple_of3A, %mul3A_114 : i32
        "tpu.region"() ({
          %run_scoped3A_116 = tpu.sem_alloc : memref<!tpu.dma_semaphore, #tpu.memory_space<semaphore_mem>>
          %dma_start3A_117 = arith.constant 0 : i32
          %dma_start3A_118 = tpu.memref_slice %arg6[%add3A_115, %dma_start3A_117] : memref<50176x32xf32, #tpu.memory_space<vmem_shared>> -> memref<98x32xf32, #tpu.memory_space<vmem_shared>>
          %dma_start3A_119 = arith.constant 0 : i32
          %dma_start3A_120 = tpu.memref_slice %arg6[%add3A_115, %dma_start3A_119] : memref<50176x32xf32, #tpu.memory_space<vmem_shared>> -> memref<98x32xf32, #tpu.memory_space<vmem_shared>>
          tpu.enqueue_dma source(%arg10 : memref<98x32xf32, #tpu.memory_space<vmem>>) target(%dma_start3A_120 : memref<98x32xf32, #tpu.memory_space<vmem_shared>>) target_semaphore(%run_scoped3A_116 : memref<!tpu.dma_semaphore, #tpu.memory_space<semaphore_mem>>)
          %dma_wait3A_121 = arith.constant 0 : i32
          %dma_wait3A_122 = tpu.memref_slice %arg6[%add3A_115, %dma_wait3A_121] : memref<50176x32xf32, #tpu.memory_space<vmem_shared>> -> memref<98x32xf32, #tpu.memory_space<vmem_shared>>
          %dma_wait3A_123 = arith.constant 0 : i32
          %dma_wait3A_124 = tpu.memref_slice %arg6[%add3A_115, %dma_wait3A_123] : memref<50176x32xf32, #tpu.memory_space<vmem_shared>> -> memref<98x32xf32, #tpu.memory_space<vmem_shared>>
          tpu.wait_dma2 semaphore(%run_scoped3A_116 : memref<!tpu.dma_semaphore, #tpu.memory_space<semaphore_mem>>) src(%arg10 : memref<98x32xf32, #tpu.memory_space<vmem>>) dst(%dma_wait3A_124 : memref<98x32xf32, #tpu.memory_space<vmem_shared>>)
          tpu.yield
        }) : () -> ()
      }
      %scan3A_27 = arith.constant 32 : i32
      %barrier3A = arith.constant 0 : index
      tpu.barrier barrier_id(%barrier3A)
      %mul3A_28 = arith.constant 400 : i32
      %mul3A_29 = arith.muli %arg1, %mul3A_28 : i32
      %run_scoped3A = arith.constant 0 : i32
      "tpu.region"() ({
        %run_scoped3A_108 = tpu.sem_alloc : memref<!tpu.dma_semaphore, #tpu.memory_space<semaphore_mem>>
        %dma_start3A_109 = arith.constant 0 : i32
        %dma_start3A_110 = arith.constant 0 : i32
        %dma_start3A_111 = tpu.memref_slice %arg7[%run_scoped3A, %dma_start3A_109, %dma_start3A_110] : memref<4x2x128xi32, #tpu.memory_space<vmem>> -> memref<1x2x128xi32, #tpu.memory_space<vmem>>
        %dma_start3A_112 = tpu.memref_squeeze %dma_start3A_111 : memref<1x2x128xi32, #tpu.memory_space<vmem>> -> memref<2x128xi32, #tpu.memory_space<vmem>>
        %dma_start3A_113 = arith.constant 0 : i32
        %dma_start3A_114 = tpu.memref_slice %arg2[%mul3A_29, %dma_start3A_113] : memref<6400x128xi32, #tpu.memory_space<hbm>> -> memref<2x128xi32, #tpu.memory_space<hbm>>
        %dma_start3A_115 = arith.constant 0 : i32
        %dma_start3A_116 = arith.constant 0 : i32
        %dma_start3A_117 = tpu.memref_slice %arg7[%run_scoped3A, %dma_start3A_115, %dma_start3A_116] : memref<4x2x128xi32, #tpu.memory_space<vmem>> -> memref<1x2x128xi32, #tpu.memory_space<vmem>>
        %dma_start3A_118 = tpu.memref_squeeze %dma_start3A_117 : memref<1x2x128xi32, #tpu.memory_space<vmem>> -> memref<2x128xi32, #tpu.memory_space<vmem>>
        %dma_start3A_119 = arith.constant 0 : i32
        %dma_start3A_120 = tpu.memref_slice %arg2[%mul3A_29, %dma_start3A_119] : memref<6400x128xi32, #tpu.memory_space<hbm>> -> memref<2x128xi32, #tpu.memory_space<hbm>>
        tpu.enqueue_dma source(%dma_start3A_120 : memref<2x128xi32, #tpu.memory_space<hbm>>) target(%dma_start3A_118 : memref<2x128xi32, #tpu.memory_space<vmem>>) target_semaphore(%run_scoped3A_108 : memref<!tpu.dma_semaphore, #tpu.memory_space<semaphore_mem>>)
        %dma_wait3A_121 = arith.constant 0 : i32
        %dma_wait3A_122 = arith.constant 0 : i32
        %dma_wait3A_123 = tpu.memref_slice %arg7[%run_scoped3A, %dma_wait3A_121, %dma_wait3A_122] : memref<4x2x128xi32, #tpu.memory_space<vmem>> -> memref<1x2x128xi32, #tpu.memory_space<vmem>>
        %dma_wait3A_124 = tpu.memref_squeeze %dma_wait3A_123 : memref<1x2x128xi32, #tpu.memory_space<vmem>> -> memref<2x128xi32, #tpu.memory_space<vmem>>
        %dma_wait3A_125 = arith.constant 0 : i32
        %dma_wait3A_126 = tpu.memref_slice %arg2[%mul3A_29, %dma_wait3A_125] : memref<6400x128xi32, #tpu.memory_space<hbm>> -> memref<2x128xi32, #tpu.memory_space<hbm>>
        %dma_wait3A_127 = arith.constant 0 : i32
        %dma_wait3A_128 = arith.constant 0 : i32
        %dma_wait3A_129 = tpu.memref_slice %arg7[%run_scoped3A, %dma_wait3A_127, %dma_wait3A_128] : memref<4x2x128xi32, #tpu.memory_space<vmem>> -> memref<1x2x128xi32, #tpu.memory_space<vmem>>
        %dma_wait3A_130 = tpu.memref_squeeze %dma_wait3A_129 : memref<1x2x128xi32, #tpu.memory_space<vmem>> -> memref<2x128xi32, #tpu.memory_space<vmem>>
        %dma_wait3A_131 = arith.constant 0 : i32
        %dma_wait3A_132 = tpu.memref_slice %arg2[%mul3A_29, %dma_wait3A_131] : memref<6400x128xi32, #tpu.memory_space<hbm>> -> memref<2x128xi32, #tpu.memory_space<hbm>>
        tpu.wait_dma2 semaphore(%run_scoped3A_108 : memref<!tpu.dma_semaphore, #tpu.memory_space<semaphore_mem>>) src(%dma_wait3A_132 : memref<2x128xi32, #tpu.memory_space<hbm>>) dst(%dma_wait3A_130 : memref<2x128xi32, #tpu.memory_space<vmem>>)
        tpu.yield
      }) : () -> ()
      %run_scoped3A_30 = arith.constant 0 : i32
      "tpu.region"() ({
        %run_scoped3A_108 = tpu.sem_alloc : memref<!tpu.dma_semaphore, #tpu.memory_space<semaphore_mem>>
        %dma_start3A_109 = arith.constant 0 : i32
        %dma_start3A_110 = arith.constant 0 : i32
        %dma_start3A_111 = tpu.memref_slice %arg8[%run_scoped3A_30, %dma_start3A_109, %dma_start3A_110] : memref<4x2x128xi32, #tpu.memory_space<vmem>> -> memref<1x2x128xi32, #tpu.memory_space<vmem>>
        %dma_start3A_112 = tpu.memref_squeeze %dma_start3A_111 : memref<1x2x128xi32, #tpu.memory_space<vmem>> -> memref<2x128xi32, #tpu.memory_space<vmem>>
        %dma_start3A_113 = arith.constant 0 : i32
        %dma_start3A_114 = tpu.memref_slice %arg3[%mul3A_29, %dma_start3A_113] : memref<6400x128xi32, #tpu.memory_space<hbm>> -> memref<2x128xi32, #tpu.memory_space<hbm>>
        %dma_start3A_115 = arith.constant 0 : i32
        %dma_start3A_116 = arith.constant 0 : i32
        %dma_start3A_117 = tpu.memref_slice %arg8[%run_scoped3A_30, %dma_start3A_115, %dma_start3A_116] : memref<4x2x128xi32, #tpu.memory_space<vmem>> -> memref<1x2x128xi32, #tpu.memory_space<vmem>>
        %dma_start3A_118 = tpu.memref_squeeze %dma_start3A_117 : memref<1x2x128xi32, #tpu.memory_space<vmem>> -> memref<2x128xi32, #tpu.memory_space<vmem>>
        %dma_start3A_119 = arith.constant 0 : i32
        %dma_start3A_120 = tpu.memref_slice %arg3[%mul3A_29, %dma_start3A_119] : memref<6400x128xi32, #tpu.memory_space<hbm>> -> memref<2x128xi32, #tpu.memory_space<hbm>>
        tpu.enqueue_dma source(%dma_start3A_120 : memref<2x128xi32, #tpu.memory_space<hbm>>) target(%dma_start3A_118 : memref<2x128xi32, #tpu.memory_space<vmem>>) target_semaphore(%run_scoped3A_108 : memref<!tpu.dma_semaphore, #tpu.memory_space<semaphore_mem>>)
        %dma_wait3A_121 = arith.constant 0 : i32
        %dma_wait3A_122 = arith.constant 0 : i32
        %dma_wait3A_123 = tpu.memref_slice %arg8[%run_scoped3A_30, %dma_wait3A_121, %dma_wait3A_122] : memref<4x2x128xi32, #tpu.memory_space<vmem>> -> memref<1x2x128xi32, #tpu.memory_space<vmem>>
        %dma_wait3A_124 = tpu.memref_squeeze %dma_wait3A_123 : memref<1x2x128xi32, #tpu.memory_space<vmem>> -> memref<2x128xi32, #tpu.memory_space<vmem>>
        %dma_wait3A_125 = arith.constant 0 : i32
        %dma_wait3A_126 = tpu.memref_slice %arg3[%mul3A_29, %dma_wait3A_125] : memref<6400x128xi32, #tpu.memory_space<hbm>> -> memref<2x128xi32, #tpu.memory_space<hbm>>
        %dma_wait3A_127 = arith.constant 0 : i32
        %dma_wait3A_128 = arith.constant 0 : i32
        %dma_wait3A_129 = tpu.memref_slice %arg8[%run_scoped3A_30, %dma_wait3A_127, %dma_wait3A_128] : memref<4x2x128xi32, #tpu.memory_space<vmem>> -> memref<1x2x128xi32, #tpu.memory_space<vmem>>
        %dma_wait3A_130 = tpu.memref_squeeze %dma_wait3A_129 : memref<1x2x128xi32, #tpu.memory_space<vmem>> -> memref<2x128xi32, #tpu.memory_space<vmem>>
        %dma_wait3A_131 = arith.constant 0 : i32
        %dma_wait3A_132 = tpu.memref_slice %arg3[%mul3A_29, %dma_wait3A_131] : memref<6400x128xi32, #tpu.memory_space<hbm>> -> memref<2x128xi32, #tpu.memory_space<hbm>>
        tpu.wait_dma2 semaphore(%run_scoped3A_108 : memref<!tpu.dma_semaphore, #tpu.memory_space<semaphore_mem>>) src(%dma_wait3A_132 : memref<2x128xi32, #tpu.memory_space<hbm>>) dst(%dma_wait3A_130 : memref<2x128xi32, #tpu.memory_space<vmem>>)
        tpu.yield
      }) : () -> ()
      %add3A = arith.constant 2 : i32
      %add3A_31 = arith.addi %mul3A_29, %add3A : i32
      %run_scoped3A_32 = arith.constant 1 : i32
      "tpu.region"() ({
        %run_scoped3A_108 = tpu.sem_alloc : memref<!tpu.dma_semaphore, #tpu.memory_space<semaphore_mem>>
        %dma_start3A_109 = arith.constant 0 : i32
        %dma_start3A_110 = arith.constant 0 : i32
        %dma_start3A_111 = tpu.memref_slice %arg7[%run_scoped3A_32, %dma_start3A_109, %dma_start3A_110] : memref<4x2x128xi32, #tpu.memory_space<vmem>> -> memref<1x2x128xi32, #tpu.memory_space<vmem>>
        %dma_start3A_112 = tpu.memref_squeeze %dma_start3A_111 : memref<1x2x128xi32, #tpu.memory_space<vmem>> -> memref<2x128xi32, #tpu.memory_space<vmem>>
        %dma_start3A_113 = arith.constant 0 : i32
        %dma_start3A_114 = tpu.memref_slice %arg2[%add3A_31, %dma_start3A_113] : memref<6400x128xi32, #tpu.memory_space<hbm>> -> memref<2x128xi32, #tpu.memory_space<hbm>>
        %dma_start3A_115 = arith.constant 0 : i32
        %dma_start3A_116 = arith.constant 0 : i32
        %dma_start3A_117 = tpu.memref_slice %arg7[%run_scoped3A_32, %dma_start3A_115, %dma_start3A_116] : memref<4x2x128xi32, #tpu.memory_space<vmem>> -> memref<1x2x128xi32, #tpu.memory_space<vmem>>
        %dma_start3A_118 = tpu.memref_squeeze %dma_start3A_117 : memref<1x2x128xi32, #tpu.memory_space<vmem>> -> memref<2x128xi32, #tpu.memory_space<vmem>>
        %dma_start3A_119 = arith.constant 0 : i32
        %dma_start3A_120 = tpu.memref_slice %arg2[%add3A_31, %dma_start3A_119] : memref<6400x128xi32, #tpu.memory_space<hbm>> -> memref<2x128xi32, #tpu.memory_space<hbm>>
        tpu.enqueue_dma source(%dma_start3A_120 : memref<2x128xi32, #tpu.memory_space<hbm>>) target(%dma_start3A_118 : memref<2x128xi32, #tpu.memory_space<vmem>>) target_semaphore(%run_scoped3A_108 : memref<!tpu.dma_semaphore, #tpu.memory_space<semaphore_mem>>)
        %dma_wait3A_121 = arith.constant 0 : i32
        %dma_wait3A_122 = arith.constant 0 : i32
        %dma_wait3A_123 = tpu.memref_slice %arg7[%run_scoped3A_32, %dma_wait3A_121, %dma_wait3A_122] : memref<4x2x128xi32, #tpu.memory_space<vmem>> -> memref<1x2x128xi32, #tpu.memory_space<vmem>>
        %dma_wait3A_124 = tpu.memref_squeeze %dma_wait3A_123 : memref<1x2x128xi32, #tpu.memory_space<vmem>> -> memref<2x128xi32, #tpu.memory_space<vmem>>
        %dma_wait3A_125 = arith.constant 0 : i32
        %dma_wait3A_126 = tpu.memref_slice %arg2[%add3A_31, %dma_wait3A_125] : memref<6400x128xi32, #tpu.memory_space<hbm>> -> memref<2x128xi32, #tpu.memory_space<hbm>>
        %dma_wait3A_127 = arith.constant 0 : i32
        %dma_wait3A_128 = arith.constant 0 : i32
        %dma_wait3A_129 = tpu.memref_slice %arg7[%run_scoped3A_32, %dma_wait3A_127, %dma_wait3A_128] : memref<4x2x128xi32, #tpu.memory_space<vmem>> -> memref<1x2x128xi32, #tpu.memory_space<vmem>>
        %dma_wait3A_130 = tpu.memref_squeeze %dma_wait3A_129 : memref<1x2x128xi32, #tpu.memory_space<vmem>> -> memref<2x128xi32, #tpu.memory_space<vmem>>
        %dma_wait3A_131 = arith.constant 0 : i32
        %dma_wait3A_132 = tpu.memref_slice %arg2[%add3A_31, %dma_wait3A_131] : memref<6400x128xi32, #tpu.memory_space<hbm>> -> memref<2x128xi32, #tpu.memory_space<hbm>>
        tpu.wait_dma2 semaphore(%run_scoped3A_108 : memref<!tpu.dma_semaphore, #tpu.memory_space<semaphore_mem>>) src(%dma_wait3A_132 : memref<2x128xi32, #tpu.memory_space<hbm>>) dst(%dma_wait3A_130 : memref<2x128xi32, #tpu.memory_space<vmem>>)
        tpu.yield
      }) : () -> ()
      %add3A_33 = arith.constant 2 : i32
      %add3A_34 = arith.addi %mul3A_29, %add3A_33 : i32
      %run_scoped3A_35 = arith.constant 1 : i32
      "tpu.region"() ({
        %run_scoped3A_108 = tpu.sem_alloc : memref<!tpu.dma_semaphore, #tpu.memory_space<semaphore_mem>>
        %dma_start3A_109 = arith.constant 0 : i32
        %dma_start3A_110 = arith.constant 0 : i32
        %dma_start3A_111 = tpu.memref_slice %arg8[%run_scoped3A_35, %dma_start3A_109, %dma_start3A_110] : memref<4x2x128xi32, #tpu.memory_space<vmem>> -> memref<1x2x128xi32, #tpu.memory_space<vmem>>
        %dma_start3A_112 = tpu.memref_squeeze %dma_start3A_111 : memref<1x2x128xi32, #tpu.memory_space<vmem>> -> memref<2x128xi32, #tpu.memory_space<vmem>>
        %dma_start3A_113 = arith.constant 0 : i32
        %dma_start3A_114 = tpu.memref_slice %arg3[%add3A_34, %dma_start3A_113] : memref<6400x128xi32, #tpu.memory_space<hbm>> -> memref<2x128xi32, #tpu.memory_space<hbm>>
        %dma_start3A_115 = arith.constant 0 : i32
        %dma_start3A_116 = arith.constant 0 : i32
        %dma_start3A_117 = tpu.memref_slice %arg8[%run_scoped3A_35, %dma_start3A_115, %dma_start3A_116] : memref<4x2x128xi32, #tpu.memory_space<vmem>> -> memref<1x2x128xi32, #tpu.memory_space<vmem>>
        %dma_start3A_118 = tpu.memref_squeeze %dma_start3A_117 : memref<1x2x128xi32, #tpu.memory_space<vmem>> -> memref<2x128xi32, #tpu.memory_space<vmem>>
        %dma_start3A_119 = arith.constant 0 : i32
        %dma_start3A_120 = tpu.memref_slice %arg3[%add3A_34, %dma_start3A_119] : memref<6400x128xi32, #tpu.memory_space<hbm>> -> memref<2x128xi32, #tpu.memory_space<hbm>>
        tpu.enqueue_dma source(%dma_start3A_120 : memref<2x128xi32, #tpu.memory_space<hbm>>) target(%dma_start3A_118 : memref<2x128xi32, #tpu.memory_space<vmem>>) target_semaphore(%run_scoped3A_108 : memref<!tpu.dma_semaphore, #tpu.memory_space<semaphore_mem>>)
        %dma_wait3A_121 = arith.constant 0 : i32
        %dma_wait3A_122 = arith.constant 0 : i32
        %dma_wait3A_123 = tpu.memref_slice %arg8[%run_scoped3A_35, %dma_wait3A_121, %dma_wait3A_122] : memref<4x2x128xi32, #tpu.memory_space<vmem>> -> memref<1x2x128xi32, #tpu.memory_space<vmem>>
        %dma_wait3A_124 = tpu.memref_squeeze %dma_wait3A_123 : memref<1x2x128xi32, #tpu.memory_space<vmem>> -> memref<2x128xi32, #tpu.memory_space<vmem>>
        %dma_wait3A_125 = arith.constant 0 : i32
        %dma_wait3A_126 = tpu.memref_slice %arg3[%add3A_34, %dma_wait3A_125] : memref<6400x128xi32, #tpu.memory_space<hbm>> -> memref<2x128xi32, #tpu.memory_space<hbm>>
        %dma_wait3A_127 = arith.constant 0 : i32
        %dma_wait3A_128 = arith.constant 0 : i32
        %dma_wait3A_129 = tpu.memref_slice %arg8[%run_scoped3A_35, %dma_wait3A_127, %dma_wait3A_128] : memref<4x2x128xi32, #tpu.memory_space<vmem>> -> memref<1x2x128xi32, #tpu.memory_space<vmem>>
        %dma_wait3A_130 = tpu.memref_squeeze %dma_wait3A_129 : memref<1x2x128xi32, #tpu.memory_space<vmem>> -> memref<2x128xi32, #tpu.memory_space<vmem>>
        %dma_wait3A_131 = arith.constant 0 : i32
        %dma_wait3A_132 = tpu.memref_slice %arg3[%add3A_34, %dma_wait3A_131] : memref<6400x128xi32, #tpu.memory_space<hbm>> -> memref<2x128xi32, #tpu.memory_space<hbm>>
        tpu.wait_dma2 semaphore(%run_scoped3A_108 : memref<!tpu.dma_semaphore, #tpu.memory_space<semaphore_mem>>) src(%dma_wait3A_132 : memref<2x128xi32, #tpu.memory_space<hbm>>) dst(%dma_wait3A_130 : memref<2x128xi32, #tpu.memory_space<vmem>>)
        tpu.yield
      }) : () -> ()
      %dma_start3A = arith.constant 3 : i32
      %dma_start3A_36 = arith.constant 0 : i32
      %dma_start3A_37 = arith.constant 0 : i32
      %dma_start3A_38 = arith.constant 0 : i32
      %dma_start3A_39 = arith.constant 0 : i32
      %dma_start3A_40 = arith.constant 0 : i32
      %dma_start3A_41 = arith.constant 0 : i32
      %dma_start3A_42 = tpu.memref_slice %arg9[%dma_start3A_38, %dma_start3A_39, %dma_start3A_40, %dma_start3A_41] : memref<3x2x128x32xf32, #tpu.memory_space<vmem>> -> memref<1x1x128x32xf32, #tpu.memory_space<vmem>>
      %dma_start3A_43 = tpu.memref_squeeze %dma_start3A_42 : memref<1x1x128x32xf32, #tpu.memory_space<vmem>> -> memref<128x32xf32, #tpu.memory_space<vmem>>
      %dma_start3A_44 = arith.constant 0 : i32
      %dma_start3A_45 = tpu.memref_slice %arg7[%dma_start3A_36, %dma_start3A_37, %dma_start3A_44] : memref<4x2x128xi32, #tpu.memory_space<vmem>> -> memref<1x1x128xi32, #tpu.memory_space<vmem>>
      %dma_start3A_46 = tpu.memref_squeeze %dma_start3A_45 : memref<1x1x128xi32, #tpu.memory_space<vmem>> -> memref<128xi32, #tpu.memory_space<vmem>>
      %dma_start3A_47 = arith.constant 0 : i32
      %dma_start3A_48 = arith.constant 0 : i32
      %dma_start3A_49 = tpu.memref_slice %arg4[%dma_start3A, %dma_start3A_47, %dma_start3A_48] : memref<4x50176x32xf32, #tpu.memory_space<hbm>> -> memref<1x50176x32xf32, #tpu.memory_space<hbm>>
      %dma_start3A_50 = tpu.memref_squeeze %dma_start3A_49 : memref<1x50176x32xf32, #tpu.memory_space<hbm>> -> memref<50176x32xf32, #tpu.memory_space<hbm>>
      %dma_start3A_51 = arith.constant 0 : i32
      %dma_start3A_52 = arith.constant 0 : i32
      %dma_start3A_53 = tpu.memref_slice %dma_start3A_50[%dma_start3A_51, %dma_start3A_52] : memref<50176x32xf32, #tpu.memory_space<hbm>> -> memref<50176x32xf32, #tpu.memory_space<hbm>>
      tpu.enqueue_indirect_dma source(%dma_start3A_53 : memref<50176x32xf32, #tpu.memory_space<hbm>>) target(%dma_start3A_43 : memref<128x32xf32, #tpu.memory_space<vmem>>) offsets(%dma_start3A_46 : memref<128xi32, #tpu.memory_space<vmem>>) semaphore(%arg11 : memref<!tpu.dma_semaphore, #tpu.memory_space<semaphore_mem>>)
      %dma_start3A_54 = arith.constant 3 : i32
      %dma_start3A_55 = arith.constant 0 : i32
      %dma_start3A_56 = arith.constant 1 : i32
      %dma_start3A_57 = arith.constant 0 : i32
      %dma_start3A_58 = arith.constant 1 : i32
      %dma_start3A_59 = arith.constant 0 : i32
      %dma_start3A_60 = arith.constant 0 : i32
      %dma_start3A_61 = tpu.memref_slice %arg9[%dma_start3A_57, %dma_start3A_58, %dma_start3A_59, %dma_start3A_60] : memref<3x2x128x32xf32, #tpu.memory_space<vmem>> -> memref<1x1x128x32xf32, #tpu.memory_space<vmem>>
      %dma_start3A_62 = tpu.memref_squeeze %dma_start3A_61 : memref<1x1x128x32xf32, #tpu.memory_space<vmem>> -> memref<128x32xf32, #tpu.memory_space<vmem>>
      %dma_start3A_63 = arith.constant 0 : i32
      %dma_start3A_64 = tpu.memref_slice %arg7[%dma_start3A_55, %dma_start3A_56, %dma_start3A_63] : memref<4x2x128xi32, #tpu.memory_space<vmem>> -> memref<1x1x128xi32, #tpu.memory_space<vmem>>
      %dma_start3A_65 = tpu.memref_squeeze %dma_start3A_64 : memref<1x1x128xi32, #tpu.memory_space<vmem>> -> memref<128xi32, #tpu.memory_space<vmem>>
      %dma_start3A_66 = arith.constant 0 : i32
      %dma_start3A_67 = arith.constant 0 : i32
      %dma_start3A_68 = tpu.memref_slice %arg4[%dma_start3A_54, %dma_start3A_66, %dma_start3A_67] : memref<4x50176x32xf32, #tpu.memory_space<hbm>> -> memref<1x50176x32xf32, #tpu.memory_space<hbm>>
      %dma_start3A_69 = tpu.memref_squeeze %dma_start3A_68 : memref<1x50176x32xf32, #tpu.memory_space<hbm>> -> memref<50176x32xf32, #tpu.memory_space<hbm>>
      %dma_start3A_70 = arith.constant 0 : i32
      %dma_start3A_71 = arith.constant 0 : i32
      %dma_start3A_72 = tpu.memref_slice %dma_start3A_69[%dma_start3A_70, %dma_start3A_71] : memref<50176x32xf32, #tpu.memory_space<hbm>> -> memref<50176x32xf32, #tpu.memory_space<hbm>>
      tpu.enqueue_indirect_dma source(%dma_start3A_72 : memref<50176x32xf32, #tpu.memory_space<hbm>>) target(%dma_start3A_62 : memref<128x32xf32, #tpu.memory_space<vmem>>) offsets(%dma_start3A_65 : memref<128xi32, #tpu.memory_space<vmem>>) semaphore(%arg11 : memref<!tpu.dma_semaphore, #tpu.memory_space<semaphore_mem>>)
      %scan3A_73 = arith.constant 3 : i32
      %scan3A_74 = arith.constant 0 : i32
      %scan3A_75 = arith.constant 200 : i32
      %scan3A_76 = arith.addi %scan3A_74, %scan3A_75 : i32
      %scan3A_77 = arith.constant 1 : i32
      scf.for %scan3A_108 = %scan3A_74 to %scan3A_76 step %scan3A_77  : i32 {
        %mul3A_109 = arith.constant 1 : i32
        %mul3A_110 = arith.muli %scan3A_108, %mul3A_109 : i32
        %add3A_111 = arith.constant 0 : i32
        %add3A_112 = arith.addi %add3A_111, %mul3A_110 : i32
        %rem3A = arith.constant 4 : i32
        %rem3A_113 = arith.remsi %add3A_112, %rem3A : i32
        %add3A_114 = arith.constant 1 : i32
        %add3A_115 = arith.addi %add3A_112, %add3A_114 : i32
        %rem3A_116 = arith.constant 4 : i32
        %rem3A_117 = arith.remsi %add3A_115, %rem3A_116 : i32
        %add3A_118 = arith.constant 2 : i32
        %add3A_119 = arith.addi %add3A_112, %add3A_118 : i32
        %rem3A_120 = arith.constant 4 : i32
        %rem3A_121 = arith.remsi %add3A_119, %rem3A_120 : i32
        %rem3A_122 = arith.constant 3 : i32
        %rem3A_123 = arith.remsi %add3A_112, %rem3A_122 : i32
        %add3A_124 = arith.constant 1 : i32
        %add3A_125 = arith.addi %add3A_112, %add3A_124 : i32
        %rem3A_126 = arith.constant 3 : i32
        %rem3A_127 = arith.remsi %add3A_125, %rem3A_126 : i32
        %gt3A = arith.constant 0 : i32
        %gt3A_128 = arith.cmpi sgt, %add3A_112, %gt3A : i32
        %lt3A = arith.constant 199 : i32
        %lt3A_129 = arith.cmpi slt, %add3A_112, %lt3A : i32
        %and3A = arith.andi %gt3A_128, %lt3A_129 : i1
        %convert_element_type3A_130 = arith.extui %and3A : i1 to i32
        %cond3A_131 = arith.constant 0 : i32
        %cond3A_132 = arith.cmpi ne, %convert_element_type3A_130, %cond3A_131 : i32
        scf.if %cond3A_132 {
          %dma_wait3A_181 = arith.constant 0 : i32
          %dma_wait3A_182 = arith.constant 0 : i32
          %dma_wait3A_183 = arith.constant 0 : i32
          %dma_wait3A_184 = tpu.memref_slice %arg7[%dma_wait3A_181, %dma_wait3A_182, %dma_wait3A_183] : memref<4x2x128xi32, #tpu.memory_space<vmem>> -> memref<1x2x128xi32, #tpu.memory_space<vmem>>
          %dma_wait3A_185 = tpu.memref_squeeze %dma_wait3A_184 : memref<1x2x128xi32, #tpu.memory_space<vmem>> -> memref<2x128xi32, #tpu.memory_space<vmem>>
          %dma_wait3A_186 = arith.constant 0 : i32
          %dma_wait3A_187 = tpu.memref_slice %arg2[%mul3A_29, %dma_wait3A_186] : memref<6400x128xi32, #tpu.memory_space<hbm>> -> memref<2x128xi32, #tpu.memory_space<hbm>>
          %dma_wait3A_188 = arith.constant 0 : i32
          %dma_wait3A_189 = arith.constant 0 : i32
          %dma_wait3A_190 = tpu.memref_slice %arg7[%dma_wait3A_181, %dma_wait3A_188, %dma_wait3A_189] : memref<4x2x128xi32, #tpu.memory_space<vmem>> -> memref<1x2x128xi32, #tpu.memory_space<vmem>>
          %dma_wait3A_191 = tpu.memref_squeeze %dma_wait3A_190 : memref<1x2x128xi32, #tpu.memory_space<vmem>> -> memref<2x128xi32, #tpu.memory_space<vmem>>
          %dma_wait3A_192 = arith.constant 0 : i32
          %dma_wait3A_193 = tpu.memref_slice %arg2[%mul3A_29, %dma_wait3A_192] : memref<6400x128xi32, #tpu.memory_space<hbm>> -> memref<2x128xi32, #tpu.memory_space<hbm>>
          tpu.wait_dma2 semaphore(%arg14 : memref<!tpu.dma_semaphore, #tpu.memory_space<semaphore_mem>>) src(%dma_wait3A_193 : memref<2x128xi32, #tpu.memory_space<hbm>>) dst(%dma_wait3A_191 : memref<2x128xi32, #tpu.memory_space<vmem>>)
          %dma_wait3A_194 = arith.constant 0 : i32
          %dma_wait3A_195 = arith.constant 0 : i32
          %dma_wait3A_196 = arith.constant 0 : i32
          %dma_wait3A_197 = tpu.memref_slice %arg8[%dma_wait3A_194, %dma_wait3A_195, %dma_wait3A_196] : memref<4x2x128xi32, #tpu.memory_space<vmem>> -> memref<1x2x128xi32, #tpu.memory_space<vmem>>
          %dma_wait3A_198 = tpu.memref_squeeze %dma_wait3A_197 : memref<1x2x128xi32, #tpu.memory_space<vmem>> -> memref<2x128xi32, #tpu.memory_space<vmem>>
          %dma_wait3A_199 = arith.constant 0 : i32
          %dma_wait3A_200 = tpu.memref_slice %arg3[%mul3A_29, %dma_wait3A_199] : memref<6400x128xi32, #tpu.memory_space<hbm>> -> memref<2x128xi32, #tpu.memory_space<hbm>>
          %dma_wait3A_201 = arith.constant 0 : i32
          %dma_wait3A_202 = arith.constant 0 : i32
          %dma_wait3A_203 = tpu.memref_slice %arg8[%dma_wait3A_194, %dma_wait3A_201, %dma_wait3A_202] : memref<4x2x128xi32, #tpu.memory_space<vmem>> -> memref<1x2x128xi32, #tpu.memory_space<vmem>>
          %dma_wait3A_204 = tpu.memref_squeeze %dma_wait3A_203 : memref<1x2x128xi32, #tpu.memory_space<vmem>> -> memref<2x128xi32, #tpu.memory_space<vmem>>
          %dma_wait3A_205 = arith.constant 0 : i32
          %dma_wait3A_206 = tpu.memref_slice %arg3[%mul3A_29, %dma_wait3A_205] : memref<6400x128xi32, #tpu.memory_space<hbm>> -> memref<2x128xi32, #tpu.memory_space<hbm>>
          tpu.wait_dma2 semaphore(%arg14 : memref<!tpu.dma_semaphore, #tpu.memory_space<semaphore_mem>>) src(%dma_wait3A_206 : memref<2x128xi32, #tpu.memory_space<hbm>>) dst(%dma_wait3A_204 : memref<2x128xi32, #tpu.memory_space<vmem>>)
        } else {
        }
        %rem3A_133 = arith.constant 2 : i32
        %rem3A_134 = arith.remsi %add3A_112, %rem3A_133 : i32
        %eq3A_135 = arith.constant 0 : i32
        %eq3A_136 = arith.cmpi eq, %rem3A_134, %eq3A_135 : i32
        %convert_element_type3A_137 = arith.extui %eq3A_136 : i1 to i32
        %cond3A_138 = arith.constant 0 : i32
        %cond3A_139 = arith.cmpi ne, %convert_element_type3A_137, %cond3A_138 : i32
        scf.if %cond3A_139 {
          %lt3A_181 = arith.constant 199 : i32
          %lt3A_182 = arith.cmpi slt, %add3A_112, %lt3A_181 : i32
          %convert_element_type3A_183 = arith.extui %lt3A_182 : i1 to i32
          %cond3A_184 = arith.constant 0 : i32
          %cond3A_185 = arith.cmpi ne, %convert_element_type3A_183, %cond3A_184 : i32
          scf.if %cond3A_185 {
            %dma_start3A_222 = arith.constant 0 : i32
            %dma_start3A_223 = arith.constant 0 : i32
            %dma_start3A_224 = arith.constant 0 : i32
            %dma_start3A_225 = arith.constant 0 : i32
            %dma_start3A_226 = tpu.memref_slice %arg9[%rem3A_127, %dma_start3A_223, %dma_start3A_224, %dma_start3A_225] : memref<3x2x128x32xf32, #tpu.memory_space<vmem>> -> memref<1x1x128x32xf32, #tpu.memory_space<vmem>>
            %dma_start3A_227 = tpu.memref_squeeze %dma_start3A_226 : memref<1x1x128x32xf32, #tpu.memory_space<vmem>> -> memref<128x32xf32, #tpu.memory_space<vmem>>
            %dma_start3A_228 = arith.constant 0 : i32
            %dma_start3A_229 = tpu.memref_slice %arg7[%rem3A_117, %dma_start3A_222, %dma_start3A_228] : memref<4x2x128xi32, #tpu.memory_space<vmem>> -> memref<1x1x128xi32, #tpu.memory_space<vmem>>
            %dma_start3A_230 = tpu.memref_squeeze %dma_start3A_229 : memref<1x1x128xi32, #tpu.memory_space<vmem>> -> memref<128xi32, #tpu.memory_space<vmem>>
            %dma_start3A_231 = arith.constant 0 : i32
            %dma_start3A_232 = arith.constant 0 : i32
            %dma_start3A_233 = tpu.memref_slice %arg4[%scan3A_73, %dma_start3A_231, %dma_start3A_232] : memref<4x50176x32xf32, #tpu.memory_space<hbm>> -> memref<1x50176x32xf32, #tpu.memory_space<hbm>>
            %dma_start3A_234 = tpu.memref_squeeze %dma_start3A_233 : memref<1x50176x32xf32, #tpu.memory_space<hbm>> -> memref<50176x32xf32, #tpu.memory_space<hbm>>
            %dma_start3A_235 = arith.constant 0 : i32
            %dma_start3A_236 = arith.constant 0 : i32
            %dma_start3A_237 = tpu.memref_slice %dma_start3A_234[%dma_start3A_235, %dma_start3A_236] : memref<50176x32xf32, #tpu.memory_space<hbm>> -> memref<50176x32xf32, #tpu.memory_space<hbm>>
            tpu.enqueue_indirect_dma source(%dma_start3A_237 : memref<50176x32xf32, #tpu.memory_space<hbm>>) target(%dma_start3A_227 : memref<128x32xf32, #tpu.memory_space<vmem>>) offsets(%dma_start3A_230 : memref<128xi32, #tpu.memory_space<vmem>>) semaphore(%arg12 : memref<!tpu.dma_semaphore, #tpu.memory_space<semaphore_mem>>)
            %dma_start3A_238 = arith.constant 1 : i32
            %dma_start3A_239 = arith.constant 1 : i32
            %dma_start3A_240 = arith.constant 0 : i32
            %dma_start3A_241 = arith.constant 0 : i32
            %dma_start3A_242 = tpu.memref_slice %arg9[%rem3A_127, %dma_start3A_239, %dma_start3A_240, %dma_start3A_241] : memref<3x2x128x32xf32, #tpu.memory_space<vmem>> -> memref<1x1x128x32xf32, #tpu.memory_space<vmem>>
            %dma_start3A_243 = tpu.memref_squeeze %dma_start3A_242 : memref<1x1x128x32xf32, #tpu.memory_space<vmem>> -> memref<128x32xf32, #tpu.memory_space<vmem>>
            %dma_start3A_244 = arith.constant 0 : i32
            %dma_start3A_245 = tpu.memref_slice %arg7[%rem3A_117, %dma_start3A_238, %dma_start3A_244] : memref<4x2x128xi32, #tpu.memory_space<vmem>> -> memref<1x1x128xi32, #tpu.memory_space<vmem>>
            %dma_start3A_246 = tpu.memref_squeeze %dma_start3A_245 : memref<1x1x128xi32, #tpu.memory_space<vmem>> -> memref<128xi32, #tpu.memory_space<vmem>>
            %dma_start3A_247 = arith.constant 0 : i32
            %dma_start3A_248 = arith.constant 0 : i32
            %dma_start3A_249 = tpu.memref_slice %arg4[%scan3A_73, %dma_start3A_247, %dma_start3A_248] : memref<4x50176x32xf32, #tpu.memory_space<hbm>> -> memref<1x50176x32xf32, #tpu.memory_space<hbm>>
            %dma_start3A_250 = tpu.memref_squeeze %dma_start3A_249 : memref<1x50176x32xf32, #tpu.memory_space<hbm>> -> memref<50176x32xf32, #tpu.memory_space<hbm>>
            %dma_start3A_251 = arith.constant 0 : i32
            %dma_start3A_252 = arith.constant 0 : i32
            %dma_start3A_253 = tpu.memref_slice %dma_start3A_250[%dma_start3A_251, %dma_start3A_252] : memref<50176x32xf32, #tpu.memory_space<hbm>> -> memref<50176x32xf32, #tpu.memory_space<hbm>>
            tpu.enqueue_indirect_dma source(%dma_start3A_253 : memref<50176x32xf32, #tpu.memory_space<hbm>>) target(%dma_start3A_243 : memref<128x32xf32, #tpu.memory_space<vmem>>) offsets(%dma_start3A_246 : memref<128xi32, #tpu.memory_space<vmem>>) semaphore(%arg12 : memref<!tpu.dma_semaphore, #tpu.memory_space<semaphore_mem>>)
          } else {
          }
          %dma_wait3A_186 = arith.constant 0 : i32
          %dma_wait3A_187 = arith.constant 0 : i32
          %dma_wait3A_188 = arith.constant 0 : i32
          %dma_wait3A_189 = arith.constant 0 : i32
          %dma_wait3A_190 = arith.constant 0 : i32
          %dma_wait3A_191 = arith.constant 0 : i32
          %dma_wait3A_192 = tpu.memref_slice %arg9[%dma_wait3A_188, %dma_wait3A_189, %dma_wait3A_190, %dma_wait3A_191] : memref<3x2x128x32xf32, #tpu.memory_space<vmem>> -> memref<1x1x128x32xf32, #tpu.memory_space<vmem>>
          %dma_wait3A_193 = tpu.memref_squeeze %dma_wait3A_192 : memref<1x1x128x32xf32, #tpu.memory_space<vmem>> -> memref<128x32xf32, #tpu.memory_space<vmem>>
          %dma_wait3A_194 = arith.constant 0 : i32
          %dma_wait3A_195 = tpu.memref_slice %arg7[%dma_wait3A_186, %dma_wait3A_187, %dma_wait3A_194] : memref<4x2x128xi32, #tpu.memory_space<vmem>> -> memref<1x1x128xi32, #tpu.memory_space<vmem>>
          %dma_wait3A_196 = tpu.memref_squeeze %dma_wait3A_195 : memref<1x1x128xi32, #tpu.memory_space<vmem>> -> memref<128xi32, #tpu.memory_space<vmem>>
          %dma_wait3A_197 = arith.constant 0 : i32
          %dma_wait3A_198 = arith.constant 0 : i32
          %dma_wait3A_199 = tpu.memref_slice %arg4[%scan3A_73, %dma_wait3A_197, %dma_wait3A_198] : memref<4x50176x32xf32, #tpu.memory_space<hbm>> -> memref<1x50176x32xf32, #tpu.memory_space<hbm>>
          %dma_wait3A_200 = tpu.memref_squeeze %dma_wait3A_199 : memref<1x50176x32xf32, #tpu.memory_space<hbm>> -> memref<50176x32xf32, #tpu.memory_space<hbm>>
          %dma_wait3A_201 = arith.constant 0 : i32
          %dma_wait3A_202 = arith.constant 0 : i32
          %dma_wait3A_203 = tpu.memref_slice %dma_wait3A_200[%dma_wait3A_201, %dma_wait3A_202] : memref<50176x32xf32, #tpu.memory_space<hbm>> -> memref<50176x32xf32, #tpu.memory_space<hbm>>
          tpu.wait_indirect_dma semaphore(%arg11 : memref<!tpu.dma_semaphore, #tpu.memory_space<semaphore_mem>>) src(%dma_wait3A_203 : memref<50176x32xf32, #tpu.memory_space<hbm>>) dst(%dma_wait3A_193 : memref<128x32xf32, #tpu.memory_space<vmem>>)
          %dma_wait3A_204 = arith.constant 0 : i32
          %dma_wait3A_205 = arith.constant 1 : i32
          %dma_wait3A_206 = arith.constant 0 : i32
          %dma_wait3A_207 = arith.constant 1 : i32
          %dma_wait3A_208 = arith.constant 0 : i32
          %dma_wait3A_209 = arith.constant 0 : i32
          %dma_wait3A_210 = tpu.memref_slice %arg9[%dma_wait3A_206, %dma_wait3A_207, %dma_wait3A_208, %dma_wait3A_209] : memref<3x2x128x32xf32, #tpu.memory_space<vmem>> -> memref<1x1x128x32xf32, #tpu.memory_space<vmem>>
          %dma_wait3A_211 = tpu.memref_squeeze %dma_wait3A_210 : memref<1x1x128x32xf32, #tpu.memory_space<vmem>> -> memref<128x32xf32, #tpu.memory_space<vmem>>
          %dma_wait3A_212 = arith.constant 0 : i32
          %dma_wait3A_213 = tpu.memref_slice %arg7[%dma_wait3A_204, %dma_wait3A_205, %dma_wait3A_212] : memref<4x2x128xi32, #tpu.memory_space<vmem>> -> memref<1x1x128xi32, #tpu.memory_space<vmem>>
          %dma_wait3A_214 = tpu.memref_squeeze %dma_wait3A_213 : memref<1x1x128xi32, #tpu.memory_space<vmem>> -> memref<128xi32, #tpu.memory_space<vmem>>
          %dma_wait3A_215 = arith.constant 0 : i32
          %dma_wait3A_216 = arith.constant 0 : i32
          %dma_wait3A_217 = tpu.memref_slice %arg4[%scan3A_73, %dma_wait3A_215, %dma_wait3A_216] : memref<4x50176x32xf32, #tpu.memory_space<hbm>> -> memref<1x50176x32xf32, #tpu.memory_space<hbm>>
          %dma_wait3A_218 = tpu.memref_squeeze %dma_wait3A_217 : memref<1x50176x32xf32, #tpu.memory_space<hbm>> -> memref<50176x32xf32, #tpu.memory_space<hbm>>
          %dma_wait3A_219 = arith.constant 0 : i32
          %dma_wait3A_220 = arith.constant 0 : i32
          %dma_wait3A_221 = tpu.memref_slice %dma_wait3A_218[%dma_wait3A_219, %dma_wait3A_220] : memref<50176x32xf32, #tpu.memory_space<hbm>> -> memref<50176x32xf32, #tpu.memory_space<hbm>>
          tpu.wait_indirect_dma semaphore(%arg11 : memref<!tpu.dma_semaphore, #tpu.memory_space<semaphore_mem>>) src(%dma_wait3A_221 : memref<50176x32xf32, #tpu.memory_space<hbm>>) dst(%dma_wait3A_211 : memref<128x32xf32, #tpu.memory_space<vmem>>)
        } else {
        }
        %rem3A_140 = arith.constant 2 : i32
        %rem3A_141 = arith.remsi %add3A_112, %rem3A_140 : i32
        %eq3A_142 = arith.constant 1 : i32
        %eq3A_143 = arith.cmpi eq, %rem3A_141, %eq3A_142 : i32
        %convert_element_type3A_144 = arith.extui %eq3A_143 : i1 to i32
        %cond3A_145 = arith.constant 0 : i32
        %cond3A_146 = arith.cmpi ne, %convert_element_type3A_144, %cond3A_145 : i32
        scf.if %cond3A_146 {
          %lt3A_181 = arith.constant 199 : i32
          %lt3A_182 = arith.cmpi slt, %add3A_112, %lt3A_181 : i32
          %convert_element_type3A_183 = arith.extui %lt3A_182 : i1 to i32
          %cond3A_184 = arith.constant 0 : i32
          %cond3A_185 = arith.cmpi ne, %convert_element_type3A_183, %cond3A_184 : i32
          scf.if %cond3A_185 {
            %dma_start3A_222 = arith.constant 0 : i32
            %dma_start3A_223 = arith.constant 0 : i32
            %dma_start3A_224 = arith.constant 0 : i32
            %dma_start3A_225 = arith.constant 0 : i32
            %dma_start3A_226 = tpu.memref_slice %arg9[%rem3A_127, %dma_start3A_223, %dma_start3A_224, %dma_start3A_225] : memref<3x2x128x32xf32, #tpu.memory_space<vmem>> -> memref<1x1x128x32xf32, #tpu.memory_space<vmem>>
            %dma_start3A_227 = tpu.memref_squeeze %dma_start3A_226 : memref<1x1x128x32xf32, #tpu.memory_space<vmem>> -> memref<128x32xf32, #tpu.memory_space<vmem>>
            %dma_start3A_228 = arith.constant 0 : i32
            %dma_start3A_229 = tpu.memref_slice %arg7[%rem3A_117, %dma_start3A_222, %dma_start3A_228] : memref<4x2x128xi32, #tpu.memory_space<vmem>> -> memref<1x1x128xi32, #tpu.memory_space<vmem>>
            %dma_start3A_230 = tpu.memref_squeeze %dma_start3A_229 : memref<1x1x128xi32, #tpu.memory_space<vmem>> -> memref<128xi32, #tpu.memory_space<vmem>>
            %dma_start3A_231 = arith.constant 0 : i32
            %dma_start3A_232 = arith.constant 0 : i32
            %dma_start3A_233 = tpu.memref_slice %arg4[%scan3A_73, %dma_start3A_231, %dma_start3A_232] : memref<4x50176x32xf32, #tpu.memory_space<hbm>> -> memref<1x50176x32xf32, #tpu.memory_space<hbm>>
            %dma_start3A_234 = tpu.memref_squeeze %dma_start3A_233 : memref<1x50176x32xf32, #tpu.memory_space<hbm>> -> memref<50176x32xf32, #tpu.memory_space<hbm>>
            %dma_start3A_235 = arith.constant 0 : i32
            %dma_start3A_236 = arith.constant 0 : i32
            %dma_start3A_237 = tpu.memref_slice %dma_start3A_234[%dma_start3A_235, %dma_start3A_236] : memref<50176x32xf32, #tpu.memory_space<hbm>> -> memref<50176x32xf32, #tpu.memory_space<hbm>>
            tpu.enqueue_indirect_dma source(%dma_start3A_237 : memref<50176x32xf32, #tpu.memory_space<hbm>>) target(%dma_start3A_227 : memref<128x32xf32, #tpu.memory_space<vmem>>) offsets(%dma_start3A_230 : memref<128xi32, #tpu.memory_space<vmem>>) semaphore(%arg11 : memref<!tpu.dma_semaphore, #tpu.memory_space<semaphore_mem>>)
            %dma_start3A_238 = arith.constant 1 : i32
            %dma_start3A_239 = arith.constant 1 : i32
            %dma_start3A_240 = arith.constant 0 : i32
            %dma_start3A_241 = arith.constant 0 : i32
            %dma_start3A_242 = tpu.memref_slice %arg9[%rem3A_127, %dma_start3A_239, %dma_start3A_240, %dma_start3A_241] : memref<3x2x128x32xf32, #tpu.memory_space<vmem>> -> memref<1x1x128x32xf32, #tpu.memory_space<vmem>>
            %dma_start3A_243 = tpu.memref_squeeze %dma_start3A_242 : memref<1x1x128x32xf32, #tpu.memory_space<vmem>> -> memref<128x32xf32, #tpu.memory_space<vmem>>
            %dma_start3A_244 = arith.constant 0 : i32
            %dma_start3A_245 = tpu.memref_slice %arg7[%rem3A_117, %dma_start3A_238, %dma_start3A_244] : memref<4x2x128xi32, #tpu.memory_space<vmem>> -> memref<1x1x128xi32, #tpu.memory_space<vmem>>
            %dma_start3A_246 = tpu.memref_squeeze %dma_start3A_245 : memref<1x1x128xi32, #tpu.memory_space<vmem>> -> memref<128xi32, #tpu.memory_space<vmem>>
            %dma_start3A_247 = arith.constant 0 : i32
            %dma_start3A_248 = arith.constant 0 : i32
            %dma_start3A_249 = tpu.memref_slice %arg4[%scan3A_73, %dma_start3A_247, %dma_start3A_248] : memref<4x50176x32xf32, #tpu.memory_space<hbm>> -> memref<1x50176x32xf32, #tpu.memory_space<hbm>>
            %dma_start3A_250 = tpu.memref_squeeze %dma_start3A_249 : memref<1x50176x32xf32, #tpu.memory_space<hbm>> -> memref<50176x32xf32, #tpu.memory_space<hbm>>
            %dma_start3A_251 = arith.constant 0 : i32
            %dma_start3A_252 = arith.constant 0 : i32
            %dma_start3A_253 = tpu.memref_slice %dma_start3A_250[%dma_start3A_251, %dma_start3A_252] : memref<50176x32xf32, #tpu.memory_space<hbm>> -> memref<50176x32xf32, #tpu.memory_space<hbm>>
            tpu.enqueue_indirect_dma source(%dma_start3A_253 : memref<50176x32xf32, #tpu.memory_space<hbm>>) target(%dma_start3A_243 : memref<128x32xf32, #tpu.memory_space<vmem>>) offsets(%dma_start3A_246 : memref<128xi32, #tpu.memory_space<vmem>>) semaphore(%arg11 : memref<!tpu.dma_semaphore, #tpu.memory_space<semaphore_mem>>)
          } else {
          }
          %dma_wait3A_186 = arith.constant 0 : i32
          %dma_wait3A_187 = arith.constant 0 : i32
          %dma_wait3A_188 = arith.constant 0 : i32
          %dma_wait3A_189 = arith.constant 0 : i32
          %dma_wait3A_190 = arith.constant 0 : i32
          %dma_wait3A_191 = arith.constant 0 : i32
          %dma_wait3A_192 = tpu.memref_slice %arg9[%dma_wait3A_188, %dma_wait3A_189, %dma_wait3A_190, %dma_wait3A_191] : memref<3x2x128x32xf32, #tpu.memory_space<vmem>> -> memref<1x1x128x32xf32, #tpu.memory_space<vmem>>
          %dma_wait3A_193 = tpu.memref_squeeze %dma_wait3A_192 : memref<1x1x128x32xf32, #tpu.memory_space<vmem>> -> memref<128x32xf32, #tpu.memory_space<vmem>>
          %dma_wait3A_194 = arith.constant 0 : i32
          %dma_wait3A_195 = tpu.memref_slice %arg7[%dma_wait3A_186, %dma_wait3A_187, %dma_wait3A_194] : memref<4x2x128xi32, #tpu.memory_space<vmem>> -> memref<1x1x128xi32, #tpu.memory_space<vmem>>
          %dma_wait3A_196 = tpu.memref_squeeze %dma_wait3A_195 : memref<1x1x128xi32, #tpu.memory_space<vmem>> -> memref<128xi32, #tpu.memory_space<vmem>>
          %dma_wait3A_197 = arith.constant 0 : i32
          %dma_wait3A_198 = arith.constant 0 : i32
          %dma_wait3A_199 = tpu.memref_slice %arg4[%scan3A_73, %dma_wait3A_197, %dma_wait3A_198] : memref<4x50176x32xf32, #tpu.memory_space<hbm>> -> memref<1x50176x32xf32, #tpu.memory_space<hbm>>
          %dma_wait3A_200 = tpu.memref_squeeze %dma_wait3A_199 : memref<1x50176x32xf32, #tpu.memory_space<hbm>> -> memref<50176x32xf32, #tpu.memory_space<hbm>>
          %dma_wait3A_201 = arith.constant 0 : i32
          %dma_wait3A_202 = arith.constant 0 : i32
          %dma_wait3A_203 = tpu.memref_slice %dma_wait3A_200[%dma_wait3A_201, %dma_wait3A_202] : memref<50176x32xf32, #tpu.memory_space<hbm>> -> memref<50176x32xf32, #tpu.memory_space<hbm>>
          tpu.wait_indirect_dma semaphore(%arg12 : memref<!tpu.dma_semaphore, #tpu.memory_space<semaphore_mem>>) src(%dma_wait3A_203 : memref<50176x32xf32, #tpu.memory_space<hbm>>) dst(%dma_wait3A_193 : memref<128x32xf32, #tpu.memory_space<vmem>>)
          %dma_wait3A_204 = arith.constant 0 : i32
          %dma_wait3A_205 = arith.constant 1 : i32
          %dma_wait3A_206 = arith.constant 0 : i32
          %dma_wait3A_207 = arith.constant 1 : i32
          %dma_wait3A_208 = arith.constant 0 : i32
          %dma_wait3A_209 = arith.constant 0 : i32
          %dma_wait3A_210 = tpu.memref_slice %arg9[%dma_wait3A_206, %dma_wait3A_207, %dma_wait3A_208, %dma_wait3A_209] : memref<3x2x128x32xf32, #tpu.memory_space<vmem>> -> memref<1x1x128x32xf32, #tpu.memory_space<vmem>>
          %dma_wait3A_211 = tpu.memref_squeeze %dma_wait3A_210 : memref<1x1x128x32xf32, #tpu.memory_space<vmem>> -> memref<128x32xf32, #tpu.memory_space<vmem>>
          %dma_wait3A_212 = arith.constant 0 : i32
          %dma_wait3A_213 = tpu.memref_slice %arg7[%dma_wait3A_204, %dma_wait3A_205, %dma_wait3A_212] : memref<4x2x128xi32, #tpu.memory_space<vmem>> -> memref<1x1x128xi32, #tpu.memory_space<vmem>>
          %dma_wait3A_214 = tpu.memref_squeeze %dma_wait3A_213 : memref<1x1x128xi32, #tpu.memory_space<vmem>> -> memref<128xi32, #tpu.memory_space<vmem>>
          %dma_wait3A_215 = arith.constant 0 : i32
          %dma_wait3A_216 = arith.constant 0 : i32
          %dma_wait3A_217 = tpu.memref_slice %arg4[%scan3A_73, %dma_wait3A_215, %dma_wait3A_216] : memref<4x50176x32xf32, #tpu.memory_space<hbm>> -> memref<1x50176x32xf32, #tpu.memory_space<hbm>>
          %dma_wait3A_218 = tpu.memref_squeeze %dma_wait3A_217 : memref<1x50176x32xf32, #tpu.memory_space<hbm>> -> memref<50176x32xf32, #tpu.memory_space<hbm>>
          %dma_wait3A_219 = arith.constant 0 : i32
          %dma_wait3A_220 = arith.constant 0 : i32
          %dma_wait3A_221 = tpu.memref_slice %dma_wait3A_218[%dma_wait3A_219, %dma_wait3A_220] : memref<50176x32xf32, #tpu.memory_space<hbm>> -> memref<50176x32xf32, #tpu.memory_space<hbm>>
          tpu.wait_indirect_dma semaphore(%arg12 : memref<!tpu.dma_semaphore, #tpu.memory_space<semaphore_mem>>) src(%dma_wait3A_221 : memref<50176x32xf32, #tpu.memory_space<hbm>>) dst(%dma_wait3A_211 : memref<128x32xf32, #tpu.memory_space<vmem>>)
        } else {
        }
        %lt3A_147 = arith.constant 198 : i32
        %lt3A_148 = arith.cmpi slt, %add3A_112, %lt3A_147 : i32
        %convert_element_type3A_149 = arith.extui %lt3A_148 : i1 to i32
        %cond3A_150 = arith.constant 0 : i32
        %cond3A_151 = arith.cmpi ne, %convert_element_type3A_149, %cond3A_150 : i32
        scf.if %cond3A_151 {
          %mul3A_181 = arith.constant 400 : i32
          %mul3A_182 = arith.muli %arg1, %mul3A_181 : i32
          %add3A_183 = arith.constant 2 : i32
          %add3A_184 = arith.addi %add3A_112, %add3A_183 : i32
          %mul3A_185 = arith.constant 2 : i32
          %mul3A_186 = arith.muli %add3A_184, %mul3A_185 : i32
          %add3A_187 = arith.addi %mul3A_182, %mul3A_186 : i32
          %dma_start3A_188 = arith.constant 0 : i32
          %dma_start3A_189 = arith.constant 0 : i32
          %dma_start3A_190 = tpu.memref_slice %arg7[%rem3A_121, %dma_start3A_188, %dma_start3A_189] : memref<4x2x128xi32, #tpu.memory_space<vmem>> -> memref<1x2x128xi32, #tpu.memory_space<vmem>>
          %dma_start3A_191 = tpu.memref_squeeze %dma_start3A_190 : memref<1x2x128xi32, #tpu.memory_space<vmem>> -> memref<2x128xi32, #tpu.memory_space<vmem>>
          %dma_start3A_192 = arith.constant 0 : i32
          %dma_start3A_193 = tpu.memref_slice %arg2[%add3A_187, %dma_start3A_192] : memref<6400x128xi32, #tpu.memory_space<hbm>> -> memref<2x128xi32, #tpu.memory_space<hbm>>
          %dma_start3A_194 = arith.constant 0 : i32
          %dma_start3A_195 = arith.constant 0 : i32
          %dma_start3A_196 = tpu.memref_slice %arg7[%rem3A_121, %dma_start3A_194, %dma_start3A_195] : memref<4x2x128xi32, #tpu.memory_space<vmem>> -> memref<1x2x128xi32, #tpu.memory_space<vmem>>
          %dma_start3A_197 = tpu.memref_squeeze %dma_start3A_196 : memref<1x2x128xi32, #tpu.memory_space<vmem>> -> memref<2x128xi32, #tpu.memory_space<vmem>>
          %dma_start3A_198 = arith.constant 0 : i32
          %dma_start3A_199 = tpu.memref_slice %arg2[%add3A_187, %dma_start3A_198] : memref<6400x128xi32, #tpu.memory_space<hbm>> -> memref<2x128xi32, #tpu.memory_space<hbm>>
          tpu.enqueue_dma source(%dma_start3A_199 : memref<2x128xi32, #tpu.memory_space<hbm>>) target(%dma_start3A_197 : memref<2x128xi32, #tpu.memory_space<vmem>>) target_semaphore(%arg14 : memref<!tpu.dma_semaphore, #tpu.memory_space<semaphore_mem>>)
          %dma_start3A_200 = arith.constant 0 : i32
          %dma_start3A_201 = arith.constant 0 : i32
          %dma_start3A_202 = tpu.memref_slice %arg8[%rem3A_121, %dma_start3A_200, %dma_start3A_201] : memref<4x2x128xi32, #tpu.memory_space<vmem>> -> memref<1x2x128xi32, #tpu.memory_space<vmem>>
          %dma_start3A_203 = tpu.memref_squeeze %dma_start3A_202 : memref<1x2x128xi32, #tpu.memory_space<vmem>> -> memref<2x128xi32, #tpu.memory_space<vmem>>
          %dma_start3A_204 = arith.constant 0 : i32
          %dma_start3A_205 = tpu.memref_slice %arg3[%add3A_187, %dma_start3A_204] : memref<6400x128xi32, #tpu.memory_space<hbm>> -> memref<2x128xi32, #tpu.memory_space<hbm>>
          %dma_start3A_206 = arith.constant 0 : i32
          %dma_start3A_207 = arith.constant 0 : i32
          %dma_start3A_208 = tpu.memref_slice %arg8[%rem3A_121, %dma_start3A_206, %dma_start3A_207] : memref<4x2x128xi32, #tpu.memory_space<vmem>> -> memref<1x2x128xi32, #tpu.memory_space<vmem>>
          %dma_start3A_209 = tpu.memref_squeeze %dma_start3A_208 : memref<1x2x128xi32, #tpu.memory_space<vmem>> -> memref<2x128xi32, #tpu.memory_space<vmem>>
          %dma_start3A_210 = arith.constant 0 : i32
          %dma_start3A_211 = tpu.memref_slice %arg3[%add3A_187, %dma_start3A_210] : memref<6400x128xi32, #tpu.memory_space<hbm>> -> memref<2x128xi32, #tpu.memory_space<hbm>>
          tpu.enqueue_dma source(%dma_start3A_211 : memref<2x128xi32, #tpu.memory_space<hbm>>) target(%dma_start3A_209 : memref<2x128xi32, #tpu.memory_space<vmem>>) target_semaphore(%arg14 : memref<!tpu.dma_semaphore, #tpu.memory_space<semaphore_mem>>)
        } else {
        }
        %gt3A_152 = arith.constant 0 : i32
        %gt3A_153 = arith.cmpi sgt, %add3A_112, %gt3A_152 : i32
        %convert_element_type3A_154 = arith.extui %gt3A_153 : i1 to i32
        %cond3A_155 = arith.constant 0 : i32
        %cond3A_156 = arith.cmpi ne, %convert_element_type3A_154, %cond3A_155 : i32
        scf.if %cond3A_156 {
          %dma_wait3A_181 = arith.constant 0 : i32
          %dma_wait3A_182 = arith.constant 0 : i32
          %dma_wait3A_183 = arith.constant 0 : i32
          %dma_wait3A_184 = arith.constant 0 : i32
          %dma_wait3A_185 = arith.constant 0 : i32
          %dma_wait3A_186 = arith.constant 0 : i32
          %dma_wait3A_187 = tpu.memref_slice %arg9[%dma_wait3A_181, %dma_wait3A_182, %dma_wait3A_185, %dma_wait3A_186] : memref<3x2x128x32xf32, #tpu.memory_space<vmem>> -> memref<1x1x128x32xf32, #tpu.memory_space<vmem>>
          %dma_wait3A_188 = tpu.memref_squeeze %dma_wait3A_187 : memref<1x1x128x32xf32, #tpu.memory_space<vmem>> -> memref<128x32xf32, #tpu.memory_space<vmem>>
          %dma_wait3A_189 = arith.constant 0 : i32
          %dma_wait3A_190 = tpu.memref_slice %arg8[%dma_wait3A_183, %dma_wait3A_184, %dma_wait3A_189] : memref<4x2x128xi32, #tpu.memory_space<vmem>> -> memref<1x1x128xi32, #tpu.memory_space<vmem>>
          %dma_wait3A_191 = tpu.memref_squeeze %dma_wait3A_190 : memref<1x1x128xi32, #tpu.memory_space<vmem>> -> memref<128xi32, #tpu.memory_space<vmem>>
          %dma_wait3A_192 = arith.constant 0 : i32
          %dma_wait3A_193 = arith.constant 0 : i32
          %dma_wait3A_194 = tpu.memref_slice %arg6[%dma_wait3A_192, %dma_wait3A_193] : memref<50176x32xf32, #tpu.memory_space<vmem_shared>> -> memref<50176x32xf32, #tpu.memory_space<vmem_shared>>
          tpu.wait_indirect_dma semaphore(%arg13 : memref<!tpu.dma_semaphore, #tpu.memory_space<semaphore_mem>>) src(%dma_wait3A_188 : memref<128x32xf32, #tpu.memory_space<vmem>>) dst(%dma_wait3A_194 : memref<50176x32xf32, #tpu.memory_space<vmem_shared>>)
          %dma_wait3A_195 = arith.constant 0 : i32
          %dma_wait3A_196 = arith.constant 1 : i32
          %dma_wait3A_197 = arith.constant 0 : i32
          %dma_wait3A_198 = arith.constant 1 : i32
          %dma_wait3A_199 = arith.constant 0 : i32
          %dma_wait3A_200 = arith.constant 0 : i32
          %dma_wait3A_201 = tpu.memref_slice %arg9[%dma_wait3A_195, %dma_wait3A_196, %dma_wait3A_199, %dma_wait3A_200] : memref<3x2x128x32xf32, #tpu.memory_space<vmem>> -> memref<1x1x128x32xf32, #tpu.memory_space<vmem>>
          %dma_wait3A_202 = tpu.memref_squeeze %dma_wait3A_201 : memref<1x1x128x32xf32, #tpu.memory_space<vmem>> -> memref<128x32xf32, #tpu.memory_space<vmem>>
          %dma_wait3A_203 = arith.constant 0 : i32
          %dma_wait3A_204 = tpu.memref_slice %arg8[%dma_wait3A_197, %dma_wait3A_198, %dma_wait3A_203] : memref<4x2x128xi32, #tpu.memory_space<vmem>> -> memref<1x1x128xi32, #tpu.memory_space<vmem>>
          %dma_wait3A_205 = tpu.memref_squeeze %dma_wait3A_204 : memref<1x1x128xi32, #tpu.memory_space<vmem>> -> memref<128xi32, #tpu.memory_space<vmem>>
          %dma_wait3A_206 = arith.constant 0 : i32
          %dma_wait3A_207 = arith.constant 0 : i32
          %dma_wait3A_208 = tpu.memref_slice %arg6[%dma_wait3A_206, %dma_wait3A_207] : memref<50176x32xf32, #tpu.memory_space<vmem_shared>> -> memref<50176x32xf32, #tpu.memory_space<vmem_shared>>
          tpu.wait_indirect_dma semaphore(%arg13 : memref<!tpu.dma_semaphore, #tpu.memory_space<semaphore_mem>>) src(%dma_wait3A_202 : memref<128x32xf32, #tpu.memory_space<vmem>>) dst(%dma_wait3A_208 : memref<50176x32xf32, #tpu.memory_space<vmem_shared>>)
        } else {
        }
        %dma_start3A_157 = arith.constant 0 : i32
        %dma_start3A_158 = arith.constant 0 : i32
        %dma_start3A_159 = arith.constant 0 : i32
        %dma_start3A_160 = arith.constant 0 : i32
        %dma_start3A_161 = tpu.memref_slice %arg9[%rem3A_123, %dma_start3A_157, %dma_start3A_159, %dma_start3A_160] : memref<3x2x128x32xf32, #tpu.memory_space<vmem>> -> memref<1x1x128x32xf32, #tpu.memory_space<vmem>>
        %dma_start3A_162 = tpu.memref_squeeze %dma_start3A_161 : memref<1x1x128x32xf32, #tpu.memory_space<vmem>> -> memref<128x32xf32, #tpu.memory_space<vmem>>
        %dma_start3A_163 = arith.constant 0 : i32
        %dma_start3A_164 = tpu.memref_slice %arg8[%rem3A_113, %dma_start3A_158, %dma_start3A_163] : memref<4x2x128xi32, #tpu.memory_space<vmem>> -> memref<1x1x128xi32, #tpu.memory_space<vmem>>
        %dma_start3A_165 = tpu.memref_squeeze %dma_start3A_164 : memref<1x1x128xi32, #tpu.memory_space<vmem>> -> memref<128xi32, #tpu.memory_space<vmem>>
        %dma_start3A_166 = arith.constant 0 : i32
        %dma_start3A_167 = arith.constant 0 : i32
        %dma_start3A_168 = tpu.memref_slice %arg6[%dma_start3A_166, %dma_start3A_167] : memref<50176x32xf32, #tpu.memory_space<vmem_shared>> -> memref<50176x32xf32, #tpu.memory_space<vmem_shared>>
        tpu.enqueue_indirect_dma source(%dma_start3A_162 : memref<128x32xf32, #tpu.memory_space<vmem>>) target(%dma_start3A_168 : memref<50176x32xf32, #tpu.memory_space<vmem_shared>>) offsets(%dma_start3A_165 : memref<128xi32, #tpu.memory_space<vmem>>) semaphore(%arg13 : memref<!tpu.dma_semaphore, #tpu.memory_space<semaphore_mem>>) {add = true}
        %dma_start3A_169 = arith.constant 1 : i32
        %dma_start3A_170 = arith.constant 1 : i32
        %dma_start3A_171 = arith.constant 0 : i32
        %dma_start3A_172 = arith.constant 0 : i32
        %dma_start3A_173 = tpu.memref_slice %arg9[%rem3A_123, %dma_start3A_169, %dma_start3A_171, %dma_start3A_172] : memref<3x2x128x32xf32, #tpu.memory_space<vmem>> -> memref<1x1x128x32xf32, #tpu.memory_space<vmem>>
        %dma_start3A_174 = tpu.memref_squeeze %dma_start3A_173 : memref<1x1x128x32xf32, #tpu.memory_space<vmem>> -> memref<128x32xf32, #tpu.memory_space<vmem>>
        %dma_start3A_175 = arith.constant 0 : i32
        %dma_start3A_176 = tpu.memref_slice %arg8[%rem3A_113, %dma_start3A_170, %dma_start3A_175] : memref<4x2x128xi32, #tpu.memory_space<vmem>> -> memref<1x1x128xi32, #tpu.memory_space<vmem>>
        %dma_start3A_177 = tpu.memref_squeeze %dma_start3A_176 : memref<1x1x128xi32, #tpu.memory_space<vmem>> -> memref<128xi32, #tpu.memory_space<vmem>>
        %dma_start3A_178 = arith.constant 0 : i32
        %dma_start3A_179 = arith.constant 0 : i32
        %dma_start3A_180 = tpu.memref_slice %arg6[%dma_start3A_178, %dma_start3A_179] : memref<50176x32xf32, #tpu.memory_space<vmem_shared>> -> memref<50176x32xf32, #tpu.memory_space<vmem_shared>>
        tpu.enqueue_indirect_dma source(%dma_start3A_174 : memref<128x32xf32, #tpu.memory_space<vmem>>) target(%dma_start3A_180 : memref<50176x32xf32, #tpu.memory_space<vmem_shared>>) offsets(%dma_start3A_177 : memref<128xi32, #tpu.memory_space<vmem>>) semaphore(%arg13 : memref<!tpu.dma_semaphore, #tpu.memory_space<semaphore_mem>>) {add = true}
      }
      %scan3A_78 = arith.constant 200 : i32
      %dma_wait3A = arith.constant 0 : i32
      %dma_wait3A_79 = arith.constant 0 : i32
      %dma_wait3A_80 = arith.constant 0 : i32
      %dma_wait3A_81 = arith.constant 0 : i32
      %dma_wait3A_82 = arith.constant 0 : i32
      %dma_wait3A_83 = arith.constant 0 : i32
      %dma_wait3A_84 = tpu.memref_slice %arg9[%dma_wait3A, %dma_wait3A_79, %dma_wait3A_82, %dma_wait3A_83] : memref<3x2x128x32xf32, #tpu.memory_space<vmem>> -> memref<1x1x128x32xf32, #tpu.memory_space<vmem>>
      %dma_wait3A_85 = tpu.memref_squeeze %dma_wait3A_84 : memref<1x1x128x32xf32, #tpu.memory_space<vmem>> -> memref<128x32xf32, #tpu.memory_space<vmem>>
      %dma_wait3A_86 = arith.constant 0 : i32
      %dma_wait3A_87 = tpu.memref_slice %arg8[%dma_wait3A_80, %dma_wait3A_81, %dma_wait3A_86] : memref<4x2x128xi32, #tpu.memory_space<vmem>> -> memref<1x1x128xi32, #tpu.memory_space<vmem>>
      %dma_wait3A_88 = tpu.memref_squeeze %dma_wait3A_87 : memref<1x1x128xi32, #tpu.memory_space<vmem>> -> memref<128xi32, #tpu.memory_space<vmem>>
      %dma_wait3A_89 = arith.constant 0 : i32
      %dma_wait3A_90 = arith.constant 0 : i32
      %dma_wait3A_91 = tpu.memref_slice %arg6[%dma_wait3A_89, %dma_wait3A_90] : memref<50176x32xf32, #tpu.memory_space<vmem_shared>> -> memref<50176x32xf32, #tpu.memory_space<vmem_shared>>
      tpu.wait_indirect_dma semaphore(%arg13 : memref<!tpu.dma_semaphore, #tpu.memory_space<semaphore_mem>>) src(%dma_wait3A_85 : memref<128x32xf32, #tpu.memory_space<vmem>>) dst(%dma_wait3A_91 : memref<50176x32xf32, #tpu.memory_space<vmem_shared>>)
      %dma_wait3A_92 = arith.constant 0 : i32
      %dma_wait3A_93 = arith.constant 1 : i32
      %dma_wait3A_94 = arith.constant 0 : i32
      %dma_wait3A_95 = arith.constant 1 : i32
      %dma_wait3A_96 = arith.constant 0 : i32
      %dma_wait3A_97 = arith.constant 0 : i32
      %dma_wait3A_98 = tpu.memref_slice %arg9[%dma_wait3A_92, %dma_wait3A_93, %dma_wait3A_96, %dma_wait3A_97] : memref<3x2x128x32xf32, #tpu.memory_space<vmem>> -> memref<1x1x128x32xf32, #tpu.memory_space<vmem>>
      %dma_wait3A_99 = tpu.memref_squeeze %dma_wait3A_98 : memref<1x1x128x32xf32, #tpu.memory_space<vmem>> -> memref<128x32xf32, #tpu.memory_space<vmem>>
      %dma_wait3A_100 = arith.constant 0 : i32
      %dma_wait3A_101 = tpu.memref_slice %arg8[%dma_wait3A_94, %dma_wait3A_95, %dma_wait3A_100] : memref<4x2x128xi32, #tpu.memory_space<vmem>> -> memref<1x1x128xi32, #tpu.memory_space<vmem>>
      %dma_wait3A_102 = tpu.memref_squeeze %dma_wait3A_101 : memref<1x1x128xi32, #tpu.memory_space<vmem>> -> memref<128xi32, #tpu.memory_space<vmem>>
      %dma_wait3A_103 = arith.constant 0 : i32
      %dma_wait3A_104 = arith.constant 0 : i32
      %dma_wait3A_105 = tpu.memref_slice %arg6[%dma_wait3A_103, %dma_wait3A_104] : memref<50176x32xf32, #tpu.memory_space<vmem_shared>> -> memref<50176x32xf32, #tpu.memory_space<vmem_shared>>
      tpu.wait_indirect_dma semaphore(%arg13 : memref<!tpu.dma_semaphore, #tpu.memory_space<semaphore_mem>>) src(%dma_wait3A_99 : memref<128x32xf32, #tpu.memory_space<vmem>>) dst(%dma_wait3A_105 : memref<50176x32xf32, #tpu.memory_space<vmem_shared>>)
      %barrier3A_106 = arith.constant 0 : index
      tpu.barrier barrier_id(%barrier3A_106)
      %run_scoped3A_107 = arith.constant 3 : i32
      "tpu.region"() ({
        %run_scoped3A_108 = tpu.sem_alloc : memref<!tpu.dma_semaphore, #tpu.memory_space<semaphore_mem>>
        %dma_start3A_109 = arith.constant 0 : i32
        %dma_start3A_110 = tpu.memref_slice %arg5[%run_scoped3A_107, %multiple_of3A, %dma_start3A_109] : memref<4x50176x32xf32, #tpu.memory_space<hbm>> -> memref<1x3136x32xf32, #tpu.memory_space<hbm>>
        %dma_start3A_111 = tpu.memref_squeeze %dma_start3A_110 : memref<1x3136x32xf32, #tpu.memory_space<hbm>> -> memref<3136x32xf32, #tpu.memory_space<hbm>>
        %dma_start3A_112 = arith.constant 0 : i32
        %dma_start3A_113 = tpu.memref_slice %arg6[%multiple_of3A, %dma_start3A_112] : memref<50176x32xf32, #tpu.memory_space<vmem_shared>> -> memref<3136x32xf32, #tpu.memory_space<vmem_shared>>
        tpu.enqueue_dma source(%dma_start3A_113 : memref<3136x32xf32, #tpu.memory_space<vmem_shared>>) target(%dma_start3A_111 : memref<3136x32xf32, #tpu.memory_space<hbm>>) target_semaphore(%run_scoped3A_108 : memref<!tpu.dma_semaphore, #tpu.memory_space<semaphore_mem>>)
        %dma_wait3A_114 = arith.constant 0 : i32
        %dma_wait3A_115 = tpu.memref_slice %arg5[%run_scoped3A_107, %multiple_of3A, %dma_wait3A_114] : memref<4x50176x32xf32, #tpu.memory_space<hbm>> -> memref<1x3136x32xf32, #tpu.memory_space<hbm>>
        %dma_wait3A_116 = tpu.memref_squeeze %dma_wait3A_115 : memref<1x3136x32xf32, #tpu.memory_space<hbm>> -> memref<3136x32xf32, #tpu.memory_space<hbm>>
        %dma_wait3A_117 = arith.constant 0 : i32
        %dma_wait3A_118 = tpu.memref_slice %arg6[%multiple_of3A, %dma_wait3A_117] : memref<50176x32xf32, #tpu.memory_space<vmem_shared>> -> memref<3136x32xf32, #tpu.memory_space<vmem_shared>>
        tpu.wait_dma2 semaphore(%run_scoped3A_108 : memref<!tpu.dma_semaphore, #tpu.memory_space<semaphore_mem>>) src(%dma_wait3A_118 : memref<3136x32xf32, #tpu.memory_space<vmem_shared>>) dst(%dma_wait3A_116 : memref<3136x32xf32, #tpu.memory_space<hbm>>)
        tpu.yield
      }) : () -> ()
    } else {
    }
    return
  }
}

module attributes {stable_mosaic.version = 14 : i64} {
  func.func @_stage1_body(%arg0: i32, %arg1: memref<1024x128xf32, #tpu.memory_space<vmem>>, %arg2: memref<2x16x1024xf32, #tpu.memory_space<vmem>>, %arg3: memref<128x128xf32, #tpu.memory_space<vmem>>, %arg4: memref<4x1024x32xf32, #tpu.memory_space<vmem>>) attributes {dimension_semantics = [#tpu.dimension_semantics<arbitrary>], iteration_bounds = array<i64: 49>, scalar_prefetch = 0 : i64, scratch_operands = 0 : i64, tpu.core_type = #tpu.core_type<tc>, window_params = [{transform_indices = @transform_0, window_bounds = array<i64: 1024, 128>}, {transform_indices = @transform_1, window_bounds = array<i64: 2, 16, 1024>}, {pipeline_mode = #tpu.pipeline_mode<synchronous>, transform_indices = @transform_2, window_bounds = array<i64: 128, 128>}, {transform_indices = @transform_3, window_bounds = array<i64: 4, 1024, 32>}]} {
    %get3A = arith.constant 0 : index
    %get3A_0 = arith.constant 0 : index
    %get3A_1 = arith.constant 0 : index
    %get3A_2 = vector.load %arg2[%get3A, %get3A_0, %get3A_1] : memref<2x16x1024xf32, #tpu.memory_space<vmem>>, vector<2x16x1024xf32>
    %reduce_sum3A = arith.constant dense<0.000000e+00> : vector<2x1024xf32>
    %reduce_sum3A_3 = vector.multi_reduction <add>, %get3A_2, %reduce_sum3A [1] : vector<2x16x1024xf32> to vector<2x1024xf32>
    %max3A = arith.constant 1.000000e+00 : f32
    %max3A_4 = vector.broadcast %max3A : f32 to vector<2x1024xf32>
    %max3A_5 = arith.maximumf %reduce_sum3A_3, %max3A_4 : vector<2x1024xf32>
    %rsqrt3A = math.rsqrt %max3A_5 : vector<2x1024xf32>
    %get3A_6 = arith.constant 0 : index
    %get3A_7 = arith.constant 0 : index
    %get3A_8 = vector.load %arg1[%get3A_6, %get3A_7] : memref<1024x128xf32, #tpu.memory_space<vmem>>, vector<1024x128xf32>
    %slice3A = vector.extract_strided_slice %rsqrt3A {offsets = [0, 0], sizes = [1, 1024], strides = [1, 1]} : vector<2x1024xf32> to vector<1x1024xf32>
    %squeeze3A = vector.shape_cast %slice3A : vector<1x1024xf32> to vector<1024xf32>
    %broadcast_in_dim3A = vector.shape_cast %squeeze3A : vector<1024xf32> to vector<1024x1xf32>
    %mul3A = vector.broadcast %broadcast_in_dim3A : vector<1024x1xf32> to vector<1024x128xf32>
    %mul3A_9 = arith.mulf %get3A_8, %mul3A : vector<1024x128xf32>
    %get3A_10 = arith.constant 0 : index
    %get3A_11 = arith.constant 0 : index
    %get3A_12 = vector.load %arg3[%get3A_10, %get3A_11] : memref<128x128xf32, #tpu.memory_space<vmem>>, vector<128x128xf32>
    %dot_general3A = arith.constant dense<0.000000e+00> : vector<1024x128xf32>
    %dot_general3A_13 = tpu.matmul %mul3A_9, %get3A_12, %dot_general3A {dimension_numbers = #tpu.dot_dimension_numbers<[1], [0], [0], [1], [0, 0, 1, 1], [], []>, transpose_lhs_hint = false} : vector<1024x128xf32>, vector<128x128xf32>, vector<1024x128xf32> -> vector<1024x128xf32>
    %slice3A_14 = vector.extract_strided_slice %dot_general3A_13 {offsets = [0, 0], sizes = [1024, 32], strides = [1, 1]} : vector<1024x128xf32> to vector<1024x32xf32>
    %swap3A = arith.constant 0 : index
    %swap3A_15 = arith.constant 0 : index
    %swap3A_16 = arith.constant 0 : index
    %swap3A_17 = vector.load %arg4[%swap3A, %swap3A_15, %swap3A_16] : memref<4x1024x32xf32, #tpu.memory_space<vmem>>, vector<1x1024x32xf32>
    %swap3A_18 = vector.shape_cast %swap3A_17 : vector<1x1024x32xf32> to vector<1024x32xf32>
    %swap3A_19 = vector.shape_cast %slice3A_14 : vector<1024x32xf32> to vector<1x1024x32xf32>
    tpu.vector_store %arg4[%swap3A, %swap3A_15, %swap3A_16], %swap3A_19 {strides = array<i32>} : memref<4x1024x32xf32, #tpu.memory_space<vmem>>, vector<1x1024x32xf32>,
    %slice3A_20 = vector.extract_strided_slice %dot_general3A_13 {offsets = [0, 32], sizes = [1024, 32], strides = [1, 1]} : vector<1024x128xf32> to vector<1024x32xf32>
    %swap3A_21 = arith.constant 1 : index
    %swap3A_22 = arith.constant 0 : index
    %swap3A_23 = arith.constant 0 : index
    %swap3A_24 = vector.load %arg4[%swap3A_21, %swap3A_22, %swap3A_23] : memref<4x1024x32xf32, #tpu.memory_space<vmem>>, vector<1x1024x32xf32>
    %swap3A_25 = vector.shape_cast %swap3A_24 : vector<1x1024x32xf32> to vector<1024x32xf32>
    %swap3A_26 = vector.shape_cast %slice3A_20 : vector<1024x32xf32> to vector<1x1024x32xf32>
    tpu.vector_store %arg4[%swap3A_21, %swap3A_22, %swap3A_23], %swap3A_26 {strides = array<i32>} : memref<4x1024x32xf32, #tpu.memory_space<vmem>>, vector<1x1024x32xf32>,
    %slice3A_27 = vector.extract_strided_slice %dot_general3A_13 {offsets = [0, 64], sizes = [1024, 32], strides = [1, 1]} : vector<1024x128xf32> to vector<1024x32xf32>
    %swap3A_28 = arith.constant 2 : index
    %swap3A_29 = arith.constant 0 : index
    %swap3A_30 = arith.constant 0 : index
    %swap3A_31 = vector.load %arg4[%swap3A_28, %swap3A_29, %swap3A_30] : memref<4x1024x32xf32, #tpu.memory_space<vmem>>, vector<1x1024x32xf32>
    %swap3A_32 = vector.shape_cast %swap3A_31 : vector<1x1024x32xf32> to vector<1024x32xf32>
    %swap3A_33 = vector.shape_cast %slice3A_27 : vector<1024x32xf32> to vector<1x1024x32xf32>
    tpu.vector_store %arg4[%swap3A_28, %swap3A_29, %swap3A_30], %swap3A_33 {strides = array<i32>} : memref<4x1024x32xf32, #tpu.memory_space<vmem>>, vector<1x1024x32xf32>,
    %slice3A_34 = vector.extract_strided_slice %dot_general3A_13 {offsets = [0, 96], sizes = [1024, 32], strides = [1, 1]} : vector<1024x128xf32> to vector<1024x32xf32>
    %swap3A_35 = arith.constant 3 : index
    %swap3A_36 = arith.constant 0 : index
    %swap3A_37 = arith.constant 0 : index
    %swap3A_38 = vector.load %arg4[%swap3A_35, %swap3A_36, %swap3A_37] : memref<4x1024x32xf32, #tpu.memory_space<vmem>>, vector<1x1024x32xf32>
    %swap3A_39 = vector.shape_cast %swap3A_38 : vector<1x1024x32xf32> to vector<1024x32xf32>
    %swap3A_40 = vector.shape_cast %slice3A_34 : vector<1024x32xf32> to vector<1x1024x32xf32>
    tpu.vector_store %arg4[%swap3A_35, %swap3A_36, %swap3A_37], %swap3A_40 {strides = array<i32>} : memref<4x1024x32xf32, #tpu.memory_space<vmem>>, vector<1x1024x32xf32>,
    return
  }
  func.func @transform_0(%arg0: i32) -> (i32, i32) {
    %c0_i32 = arith.constant 0 : i32
    %c0_i32_0 = arith.constant 0 : i32
    return %arg0, %c0_i32 : i32, i32
  }
  func.func @transform_1(%arg0: i32) -> (i32, i32, i32) {
    %c0_i32 = arith.constant 0 : i32
    %c0_i32_0 = arith.constant 0 : i32
    %c0_i32_1 = arith.constant 0 : i32
    return %c0_i32, %c0_i32_0, %arg0 : i32, i32, i32
  }
  func.func @transform_2(%arg0: i32) -> (i32, i32) {
    %c0_i32 = arith.constant 0 : i32
    %c0_i32_0 = arith.constant 0 : i32
    %c0_i32_1 = arith.constant 0 : i32
    return %c0_i32, %c0_i32_0 : i32, i32
  }
  func.func @transform_3(%arg0: i32) -> (i32, i32, i32) {
    %c0_i32 = arith.constant 0 : i32
    %c0_i32_0 = arith.constant 0 : i32
    %c0_i32_1 = arith.constant 0 : i32
    return %c0_i32, %arg0, %c0_i32_0 : i32, i32, i32
  }
}

module attributes {stable_mosaic.version = 14 : i64} {
  func.func @_stage2_body(%arg0: i32, %arg1: memref<4x1024x32xf32, #tpu.memory_space<vmem>>, %arg2: memref<2x16x1024xf32, #tpu.memory_space<vmem>>, %arg3: memref<1x128xf32, #tpu.memory_space<vmem>>, %arg4: memref<128x64xf32, #tpu.memory_space<vmem>>, %arg5: memref<2x1024x32xf32, #tpu.memory_space<vmem>>) attributes {dimension_semantics = [#tpu.dimension_semantics<arbitrary>], iteration_bounds = array<i64: 49>, scalar_prefetch = 0 : i64, scratch_operands = 0 : i64, tpu.core_type = #tpu.core_type<tc>, window_params = [{transform_indices = @transform_0, window_bounds = array<i64: 4, 1024, 32>}, {transform_indices = @transform_1, window_bounds = array<i64: 2, 16, 1024>}, {pipeline_mode = #tpu.pipeline_mode<synchronous>, transform_indices = @transform_2, window_bounds = array<i64: 1, 128>}, {pipeline_mode = #tpu.pipeline_mode<synchronous>, transform_indices = @transform_3, window_bounds = array<i64: 128, 64>}, {transform_indices = @transform_4, window_bounds = array<i64: 2, 1024, 32>}]} {
    %get3A = arith.constant 0 : index
    %get3A_0 = arith.constant 0 : index
    %get3A_1 = arith.constant 0 : index
    %get3A_2 = vector.load %arg2[%get3A, %get3A_0, %get3A_1] : memref<2x16x1024xf32, #tpu.memory_space<vmem>>, vector<2x16x1024xf32>
    %reduce_sum3A = arith.constant dense<0.000000e+00> : vector<2x1024xf32>
    %reduce_sum3A_3 = vector.multi_reduction <add>, %get3A_2, %reduce_sum3A [1] : vector<2x16x1024xf32> to vector<2x1024xf32>
    %max3A = arith.constant 1.000000e+00 : f32
    %max3A_4 = vector.broadcast %max3A : f32 to vector<2x1024xf32>
    %max3A_5 = arith.maximumf %reduce_sum3A_3, %max3A_4 : vector<2x1024xf32>
    %rsqrt3A = math.rsqrt %max3A_5 : vector<2x1024xf32>
    %get3A_6 = arith.constant 0 : index
    %get3A_7 = arith.constant 0 : index
    %get3A_8 = arith.constant 0 : index
    %get3A_9 = vector.load %arg1[%get3A_6, %get3A_7, %get3A_8] : memref<4x1024x32xf32, #tpu.memory_space<vmem>>, vector<1x1024x32xf32>
    %get3A_10 = vector.shape_cast %get3A_9 : vector<1x1024x32xf32> to vector<1024x32xf32>
    %get3A_11 = arith.constant 1 : index
    %get3A_12 = arith.constant 0 : index
    %get3A_13 = arith.constant 0 : index
    %get3A_14 = vector.load %arg1[%get3A_11, %get3A_12, %get3A_13] : memref<4x1024x32xf32, #tpu.memory_space<vmem>>, vector<1x1024x32xf32>
    %get3A_15 = vector.shape_cast %get3A_14 : vector<1x1024x32xf32> to vector<1024x32xf32>
    %get3A_16 = arith.constant 2 : index
    %get3A_17 = arith.constant 0 : index
    %get3A_18 = arith.constant 0 : index
    %get3A_19 = vector.load %arg1[%get3A_16, %get3A_17, %get3A_18] : memref<4x1024x32xf32, #tpu.memory_space<vmem>>, vector<1x1024x32xf32>
    %get3A_20 = vector.shape_cast %get3A_19 : vector<1x1024x32xf32> to vector<1024x32xf32>
    %get3A_21 = arith.constant 3 : index
    %get3A_22 = arith.constant 0 : index
    %get3A_23 = arith.constant 0 : index
    %get3A_24 = vector.load %arg1[%get3A_21, %get3A_22, %get3A_23] : memref<4x1024x32xf32, #tpu.memory_space<vmem>>, vector<1x1024x32xf32>
    %get3A_25 = vector.shape_cast %get3A_24 : vector<1x1024x32xf32> to vector<1024x32xf32>
    %concatenate3A = tpu.concatenate %get3A_10, %get3A_15, %get3A_20, %get3A_25 in 1 : vector<1024x32xf32>, vector<1024x32xf32>, vector<1024x32xf32>, vector<1024x32xf32> -> vector<1024x128xf32>
    %slice3A = vector.extract_strided_slice %rsqrt3A {offsets = [1, 0], sizes = [1, 1024], strides = [1, 1]} : vector<2x1024xf32> to vector<1x1024xf32>
    %squeeze3A = vector.shape_cast %slice3A : vector<1x1024xf32> to vector<1024xf32>
    %broadcast_in_dim3A = vector.shape_cast %squeeze3A : vector<1024xf32> to vector<1024x1xf32>
    %mul3A = vector.broadcast %broadcast_in_dim3A : vector<1024x1xf32> to vector<1024x128xf32>
    %mul3A_26 = arith.mulf %concatenate3A, %mul3A : vector<1024x128xf32>
    %get3A_27 = arith.constant 0 : index
    %get3A_28 = arith.constant 0 : index
    %get3A_29 = vector.load %arg3[%get3A_27, %get3A_28] : memref<1x128xf32, #tpu.memory_space<vmem>>, vector<1x128xf32>
    %add3A = vector.broadcast %get3A_29 : vector<1x128xf32> to vector<1024x128xf32>
    %add3A_30 = arith.addf %mul3A_26, %add3A : vector<1024x128xf32>
    %max3A_31 = arith.constant 0.000000e+00 : f32
    %max3A_32 = vector.broadcast %max3A_31 : f32 to vector<1024x128xf32>
    %max3A_33 = arith.maximumf %add3A_30, %max3A_32 : vector<1024x128xf32>
    %slice3A_34 = vector.extract_strided_slice %rsqrt3A {offsets = [0, 0], sizes = [1, 1024], strides = [1, 1]} : vector<2x1024xf32> to vector<1x1024xf32>
    %squeeze3A_35 = vector.shape_cast %slice3A_34 : vector<1x1024xf32> to vector<1024xf32>
    %broadcast_in_dim3A_36 = vector.shape_cast %squeeze3A_35 : vector<1024xf32> to vector<1024x1xf32>
    %mul3A_37 = vector.broadcast %broadcast_in_dim3A_36 : vector<1024x1xf32> to vector<1024x128xf32>
    %mul3A_38 = arith.mulf %max3A_33, %mul3A_37 : vector<1024x128xf32>
    %get3A_39 = arith.constant 0 : index
    %get3A_40 = arith.constant 0 : index
    %get3A_41 = vector.load %arg4[%get3A_39, %get3A_40] : memref<128x64xf32, #tpu.memory_space<vmem>>, vector<128x64xf32>
    %dot_general3A = arith.constant dense<0.000000e+00> : vector<1024x64xf32>
    %dot_general3A_42 = tpu.matmul %mul3A_38, %get3A_41, %dot_general3A {dimension_numbers = #tpu.dot_dimension_numbers<[1], [0], [0], [1], [0, 0, 1, 1], [], []>, transpose_lhs_hint = false} : vector<1024x128xf32>, vector<128x64xf32>, vector<1024x64xf32> -> vector<1024x64xf32>
    %slice3A_43 = vector.extract_strided_slice %dot_general3A_42 {offsets = [0, 0], sizes = [1024, 32], strides = [1, 1]} : vector<1024x64xf32> to vector<1024x32xf32>
    %swap3A = arith.constant 0 : index
    %swap3A_44 = arith.constant 0 : index
    %swap3A_45 = arith.constant 0 : index
    %swap3A_46 = vector.load %arg5[%swap3A, %swap3A_44, %swap3A_45] : memref<2x1024x32xf32, #tpu.memory_space<vmem>>, vector<1x1024x32xf32>
    %swap3A_47 = vector.shape_cast %swap3A_46 : vector<1x1024x32xf32> to vector<1024x32xf32>
    %swap3A_48 = vector.shape_cast %slice3A_43 : vector<1024x32xf32> to vector<1x1024x32xf32>
    tpu.vector_store %arg5[%swap3A, %swap3A_44, %swap3A_45], %swap3A_48 {strides = array<i32>} : memref<2x1024x32xf32, #tpu.memory_space<vmem>>, vector<1x1024x32xf32>,
    %slice3A_49 = vector.extract_strided_slice %dot_general3A_42 {offsets = [0, 32], sizes = [1024, 32], strides = [1, 1]} : vector<1024x64xf32> to vector<1024x32xf32>
    %swap3A_50 = arith.constant 1 : index
    %swap3A_51 = arith.constant 0 : index
    %swap3A_52 = arith.constant 0 : index
    %swap3A_53 = vector.load %arg5[%swap3A_50, %swap3A_51, %swap3A_52] : memref<2x1024x32xf32, #tpu.memory_space<vmem>>, vector<1x1024x32xf32>
    %swap3A_54 = vector.shape_cast %swap3A_53 : vector<1x1024x32xf32> to vector<1024x32xf32>
    %swap3A_55 = vector.shape_cast %slice3A_49 : vector<1024x32xf32> to vector<1x1024x32xf32>
    tpu.vector_store %arg5[%swap3A_50, %swap3A_51, %swap3A_52], %swap3A_55 {strides = array<i32>} : memref<2x1024x32xf32, #tpu.memory_space<vmem>>, vector<1x1024x32xf32>,
    return
  }
  func.func @transform_0(%arg0: i32) -> (i32, i32, i32) {
    %c0_i32 = arith.constant 0 : i32
    %c0_i32_0 = arith.constant 0 : i32
    %c0_i32_1 = arith.constant 0 : i32
    return %c0_i32, %arg0, %c0_i32_0 : i32, i32, i32
  }
  func.func @transform_1(%arg0: i32) -> (i32, i32, i32) {
    %c0_i32 = arith.constant 0 : i32
    %c0_i32_0 = arith.constant 0 : i32
    %c0_i32_1 = arith.constant 0 : i32
    return %c0_i32, %c0_i32_0, %arg0 : i32, i32, i32
  }
  func.func @transform_2(%arg0: i32) -> (i32, i32) {
    %c0_i32 = arith.constant 0 : i32
    %c0_i32_0 = arith.constant 0 : i32
    %c0_i32_1 = arith.constant 0 : i32
    return %c0_i32, %c0_i32_0 : i32, i32
  }
  func.func @transform_3(%arg0: i32) -> (i32, i32) {
    %c0_i32 = arith.constant 0 : i32
    %c0_i32_0 = arith.constant 0 : i32
    %c0_i32_1 = arith.constant 0 : i32
    return %c0_i32, %c0_i32_0 : i32, i32
  }
  func.func @transform_4(%arg0: i32) -> (i32, i32, i32) {
    %c0_i32 = arith.constant 0 : i32
    %c0_i32_0 = arith.constant 0 : i32
    %c0_i32_1 = arith.constant 0 : i32
    return %c0_i32, %arg0, %c0_i32_0 : i32, i32, i32
  }
}

module attributes {stable_mosaic.version = 14 : i64} {
  func.func @_stage3_body(%arg0: i32, %arg1: memref<2x1024x32xf32, #tpu.memory_space<vmem>>, %arg2: memref<2x16x1024xf32, #tpu.memory_space<vmem>>, %arg3: memref<1x64xf32, #tpu.memory_space<vmem>>, %arg4: memref<64x128xf32, #tpu.memory_space<vmem>>, %arg5: memref<1x128xf32, #tpu.memory_space<vmem>>, %arg6: memref<128x128xf32, #tpu.memory_space<vmem>>, %arg7: memref<1x128xf32, #tpu.memory_space<vmem>>, %arg8: memref<1024x64xf32, #tpu.memory_space<vmem>>, %arg9: memref<1024x128xf32, #tpu.memory_space<vmem>>) attributes {dimension_semantics = [#tpu.dimension_semantics<arbitrary>], iteration_bounds = array<i64: 49>, scalar_prefetch = 0 : i64, scratch_operands = 0 : i64, tpu.core_type = #tpu.core_type<tc>, window_params = [{transform_indices = @transform_0, window_bounds = array<i64: 2, 1024, 32>}, {transform_indices = @transform_1, window_bounds = array<i64: 2, 16, 1024>}, {pipeline_mode = #tpu.pipeline_mode<synchronous>, transform_indices = @transform_2, window_bounds = array<i64: 1, 64>}, {pipeline_mode = #tpu.pipeline_mode<synchronous>, transform_indices = @transform_3, window_bounds = array<i64: 64, 128>}, {pipeline_mode = #tpu.pipeline_mode<synchronous>, transform_indices = @transform_4, window_bounds = array<i64: 1, 128>}, {pipeline_mode = #tpu.pipeline_mode<synchronous>, transform_indices = @transform_5, window_bounds = array<i64: 128, 128>}, {pipeline_mode = #tpu.pipeline_mode<synchronous>, transform_indices = @transform_6, window_bounds = array<i64: 1, 128>}, {transform_indices = @transform_7, window_bounds = array<i64: 1024, 64>}, {transform_indices = @transform_8, window_bounds = array<i64: 1024, 128>}]} {
    %get3A = arith.constant 0 : index
    %get3A_0 = arith.constant 0 : index
    %get3A_1 = arith.constant 0 : index
    %get3A_2 = vector.load %arg2[%get3A, %get3A_0, %get3A_1] : memref<2x16x1024xf32, #tpu.memory_space<vmem>>, vector<2x16x1024xf32>
    %reduce_sum3A = arith.constant dense<0.000000e+00> : vector<2x1024xf32>
    %reduce_sum3A_3 = vector.multi_reduction <add>, %get3A_2, %reduce_sum3A [1] : vector<2x16x1024xf32> to vector<2x1024xf32>
    %max3A = arith.constant 1.000000e+00 : f32
    %max3A_4 = vector.broadcast %max3A : f32 to vector<2x1024xf32>
    %max3A_5 = arith.maximumf %reduce_sum3A_3, %max3A_4 : vector<2x1024xf32>
    %rsqrt3A = math.rsqrt %max3A_5 : vector<2x1024xf32>
    %get3A_6 = arith.constant 0 : index
    %get3A_7 = arith.constant 0 : index
    %get3A_8 = arith.constant 0 : index
    %get3A_9 = vector.load %arg1[%get3A_6, %get3A_7, %get3A_8] : memref<2x1024x32xf32, #tpu.memory_space<vmem>>, vector<1x1024x32xf32>
    %get3A_10 = vector.shape_cast %get3A_9 : vector<1x1024x32xf32> to vector<1024x32xf32>
    %get3A_11 = arith.constant 1 : index
    %get3A_12 = arith.constant 0 : index
    %get3A_13 = arith.constant 0 : index
    %get3A_14 = vector.load %arg1[%get3A_11, %get3A_12, %get3A_13] : memref<2x1024x32xf32, #tpu.memory_space<vmem>>, vector<1x1024x32xf32>
    %get3A_15 = vector.shape_cast %get3A_14 : vector<1x1024x32xf32> to vector<1024x32xf32>
    %concatenate3A = tpu.concatenate %get3A_10, %get3A_15 in 1 : vector<1024x32xf32>, vector<1024x32xf32> -> vector<1024x64xf32>
    %slice3A = vector.extract_strided_slice %rsqrt3A {offsets = [1, 0], sizes = [1, 1024], strides = [1, 1]} : vector<2x1024xf32> to vector<1x1024xf32>
    %squeeze3A = vector.shape_cast %slice3A : vector<1x1024xf32> to vector<1024xf32>
    %broadcast_in_dim3A = vector.shape_cast %squeeze3A : vector<1024xf32> to vector<1024x1xf32>
    %mul3A = vector.broadcast %broadcast_in_dim3A : vector<1024x1xf32> to vector<1024x64xf32>
    %mul3A_16 = arith.mulf %concatenate3A, %mul3A : vector<1024x64xf32>
    %get3A_17 = arith.constant 0 : index
    %get3A_18 = arith.constant 0 : index
    %get3A_19 = vector.load %arg3[%get3A_17, %get3A_18] : memref<1x64xf32, #tpu.memory_space<vmem>>, vector<1x64xf32>
    %add3A = vector.broadcast %get3A_19 : vector<1x64xf32> to vector<1024x64xf32>
    %add3A_20 = arith.addf %mul3A_16, %add3A : vector<1024x64xf32>
    %swap3A = arith.constant 0 : index
    %swap3A_21 = arith.constant 0 : index
    %swap3A_22 = vector.load %arg8[%swap3A, %swap3A_21] : memref<1024x64xf32, #tpu.memory_space<vmem>>, vector<1024x64xf32>
    tpu.vector_store %arg8[%swap3A, %swap3A_21], %add3A_20 {strides = array<i32>} : memref<1024x64xf32, #tpu.memory_space<vmem>>, vector<1024x64xf32>,
    %get3A_23 = arith.constant 0 : index
    %get3A_24 = arith.constant 0 : index
    %get3A_25 = vector.load %arg4[%get3A_23, %get3A_24] : memref<64x128xf32, #tpu.memory_space<vmem>>, vector<64x128xf32>
    %dot_general3A = arith.constant dense<0.000000e+00> : vector<1024x128xf32>
    %dot_general3A_26 = tpu.matmul %add3A_20, %get3A_25, %dot_general3A {dimension_numbers = #tpu.dot_dimension_numbers<[1], [0], [0], [1], [0, 0, 1, 1], [], []>, transpose_lhs_hint = false} : vector<1024x64xf32>, vector<64x128xf32>, vector<1024x128xf32> -> vector<1024x128xf32>
    %get3A_27 = arith.constant 0 : index
    %get3A_28 = arith.constant 0 : index
    %get3A_29 = vector.load %arg5[%get3A_27, %get3A_28] : memref<1x128xf32, #tpu.memory_space<vmem>>, vector<1x128xf32>
    %add3A_30 = vector.broadcast %get3A_29 : vector<1x128xf32> to vector<1024x128xf32>
    %add3A_31 = arith.addf %dot_general3A_26, %add3A_30 : vector<1024x128xf32>
    %max3A_32 = arith.constant 0.000000e+00 : f32
    %max3A_33 = vector.broadcast %max3A_32 : f32 to vector<1024x128xf32>
    %max3A_34 = arith.maximumf %add3A_31, %max3A_33 : vector<1024x128xf32>
    %get3A_35 = arith.constant 0 : index
    %get3A_36 = arith.constant 0 : index
    %get3A_37 = vector.load %arg6[%get3A_35, %get3A_36] : memref<128x128xf32, #tpu.memory_space<vmem>>, vector<128x128xf32>
    %dot_general3A_38 = arith.constant dense<0.000000e+00> : vector<1024x128xf32>
    %dot_general3A_39 = tpu.matmul %max3A_34, %get3A_37, %dot_general3A_38 {dimension_numbers = #tpu.dot_dimension_numbers<[1], [0], [0], [1], [0, 0, 1, 1], [], []>, transpose_lhs_hint = false} : vector<1024x128xf32>, vector<128x128xf32>, vector<1024x128xf32> -> vector<1024x128xf32>
    %get3A_40 = arith.constant 0 : index
    %get3A_41 = arith.constant 0 : index
    %get3A_42 = vector.load %arg7[%get3A_40, %get3A_41] : memref<1x128xf32, #tpu.memory_space<vmem>>, vector<1x128xf32>
    %add3A_43 = vector.broadcast %get3A_42 : vector<1x128xf32> to vector<1024x128xf32>
    %add3A_44 = arith.addf %dot_general3A_39, %add3A_43 : vector<1024x128xf32>
    %swap3A_45 = arith.constant 0 : index
    %swap3A_46 = arith.constant 0 : index
    %swap3A_47 = vector.load %arg9[%swap3A_45, %swap3A_46] : memref<1024x128xf32, #tpu.memory_space<vmem>>, vector<1024x128xf32>
    tpu.vector_store %arg9[%swap3A_45, %swap3A_46], %add3A_44 {strides = array<i32>} : memref<1024x128xf32, #tpu.memory_space<vmem>>, vector<1024x128xf32>,
    return
  }
  func.func @transform_0(%arg0: i32) -> (i32, i32, i32) {
    %c0_i32 = arith.constant 0 : i32
    %c0_i32_0 = arith.constant 0 : i32
    %c0_i32_1 = arith.constant 0 : i32
    return %c0_i32, %arg0, %c0_i32_0 : i32, i32, i32
  }
  func.func @transform_1(%arg0: i32) -> (i32, i32, i32) {
    %c0_i32 = arith.constant 0 : i32
    %c0_i32_0 = arith.constant 0 : i32
    %c0_i32_1 = arith.constant 0 : i32
    return %c0_i32, %c0_i32_0, %arg0 : i32, i32, i32
  }
  func.func @transform_2(%arg0: i32) -> (i32, i32) {
    %c0_i32 = arith.constant 0 : i32
    %c0_i32_0 = arith.constant 0 : i32
    %c0_i32_1 = arith.constant 0 : i32
    return %c0_i32, %c0_i32_0 : i32, i32
  }
  func.func @transform_3(%arg0: i32) -> (i32, i32) {
    %c0_i32 = arith.constant 0 : i32
    %c0_i32_0 = arith.constant 0 : i32
    %c0_i32_1 = arith.constant 0 : i32
    return %c0_i32, %c0_i32_0 : i32, i32
  }
  func.func @transform_4(%arg0: i32) -> (i32, i32) {
    %c0_i32 = arith.constant 0 : i32
    %c0_i32_0 = arith.constant 0 : i32
    %c0_i32_1 = arith.constant 0 : i32
    return %c0_i32, %c0_i32_0 : i32, i32
  }
  func.func @transform_5(%arg0: i32) -> (i32, i32) {
    %c0_i32 = arith.constant 0 : i32
    %c0_i32_0 = arith.constant 0 : i32
    %c0_i32_1 = arith.constant 0 : i32
    return %c0_i32, %c0_i32_0 : i32, i32
  }
  func.func @transform_6(%arg0: i32) -> (i32, i32) {
    %c0_i32 = arith.constant 0 : i32
    %c0_i32_0 = arith.constant 0 : i32
    %c0_i32_1 = arith.constant 0 : i32
    return %c0_i32, %c0_i32_0 : i32, i32
  }
  func.func @transform_7(%arg0: i32) -> (i32, i32) {
    %c0_i32 = arith.constant 0 : i32
    %c0_i32_0 = arith.constant 0 : i32
    return %arg0, %c0_i32 : i32, i32
  }
  func.func @transform_8(%arg0: i32) -> (i32, i32) {
    %c0_i32 = arith.constant 0 : i32
    %c0_i32_0 = arith.constant 0 : i32
    return %arg0, %c0_i32 : i32, i32
  }
}

</mosaic_0001>

<sc_bundles>
// kernel: kernel.11.cloned.1.call-start
scs
__scs_entry_jumppad:
0x0: {  	(pc) =	sbr.rel $0x88, $3  }
0x1: {  	(tag) =	ssettag $0x0;
	lr =	simm.s32 $0x1  }
0x2: {  	[smem:$0x3F97] =	sst lr;
	_ =	strace $0xD0000000  }
0x3: {  	_ = 	snop  }
0x4: {  	_ = 	snop  }
0x5: {  	_ = 	snop  }
0x6: {  	_ = 	snop  }
0x7: {  	_ = 	snop  }
__scs_overlays_trampoline_lowered:
0x8: {  	[smem:$0x3FA6] =	sst s0  }
0x9: {  	[smem:$0x3FA7] =	sst s1  }
0xa: {  	[smem:$0x3FA8] =	sst s2  }
0xb: {  	[smem:$0x3FA9] =	sst s3  }
0xc: {  	[smem:$0x3FAA] =	sst s4  }
0xd: {  	[smem:$0x3FAB] =	sst s5  }
0xe: {  	[smem:$0x3FAC] =	sst s6  }
0xf: {  	[smem:$0x3FAD] =	sst s7  }
0x10: {  	[smem:$0x3FAE] =	sst s8  }
0x11: {  	[smem:$0x3FAF] =	sst s9;
	s0 =	simm.s32 @!p0 $0x0  }
0x12: {  	s1 =	sld [smem:$0x3F95];
	s0 =	simm.s32 @p0 $0x1  }
0x13: {  	[smem:$0x3FB0] =	sst s0;
	s0 =	simm.s32 @!p1 $0x0  }
0x14: {  	s2 =	sld [smem:$0x3F94];
	s0 =	simm.s32 @p1 $0x1  }
0x15: {  	[smem:$0x3FB1] =	sst s0;
	s0 =	simm.s32 @!p2 $0x0  }
0x16: {  	s3 =	sld [smem:$0x3FDB];
	s0 =	simm.s32 @p2 $0x1  }
0x17: {  	s4 =	simm.s32 $0x1BF5;
	[smem:$0x3FB3] =	sst s0  }
0x18: {  	s0 =	sld [smem:$0x3F96];
	_ =	swait.ge [sflag:s4], $0x0  }
0x19: {  	s7 =	sld [smem:$0x3F97]  }
0x1a: {  	s8 =	sadd.s32 $0xFFFFE003, lr  }
0x1b: {  	s9 =	sadd.s32 $0xFFFFFEF7, lr;
	s5 =	simm.s32 $0xFFFFFFFF;
	p2 =	slt.u32 s8, $0xFFFFF086  }
0x1c: {  	p1 =	slt.u32 s9, $0xF7A;
	s5 =	simm.s32 @!p2 $0x0  }
0x1d: {  	s5 =	simm.s32 @p1 $0x1;
	p0 =	seq.s32 s7, s2  }
0x1e: {  	s7 =	smul.u32 @!p0 $0xF7A, s2;
	p2 =	seq.s32 @!p0 s5, $0x0  }
0x1f: {  	s9 =	smul.u32 $0xF7A, s1;
	s8 =	simm.s32 @!p0 $0x1BF5;
	p2 =	por !p2, p0  }
0x20: {  	[sflag:s8] =	ssyncset.s32 @!p0 $0xFFFFF086;
	s6 =	sadd.s32 @!p0 s3, s7;
	s7 =	simm.s32 @!p0 $0x108  }
0x21: {  	s3 =	sadd.s32 s3, s9;
	s6 =	sadd.s32 @!p0 $0x88, s6;
	s7 =	simm.s32 @p2 $0x1082  }
0x22: {  	[simem:s7], [sflag:s8] =	dma.local @!p0 [hbm:s6], $0xF7A  }
0x23: {  	s9 =	sor.u32 $0xD0000000, s2;
	s6 =	simm.s32 $0x108;
	_ =	swait.ge @!p0 [sflag:s8], $0x0  }
0x24: {  	s3 =	sadd.s32 $0x88, s3;
	s6 =	simm.s32 @!p1 $0x1082;
	[sflag:s4] =	ssyncset.s32 $0xFFFFF086  }
0x25: {  	[simem:s6], [sflag:s4] =	dma.local [hbm:s3], $0xF7A  }
0x26: {  	[smem:$0x3F97] =	sst s1;
	(tag) =	ssettag s2;
	_ =	strace s9  }
0x27: {  	s1 =	sld [smem:$0x3FA7]  }
0x28: {  	s2 =	sld [smem:$0x3FA8]  }
0x29: {  	s4 =	sld [smem:$0x3FAA]  }
0x2a: {  	p0 =	seq.s32 s5, $0x0;
	s5 =	sld [smem:$0x3FAB]  }
0x2b: {  	s6 =	sld [smem:$0x3FAC]  }
0x2c: {  	s7 =	sld [smem:$0x3FAD]  }
0x2d: {  	s3 =	simm.s32 $0x108;
	s8 =	sld [smem:$0x3FAE]  }
0x2e: {  	s3 =	simm.s32 @!p0 $0x1082;
	s9 =	sld [smem:$0x3FAF]  }
0x2f: {  	lr =	sadd.s32 s0, s3;
	s0 =	sld [smem:$0x3FA6]  }
0x30: {  	s3 =	sld [smem:$0x3FA9]  }
0x31: {  	[smem:$0x3FB2] =	sst s10  }
0x32: {  	s10 =	sld [smem:$0x3FB0];
	_ =	sdelay $0x3  }
0x33: {  	p0 =	seq.s32 s10, $0x1;
	s10 =	sld [smem:$0x3FB2];
	_ =	sdelay $0x3  }
0x34: {  	[smem:$0x3FB2] =	sst s10  }
0x35: {  	s10 =	sld [smem:$0x3FB1];
	_ =	sdelay $0x3  }
0x36: {  	p1 =	seq.s32 s10, $0x1;
	s10 =	sld [smem:$0x3FB2];
	_ =	sdelay $0x3  }
0x37: {  	[smem:$0x3FB2] =	sst s10  }
0x38: {  	s10 =	sld [smem:$0x3FB3]  }
0x39: {  	_ = 	snop;
	(pc) =	sbr.ind lr, $3  }
0x3a: {  	_ = 	snop  }
0x3b: {  	_ = 	snop  }
0x3c: {  	p2 =	seq.s32 s10, $0x1;
	s10 =	sld [smem:$0x3FB2]  }
0x3d: {  	_ =	shalt  }
0x3e: {  	_ =	shalt  }
0x3f: {  	_ =	shalt  }
0x40: {  	_ =	shalt  }
0x41: {  	_ =	shalt  }
0x42: {  	_ =	shalt  }
0x43: {  	_ =	shalt  }
0x44: {  	_ =	shalt  }
0x45: {  	_ =	shalt  }
0x46: {  	_ =	shalt  }
0x47: {  	_ =	shalt  }
0x48: {  	_ =	shalt  }
0x49: {  	_ =	shalt  }
0x4a: {  	_ =	shalt  }
0x4b: {  	_ =	shalt  }
0x4c: {  	_ =	shalt  }
0x4d: {  	_ =	shalt  }
0x4e: {  	_ =	shalt  }
0x4f: {  	_ =	shalt  }
0x50: {  	_ =	shalt  }
0x51: {  	_ =	shalt  }
0x52: {  	_ =	shalt  }
0x53: {  	_ =	shalt  }
0x54: {  	_ =	shalt  }
0x55: {  	_ =	shalt  }
0x56: {  	_ =	shalt  }
0x57: {  	_ =	shalt  }
0x58: {  	_ =	shalt  }
0x59: {  	_ =	shalt  }
0x5a: {  	_ =	shalt  }
0x5b: {  	_ =	shalt  }
0x5c: {  	_ =	shalt  }
0x5d: {  	_ =	shalt  }
0x5e: {  	_ =	shalt  }
0x5f: {  	_ =	shalt  }
0x60: {  	_ =	shalt  }
0x61: {  	_ =	shalt  }
0x62: {  	_ =	shalt  }
0x63: {  	_ =	shalt  }
0x64: {  	_ =	shalt  }
0x65: {  	_ =	shalt  }
0x66: {  	_ =	shalt  }
0x67: {  	_ =	shalt  }
0x68: {  	_ =	shalt  }
0x69: {  	_ =	shalt  }
0x6a: {  	_ =	shalt  }
0x6b: {  	_ =	shalt  }
0x6c: {  	_ =	shalt  }
0x6d: {  	_ =	shalt  }
0x6e: {  	_ =	shalt  }
0x6f: {  	_ =	shalt  }
0x70: {  	_ =	shalt  }
0x71: {  	_ =	shalt  }
0x72: {  	_ =	shalt  }
0x73: {  	_ =	shalt  }
0x74: {  	_ =	shalt  }
0x75: {  	_ =	shalt  }
0x76: {  	_ =	shalt  }
0x77: {  	_ =	shalt  }
0x78: {  	_ =	shalt  }
0x79: {  	_ =	shalt  }
0x7a: {  	_ =	shalt  }
0x7b: {  	_ =	shalt  }
0x7c: {  	_ =	shalt  }
0x7d: {  	_ =	shalt  }
0x7e: {  	_ =	shalt  }
0x7f: {  	_ =	shalt  }
0x80: {  	_ =	shalt  }
0x81: {  	_ =	shalt  }
0x82: {  	_ =	shalt  }
0x83: {  	_ =	shalt  }
0x84: {  	_ =	shalt  }
0x85: {  	_ =	shalt  }
0x86: {  	_ =	shalt  }
0x87: {  	_ =	shalt  }
.Lfunc_end0:
.L_simem_size_0:
called_computation.1_lowered:
.L_overlay_start_0:
0x88: {  	s2 =	sld [smem:$0x3FD9]  }
0x89: {  	s3 =	sld [smem:$0x3FFE];
	_ =	sdelay $0x1  }
0x8a: {  	s1 =	srdreg.scid  }
0x8b: {  	s0 =	sand.u32 $0x1, s1  }
0x8c: {  	s16 =	sshll.u32 s0, $0xA;
	s2 =	sadd.s32 s3, s2  }
0x8d: {  	s2 =	sadd.s32 s2, s16  }
0x8e: {  	[smem:$0x3FBE] =	sst s2  }
0x8f: {  	_ = 	snop  }
0x90: {  	(tm) =	ssettm $0x1  }
0x91: {  	s17 =	sld [smem:$0x3FFB];
	_ =	sdelay $0x3  }
0x92: {  	_ =	strace s17  }
0x93: {  	s2 =	sld [smem:$0x3FFC];
	_ =	sdelay $0x3  }
0x94: {  	_ =	strace s2  }
0x95: {  	s2 =	sld [smem:$0x3FFD];
	_ =	sdelay $0x3  }
0x96: {  	_ =	strace s2  }
0x97: {  	_ =	strace $0x8FFFFFFF  }
0x98: {  	s18 =	sld [smem:$0x3FDB];
	_ =	sdelay $0x1  }
0x99: {  	s19 =	simm.s32 $_scs_section_size  }
0x9a: {  	s4 =	simm.s32 $_size__tile_overlayer_lowered;
	s5 =	simm.s32 $_tile_overlayer_lowered  }
0x9b: {  	s22 =	simm.s32 $0x1BFF;
	s21 =	sshll.u32 s5, $0x1;
	s2 =	sadd.s32 s19, s18  }
0x9c: {  	s6 =	simm.s32 $0x0;
	s20 =	sshll.u32 s4, $0x1;
	s4 =	sadd.s32 s21, s2  }
0x9d: {  	[timem:s6], [sflag:s22] =	dma.local [hbm:s4], s20  }
0x9e: {  	_ =	swait.ge [sflag:s22], s20  }
0x9f: {  	s3 =	ssub.s32 $0x0, s20;
	[sflag:s22] =	ssyncset.done $0x0  }
0xa0: {  	[sflag:s22] =	ssyncadd.s32 s3;
	_ =	sdelay $0x1  }
0xa1: {  	s23 =	simm.s32 $0x1B8B  }
0xa2: {  	_ =	swait.ge [sflag:s23], $0x1  }
0xa3: {  	[sflag:s23] =	ssyncset.done $0x0  }
0xa4: {  	s25 =	simm.s32 $0x1B8E;
	s24 =	sld [smem:$0x3FFE];
	[sflag:s23] =	ssyncadd.s32 $0xFFFFFFFF  }
0xa5: {  	s26 =	simm.s32 $execute0_lowered;
	[smem:$0x3FD2] =	sst s25  }
0xa6: {  	s4 =	sshll.u32 s26, $0x1;
	_ =	strace $0x80000049;
	[dreg:$0x1] =	wrdreg $0xFFFFFFFF  }
0xa7: {  	s28 =	simm.s32 $_size_execute0_lowered;
	s2 =	sadd.s32 s2, s4;
	[dreg:$0x0] =	wrdreg $0x0  }
0xa8: {  	s4 =	sshll.u32 s28, $0x1;
	[dreg:$0x2] =	wrdreg s2  }
0xa9: {  	[dreg:$0x3] =	wrdreg s4  }
0xaa: {  	[dreg:$0x4] =	wrdreg $0xC0  }
0xab: {  	_ =	task [dreg:s6], $0x5FFFF  }
0xac: {  	[dreg:$0x1] =	wrdreg $0xFFFFFFFF  }
0xad: {  	[dreg:$0x0] =	wrdreg $0x60  }
0xae: {  	[dreg:$0x2] =	wrdreg s24  }
0xaf: {  	[dreg:$0x3] =	wrdreg $0x0  }
0xb0: {  	[dreg:$0x4] =	wrdreg $0x9  }
0xb1: {  	_ =	task.clear_ibuf [dreg:s6], $0x5FFFF;
	_ =	strace $0x90000049  }
0xb2: {  	s29 =	simm.s32 $0x9;
	_ =	strace $0x8000004B  }
0xb3: {  	_ =	swait.ge [sflag:s29], $0x1  }
0xb4: {  	[sflag:s29] =	ssyncadd.s32 $0xFFFFFFFF  }
0xb5: {  	_ =	strace $0x9000004B  }
0xb6: {  	_ =	sfence  }
0xb7: {  	s30 =	sld [smem:$0x0];
	_ =	sdelay $0x2  }
0xb8: {  	s31 =	sshll.u32 s1, $0xD;
	s1 =	sshrl.u32 s1, $0x2  }
0xb9: {  	s3 =	sand.u32 $0x4000, s31;
	s1 =	sadd.s32 s1, s30  }
0xba: {  	s0 =	sor.u32 s3, s0;
	s1 =	sshll.u32 s1, $0x11  }
0xbb: {  	s0 =	sor.u32 s1, s0  }
0xbc: {  	s0 =	sadd.s32 $0x8F2B, s0  }
0xbd: {  	[sflag:s0] =	ssyncadd.remote.s32 $0x1  }
0xbe: {  	_ =	sfence.sel $0xFFFF  }
0xbf: {  	[dreg:$0x0] =	wrdreg $0xFFFFFFFF;
	(pc) =	sbr.abs _section_cstart, $3  }
0xc0: {  	[dreg:$0x1] =	wrdreg $0xFFFFFFFF  }
0xc1: {  	_ =	task.clear_ibuf [dreg:s6], $0x2FFFF;
	_ =	strace $0x9FFFFFFF  }
0xc2: {  	(tm) =	ssettm $0x7FFFFFFF  }
0xc3: {  	_ =	shalt  }
tec
execute0_lowered:
.L_overlay_start_1:
0x0: {  	(tag) =	ssettag $0x1  }
0x1: {  	s0 =	rddreg [dreg:$0x0]  }
0x2: {  	s1 =	rddreg [dreg:$0x1];
	s3 =	simm.s32 $0x0;
	s15 =	stileid.u32  }
0x3: {  	s2 =	srdreg.scid;
	s28 =	simm.s32 $0x80;
	s10 =	smul.u32 $0x18800, s15  }
0x4: {  	[smem:$0x7FF] =	sst s3;
	s7 =	sadd.s32 $0x32E00, s0;
	s6 =	smul.u32 $0x1900, s15  }
0x5: {  	s13 =	sand.u32 $0x1, s2;
	s4 =	sadd.s32 $0x374E00, s0;
	s12 =	sadd.s32 $0x3D6E00, s0  }
0x6: {  	s20 =	sadd.s32 $0x4BE00, s0;
	s24 =	smul.u32 $0x62000, s15;
	s15 =	sadd.s32 $0x407E00, s0  }
0x7: {  	_ =	strace $0x8000004A;
	s5 =	ssub.s32 $0x2, s13;
	p0 =	sne.s32 s13, $0x0  }
0x8: {  	s8 =	sshrl.u32 s10, $0x3;
	s9 =	sshrl.u32 s5, $0x1;
	s21 =	sor.u32 $0x20, s6  }
0x9: {  	s23 =	sadd.s32 s10, s1;
	s31 =	sshrl.u32 s24, $0x2;
	s11 =	sadd.s32 s8, s0  }
0xa: {  	s14 =	ssub.s32 s5, s9;
	s5 =	sadd.s32 s7, s6;
	s6 =	sadd.s32 s20, s6  }
0xb: {  	s7 =	sadd.s32 s7, s21;
	s8 =	sadd.s32 s20, s21;
	[dreg:$0x6] =	wrdreg s23  }
0xc: {  	s9 =	sadd.s32 $0x3A5E00, s0;
	s18 =	sadd.s32 s31, s1;
	[dreg:$0x3] =	wrdreg s7  }
0xd: {  	s21 =	simm.s32 $0x1F000;
	s22 =	sadd.s32 $0x95E00, s11;
	[dreg:$0x4] =	wrdreg s8  }
.Ltmp0:
0xe: {  	s25 =	sadd.s32 $0x64E00, s11;
	[dreg:$0x5] =	wrdreg s22;
	(pc) =	sbr.rel .LBB2_1-.Ltmp0, $4  }
0xf: {  	s23 =	simm.s32 $0x18800;
	s26 =	sadd.s32 $0xC6E00, s11;
	[dreg:$0x7] =	wrdreg s25  }
0x10: {  	s0 =	simm.s32 $0x3;
	s29 =	sadd.s32 $0xF7E00, s11;
	[dreg:$0x8] =	wrdreg s26  }
0x11: {  	s30 =	smax.u32 s14, $0x1;
	s11 =	sadd.s32 $0x40, s6;
	[dreg:$0x9] =	wrdreg s29  }
0x12: {  	v0 =	vimm.f32 $0.0e+00;
	s2 =	sadd.s32 $0x40, s5;
	[dreg:$0xa] =	wrdreg s30;
	s22 =	simm.s32 $0x5  }
.LBB2_22:
0x13: {  	_ =	swait.ge [sflag:s22], $0x3100  }
0x14: {  	s3 =	sadd.s32 $0x1, s3;
	s7 =	rddreg [dreg:$0xa]  }
0x15: {  	p1 =	sne.s32 s3, s7  }
.Ltmp1:
0x16: {  	_ = 	snop;
	(pc) =	sbr.rel @!p1 .LBB2_23-.Ltmp1, $3  }
0x17: {  	_ =	sdelay $0x1  }
0x18: {  	[sflag:s22] =	ssyncset.done $0x0  }
0x19: {  	s8 =	rddreg [dreg:$0x4];
	[sflag:s22] =	ssyncadd.s32 $0xFFFFCF00  }
.LBB2_1:
0x1a: {  	s10 =	simm.s32 $0x80;
	s13 =	simm.s32 $0x0  }
.LBB2_2:
0x1b: {  	p1 =	sne.s32 s10, $0x3080;
	[tilespmem:s13+$0x1F000] =	vst v0;
	s14 =	smov.u32 s10;
	s10 =	sadd.s32 $0x80, s10  }
.Ltmp2:
0x1c: {  	[tilespmem:s13+$0x1F010] =	vst v0;
	(pc) =	sbr.rel @p1 .LBB2_2-.Ltmp2, $2  }
0x1d: {  	_ =	sdelay $0x2  }
0x1e: {  	s13 =	sshra.s32 s14, $0x2  }
.Ltmp3:
0x1f: {  	(pc) =	sbr.rel @p0 .LBB2_13-.Ltmp3, $4  }
0x20: {  	_ = 	snop  }
0x21: {  	s10 =	simm.s32 $0x0  }
0x22: {  	[tilespmem:s13+$0x1F000] =	vst v0;
	s31 =	sshra.s32 s10, $0x2  }
0x23: {  	[tilespmem:s13+$0x1F010] =	vst v0;
	s13 =	sadd.s32 s31, s18  }
0x24: {  	[spmem:s13] =	stream.linear.scatter [tilespmem:s21], [sflag:$0x5], $0xC40, $0x38;
	[tilespmem:$0x1FC40] =	vst v63  }
0x25: {  	s10 =	sadd.s32 $0x3100, s10;
	_ =	swait.ge [sflag:s22], $0xC40  }
.LBB2_5:
0x26: {  	s13 =	sshra.s32 s10, $0x2;
	[sflag:s22] =	ssyncset.done $0x0;
	p1 =	sne.s32 s10, $0x5EF00  }
.Ltmp4:
0x27: {  	s13 =	sadd.s32 s13, s18;
	[sflag:s22] =	ssyncadd.s32 $0xFFFFF3C0;
	(pc) =	sbr.rel @p1 .LBB2_5-.Ltmp4, $3  }
0x28: {  	[spmem:s13] =	stream.linear.scatter [tilespmem:s21], [sflag:$0x5], $0xC40, $0x38;
	[tilespmem:$0x1FC40] =	vst v63  }
0x29: {  	s10 =	sadd.s32 $0x3100, s10;
	_ =	sdelay $0x1  }
0x2a: {  	_ =	swait.ge [sflag:s22], $0xC40  }
0x2b: {  	[sflag:s22] =	ssyncset.done $0x0  }
0x2c: {  	[sflag:s22] =	ssyncadd.s32 $0xFFFFF3C0  }
0x2d: {  	s10 =	simm.s32 $0x0;
	[bflag:$0x0] =	sbarrier.arrive $0xFFFF  }
0x2e: {  	[tilespmem:s23], [sflag:$0x5] =	stream.linear.gather [hbm4b:s5+s10], $0x100, $0x38;
	[tilespmem:$0x1FC40] =	vst v63  }
0x2f: {  	_ =	swait.ge [sflag:s22], $0x100  }
0x30: {  	[sflag:s22] =	ssyncset.done $0x0  }
0x31: {  	s7 =	simm.s32 $0x18C00;
	[sflag:s22] =	ssyncadd.s32 $0xFFFFFF00  }
0x32: {  	[tilespmem:s7], [sflag:$0x5] =	stream.linear.gather [hbm4b:s6+s10], $0x100, $0x38;
	[tilespmem:$0x1FC40] =	vst v63  }
0x33: {  	_ =	swait.ge [sflag:s22], $0x100  }
0x34: {  	[sflag:s22] =	ssyncset.done $0x0  }
0x35: {  	s13 =	simm.s32 $0x18900;
	s25 =	rddreg [dreg:$0x3];
	[sflag:s22] =	ssyncadd.s32 $0xFFFFFF00  }
0x36: {  	[tilespmem:s13], [sflag:$0x5] =	stream.linear.gather [hbm4b:s25+s10], $0x100, $0x38;
	[tilespmem:$0x1FC40] =	vst v63  }
0x37: {  	_ =	swait.ge [sflag:s22], $0x100  }
0x38: {  	[sflag:s22] =	ssyncset.done $0x0  }
0x39: {  	s26 =	simm.s32 $0x18D00;
	[sflag:s22] =	ssyncadd.s32 $0xFFFFFF00  }
0x3a: {  	[tilespmem:s26], [sflag:$0x5] =	stream.linear.gather [hbm4b:s8+s10], $0x100, $0x38;
	[tilespmem:$0x1FC40] =	vst v63  }
0x3b: {  	_ =	swait.ge [sflag:s22], $0x100  }
0x3c: {  	s29 =	simm.s32 $0x19000;
	s30 =	simm.s32 $0x18880;
	[sflag:s22] =	ssyncset.done $0x0  }
0x3d: {  	s31 =	simm.s32 $0x1A000;
	s14 =	smov.u32 s2;
	[sflag:s22] =	ssyncadd.s32 $0xFFFFFF00  }
0x3e: {  	[tilespmem:s29], [sflag:$0x1] =	stream.indirect.gather [hbm4b:s4+s28], $0x20, s23, s28, $0xb8;
	[tilespmem:$0x1FC40] =	vst v63  }
0x3f: {  	s16 =	smov.u32 s11;
	s19 =	simm.s32 $0x0;
	s13 =	simm.s32 $0x400  }
0x40: {  	[tilespmem:s31], [sflag:$0x1] =	stream.indirect.gather [hbm4b:s4+s28], $0x20, s30, s28, $0xb8;
	[tilespmem:$0x1FC40] =	vst v63  }
.LBB2_7:
0x41: {  	p1 =	seq.s32 s10, $0x0  }
0x42: {  	s17 =	sadd.s32 $0x1, s10;
	p2 =	seq.s32 @!p1 s10, $0xC7  }
0x43: {  	s20 =	sand.u32 $0xFF, s17;
	p2 =	por p2, p1  }
0x44: {  	s20 =	smul.u32 $0xAB, s20;
	s24 =	simm.s32 @!p2 $0x4  }
0x45: {  	s25 =	sand.u32 $0x1, s10;
	_ =	swait.ge @!p2 [sflag:s24], $0x100  }
0x46: {  	s26 =	simm.s32 $0x2;
	s20 =	sshrl.u32 s20, $0x9;
	[sflag:s24] =	ssyncset.done @!p2 $0x0  }
0x47: {  	p1 =	seq.s32 s19, $0xC700;
	s20 =	smul.u32 $0x3, s20;
	[sflag:s24] =	ssyncadd.s32 @!p2 $0xFFFFFF00  }
0x48: {  	p3 =	seq.s32 s25, $0x1;
	s25 =	sshrl.u32 @!p1 s13, $0x2;
	_ =	swait.ge @!p2 [sflag:s24], $0x100  }
0x49: {  	s31 =	simm.s32 @!p1 $0x80;
	s20 =	ssub.s32 s17, s20;
	[sflag:s24] =	ssyncset.done @!p2 $0x0  }
0x4a: {  	s25 =	sand.u32 @!p1 $0x300, s25;
	s20 =	sand.u32 $0xFF, s20;
	[sflag:s24] =	ssyncadd.s32 @!p2 $0xFFFFFF00  }
0x4b: {  	s24 =	simm.s32 @!p1 $0x1;
	p2 =	por !p3, p1;
	s20 =	sshll.u32 @!p1 s20, $0xD  }
0x4c: {  	s30 =	sor.u32 @!p1 $0x18800, s25;
	s24 =	simm.s32 @p2 $0x2;
	s29 =	sadd.s32 @!p1 $0x19000, s20  }
0x4d: {  	[tilespmem:s29], [sflag:s24] =	stream.indirect.gather @!p1 [hbm4b:s4+s31], $0x20, s30, s31, $0xb8;
	[tilespmem:$0x1FC40] =	vst v63  }
0x4e: {  	s26 =	simm.s32 @!p3 $0x1;
	s25 =	sor.u32 @!p1 $0x18880, s25;
	s20 =	sadd.s32 @!p1 $0x1A000, s20  }
0x4f: {  	[tilespmem:s20], [sflag:s24] =	stream.indirect.gather @!p1 [hbm4b:s4+s31], $0x20, s25, s31, $0xb8;
	[tilespmem:$0x1FC40] =	vst v63  }
0x50: {  	_ =	swait.ge [sflag:s26], $0x1000  }
0x51: {  	[sflag:s26] =	ssyncset.done $0x0  }
0x52: {  	p1 =	sgt.u32 s10, $0xC5;
	[sflag:s26] =	ssyncadd.s32 $0xFFFFF000  }
0x53: {  	s20 =	sadd.s32 @!p1 $0x200, s19;
	_ =	swait.ge [sflag:s26], $0x1000  }
0x54: {  	s24 =	sand.u32 @!p1 $0x300, s20;
	[sflag:s26] =	ssyncset.done $0x0  }
0x55: {  	s20 =	simm.s32 @!p1 $0x0;
	s25 =	sor.u32 @!p1 $0x18800, s24;
	[sflag:s26] =	ssyncadd.s32 $0xFFFFF000  }
0x56: {  	[tilespmem:s25], [sflag:$0x4] =	stream.linear.gather @!p1 [hbm4b:s14+s20], $0x100, $0x38;
	[tilespmem:$0x1FC40] =	vst v63  }
0x57: {  	p2 =	seq.s32 @!p1 s19, $0x0;
	s24 =	sor.u32 @!p1 $0x18C00, s24;
	s26 =	smul.u32 $0xAB, s10  }
0x58: {  	[tilespmem:s24], [sflag:$0x4] =	stream.linear.gather @!p1 [hbm4b:s16+s20], $0x100, $0x38;
	[tilespmem:$0x1FC40] =	vst v63  }
0x59: {  	p1 =	por p1, !p2;
	s24 =	sshrl.u32 s26, $0x9  }
0x5a: {  	_ =	swait.ge @p1 [sflag:s0], $0x1000;
	s24 =	sand.u32 $0x7F, s24  }
0x5b: {  	[sflag:s0] =	ssyncset.done @p1 $0x0;
	s24 =	smul.u32 $0x3, s24  }
0x5c: {  	[sflag:s0] =	ssyncadd.s32 @p1 $0xFFFFF000  }
0x5d: {  	s20 =	sand.u32 @p1 $0x300, s19;
	_ =	swait.ge @p1 [sflag:s0], $0x1000;
	s29 =	ssub.s32 s10, s24  }
0x5e: {  	s19 =	sadd.s32 $0x100, s19;
	[sflag:s0] =	ssyncset.done @p1 $0x0;
	s10 =	sand.u32 $0xFF, s29  }
0x5f: {  	[sflag:s0] =	ssyncadd.s32 @p1 $0xFFFFF000;
	s10 =	sshll.u32 s10, $0xD;
	p1 =	sne.s32 s19, $0xC800  }
.Ltmp5:
0x60: {  	s31 =	sor.u32 $0x18C00, s20;
	s30 =	sadd.s32 $0x19000, s10;
	(pc) =	sbr.rel @p1 .LBB2_7-.Ltmp5, $4  }
0x61: {  	[spmem:s1] =	stream.indirect.scatter.add.f32 [tilespmem:s30], [sflag:$0x3], $0x20, s31, s28, $0xb8;
	[tilespmem:$0x1FC40] =	vst v63  }
0x62: {  	s13 =	sadd.s32 $0x400, s13;
	s20 =	sadd.s32 $0x18C80, s20;
	s10 =	sadd.s32 $0x1A000, s10  }
0x63: {  	[spmem:s1] =	stream.indirect.scatter.add.f32 [tilespmem:s10], [sflag:$0x3], $0x20, s20, s28, $0xb8;
	[tilespmem:$0x1FC40] =	vst v63  }
0x64: {  	s14 =	sadd.s32 $0x20, s14;
	s16 =	sadd.s32 $0x20, s16;
	s10 =	smov.u32 s17  }
0x65: {  	_ =	swait.ge [sflag:s0], $0x1000  }
0x66: {  	[sflag:s0] =	ssyncset.done $0x0  }
0x67: {  	[sflag:s0] =	ssyncadd.s32 $0xFFFFF000  }
0x68: {  	_ =	swait.ge [sflag:s0], $0x1000  }
0x69: {  	[sflag:s0] =	ssyncset.done $0x0  }
0x6a: {  	[sflag:s0] =	ssyncadd.s32 $0xFFFFF000  }
0x6b: {  	s7 =	stileid.u32;
	[bflag:$0x0] =	sbarrier.arrive $0xFFFF  }
0x6c: {  	s10 =	sshll.u32 s7, $0x6;
	s30 =	rddreg [dreg:$0x6]  }
0x6d: {  	s10 =	sor.u32 $0x1C05, s10;
	s31 =	rddreg [dreg:$0x7];
	s13 =	sshrl.u32 s30, $0x3  }
0x6e: {  	[hbm:s31], [sflag:s10] =	dma.local [spmem:s13], $0x3100  }
0x6f: {  	_ =	swait.ge [sflag:s22], $0x3100  }
0x70: {  	[sflag:s22] =	ssyncset.done $0x0  }
0x71: {  	s14 =	sadd.s32 $0x0, s18;
	[sflag:s22] =	ssyncadd.s32 $0xFFFFCF00  }
0x72: {  	[spmem:s14] =	stream.linear.scatter [tilespmem:s21], [sflag:$0x5], $0xC40, $0x38;
	[tilespmem:$0x1FC40] =	vst v63  }
0x73: {  	s14 =	simm.s32 $0x3100;
	_ =	swait.ge [sflag:s22], $0xC40  }
.LBB2_9:
0x74: {  	s16 =	sshra.s32 s14, $0x2;
	[sflag:s22] =	ssyncset.done $0x0;
	p1 =	sne.s32 s14, $0x5EF00  }
.Ltmp6:
0x75: {  	s16 =	sadd.s32 s16, s18;
	[sflag:s22] =	ssyncadd.s32 $0xFFFFF3C0;
	(pc) =	sbr.rel @p1 .LBB2_9-.Ltmp6, $3  }
0x76: {  	[spmem:s16] =	stream.linear.scatter [tilespmem:s21], [sflag:$0x5], $0xC40, $0x38;
	[tilespmem:$0x1FC40] =	vst v63  }
0x77: {  	s14 =	sadd.s32 $0x3100, s14;
	_ =	sdelay $0x1  }
0x78: {  	_ =	swait.ge [sflag:s22], $0xC40  }
0x79: {  	[sflag:s22] =	ssyncset.done $0x0  }
0x7a: {  	[sflag:s22] =	ssyncadd.s32 $0xFFFFF3C0  }
0x7b: {  	s14 =	simm.s32 $0x0;
	[bflag:$0x0] =	sbarrier.arrive $0xFFFF  }
0x7c: {  	[tilespmem:s23], [sflag:$0x5] =	stream.linear.gather [hbm4b:s5+s14], $0x100, $0x38;
	[tilespmem:$0x1FC40] =	vst v63  }
0x7d: {  	_ =	swait.ge [sflag:s22], $0x100  }
0x7e: {  	[sflag:s22] =	ssyncset.done $0x0  }
0x7f: {  	s7 =	simm.s32 $0x18C00;
	[sflag:s22] =	ssyncadd.s32 $0xFFFFFF00  }
0x80: {  	[tilespmem:s7], [sflag:$0x5] =	stream.linear.gather [hbm4b:s6+s14], $0x100, $0x38;
	[tilespmem:$0x1FC40] =	vst v63  }
0x81: {  	_ =	swait.ge [sflag:s22], $0x100  }
0x82: {  	[sflag:s22] =	ssyncset.done $0x0  }
0x83: {  	s16 =	simm.s32 $0x18900;
	s25 =	rddreg [dreg:$0x3];
	[sflag:s22] =	ssyncadd.s32 $0xFFFFFF00  }
0x84: {  	[tilespmem:s16], [sflag:$0x5] =	stream.linear.gather [hbm4b:s25+s14], $0x100, $0x38;
	[tilespmem:$0x1FC40] =	vst v63  }
0x85: {  	_ =	swait.ge [sflag:s22], $0x100  }
0x86: {  	[sflag:s22] =	ssyncset.done $0x0  }
0x87: {  	s26 =	simm.s32 $0x18D00;
	[sflag:s22] =	ssyncadd.s32 $0xFFFFFF00  }
0x88: {  	[tilespmem:s26], [sflag:$0x5] =	stream.linear.gather [hbm4b:s8+s14], $0x100, $0x38;
	[tilespmem:$0x1FC40] =	vst v63  }
0x89: {  	_ =	swait.ge [sflag:s22], $0x100  }
0x8a: {  	s29 =	simm.s32 $0x19000;
	s30 =	simm.s32 $0x18880;
	[sflag:s22] =	ssyncset.done $0x0  }
0x8b: {  	s31 =	simm.s32 $0x1A000;
	s20 =	smov.u32 s2;
	[sflag:s22] =	ssyncadd.s32 $0xFFFFFF00  }
0x8c: {  	[tilespmem:s29], [sflag:$0x1] =	stream.indirect.gather [hbm4b:s12+s28], $0x20, s23, s28, $0xb8;
	[tilespmem:$0x1FC40] =	vst v63  }
0x8d: {  	s19 =	smov.u32 s11;
	s24 =	simm.s32 $0x0;
	s16 =	simm.s32 $0x400  }
0x8e: {  	[tilespmem:s31], [sflag:$0x1] =	stream.indirect.gather [hbm4b:s12+s28], $0x20, s30, s28, $0xb8;
	[tilespmem:$0x1FC40] =	vst v63  }
.LBB2_11:
0x8f: {  	p1 =	seq.s32 s14, $0x0  }
0x90: {  	s17 =	sadd.s32 $0x1, s14;
	p2 =	seq.s32 @!p1 s14, $0xC7  }
0x91: {  	s25 =	sand.u32 $0xFF, s17;
	p2 =	por p2, p1  }
0x92: {  	s25 =	smul.u32 $0xAB, s25;
	s26 =	simm.s32 @!p2 $0x4  }
0x93: {  	s29 =	sand.u32 $0x1, s14;
	_ =	swait.ge @!p2 [sflag:s26], $0x100  }
0x94: {  	s30 =	simm.s32 $0x2;
	s25 =	sshrl.u32 s25, $0x9;
	[sflag:s26] =	ssyncset.done @!p2 $0x0  }
0x95: {  	p1 =	seq.s32 s24, $0xC700;
	s25 =	smul.u32 $0x3, s25;
	[sflag:s26] =	ssyncadd.s32 @!p2 $0xFFFFFF00  }
0x96: {  	p3 =	seq.s32 s29, $0x1;
	s29 =	sshrl.u32 @!p1 s16, $0x2;
	_ =	swait.ge @!p2 [sflag:s26], $0x100  }
0x97: {  	s8 =	simm.s32 @!p1 $0x80;
	s25 =	ssub.s32 s17, s25;
	[sflag:s26] =	ssyncset.done @!p2 $0x0  }
0x98: {  	s29 =	sand.u32 @!p1 $0x300, s29;
	s25 =	sand.u32 $0xFF, s25;
	[sflag:s26] =	ssyncadd.s32 @!p2 $0xFFFFFF00  }
0x99: {  	s26 =	simm.s32 @!p1 $0x1;
	p2 =	por !p3, p1;
	s25 =	sshll.u32 @!p1 s25, $0xD  }
0x9a: {  	s7 =	sor.u32 @!p1 $0x18800, s29;
	s26 =	simm.s32 @p2 $0x2;
	s31 =	sadd.s32 @!p1 $0x19000, s25  }
0x9b: {  	[tilespmem:s31], [sflag:s26] =	stream.indirect.gather @!p1 [hbm4b:s12+s8], $0x20, s7, s8, $0xb8;
	[tilespmem:$0x1FC40] =	vst v63  }
0x9c: {  	s30 =	simm.s32 @!p3 $0x1;
	s7 =	sadd.s32 @!p1 $0x1A000, s25;
	s25 =	sor.u32 @!p1 $0x18880, s29  }
0x9d: {  	[tilespmem:s7], [sflag:s26] =	stream.indirect.gather @!p1 [hbm4b:s12+s8], $0x20, s25, s8, $0xb8;
	[tilespmem:$0x1FC40] =	vst v63  }
0x9e: {  	_ =	swait.ge [sflag:s30], $0x1000  }
0x9f: {  	[sflag:s30] =	ssyncset.done $0x0  }
0xa0: {  	p1 =	sgt.u32 s14, $0xC5;
	[sflag:s30] =	ssyncadd.s32 $0xFFFFF000  }
0xa1: {  	s7 =	sadd.s32 @!p1 $0x200, s24;
	_ =	swait.ge [sflag:s30], $0x1000  }
0xa2: {  	s7 =	sand.u32 @!p1 $0x300, s7;
	[sflag:s30] =	ssyncset.done $0x0  }
0xa3: {  	s25 =	simm.s32 @!p1 $0x0;
	s8 =	sor.u32 @!p1 $0x18800, s7;
	[sflag:s30] =	ssyncadd.s32 $0xFFFFF000  }
0xa4: {  	[tilespmem:s8], [sflag:$0x4] =	stream.linear.gather @!p1 [hbm4b:s20+s25], $0x100, $0x38;
	[tilespmem:$0x1FC40] =	vst v63  }
0xa5: {  	s26 =	smul.u32 $0xAB, s14;
	p2 =	seq.s32 @!p1 s24, $0x0;
	s7 =	sor.u32 @!p1 $0x18C00, s7  }
0xa6: {  	[tilespmem:s7], [sflag:$0x4] =	stream.linear.gather @!p1 [hbm4b:s19+s25], $0x100, $0x38;
	[tilespmem:$0x1FC40] =	vst v63  }
0xa7: {  	p1 =	por p1, !p2  }
0xa8: {  	s7 =	sshrl.u32 s26, $0x9;
	_ =	swait.ge @p1 [sflag:s0], $0x1000  }
0xa9: {  	s7 =	sand.u32 $0x7F, s7;
	[sflag:s0] =	ssyncset.done @p1 $0x0  }
0xaa: {  	s7 =	smul.u32 $0x3, s7;
	[sflag:s0] =	ssyncadd.s32 @p1 $0xFFFFF000  }
0xab: {  	s16 =	sadd.s32 $0x400, s16;
	s25 =	sand.u32 @p1 $0x300, s24;
	_ =	swait.ge @p1 [sflag:s0], $0x1000  }
0xac: {  	s24 =	sadd.s32 $0x100, s24;
	s7 =	ssub.s32 s14, s7;
	[sflag:s0] =	ssyncset.done @p1 $0x0  }
0xad: {  	s7 =	sand.u32 $0xFF, s7;
	[sflag:s0] =	ssyncadd.s32 @p1 $0xFFFFF000;
	p1 =	sne.s32 s24, $0xC800  }
.Ltmp7:
0xae: {  	s20 =	sadd.s32 $0x20, s20;
	s7 =	sshll.u32 s7, $0xD;
	(pc) =	sbr.rel @p1 .LBB2_11-.Ltmp7, $4  }
0xaf: {  	s19 =	sadd.s32 $0x20, s19;
	s30 =	sor.u32 $0x18C00, s25;
	s29 =	sadd.s32 $0x19000, s7  }
0xb0: {  	[spmem:s1] =	stream.indirect.scatter.add.f32 [tilespmem:s29], [sflag:$0x3], $0x20, s30, s28, $0xb8;
	[tilespmem:$0x1FC40] =	vst v63  }
0xb1: {  	s31 =	sadd.s32 $0x18C80, s25;
	s14 =	smov.u32 s17;
	s7 =	sadd.s32 $0x1A000, s7  }
0xb2: {  	[spmem:s1] =	stream.indirect.scatter.add.f32 [tilespmem:s7], [sflag:$0x3], $0x20, s31, s28, $0xb8;
	[tilespmem:$0x1FC40] =	vst v63  }
0xb3: {  	_ =	swait.ge [sflag:s0], $0x1000  }
0xb4: {  	[sflag:s0] =	ssyncset.done $0x0  }
0xb5: {  	[sflag:s0] =	ssyncadd.s32 $0xFFFFF000  }
0xb6: {  	_ =	swait.ge [sflag:s0], $0x1000  }
.Ltmp8:
0xb7: {  	[sflag:s0] =	ssyncset.done $0x0;
	(pc) =	sbr.rel .LBB2_22-.Ltmp8, $4  }
0xb8: {  	[sflag:s0] =	ssyncadd.s32 $0xFFFFF000  }
0xb9: {  	[bflag:$0x0] =	sbarrier.arrive $0xFFFF  }
0xba: {  	s7 =	rddreg [dreg:$0x8]  }
0xbb: {  	[hbm:s7], [sflag:s10] =	dma.local [spmem:s13], $0x3100  }
.LBB2_13:
0xbc: {  	[spmem:s13] =	stream.linear.scatter [tilespmem:s21], [sflag:$0x5], $0xC40, $0x38;
	[tilespmem:$0x1FC40] =	vst v63  }
0xbd: {  	s10 =	sadd.s32 $0x3100, s10;
	_ =	swait.ge [sflag:s22], $0xC40  }
.LBB2_14:
0xbe: {  	s13 =	sshra.s32 s10, $0x2;
	[sflag:s22] =	ssyncset.done $0x0;
	p1 =	sne.s32 s10, $0x5EF00  }
.Ltmp9:
0xbf: {  	s13 =	sadd.s32 s13, s18;
	[sflag:s22] =	ssyncadd.s32 $0xFFFFF3C0;
	(pc) =	sbr.rel @p1 .LBB2_14-.Ltmp9, $3  }
0xc0: {  	[spmem:s13] =	stream.linear.scatter [tilespmem:s21], [sflag:$0x5], $0xC40, $0x38;
	[tilespmem:$0x1FC40] =	vst v63  }
0xc1: {  	s10 =	sadd.s32 $0x3100, s10;
	_ =	sdelay $0x1  }
0xc2: {  	_ =	swait.ge [sflag:s22], $0xC40  }
0xc3: {  	[sflag:s22] =	ssyncset.done $0x0  }
0xc4: {  	[sflag:s22] =	ssyncadd.s32 $0xFFFFF3C0  }
0xc5: {  	s10 =	simm.s32 $0x0;
	[bflag:$0x0] =	sbarrier.arrive $0xFFFF  }
0xc6: {  	[tilespmem:s23], [sflag:$0x5] =	stream.linear.gather [hbm4b:s5+s10], $0x100, $0x38;
	[tilespmem:$0x1FC40] =	vst v63  }
0xc7: {  	_ =	swait.ge [sflag:s22], $0x100  }
0xc8: {  	[sflag:s22] =	ssyncset.done $0x0  }
0xc9: {  	s7 =	simm.s32 $0x18C00;
	[sflag:s22] =	ssyncadd.s32 $0xFFFFFF00  }
0xca: {  	[tilespmem:s7], [sflag:$0x5] =	stream.linear.gather [hbm4b:s6+s10], $0x100, $0x38;
	[tilespmem:$0x1FC40] =	vst v63  }
0xcb: {  	_ =	swait.ge [sflag:s22], $0x100  }
0xcc: {  	[sflag:s22] =	ssyncset.done $0x0  }
0xcd: {  	s13 =	simm.s32 $0x18900;
	s25 =	rddreg [dreg:$0x3];
	[sflag:s22] =	ssyncadd.s32 $0xFFFFFF00  }
0xce: {  	[tilespmem:s13], [sflag:$0x5] =	stream.linear.gather [hbm4b:s25+s10], $0x100, $0x38;
	[tilespmem:$0x1FC40] =	vst v63  }
0xcf: {  	_ =	swait.ge [sflag:s22], $0x100  }
0xd0: {  	[sflag:s22] =	ssyncset.done $0x0  }
0xd1: {  	s26 =	simm.s32 $0x18D00;
	[sflag:s22] =	ssyncadd.s32 $0xFFFFFF00  }
0xd2: {  	[tilespmem:s26], [sflag:$0x5] =	stream.linear.gather [hbm4b:s8+s10], $0x100, $0x38;
	[tilespmem:$0x1FC40] =	vst v63  }
0xd3: {  	_ =	swait.ge [sflag:s22], $0x100  }
0xd4: {  	s29 =	simm.s32 $0x19000;
	s30 =	simm.s32 $0x18880;
	[sflag:s22] =	ssyncset.done $0x0  }
0xd5: {  	s31 =	simm.s32 $0x1A000;
	s14 =	smov.u32 s2;
	[sflag:s22] =	ssyncadd.s32 $0xFFFFFF00  }
0xd6: {  	[tilespmem:s29], [sflag:$0x1] =	stream.indirect.gather [hbm4b:s9+s28], $0x20, s23, s28, $0xb8;
	[tilespmem:$0x1FC40] =	vst v63  }
0xd7: {  	s16 =	smov.u32 s11;
	s19 =	simm.s32 $0x0;
	s13 =	simm.s32 $0x400  }
0xd8: {  	[tilespmem:s31], [sflag:$0x1] =	stream.indirect.gather [hbm4b:s9+s28], $0x20, s30, s28, $0xb8;
	[tilespmem:$0x1FC40] =	vst v63  }
.LBB2_16:
0xd9: {  	p1 =	seq.s32 s10, $0x0  }
0xda: {  	s20 =	sadd.s32 $0x1, s10;
	p2 =	seq.s32 @!p1 s10, $0xC7  }
0xdb: {  	s17 =	sand.u32 $0xFF, s20;
	p2 =	por p2, p1  }
0xdc: {  	s17 =	smul.u32 $0xAB, s17;
	s24 =	simm.s32 @!p2 $0x4  }
0xdd: {  	s25 =	sand.u32 $0x1, s10;
	_ =	swait.ge @!p2 [sflag:s24], $0x100  }
0xde: {  	s26 =	simm.s32 $0x2;
	s17 =	sshrl.u32 s17, $0x9;
	[sflag:s24] =	ssyncset.done @!p2 $0x0  }
0xdf: {  	p1 =	seq.s32 s19, $0xC700;
	s17 =	smul.u32 $0x3, s17;
	[sflag:s24] =	ssyncadd.s32 @!p2 $0xFFFFFF00  }
0xe0: {  	p3 =	seq.s32 s25, $0x1;
	s25 =	sshrl.u32 @!p1 s13, $0x2;
	_ =	swait.ge @!p2 [sflag:s24], $0x100  }
0xe1: {  	s31 =	simm.s32 @!p1 $0x80;
	s17 =	ssub.s32 s20, s17;
	[sflag:s24] =	ssyncset.done @!p2 $0x0  }
0xe2: {  	s25 =	sand.u32 @!p1 $0x300, s25;
	s17 =	sand.u32 $0xFF, s17;
	[sflag:s24] =	ssyncadd.s32 @!p2 $0xFFFFFF00  }
0xe3: {  	s24 =	simm.s32 @!p1 $0x1;
	p2 =	por !p3, p1;
	s17 =	sshll.u32 @!p1 s17, $0xD  }
0xe4: {  	s30 =	sor.u32 @!p1 $0x18800, s25;
	s24 =	simm.s32 @p2 $0x2;
	s29 =	sadd.s32 @!p1 $0x19000, s17  }
0xe5: {  	[tilespmem:s29], [sflag:s24] =	stream.indirect.gather @!p1 [hbm4b:s9+s31], $0x20, s30, s31, $0xb8;
	[tilespmem:$0x1FC40] =	vst v63  }
0xe6: {  	s26 =	simm.s32 @!p3 $0x1;
	s25 =	sor.u32 @!p1 $0x18880, s25;
	s17 =	sadd.s32 @!p1 $0x1A000, s17  }
0xe7: {  	[tilespmem:s17], [sflag:s24] =	stream.indirect.gather @!p1 [hbm4b:s9+s31], $0x20, s25, s31, $0xb8;
	[tilespmem:$0x1FC40] =	vst v63  }
0xe8: {  	_ =	swait.ge [sflag:s26], $0x1000  }
0xe9: {  	[sflag:s26] =	ssyncset.done $0x0  }
0xea: {  	p1 =	sgt.u32 s10, $0xC5;
	[sflag:s26] =	ssyncadd.s32 $0xFFFFF000  }
0xeb: {  	s17 =	sadd.s32 @!p1 $0x200, s19;
	_ =	swait.ge [sflag:s26], $0x1000  }
0xec: {  	s24 =	sand.u32 @!p1 $0x300, s17;
	[sflag:s26] =	ssyncset.done $0x0  }
0xed: {  	s17 =	simm.s32 @!p1 $0x0;
	s25 =	sor.u32 @!p1 $0x18800, s24;
	[sflag:s26] =	ssyncadd.s32 $0xFFFFF000  }
0xee: {  	[tilespmem:s25], [sflag:$0x4] =	stream.linear.gather @!p1 [hbm4b:s14+s17], $0x100, $0x38;
	[tilespmem:$0x1FC40] =	vst v63  }
0xef: {  	p2 =	seq.s32 @!p1 s19, $0x0;
	s24 =	sor.u32 @!p1 $0x18C00, s24;
	s26 =	smul.u32 $0xAB, s10  }
0xf0: {  	[tilespmem:s24], [sflag:$0x4] =	stream.linear.gather @!p1 [hbm4b:s16+s17], $0x100, $0x38;
	[tilespmem:$0x1FC40] =	vst v63  }
0xf1: {  	p1 =	por p1, !p2;
	s24 =	sshrl.u32 s26, $0x9  }
0xf2: {  	_ =	swait.ge @p1 [sflag:s0], $0x1000;
	s24 =	sand.u32 $0x7F, s24  }
0xf3: {  	[sflag:s0] =	ssyncset.done @p1 $0x0;
	s24 =	smul.u32 $0x3, s24  }
0xf4: {  	[sflag:s0] =	ssyncadd.s32 @p1 $0xFFFFF000  }
0xf5: {  	s17 =	sand.u32 @p1 $0x300, s19;
	_ =	swait.ge @p1 [sflag:s0], $0x1000;
	s29 =	ssub.s32 s10, s24  }
0xf6: {  	s19 =	sadd.s32 $0x100, s19;
	[sflag:s0] =	ssyncset.done @p1 $0x0;
	s10 =	sand.u32 $0xFF, s29  }
0xf7: {  	[sflag:s0] =	ssyncadd.s32 @p1 $0xFFFFF000;
	s10 =	sshll.u32 s10, $0xD;
	p1 =	seq.s32 s19, $0xC800  }
.Ltmp10:
0xf8: {  	s31 =	sor.u32 $0x18C00, s17;
	s30 =	sadd.s32 $0x19000, s10;
	(pc) =	sbr.rel @!p1 .LBB2_16-.Ltmp10, $4  }
0xf9: {  	[spmem:s1] =	stream.indirect.scatter.add.f32 [tilespmem:s30], [sflag:$0x3], $0x20, s31, s28, $0xb8;
	[tilespmem:$0x1FC40] =	vst v63  }
0xfa: {  	s13 =	sadd.s32 $0x400, s13;
	s17 =	sadd.s32 $0x18C80, s17;
	s10 =	sadd.s32 $0x1A000, s10  }
0xfb: {  	[spmem:s1] =	stream.indirect.scatter.add.f32 [tilespmem:s10], [sflag:$0x3], $0x20, s17, s28, $0xb8;
	[tilespmem:$0x1FC40] =	vst v63  }
0xfc: {  	s14 =	sadd.s32 $0x20, s14;
	s16 =	sadd.s32 $0x20, s16;
	s10 =	smov.u32 s20  }
0xfd: {  	_ =	swait.ge [sflag:s0], $0x1000  }
0xfe: {  	[sflag:s0] =	ssyncset.done $0x0  }
0xff: {  	[sflag:s0] =	ssyncadd.s32 $0xFFFFF000  }
0x100: {  	_ =	swait.ge [sflag:s0], $0x1000  }
0x101: {  	[sflag:s0] =	ssyncset.done $0x0  }
0x102: {  	[sflag:s0] =	ssyncadd.s32 $0xFFFFF000  }
0x103: {  	s7 =	stileid.u32;
	[bflag:$0x0] =	sbarrier.arrive $0xFFFF  }
0x104: {  	s7 =	sshll.u32 s7, $0x6;
	s29 =	rddreg [dreg:$0x6]  }
0x105: {  	s10 =	sor.u32 $0x1C05, s7;
	s30 =	rddreg [dreg:$0x5];
	s13 =	sshrl.u32 s29, $0x3  }
0x106: {  	[hbm:s30], [sflag:s10] =	dma.local [spmem:s13], $0x3100  }
0x107: {  	_ =	swait.ge [sflag:s22], $0x3100  }
0x108: {  	[sflag:s22] =	ssyncset.done $0x0  }
0x109: {  	s31 =	sadd.s32 $0x0, s18;
	[sflag:s22] =	ssyncadd.s32 $0xFFFFCF00  }
0x10a: {  	[spmem:s31] =	stream.linear.scatter [tilespmem:s21], [sflag:$0x5], $0xC40, $0x38;
	[tilespmem:$0x1FC40] =	vst v63  }
0x10b: {  	s14 =	simm.s32 $0x3100;
	_ =	swait.ge [sflag:s22], $0xC40  }
.LBB2_18:
0x10c: {  	s7 =	sshra.s32 s14, $0x2;
	[sflag:s22] =	ssyncset.done $0x0;
	p1 =	sne.s32 s14, $0x5EF00  }
.Ltmp11:
0x10d: {  	s7 =	sadd.s32 s7, s18;
	[sflag:s22] =	ssyncadd.s32 $0xFFFFF3C0;
	(pc) =	sbr.rel @p1 .LBB2_18-.Ltmp11, $3  }
0x10e: {  	[spmem:s7] =	stream.linear.scatter [tilespmem:s21], [sflag:$0x5], $0xC40, $0x38;
	[tilespmem:$0x1FC40] =	vst v63  }
0x10f: {  	s14 =	sadd.s32 $0x3100, s14;
	_ =	sdelay $0x1  }
0x110: {  	_ =	swait.ge [sflag:s22], $0xC40  }
0x111: {  	[sflag:s22] =	ssyncset.done $0x0  }
0x112: {  	[sflag:s22] =	ssyncadd.s32 $0xFFFFF3C0  }
0x113: {  	s14 =	simm.s32 $0x0;
	[bflag:$0x0] =	sbarrier.arrive $0xFFFF  }
0x114: {  	[tilespmem:s23], [sflag:$0x5] =	stream.linear.gather [hbm4b:s5+s14], $0x100, $0x38;
	[tilespmem:$0x1FC40] =	vst v63  }
0x115: {  	_ =	swait.ge [sflag:s22], $0x100  }
0x116: {  	[sflag:s22] =	ssyncset.done $0x0  }
0x117: {  	s7 =	simm.s32 $0x18C00;
	[sflag:s22] =	ssyncadd.s32 $0xFFFFFF00  }
0x118: {  	[tilespmem:s7], [sflag:$0x5] =	stream.linear.gather [hbm4b:s6+s14], $0x100, $0x38;
	[tilespmem:$0x1FC40] =	vst v63  }
0x119: {  	_ =	swait.ge [sflag:s22], $0x100  }
0x11a: {  	[sflag:s22] =	ssyncset.done $0x0  }
0x11b: {  	s16 =	simm.s32 $0x18900;
	s25 =	rddreg [dreg:$0x3];
	[sflag:s22] =	ssyncadd.s32 $0xFFFFFF00  }
0x11c: {  	[tilespmem:s16], [sflag:$0x5] =	stream.linear.gather [hbm4b:s25+s14], $0x100, $0x38;
	[tilespmem:$0x1FC40] =	vst v63  }
0x11d: {  	_ =	swait.ge [sflag:s22], $0x100  }
0x11e: {  	[sflag:s22] =	ssyncset.done $0x0  }
0x11f: {  	s26 =	simm.s32 $0x18D00;
	[sflag:s22] =	ssyncadd.s32 $0xFFFFFF00  }
0x120: {  	[tilespmem:s26], [sflag:$0x5] =	stream.linear.gather [hbm4b:s8+s14], $0x100, $0x38;
	[tilespmem:$0x1FC40] =	vst v63  }
0x121: {  	_ =	swait.ge [sflag:s22], $0x100  }
0x122: {  	s29 =	simm.s32 $0x19000;
	s30 =	simm.s32 $0x18880;
	[sflag:s22] =	ssyncset.done $0x0  }
0x123: {  	s31 =	simm.s32 $0x1A000;
	s20 =	smov.u32 s2;
	[sflag:s22] =	ssyncadd.s32 $0xFFFFFF00  }
0x124: {  	[tilespmem:s29], [sflag:$0x1] =	stream.indirect.gather [hbm4b:s15+s28], $0x20, s23, s28, $0xb8;
	[tilespmem:$0x1FC40] =	vst v63  }
0x125: {  	s19 =	smov.u32 s11;
	s24 =	simm.s32 $0x0;
	s16 =	simm.s32 $0x400  }
0x126: {  	[tilespmem:s31], [sflag:$0x1] =	stream.indirect.gather [hbm4b:s15+s28], $0x20, s30, s28, $0xb8;
	[tilespmem:$0x1FC40] =	vst v63  }
.LBB2_20:
0x127: {  	p1 =	seq.s32 s14, $0x0  }
0x128: {  	s17 =	sadd.s32 $0x1, s14;
	p2 =	seq.s32 @!p1 s14, $0xC7  }
0x129: {  	s7 =	sand.u32 $0xFF, s17;
	p2 =	por p2, p1  }
0x12a: {  	s7 =	smul.u32 $0xAB, s7;
	s8 =	simm.s32 @!p2 $0x4  }
0x12b: {  	s25 =	sand.u32 $0x1, s14;
	_ =	swait.ge @!p2 [sflag:s8], $0x100  }
0x12c: {  	s26 =	simm.s32 $0x2;
	s7 =	sshrl.u32 s7, $0x9;
	[sflag:s8] =	ssyncset.done @!p2 $0x0  }
0x12d: {  	p1 =	seq.s32 s24, $0xC700;
	s7 =	smul.u32 $0x3, s7;
	[sflag:s8] =	ssyncadd.s32 @!p2 $0xFFFFFF00  }
0x12e: {  	p3 =	seq.s32 s25, $0x1;
	s25 =	sshrl.u32 @!p1 s16, $0x2;
	_ =	swait.ge @!p2 [sflag:s8], $0x100  }
0x12f: {  	s31 =	simm.s32 @!p1 $0x80;
	s7 =	ssub.s32 s17, s7;
	[sflag:s8] =	ssyncset.done @!p2 $0x0  }
0x130: {  	s25 =	sand.u32 @!p1 $0x300, s25;
	s7 =	sand.u32 $0xFF, s7;
	[sflag:s8] =	ssyncadd.s32 @!p2 $0xFFFFFF00  }
0x131: {  	s8 =	simm.s32 @!p1 $0x1;
	p2 =	por !p3, p1;
	s7 =	sshll.u32 @!p1 s7, $0xD  }
0x132: {  	s30 =	sor.u32 @!p1 $0x18800, s25;
	s8 =	simm.s32 @p2 $0x2;
	s29 =	sadd.s32 @!p1 $0x19000, s7  }
0x133: {  	[tilespmem:s29], [sflag:s8] =	stream.indirect.gather @!p1 [hbm4b:s15+s31], $0x20, s30, s31, $0xb8;
	[tilespmem:$0x1FC40] =	vst v63  }
0x134: {  	s26 =	simm.s32 @!p3 $0x1;
	s25 =	sor.u32 @!p1 $0x18880, s25;
	s7 =	sadd.s32 @!p1 $0x1A000, s7  }
0x135: {  	[tilespmem:s7], [sflag:s8] =	stream.indirect.gather @!p1 [hbm4b:s15+s31], $0x20, s25, s31, $0xb8;
	[tilespmem:$0x1FC40] =	vst v63  }
0x136: {  	_ =	swait.ge [sflag:s26], $0x1000  }
0x137: {  	[sflag:s26] =	ssyncset.done $0x0  }
0x138: {  	p1 =	sgt.u32 s14, $0xC5;
	[sflag:s26] =	ssyncadd.s32 $0xFFFFF000  }
0x139: {  	s7 =	sadd.s32 @!p1 $0x200, s24;
	_ =	swait.ge [sflag:s26], $0x1000  }
0x13a: {  	s7 =	sand.u32 @!p1 $0x300, s7;
	[sflag:s26] =	ssyncset.done $0x0  }
0x13b: {  	s25 =	simm.s32 @!p1 $0x0;
	s8 =	sor.u32 @!p1 $0x18800, s7;
	[sflag:s26] =	ssyncadd.s32 $0xFFFFF000  }
0x13c: {  	[tilespmem:s8], [sflag:$0x4] =	stream.linear.gather @!p1 [hbm4b:s20+s25], $0x100, $0x38;
	[tilespmem:$0x1FC40] =	vst v63  }
0x13d: {  	p2 =	seq.s32 @!p1 s24, $0x0;
	s7 =	sor.u32 @!p1 $0x18C00, s7;
	s26 =	smul.u32 $0xAB, s14  }
0x13e: {  	[tilespmem:s7], [sflag:$0x4] =	stream.linear.gather @!p1 [hbm4b:s19+s25], $0x100, $0x38;
	[tilespmem:$0x1FC40] =	vst v63  }
0x13f: {  	p1 =	por p1, !p2  }
0x140: {  	s7 =	sshrl.u32 s26, $0x9;
	_ =	swait.ge @p1 [sflag:s0], $0x1000  }
0x141: {  	s7 =	sand.u32 $0x7F, s7;
	[sflag:s0] =	ssyncset.done @p1 $0x0  }
0x142: {  	s7 =	smul.u32 $0x3, s7;
	[sflag:s0] =	ssyncadd.s32 @p1 $0xFFFFF000  }
0x143: {  	s16 =	sadd.s32 $0x400, s16;
	s25 =	sand.u32 @p1 $0x300, s24;
	_ =	swait.ge @p1 [sflag:s0], $0x1000  }
0x144: {  	s24 =	sadd.s32 $0x100, s24;
	s7 =	ssub.s32 s14, s7;
	[sflag:s0] =	ssyncset.done @p1 $0x0  }
0x145: {  	s7 =	sand.u32 $0xFF, s7;
	[sflag:s0] =	ssyncadd.s32 @p1 $0xFFFFF000;
	p1 =	sne.s32 s24, $0xC800  }
.Ltmp12:
0x146: {  	s20 =	sadd.s32 $0x20, s20;
	s7 =	sshll.u32 s7, $0xD;
	(pc) =	sbr.rel @p1 .LBB2_20-.Ltmp12, $4  }
0x147: {  	s19 =	sadd.s32 $0x20, s19;
	s30 =	sor.u32 $0x18C00, s25;
	s29 =	sadd.s32 $0x19000, s7  }
0x148: {  	[spmem:s1] =	stream.indirect.scatter.add.f32 [tilespmem:s29], [sflag:$0x3], $0x20, s30, s28, $0xb8;
	[tilespmem:$0x1FC40] =	vst v63  }
0x149: {  	s31 =	sadd.s32 $0x18C80, s25;
	s14 =	smov.u32 s17;
	s7 =	sadd.s32 $0x1A000, s7  }
0x14a: {  	[spmem:s1] =	stream.indirect.scatter.add.f32 [tilespmem:s7], [sflag:$0x3], $0x20, s31, s28, $0xb8;
	[tilespmem:$0x1FC40] =	vst v63  }
0x14b: {  	_ =	swait.ge [sflag:s0], $0x1000  }
0x14c: {  	[sflag:s0] =	ssyncset.done $0x0  }
0x14d: {  	[sflag:s0] =	ssyncadd.s32 $0xFFFFF000  }
0x14e: {  	_ =	swait.ge [sflag:s0], $0x1000  }
.Ltmp13:
0x14f: {  	[sflag:s0] =	ssyncset.done $0x0;
	(pc) =	sbr.rel .LBB2_22-.Ltmp13, $4  }
0x150: {  	[sflag:s0] =	ssyncadd.s32 $0xFFFFF000  }
0x151: {  	[bflag:$0x0] =	sbarrier.arrive $0xFFFF  }
0x152: {  	s7 =	rddreg [dreg:$0x9]  }
0x153: {  	[hbm:s7], [sflag:s10] =	dma.local [spmem:s13], $0x3100  }
.LBB2_23:
0x154: {  	_ =	sfence.sel $0x180000  }
0x155: {  	[bflag:$0x0] =	sbarrier.arrive $0xFFFF  }
0x156: {  	_ =	strace $0x9000004A  }
0x157: {  	s0 =	stileid.u32;
	[bflag:$0x2] =	sbarrier.arrive $0xFFFF  }
0x158: {  	p0 =	sne.s32 s0, $0x0;
	s0 =	rddreg [dreg:$0x2]  }
0x159: {  	s0 =	sadd.s32 @!p0 $0x100000, s0  }
0x15a: {  	[sflag:s0] =	ssyncadd.tile.s32 @!p0 $0x1;
	_ =	shalt  }
.Lfunc_end2:
_tile_overlayer_lowered:
.L_overlay_start_2:
0x15b: {  	(tag) =	ssettag $0x2  }
0x15c: {  	s0 =	rddreg [dreg:$0x0];
	s2 =	stileid.u32  }
0x15d: {  	s1 =	rddreg [dreg:$0x1];
	p0 =	sne.s32 s2, $0x0  }
0x15e: {  	s3 =	rddreg [dreg:$0x2];
	[bflag:$0x3] =	sbarrier.arrive $0xFFFF;
	s2 =	simm.s32 @!p0 $0x1C05  }
0x15f: {  	[timem:s3], [sflag:s2] =	dma.local @!p0 [hbm:s0], s1  }
0x160: {  	s0 =	simm.s32 @!p0 $0x5  }
0x161: {  	_ =	swait.ge @!p0 [sflag:s0], s1  }
0x162: {  	s1 =	ssub.s32 @!p0 $0x0, s1;
	[sflag:s0] =	ssyncset.done @!p0 $0x0  }
0x163: {  	[sflag:s0] =	ssyncadd.s32 @!p0 s1  }
0x164: {  	[bflag:$0x3] =	sbarrier.arrive $0xFFFF  }
0x165: {  	_ =	shalt  }

// kernel: kernel.14.cloned.1.call-start
scs
__scs_entry_jumppad:
0x0: {  	(pc) =	sbr.rel $0x88, $3  }
0x1: {  	(tag) =	ssettag $0x0;
	lr =	simm.s32 $0x1  }
0x2: {  	[smem:$0x3F97] =	sst lr;
	_ =	strace $0xD0000000  }
0x3: {  	_ = 	snop  }
0x4: {  	_ = 	snop  }
0x5: {  	_ = 	snop  }
0x6: {  	_ = 	snop  }
0x7: {  	_ = 	snop  }
__scs_overlays_trampoline_lowered:
0x8: {  	[smem:$0x3FA6] =	sst s0  }
0x9: {  	[smem:$0x3FA7] =	sst s1  }
0xa: {  	[smem:$0x3FA8] =	sst s2  }
0xb: {  	[smem:$0x3FA9] =	sst s3  }
0xc: {  	[smem:$0x3FAA] =	sst s4  }
0xd: {  	[smem:$0x3FAB] =	sst s5  }
0xe: {  	[smem:$0x3FAC] =	sst s6  }
0xf: {  	[smem:$0x3FAD] =	sst s7  }
0x10: {  	[smem:$0x3FAE] =	sst s8  }
0x11: {  	[smem:$0x3FAF] =	sst s9;
	s0 =	simm.s32 @!p0 $0x0  }
0x12: {  	s1 =	sld [smem:$0x3F95];
	s0 =	simm.s32 @p0 $0x1  }
0x13: {  	[smem:$0x3FB0] =	sst s0;
	s0 =	simm.s32 @!p1 $0x0  }
0x14: {  	s2 =	sld [smem:$0x3F94];
	s0 =	simm.s32 @p1 $0x1  }
0x15: {  	[smem:$0x3FB1] =	sst s0;
	s0 =	simm.s32 @!p2 $0x0  }
0x16: {  	s3 =	sld [smem:$0x3FDB];
	s0 =	simm.s32 @p2 $0x1  }
0x17: {  	s4 =	simm.s32 $0x1BF5;
	[smem:$0x3FB3] =	sst s0  }
0x18: {  	s0 =	sld [smem:$0x3F96];
	_ =	swait.ge [sflag:s4], $0x0  }
0x19: {  	s7 =	sld [smem:$0x3F97]  }
0x1a: {  	s8 =	sadd.s32 $0xFFFFE003, lr  }
0x1b: {  	s9 =	sadd.s32 $0xFFFFFEF7, lr;
	s5 =	simm.s32 $0xFFFFFFFF;
	p2 =	slt.u32 s8, $0xFFFFF086  }
0x1c: {  	p1 =	slt.u32 s9, $0xF7A;
	s5 =	simm.s32 @!p2 $0x0  }
0x1d: {  	s5 =	simm.s32 @p1 $0x1;
	p0 =	seq.s32 s7, s2  }
0x1e: {  	s7 =	smul.u32 @!p0 $0xF7A, s2;
	p2 =	seq.s32 @!p0 s5, $0x0  }
0x1f: {  	s9 =	smul.u32 $0xF7A, s1;
	s8 =	simm.s32 @!p0 $0x1BF5;
	p2 =	por !p2, p0  }
0x20: {  	[sflag:s8] =	ssyncset.s32 @!p0 $0xFFFFF086;
	s6 =	sadd.s32 @!p0 s3, s7;
	s7 =	simm.s32 @!p0 $0x108  }
0x21: {  	s3 =	sadd.s32 s3, s9;
	s6 =	sadd.s32 @!p0 $0x88, s6;
	s7 =	simm.s32 @p2 $0x1082  }
0x22: {  	[simem:s7], [sflag:s8] =	dma.local @!p0 [hbm:s6], $0xF7A  }
0x23: {  	s9 =	sor.u32 $0xD0000000, s2;
	s6 =	simm.s32 $0x108;
	_ =	swait.ge @!p0 [sflag:s8], $0x0  }
0x24: {  	s3 =	sadd.s32 $0x88, s3;
	s6 =	simm.s32 @!p1 $0x1082;
	[sflag:s4] =	ssyncset.s32 $0xFFFFF086  }
0x25: {  	[simem:s6], [sflag:s4] =	dma.local [hbm:s3], $0xF7A  }
0x26: {  	[smem:$0x3F97] =	sst s1;
	(tag) =	ssettag s2;
	_ =	strace s9  }
0x27: {  	s1 =	sld [smem:$0x3FA7]  }
0x28: {  	s2 =	sld [smem:$0x3FA8]  }
0x29: {  	s4 =	sld [smem:$0x3FAA]  }
0x2a: {  	p0 =	seq.s32 s5, $0x0;
	s5 =	sld [smem:$0x3FAB]  }
0x2b: {  	s6 =	sld [smem:$0x3FAC]  }
0x2c: {  	s7 =	sld [smem:$0x3FAD]  }
0x2d: {  	s3 =	simm.s32 $0x108;
	s8 =	sld [smem:$0x3FAE]  }
0x2e: {  	s3 =	simm.s32 @!p0 $0x1082;
	s9 =	sld [smem:$0x3FAF]  }
0x2f: {  	lr =	sadd.s32 s0, s3;
	s0 =	sld [smem:$0x3FA6]  }
0x30: {  	s3 =	sld [smem:$0x3FA9]  }
0x31: {  	[smem:$0x3FB2] =	sst s10  }
0x32: {  	s10 =	sld [smem:$0x3FB0];
	_ =	sdelay $0x3  }
0x33: {  	p0 =	seq.s32 s10, $0x1;
	s10 =	sld [smem:$0x3FB2];
	_ =	sdelay $0x3  }
0x34: {  	[smem:$0x3FB2] =	sst s10  }
0x35: {  	s10 =	sld [smem:$0x3FB1];
	_ =	sdelay $0x3  }
0x36: {  	p1 =	seq.s32 s10, $0x1;
	s10 =	sld [smem:$0x3FB2];
	_ =	sdelay $0x3  }
0x37: {  	[smem:$0x3FB2] =	sst s10  }
0x38: {  	s10 =	sld [smem:$0x3FB3]  }
0x39: {  	_ = 	snop;
	(pc) =	sbr.ind lr, $3  }
0x3a: {  	_ = 	snop  }
0x3b: {  	_ = 	snop  }
0x3c: {  	p2 =	seq.s32 s10, $0x1;
	s10 =	sld [smem:$0x3FB2]  }
0x3d: {  	_ =	shalt  }
0x3e: {  	_ =	shalt  }
0x3f: {  	_ =	shalt  }
0x40: {  	_ =	shalt  }
0x41: {  	_ =	shalt  }
0x42: {  	_ =	shalt  }
0x43: {  	_ =	shalt  }
0x44: {  	_ =	shalt  }
0x45: {  	_ =	shalt  }
0x46: {  	_ =	shalt  }
0x47: {  	_ =	shalt  }
0x48: {  	_ =	shalt  }
0x49: {  	_ =	shalt  }
0x4a: {  	_ =	shalt  }
0x4b: {  	_ =	shalt  }
0x4c: {  	_ =	shalt  }
0x4d: {  	_ =	shalt  }
0x4e: {  	_ =	shalt  }
0x4f: {  	_ =	shalt  }
0x50: {  	_ =	shalt  }
0x51: {  	_ =	shalt  }
0x52: {  	_ =	shalt  }
0x53: {  	_ =	shalt  }
0x54: {  	_ =	shalt  }
0x55: {  	_ =	shalt  }
0x56: {  	_ =	shalt  }
0x57: {  	_ =	shalt  }
0x58: {  	_ =	shalt  }
0x59: {  	_ =	shalt  }
0x5a: {  	_ =	shalt  }
0x5b: {  	_ =	shalt  }
0x5c: {  	_ =	shalt  }
0x5d: {  	_ =	shalt  }
0x5e: {  	_ =	shalt  }
0x5f: {  	_ =	shalt  }
0x60: {  	_ =	shalt  }
0x61: {  	_ =	shalt  }
0x62: {  	_ =	shalt  }
0x63: {  	_ =	shalt  }
0x64: {  	_ =	shalt  }
0x65: {  	_ =	shalt  }
0x66: {  	_ =	shalt  }
0x67: {  	_ =	shalt  }
0x68: {  	_ =	shalt  }
0x69: {  	_ =	shalt  }
0x6a: {  	_ =	shalt  }
0x6b: {  	_ =	shalt  }
0x6c: {  	_ =	shalt  }
0x6d: {  	_ =	shalt  }
0x6e: {  	_ =	shalt  }
0x6f: {  	_ =	shalt  }
0x70: {  	_ =	shalt  }
0x71: {  	_ =	shalt  }
0x72: {  	_ =	shalt  }
0x73: {  	_ =	shalt  }
0x74: {  	_ =	shalt  }
0x75: {  	_ =	shalt  }
0x76: {  	_ =	shalt  }
0x77: {  	_ =	shalt  }
0x78: {  	_ =	shalt  }
0x79: {  	_ =	shalt  }
0x7a: {  	_ =	shalt  }
0x7b: {  	_ =	shalt  }
0x7c: {  	_ =	shalt  }
0x7d: {  	_ =	shalt  }
0x7e: {  	_ =	shalt  }
0x7f: {  	_ =	shalt  }
0x80: {  	_ =	shalt  }
0x81: {  	_ =	shalt  }
0x82: {  	_ =	shalt  }
0x83: {  	_ =	shalt  }
0x84: {  	_ =	shalt  }
0x85: {  	_ =	shalt  }
0x86: {  	_ =	shalt  }
0x87: {  	_ =	shalt  }
.Lfunc_end0:
.L_simem_size_0:
called_computation.2_lowered:
.L_overlay_start_0:
0x88: {  	s2 =	sld [smem:$0x3FD9]  }
0x89: {  	s3 =	sld [smem:$0x3FFE];
	_ =	sdelay $0x1  }
0x8a: {  	s1 =	srdreg.scid  }
0x8b: {  	s0 =	sand.u32 $0x1, s1  }
0x8c: {  	s16 =	sshll.u32 s0, $0xA;
	s2 =	sadd.s32 s3, s2  }
0x8d: {  	s2 =	sadd.s32 s2, s16  }
0x8e: {  	[smem:$0x3FBE] =	sst s2  }
0x8f: {  	_ = 	snop  }
0x90: {  	(tm) =	ssettm $0x1  }
0x91: {  	s17 =	sld [smem:$0x3FFB];
	_ =	sdelay $0x3  }
0x92: {  	_ =	strace s17  }
0x93: {  	s2 =	sld [smem:$0x3FFC];
	_ =	sdelay $0x3  }
0x94: {  	_ =	strace s2  }
0x95: {  	s2 =	sld [smem:$0x3FFD];
	_ =	sdelay $0x3  }
0x96: {  	_ =	strace s2  }
0x97: {  	_ =	strace $0x8FFFFFFF  }
0x98: {  	s18 =	sld [smem:$0x3FDB];
	_ =	sdelay $0x1  }
0x99: {  	s19 =	simm.s32 $_scs_section_size  }
0x9a: {  	s4 =	simm.s32 $_size__tile_overlayer_lowered;
	s5 =	simm.s32 $_tile_overlayer_lowered  }
0x9b: {  	s22 =	simm.s32 $0x1BFF;
	s21 =	sshll.u32 s5, $0x1;
	s2 =	sadd.s32 s19, s18  }
0x9c: {  	s6 =	simm.s32 $0x0;
	s20 =	sshll.u32 s4, $0x1;
	s4 =	sadd.s32 s21, s2  }
0x9d: {  	[timem:s6], [sflag:s22] =	dma.local [hbm:s4], s20  }
0x9e: {  	_ =	swait.ge [sflag:s22], s20  }
0x9f: {  	s3 =	ssub.s32 $0x0, s20;
	[sflag:s22] =	ssyncset.done $0x0  }
0xa0: {  	[sflag:s22] =	ssyncadd.s32 s3;
	_ =	sdelay $0x1  }
0xa1: {  	s23 =	simm.s32 $0x1B8B  }
0xa2: {  	_ =	swait.ge [sflag:s23], $0x1  }
0xa3: {  	[sflag:s23] =	ssyncset.done $0x0  }
0xa4: {  	s25 =	simm.s32 $0x1B8E;
	s24 =	sld [smem:$0x3FFE];
	[sflag:s23] =	ssyncadd.s32 $0xFFFFFFFF  }
0xa5: {  	s26 =	simm.s32 $execute0_lowered;
	[smem:$0x3FD2] =	sst s25  }
0xa6: {  	s4 =	sshll.u32 s26, $0x1;
	_ =	strace $0x8000004C;
	[dreg:$0x1] =	wrdreg $0xFFFFFFFF  }
0xa7: {  	s28 =	simm.s32 $_size_execute0_lowered;
	s2 =	sadd.s32 s2, s4;
	[dreg:$0x0] =	wrdreg $0x0  }
0xa8: {  	s4 =	sshll.u32 s28, $0x1;
	[dreg:$0x2] =	wrdreg s2  }
0xa9: {  	[dreg:$0x3] =	wrdreg s4  }
0xaa: {  	[dreg:$0x4] =	wrdreg $0xC0  }
0xab: {  	_ =	task [dreg:s6], $0x5FFFF  }
0xac: {  	[dreg:$0x1] =	wrdreg $0xFFFFFFFF  }
0xad: {  	[dreg:$0x0] =	wrdreg $0x60  }
0xae: {  	[dreg:$0x2] =	wrdreg s24  }
0xaf: {  	[dreg:$0x3] =	wrdreg $0x0  }
0xb0: {  	[dreg:$0x4] =	wrdreg $0x9  }
0xb1: {  	_ =	task.clear_ibuf [dreg:s6], $0x5FFFF;
	_ =	strace $0x9000004C  }
0xb2: {  	s29 =	simm.s32 $0x9;
	_ =	strace $0x8000004E  }
0xb3: {  	_ =	swait.ge [sflag:s29], $0x1  }
0xb4: {  	[sflag:s29] =	ssyncadd.s32 $0xFFFFFFFF  }
0xb5: {  	_ =	strace $0x9000004E  }
0xb6: {  	_ =	sfence  }
0xb7: {  	s30 =	sld [smem:$0x0];
	_ =	sdelay $0x2  }
0xb8: {  	s31 =	sshll.u32 s1, $0xD;
	s1 =	sshrl.u32 s1, $0x2  }
0xb9: {  	s3 =	sand.u32 $0x4000, s31;
	s1 =	sadd.s32 s1, s30  }
0xba: {  	s0 =	sor.u32 s3, s0;
	s1 =	sshll.u32 s1, $0x11  }
0xbb: {  	s0 =	sor.u32 s1, s0  }
0xbc: {  	s0 =	sadd.s32 $0x8F2B, s0  }
0xbd: {  	[sflag:s0] =	ssyncadd.remote.s32 $0x1  }
0xbe: {  	_ =	sfence.sel $0xFFFF  }
0xbf: {  	[dreg:$0x0] =	wrdreg $0xFFFFFFFF;
	(pc) =	sbr.abs _section_cstart, $3  }
0xc0: {  	[dreg:$0x1] =	wrdreg $0xFFFFFFFF  }
0xc1: {  	_ =	task.clear_ibuf [dreg:s6], $0x2FFFF;
	_ =	strace $0x9FFFFFFF  }
0xc2: {  	(tm) =	ssettm $0x7FFFFFFF  }
0xc3: {  	_ =	shalt  }
tec
execute0_lowered:
.L_overlay_start_1:
0x0: {  	(tag) =	ssettag $0x1  }
0x1: {  	s0 =	rddreg [dreg:$0x0]  }
0x2: {  	s1 =	rddreg [dreg:$0x1];
	s2 =	simm.s32 $0x0  }
0x3: {  	s3 =	srdreg.scid;
	s26 =	stileid.u32;
	s17 =	simm.s32 $0x1F000  }
0x4: {  	s18 =	simm.s32 $0x5;
	s19 =	simm.s32 $0x18800;
	s23 =	simm.s32 $0x80  }
0x5: {  	s29 =	simm.s32 $0x3;
	[smem:$0x7FF] =	sst s2;
	s9 =	sadd.s32 $0x32E00, s0  }
0x6: {  	s6 =	sand.u32 $0x1, s3;
	s10 =	sadd.s32 $0x4BE00, s0;
	s11 =	smul.u32 $0x1900, s26  }
0x7: {  	s4 =	sadd.s32 $0x64E00, s0;
	s5 =	sadd.s32 $0xC6E00, s0;
	s28 =	smul.u32 $0x18800, s26  }
0x8: {  	s14 =	smul.u32 $0x62000, s26;
	_ =	strace $0x8000004D;
	s7 =	ssub.s32 $0x2, s6  }
0x9: {  	[dreg:$0x3] =	wrdreg s5;
	p0 =	seq.s32 s6, $0x1;
	s8 =	sshrl.u32 s7, $0x1  }
0xa: {  	s6 =	sadd.s32 s9, s11;
	s12 =	sor.u32 $0x20, s11;
	s15 =	sadd.s32 s28, s1  }
.Ltmp0:
0xb: {  	[dreg:$0x4] =	wrdreg s28;
	s30 =	sadd.s32 $0x188000, s28;
	(pc) =	sbr.rel .LBB2_1-.Ltmp0, $4  }
0xc: {  	s31 =	sshrl.u32 s14, $0x2;
	s13 =	ssub.s32 s7, s8;
	s8 =	sadd.s32 s10, s11  }
0xd: {  	s9 =	sadd.s32 s9, s12;
	s10 =	sadd.s32 s10, s12;
	s11 =	sadd.s32 $0x95E00, s0  }
0xe: {  	[dreg:$0x5] =	wrdreg s30;
	s14 =	sadd.s32 s31, s1;
	s0 =	sadd.s32 $0x40, s6  }
0xf: {  	v0 =	vimm.f32 $0.0e+00;
	s25 =	sshrl.u32 s15, $0x3;
	s13 =	smax.u32 s13, $0x1;
	s20 =	sadd.s32 $0x40, s8  }
.LBB2_14:
0x10: {  	_ =	swait.ge [sflag:s29], $0x1000  }
0x11: {  	[sflag:s29] =	ssyncset.done $0x0  }
0x12: {  	s3 =	sshrl.u32 s15, $0x3;
	[sflag:s29] =	ssyncadd.s32 $0xFFFFF000  }
0x13: {  	s5 =	stileid.u32;
	s2 =	sadd.s32 $0x1, s2;
	_ =	swait.ge [sflag:s29], $0x1000  }
0x14: {  	s5 =	sshll.u32 s5, $0x6;
	p1 =	sne.s32 s2, s13;
	[sflag:s29] =	ssyncset.done $0x0  }
0x15: {  	s5 =	sor.u32 $0x1C05, s5;
	s7 =	rddreg [dreg:$0x3];
	[sflag:s29] =	ssyncadd.s32 $0xFFFFF000  }
.Ltmp1:
0x16: {  	s3 =	sadd.s32 s7, s3;
	[bflag:$0x0] =	sbarrier.arrive $0xFFFF;
	(pc) =	sbr.rel @!p1 .LBB2_15-.Ltmp1, $4  }
0x17: {  	[hbm:s3], [sflag:s5] =	dma.local [spmem:s25], $0x3100  }
0x18: {  	_ =	swait.ge [sflag:s18], $0x3100  }
0x19: {  	[sflag:s18] =	ssyncset.done $0x0  }
0x1a: {  	[sflag:s18] =	ssyncadd.s32 $0xFFFFCF00  }
.LBB2_1:
0x1b: {  	s15 =	simm.s32 $0x80;
	s16 =	simm.s32 $0x0  }
.LBB2_2:
0x1c: {  	p1 =	sne.s32 s15, $0x3080;
	[tilespmem:s16+$0x1F000] =	vst v0;
	s21 =	smov.u32 s15;
	s15 =	sadd.s32 $0x80, s15  }
.Ltmp2:
0x1d: {  	[tilespmem:s16+$0x1F010] =	vst v0;
	(pc) =	sbr.rel @p1 .LBB2_2-.Ltmp2, $2  }
0x1e: {  	_ =	sdelay $0x2  }
0x1f: {  	s16 =	sshra.s32 s21, $0x2  }
.Ltmp3:
0x20: {  	(pc) =	sbr.rel @!p0 .LBB2_4-.Ltmp3, $3  }
0x21: {  	_ =	sdelay $0x1  }
0x22: {  	[tilespmem:s16+$0x1F000] =	vst v0  }
0x23: {  	[tilespmem:s16+$0x1F010] =	vst v0;
	s15 =	simm.s32 $0x0  }
0x24: {  	s3 =	sshra.s32 s15, $0x2  }
0x25: {  	s3 =	sadd.s32 s3, s14  }
0x26: {  	[spmem:s3] =	stream.linear.scatter [tilespmem:s17], [sflag:$0x5], $0xC40, $0x38;
	[tilespmem:$0x1FC40] =	vst v63  }
0x27: {  	s15 =	sadd.s32 $0x3100, s15;
	_ =	swait.ge [sflag:s18], $0xC40  }
.LBB2_10:
0x28: {  	s3 =	sshra.s32 s15, $0x2;
	[sflag:s18] =	ssyncset.done $0x0;
	p1 =	sne.s32 s15, $0x5EF00  }
.Ltmp4:
0x29: {  	s3 =	sadd.s32 s3, s14;
	[sflag:s18] =	ssyncadd.s32 $0xFFFFF3C0;
	(pc) =	sbr.rel @p1 .LBB2_10-.Ltmp4, $3  }
0x2a: {  	[spmem:s3] =	stream.linear.scatter [tilespmem:s17], [sflag:$0x5], $0xC40, $0x38;
	[tilespmem:$0x1FC40] =	vst v63  }
0x2b: {  	s15 =	sadd.s32 $0x3100, s15;
	_ =	sdelay $0x1  }
0x2c: {  	_ =	swait.ge [sflag:s18], $0xC40  }
0x2d: {  	[sflag:s18] =	ssyncset.done $0x0  }
0x2e: {  	[sflag:s18] =	ssyncadd.s32 $0xFFFFF3C0  }
0x2f: {  	s30 =	simm.s32 $0x0;
	[bflag:$0x0] =	sbarrier.arrive $0xFFFF  }
0x30: {  	[tilespmem:s19], [sflag:$0x5] =	stream.linear.gather [hbm4b:s6+s30], $0x100, $0x38;
	[tilespmem:$0x1FC40] =	vst v63  }
0x31: {  	_ =	swait.ge [sflag:s18], $0x100  }
0x32: {  	[sflag:s18] =	ssyncset.done $0x0  }
0x33: {  	s3 =	simm.s32 $0x18C00;
	[sflag:s18] =	ssyncadd.s32 $0xFFFFFF00  }
0x34: {  	[tilespmem:s3], [sflag:$0x5] =	stream.linear.gather [hbm4b:s8+s30], $0x100, $0x38;
	[tilespmem:$0x1FC40] =	vst v63  }
0x35: {  	_ =	swait.ge [sflag:s18], $0x100  }
0x36: {  	[sflag:s18] =	ssyncset.done $0x0  }
0x37: {  	s22 =	simm.s32 $0x18900;
	[sflag:s18] =	ssyncadd.s32 $0xFFFFFF00  }
0x38: {  	[tilespmem:s22], [sflag:$0x5] =	stream.linear.gather [hbm4b:s9+s30], $0x100, $0x38;
	[tilespmem:$0x1FC40] =	vst v63  }
0x39: {  	_ =	swait.ge [sflag:s18], $0x100  }
0x3a: {  	[sflag:s18] =	ssyncset.done $0x0  }
0x3b: {  	s24 =	simm.s32 $0x18D00;
	[sflag:s18] =	ssyncadd.s32 $0xFFFFFF00  }
0x3c: {  	[tilespmem:s24], [sflag:$0x5] =	stream.linear.gather [hbm4b:s10+s30], $0x100, $0x38;
	[tilespmem:$0x1FC40] =	vst v63  }
0x3d: {  	_ =	swait.ge [sflag:s18], $0x100  }
0x3e: {  	s26 =	simm.s32 $0x19000;
	s28 =	simm.s32 $0x18880;
	[sflag:s18] =	ssyncset.done $0x0  }
0x3f: {  	s5 =	simm.s32 $0x1A000;
	s31 =	simm.s32 $0x400;
	[sflag:s18] =	ssyncadd.s32 $0xFFFFFF00  }
0x40: {  	[tilespmem:s26], [sflag:$0x1] =	stream.indirect.gather [hbm4b:s11+s23], $0x20, s19, s23, $0xb8;
	[tilespmem:$0x1FC40] =	vst v63  }
0x41: {  	s16 =	smov.u32 s0;
	s15 =	smov.u32 s20;
	s21 =	simm.s32 $0x0  }
0x42: {  	[tilespmem:s5], [sflag:$0x1] =	stream.indirect.gather [hbm4b:s11+s23], $0x20, s28, s23, $0xb8;
	[tilespmem:$0x1FC40] =	vst v63  }
.LBB2_12:
0x43: {  	p1 =	seq.s32 s30, $0x0  }
0x44: {  	s22 =	sadd.s32 $0x1, s30;
	p2 =	seq.s32 @!p1 s30, $0xC7  }
0x45: {  	s3 =	sand.u32 $0xFF, s22;
	p2 =	por p2, p1  }
0x46: {  	s3 =	smul.u32 $0xAB, s3;
	s5 =	simm.s32 @!p2 $0x4  }
0x47: {  	s7 =	sand.u32 $0x1, s30;
	_ =	swait.ge @!p2 [sflag:s5], $0x100  }
0x48: {  	s12 =	simm.s32 $0x2;
	s3 =	sshrl.u32 s3, $0x9;
	[sflag:s5] =	ssyncset.done @!p2 $0x0  }
0x49: {  	p1 =	seq.s32 s21, $0xC700;
	s3 =	smul.u32 $0x3, s3;
	[sflag:s5] =	ssyncadd.s32 @!p2 $0xFFFFFF00  }
0x4a: {  	p3 =	seq.s32 s7, $0x1;
	s7 =	sshrl.u32 @!p1 s31, $0x2;
	_ =	swait.ge @!p2 [sflag:s5], $0x100  }
0x4b: {  	s28 =	simm.s32 @!p1 $0x80;
	s3 =	ssub.s32 s22, s3;
	[sflag:s5] =	ssyncset.done @!p2 $0x0  }
0x4c: {  	s7 =	sand.u32 @!p1 $0x300, s7;
	s3 =	sand.u32 $0xFF, s3;
	[sflag:s5] =	ssyncadd.s32 @!p2 $0xFFFFFF00  }
0x4d: {  	s5 =	simm.s32 @!p1 $0x1;
	p2 =	por !p3, p1;
	s3 =	sshll.u32 @!p1 s3, $0xD  }
0x4e: {  	s26 =	sor.u32 @!p1 $0x18800, s7;
	s5 =	simm.s32 @p2 $0x2;
	s24 =	sadd.s32 @!p1 $0x19000, s3  }
0x4f: {  	[tilespmem:s24], [sflag:s5] =	stream.indirect.gather @!p1 [hbm4b:s11+s28], $0x20, s26, s28, $0xb8;
	[tilespmem:$0x1FC40] =	vst v63  }
0x50: {  	s12 =	simm.s32 @!p3 $0x1;
	s7 =	sor.u32 @!p1 $0x18880, s7;
	s3 =	sadd.s32 @!p1 $0x1A000, s3  }
0x51: {  	[tilespmem:s3], [sflag:s5] =	stream.indirect.gather @!p1 [hbm4b:s11+s28], $0x20, s7, s28, $0xb8;
	[tilespmem:$0x1FC40] =	vst v63  }
0x52: {  	_ =	swait.ge [sflag:s12], $0x1000  }
0x53: {  	[sflag:s12] =	ssyncset.done $0x0  }
0x54: {  	p1 =	sgt.u32 s30, $0xC5;
	[sflag:s12] =	ssyncadd.s32 $0xFFFFF000  }
0x55: {  	s3 =	sadd.s32 @!p1 $0x200, s21;
	_ =	swait.ge [sflag:s12], $0x1000  }
0x56: {  	s3 =	sand.u32 @!p1 $0x300, s3;
	[sflag:s12] =	ssyncset.done $0x0  }
0x57: {  	s24 =	simm.s32 @!p1 $0x0;
	s5 =	sor.u32 @!p1 $0x18800, s3;
	[sflag:s12] =	ssyncadd.s32 $0xFFFFF000  }
0x58: {  	[tilespmem:s5], [sflag:$0x4] =	stream.linear.gather @!p1 [hbm4b:s16+s24], $0x100, $0x38;
	[tilespmem:$0x1FC40] =	vst v63  }
0x59: {  	s7 =	smul.u32 $0xAB, s30;
	p2 =	seq.s32 @!p1 s21, $0x0;
	s3 =	sor.u32 @!p1 $0x18C00, s3  }
0x5a: {  	[tilespmem:s3], [sflag:$0x4] =	stream.linear.gather @!p1 [hbm4b:s15+s24], $0x100, $0x38;
	[tilespmem:$0x1FC40] =	vst v63  }
0x5b: {  	p1 =	por p1, !p2  }
0x5c: {  	s3 =	sshrl.u32 s7, $0x9;
	_ =	swait.ge @p1 [sflag:s29], $0x1000  }
0x5d: {  	s3 =	sand.u32 $0x7F, s3;
	[sflag:s29] =	ssyncset.done @p1 $0x0  }
0x5e: {  	s3 =	smul.u32 $0x3, s3;
	[sflag:s29] =	ssyncadd.s32 @p1 $0xFFFFF000  }
0x5f: {  	s31 =	sadd.s32 $0x400, s31;
	s24 =	sand.u32 @p1 $0x300, s21;
	_ =	swait.ge @p1 [sflag:s29], $0x1000  }
0x60: {  	s21 =	sadd.s32 $0x100, s21;
	s3 =	ssub.s32 s30, s3;
	[sflag:s29] =	ssyncset.done @p1 $0x0  }
0x61: {  	s3 =	sand.u32 $0xFF, s3;
	[sflag:s29] =	ssyncadd.s32 @p1 $0xFFFFF000;
	p1 =	sne.s32 s21, $0xC800  }
.Ltmp5:
0x62: {  	s16 =	sadd.s32 $0x20, s16;
	s3 =	sshll.u32 s3, $0xD;
	(pc) =	sbr.rel @p1 .LBB2_12-.Ltmp5, $4  }
0x63: {  	s15 =	sadd.s32 $0x20, s15;
	s26 =	sor.u32 $0x18C00, s24;
	s12 =	sadd.s32 $0x19000, s3  }
0x64: {  	[spmem:s1] =	stream.indirect.scatter.add.f32 [tilespmem:s12], [sflag:$0x3], $0x20, s26, s23, $0xb8;
	[tilespmem:$0x1FC40] =	vst v63  }
0x65: {  	s28 =	sadd.s32 $0x18C80, s24;
	s30 =	smov.u32 s22;
	s3 =	sadd.s32 $0x1A000, s3  }
0x66: {  	[spmem:s1] =	stream.indirect.scatter.add.f32 [tilespmem:s3], [sflag:$0x3], $0x20, s28, s23, $0xb8;
	[tilespmem:$0x1FC40] =	vst v63  }
.Ltmp6:
0x67: {  	(pc) =	sbr.rel .LBB2_14-.Ltmp6, $2  }
0x68: {  	_ =	sdelay $0x2  }
0x69: {  	s15 =	rddreg [dreg:$0x5]  }
.LBB2_4:
0x6a: {  	s16 =	sshra.s32 s15, $0x2  }
0x6b: {  	s16 =	sadd.s32 s16, s14  }
0x6c: {  	[spmem:s16] =	stream.linear.scatter [tilespmem:s17], [sflag:$0x5], $0xC40, $0x38;
	[tilespmem:$0x1FC40] =	vst v63  }
0x6d: {  	s15 =	sadd.s32 $0x3100, s15;
	_ =	swait.ge [sflag:s18], $0xC40  }
.LBB2_5:
0x6e: {  	s16 =	sshra.s32 s15, $0x2;
	[sflag:s18] =	ssyncset.done $0x0;
	p1 =	sne.s32 s15, $0x5EF00  }
.Ltmp7:
0x6f: {  	s16 =	sadd.s32 s16, s14;
	[sflag:s18] =	ssyncadd.s32 $0xFFFFF3C0;
	(pc) =	sbr.rel @p1 .LBB2_5-.Ltmp7, $3  }
0x70: {  	[spmem:s16] =	stream.linear.scatter [tilespmem:s17], [sflag:$0x5], $0xC40, $0x38;
	[tilespmem:$0x1FC40] =	vst v63  }
0x71: {  	s15 =	sadd.s32 $0x3100, s15;
	_ =	sdelay $0x1  }
0x72: {  	_ =	swait.ge [sflag:s18], $0xC40  }
0x73: {  	[sflag:s18] =	ssyncset.done $0x0  }
0x74: {  	[sflag:s18] =	ssyncadd.s32 $0xFFFFF3C0  }
0x75: {  	s30 =	simm.s32 $0x0;
	[bflag:$0x0] =	sbarrier.arrive $0xFFFF  }
0x76: {  	[tilespmem:s19], [sflag:$0x5] =	stream.linear.gather [hbm4b:s6+s30], $0x100, $0x38;
	[tilespmem:$0x1FC40] =	vst v63  }
0x77: {  	_ =	swait.ge [sflag:s18], $0x100  }
0x78: {  	[sflag:s18] =	ssyncset.done $0x0  }
0x79: {  	s3 =	simm.s32 $0x18C00;
	[sflag:s18] =	ssyncadd.s32 $0xFFFFFF00  }
0x7a: {  	[tilespmem:s3], [sflag:$0x5] =	stream.linear.gather [hbm4b:s8+s30], $0x100, $0x38;
	[tilespmem:$0x1FC40] =	vst v63  }
0x7b: {  	_ =	swait.ge [sflag:s18], $0x100  }
0x7c: {  	[sflag:s18] =	ssyncset.done $0x0  }
0x7d: {  	s22 =	simm.s32 $0x18900;
	[sflag:s18] =	ssyncadd.s32 $0xFFFFFF00  }
0x7e: {  	[tilespmem:s22], [sflag:$0x5] =	stream.linear.gather [hbm4b:s9+s30], $0x100, $0x38;
	[tilespmem:$0x1FC40] =	vst v63  }
0x7f: {  	_ =	swait.ge [sflag:s18], $0x100  }
0x80: {  	[sflag:s18] =	ssyncset.done $0x0  }
0x81: {  	s24 =	simm.s32 $0x18D00;
	[sflag:s18] =	ssyncadd.s32 $0xFFFFFF00  }
0x82: {  	[tilespmem:s24], [sflag:$0x5] =	stream.linear.gather [hbm4b:s10+s30], $0x100, $0x38;
	[tilespmem:$0x1FC40] =	vst v63  }
0x83: {  	_ =	swait.ge [sflag:s18], $0x100  }
0x84: {  	s26 =	simm.s32 $0x19000;
	s28 =	simm.s32 $0x18880;
	[sflag:s18] =	ssyncset.done $0x0  }
0x85: {  	s5 =	simm.s32 $0x1A000;
	s31 =	simm.s32 $0x400;
	[sflag:s18] =	ssyncadd.s32 $0xFFFFFF00  }
0x86: {  	[tilespmem:s26], [sflag:$0x1] =	stream.indirect.gather [hbm4b:s4+s23], $0x20, s19, s23, $0xb8;
	[tilespmem:$0x1FC40] =	vst v63  }
0x87: {  	s16 =	smov.u32 s0;
	s15 =	smov.u32 s20;
	s21 =	simm.s32 $0x0  }
0x88: {  	[tilespmem:s5], [sflag:$0x1] =	stream.indirect.gather [hbm4b:s4+s23], $0x20, s28, s23, $0xb8;
	[tilespmem:$0x1FC40] =	vst v63  }
.LBB2_7:
0x89: {  	p1 =	seq.s32 s30, $0x0  }
0x8a: {  	s22 =	sadd.s32 $0x1, s30;
	p2 =	seq.s32 @!p1 s30, $0xC7  }
0x8b: {  	s24 =	sand.u32 $0xFF, s22;
	p2 =	por p2, p1  }
0x8c: {  	s24 =	smul.u32 $0xAB, s24;
	s12 =	simm.s32 @!p2 $0x4  }
0x8d: {  	s26 =	sand.u32 $0x1, s30;
	_ =	swait.ge @!p2 [sflag:s12], $0x100  }
0x8e: {  	s28 =	simm.s32 $0x2;
	s24 =	sshrl.u32 s24, $0x9;
	[sflag:s12] =	ssyncset.done @!p2 $0x0  }
0x8f: {  	p1 =	seq.s32 s21, $0xC700;
	s24 =	smul.u32 $0x3, s24;
	[sflag:s12] =	ssyncadd.s32 @!p2 $0xFFFFFF00  }
0x90: {  	p3 =	seq.s32 s26, $0x1;
	s26 =	sshrl.u32 @!p1 s31, $0x2;
	_ =	swait.ge @!p2 [sflag:s12], $0x100  }
0x91: {  	s5 =	simm.s32 @!p1 $0x80;
	s24 =	ssub.s32 s22, s24;
	[sflag:s12] =	ssyncset.done @!p2 $0x0  }
0x92: {  	s26 =	sand.u32 @!p1 $0x300, s26;
	s24 =	sand.u32 $0xFF, s24;
	[sflag:s12] =	ssyncadd.s32 @!p2 $0xFFFFFF00  }
0x93: {  	s12 =	simm.s32 @!p1 $0x1;
	p2 =	por !p3, p1;
	s24 =	sshll.u32 @!p1 s24, $0xD  }
0x94: {  	s7 =	sor.u32 @!p1 $0x18800, s26;
	s12 =	simm.s32 @p2 $0x2;
	s3 =	sadd.s32 @!p1 $0x19000, s24  }
0x95: {  	[tilespmem:s3], [sflag:s12] =	stream.indirect.gather @!p1 [hbm4b:s4+s5], $0x20, s7, s5, $0xb8;
	[tilespmem:$0x1FC40] =	vst v63  }
0x96: {  	s28 =	simm.s32 @!p3 $0x1;
	s3 =	sadd.s32 @!p1 $0x1A000, s24;
	s7 =	sor.u32 @!p1 $0x18880, s26  }
0x97: {  	[tilespmem:s3], [sflag:s12] =	stream.indirect.gather @!p1 [hbm4b:s4+s5], $0x20, s7, s5, $0xb8;
	[tilespmem:$0x1FC40] =	vst v63  }
0x98: {  	_ =	swait.ge [sflag:s28], $0x1000  }
0x99: {  	[sflag:s28] =	ssyncset.done $0x0  }
0x9a: {  	p1 =	sgt.u32 s30, $0xC5;
	[sflag:s28] =	ssyncadd.s32 $0xFFFFF000  }
0x9b: {  	s3 =	sadd.s32 @!p1 $0x200, s21;
	_ =	swait.ge [sflag:s28], $0x1000  }
0x9c: {  	s3 =	sand.u32 @!p1 $0x300, s3;
	[sflag:s28] =	ssyncset.done $0x0  }
0x9d: {  	s24 =	simm.s32 @!p1 $0x0;
	s5 =	sor.u32 @!p1 $0x18800, s3;
	[sflag:s28] =	ssyncadd.s32 $0xFFFFF000  }
0x9e: {  	[tilespmem:s5], [sflag:$0x4] =	stream.linear.gather @!p1 [hbm4b:s16+s24], $0x100, $0x38;
	[tilespmem:$0x1FC40] =	vst v63  }
0x9f: {  	s7 =	smul.u32 $0xAB, s30;
	p2 =	seq.s32 @!p1 s21, $0x0;
	s3 =	sor.u32 @!p1 $0x18C00, s3  }
0xa0: {  	[tilespmem:s3], [sflag:$0x4] =	stream.linear.gather @!p1 [hbm4b:s15+s24], $0x100, $0x38;
	[tilespmem:$0x1FC40] =	vst v63  }
0xa1: {  	p1 =	por p1, !p2  }
0xa2: {  	s3 =	sshrl.u32 s7, $0x9;
	_ =	swait.ge @p1 [sflag:s29], $0x1000  }
0xa3: {  	s3 =	sand.u32 $0x7F, s3;
	[sflag:s29] =	ssyncset.done @p1 $0x0  }
0xa4: {  	s3 =	smul.u32 $0x3, s3;
	[sflag:s29] =	ssyncadd.s32 @p1 $0xFFFFF000  }
0xa5: {  	s31 =	sadd.s32 $0x400, s31;
	s24 =	sand.u32 @p1 $0x300, s21;
	_ =	swait.ge @p1 [sflag:s29], $0x1000  }
0xa6: {  	s21 =	sadd.s32 $0x100, s21;
	s3 =	ssub.s32 s30, s3;
	[sflag:s29] =	ssyncset.done @p1 $0x0  }
0xa7: {  	s3 =	sand.u32 $0xFF, s3;
	[sflag:s29] =	ssyncadd.s32 @p1 $0xFFFFF000;
	p1 =	seq.s32 s21, $0xC800  }
.Ltmp8:
0xa8: {  	s16 =	sadd.s32 $0x20, s16;
	s3 =	sshll.u32 s3, $0xD;
	(pc) =	sbr.rel @!p1 .LBB2_7-.Ltmp8, $4  }
0xa9: {  	s15 =	sadd.s32 $0x20, s15;
	s26 =	sor.u32 $0x18C00, s24;
	s12 =	sadd.s32 $0x19000, s3  }
0xaa: {  	[spmem:s1] =	stream.indirect.scatter.add.f32 [tilespmem:s12], [sflag:$0x3], $0x20, s26, s23, $0xb8;
	[tilespmem:$0x1FC40] =	vst v63  }
0xab: {  	s28 =	sadd.s32 $0x18C80, s24;
	s30 =	smov.u32 s22;
	s3 =	sadd.s32 $0x1A000, s3  }
0xac: {  	[spmem:s1] =	stream.indirect.scatter.add.f32 [tilespmem:s3], [sflag:$0x3], $0x20, s28, s23, $0xb8;
	[tilespmem:$0x1FC40] =	vst v63  }
.Ltmp9:
0xad: {  	(pc) =	sbr.rel .LBB2_14-.Ltmp9, $2  }
0xae: {  	_ =	sdelay $0x2  }
0xaf: {  	s15 =	rddreg [dreg:$0x4]  }
.LBB2_15:
0xb0: {  	_ =	sfence.sel $0x180000  }
0xb1: {  	[bflag:$0x0] =	sbarrier.arrive $0xFFFF  }
0xb2: {  	_ =	strace $0x9000004D  }
0xb3: {  	s0 =	stileid.u32;
	[bflag:$0x2] =	sbarrier.arrive $0xFFFF  }
0xb4: {  	p0 =	sne.s32 s0, $0x0;
	s0 =	rddreg [dreg:$0x2]  }
0xb5: {  	s0 =	sadd.s32 @!p0 $0x100000, s0  }
0xb6: {  	[sflag:s0] =	ssyncadd.tile.s32 @!p0 $0x1;
	_ =	shalt  }
.Lfunc_end2:
_tile_overlayer_lowered:
.L_overlay_start_2:
0xb7: {  	(tag) =	ssettag $0x2  }
0xb8: {  	s0 =	rddreg [dreg:$0x0];
	s2 =	stileid.u32  }
0xb9: {  	s1 =	rddreg [dreg:$0x1];
	p0 =	sne.s32 s2, $0x0  }
0xba: {  	s3 =	rddreg [dreg:$0x2];
	[bflag:$0x3] =	sbarrier.arrive $0xFFFF;
	s2 =	simm.s32 @!p0 $0x1C05  }
0xbb: {  	[timem:s3], [sflag:s2] =	dma.local @!p0 [hbm:s0], s1  }
0xbc: {  	s0 =	simm.s32 @!p0 $0x5  }
0xbd: {  	_ =	swait.ge @!p0 [sflag:s0], s1  }
0xbe: {  	s1 =	ssub.s32 @!p0 $0x0, s1;
	[sflag:s0] =	ssyncset.done @!p0 $0x0  }
0xbf: {  	[sflag:s0] =	ssyncadd.s32 @!p0 s1  }
0xc0: {  	[bflag:$0x3] =	sbarrier.arrive $0xFFFF  }
0xc1: {  	_ =	shalt  }

// kernel: kernel.8.cloned.1.call-start
scs
__scs_entry_jumppad:
0x0: {  	(pc) =	sbr.rel $0x88, $3  }
0x1: {  	(tag) =	ssettag $0x0;
	lr =	simm.s32 $0x1  }
0x2: {  	[smem:$0x3F97] =	sst lr;
	_ =	strace $0xD0000000  }
0x3: {  	_ = 	snop  }
0x4: {  	_ = 	snop  }
0x5: {  	_ = 	snop  }
0x6: {  	_ = 	snop  }
0x7: {  	_ = 	snop  }
__scs_overlays_trampoline_lowered:
0x8: {  	[smem:$0x3FA6] =	sst s0  }
0x9: {  	[smem:$0x3FA7] =	sst s1  }
0xa: {  	[smem:$0x3FA8] =	sst s2  }
0xb: {  	[smem:$0x3FA9] =	sst s3  }
0xc: {  	[smem:$0x3FAA] =	sst s4  }
0xd: {  	[smem:$0x3FAB] =	sst s5  }
0xe: {  	[smem:$0x3FAC] =	sst s6  }
0xf: {  	[smem:$0x3FAD] =	sst s7  }
0x10: {  	[smem:$0x3FAE] =	sst s8  }
0x11: {  	[smem:$0x3FAF] =	sst s9;
	s0 =	simm.s32 @!p0 $0x0  }
0x12: {  	s1 =	sld [smem:$0x3F95];
	s0 =	simm.s32 @p0 $0x1  }
0x13: {  	[smem:$0x3FB0] =	sst s0;
	s0 =	simm.s32 @!p1 $0x0  }
0x14: {  	s2 =	sld [smem:$0x3F94];
	s0 =	simm.s32 @p1 $0x1  }
0x15: {  	[smem:$0x3FB1] =	sst s0;
	s0 =	simm.s32 @!p2 $0x0  }
0x16: {  	s3 =	sld [smem:$0x3FDB];
	s0 =	simm.s32 @p2 $0x1  }
0x17: {  	s4 =	simm.s32 $0x1BF5;
	[smem:$0x3FB3] =	sst s0  }
0x18: {  	s0 =	sld [smem:$0x3F96];
	_ =	swait.ge [sflag:s4], $0x0  }
0x19: {  	s7 =	sld [smem:$0x3F97]  }
0x1a: {  	s8 =	sadd.s32 $0xFFFFE003, lr  }
0x1b: {  	s9 =	sadd.s32 $0xFFFFFEF7, lr;
	s5 =	simm.s32 $0xFFFFFFFF;
	p2 =	slt.u32 s8, $0xFFFFF086  }
0x1c: {  	p1 =	slt.u32 s9, $0xF7A;
	s5 =	simm.s32 @!p2 $0x0  }
0x1d: {  	s5 =	simm.s32 @p1 $0x1;
	p0 =	seq.s32 s7, s2  }
0x1e: {  	s7 =	smul.u32 @!p0 $0xF7A, s2;
	p2 =	seq.s32 @!p0 s5, $0x0  }
0x1f: {  	s9 =	smul.u32 $0xF7A, s1;
	s8 =	simm.s32 @!p0 $0x1BF5;
	p2 =	por !p2, p0  }
0x20: {  	[sflag:s8] =	ssyncset.s32 @!p0 $0xFFFFF086;
	s6 =	sadd.s32 @!p0 s3, s7;
	s7 =	simm.s32 @!p0 $0x108  }
0x21: {  	s3 =	sadd.s32 s3, s9;
	s6 =	sadd.s32 @!p0 $0x88, s6;
	s7 =	simm.s32 @p2 $0x1082  }
0x22: {  	[simem:s7], [sflag:s8] =	dma.local @!p0 [hbm:s6], $0xF7A  }
0x23: {  	s9 =	sor.u32 $0xD0000000, s2;
	s6 =	simm.s32 $0x108;
	_ =	swait.ge @!p0 [sflag:s8], $0x0  }
0x24: {  	s3 =	sadd.s32 $0x88, s3;
	s6 =	simm.s32 @!p1 $0x1082;
	[sflag:s4] =	ssyncset.s32 $0xFFFFF086  }
0x25: {  	[simem:s6], [sflag:s4] =	dma.local [hbm:s3], $0xF7A  }
0x26: {  	[smem:$0x3F97] =	sst s1;
	(tag) =	ssettag s2;
	_ =	strace s9  }
0x27: {  	s1 =	sld [smem:$0x3FA7]  }
0x28: {  	s2 =	sld [smem:$0x3FA8]  }
0x29: {  	s4 =	sld [smem:$0x3FAA]  }
0x2a: {  	p0 =	seq.s32 s5, $0x0;
	s5 =	sld [smem:$0x3FAB]  }
0x2b: {  	s6 =	sld [smem:$0x3FAC]  }
0x2c: {  	s7 =	sld [smem:$0x3FAD]  }
0x2d: {  	s3 =	simm.s32 $0x108;
	s8 =	sld [smem:$0x3FAE]  }
0x2e: {  	s3 =	simm.s32 @!p0 $0x1082;
	s9 =	sld [smem:$0x3FAF]  }
0x2f: {  	lr =	sadd.s32 s0, s3;
	s0 =	sld [smem:$0x3FA6]  }
0x30: {  	s3 =	sld [smem:$0x3FA9]  }
0x31: {  	[smem:$0x3FB2] =	sst s10  }
0x32: {  	s10 =	sld [smem:$0x3FB0];
	_ =	sdelay $0x3  }
0x33: {  	p0 =	seq.s32 s10, $0x1;
	s10 =	sld [smem:$0x3FB2];
	_ =	sdelay $0x3  }
0x34: {  	[smem:$0x3FB2] =	sst s10  }
0x35: {  	s10 =	sld [smem:$0x3FB1];
	_ =	sdelay $0x3  }
0x36: {  	p1 =	seq.s32 s10, $0x1;
	s10 =	sld [smem:$0x3FB2];
	_ =	sdelay $0x3  }
0x37: {  	[smem:$0x3FB2] =	sst s10  }
0x38: {  	s10 =	sld [smem:$0x3FB3]  }
0x39: {  	_ = 	snop;
	(pc) =	sbr.ind lr, $3  }
0x3a: {  	_ = 	snop  }
0x3b: {  	_ = 	snop  }
0x3c: {  	p2 =	seq.s32 s10, $0x1;
	s10 =	sld [smem:$0x3FB2]  }
0x3d: {  	_ =	shalt  }
0x3e: {  	_ =	shalt  }
0x3f: {  	_ =	shalt  }
0x40: {  	_ =	shalt  }
0x41: {  	_ =	shalt  }
0x42: {  	_ =	shalt  }
0x43: {  	_ =	shalt  }
0x44: {  	_ =	shalt  }
0x45: {  	_ =	shalt  }
0x46: {  	_ =	shalt  }
0x47: {  	_ =	shalt  }
0x48: {  	_ =	shalt  }
0x49: {  	_ =	shalt  }
0x4a: {  	_ =	shalt  }
0x4b: {  	_ =	shalt  }
0x4c: {  	_ =	shalt  }
0x4d: {  	_ =	shalt  }
0x4e: {  	_ =	shalt  }
0x4f: {  	_ =	shalt  }
0x50: {  	_ =	shalt  }
0x51: {  	_ =	shalt  }
0x52: {  	_ =	shalt  }
0x53: {  	_ =	shalt  }
0x54: {  	_ =	shalt  }
0x55: {  	_ =	shalt  }
0x56: {  	_ =	shalt  }
0x57: {  	_ =	shalt  }
0x58: {  	_ =	shalt  }
0x59: {  	_ =	shalt  }
0x5a: {  	_ =	shalt  }
0x5b: {  	_ =	shalt  }
0x5c: {  	_ =	shalt  }
0x5d: {  	_ =	shalt  }
0x5e: {  	_ =	shalt  }
0x5f: {  	_ =	shalt  }
0x60: {  	_ =	shalt  }
0x61: {  	_ =	shalt  }
0x62: {  	_ =	shalt  }
0x63: {  	_ =	shalt  }
0x64: {  	_ =	shalt  }
0x65: {  	_ =	shalt  }
0x66: {  	_ =	shalt  }
0x67: {  	_ =	shalt  }
0x68: {  	_ =	shalt  }
0x69: {  	_ =	shalt  }
0x6a: {  	_ =	shalt  }
0x6b: {  	_ =	shalt  }
0x6c: {  	_ =	shalt  }
0x6d: {  	_ =	shalt  }
0x6e: {  	_ =	shalt  }
0x6f: {  	_ =	shalt  }
0x70: {  	_ =	shalt  }
0x71: {  	_ =	shalt  }
0x72: {  	_ =	shalt  }
0x73: {  	_ =	shalt  }
0x74: {  	_ =	shalt  }
0x75: {  	_ =	shalt  }
0x76: {  	_ =	shalt  }
0x77: {  	_ =	shalt  }
0x78: {  	_ =	shalt  }
0x79: {  	_ =	shalt  }
0x7a: {  	_ =	shalt  }
0x7b: {  	_ =	shalt  }
0x7c: {  	_ =	shalt  }
0x7d: {  	_ =	shalt  }
0x7e: {  	_ =	shalt  }
0x7f: {  	_ =	shalt  }
0x80: {  	_ =	shalt  }
0x81: {  	_ =	shalt  }
0x82: {  	_ =	shalt  }
0x83: {  	_ =	shalt  }
0x84: {  	_ =	shalt  }
0x85: {  	_ =	shalt  }
0x86: {  	_ =	shalt  }
0x87: {  	_ =	shalt  }
.Lfunc_end0:
.L_simem_size_0:
called_computation_lowered:
.L_overlay_start_0:
0x88: {  	s2 =	sld [smem:$0x3FD9]  }
0x89: {  	s3 =	sld [smem:$0x3FFE];
	_ =	sdelay $0x1  }
0x8a: {  	s1 =	srdreg.scid  }
0x8b: {  	s0 =	sand.u32 $0x1, s1  }
0x8c: {  	s14 =	sshll.u32 s0, $0xA;
	s2 =	sadd.s32 s3, s2  }
0x8d: {  	s2 =	sadd.s32 s2, s14  }
0x8e: {  	[smem:$0x3FBE] =	sst s2  }
0x8f: {  	_ = 	snop  }
0x90: {  	s2 =	sld [smem:$0x3FD0];
	_ =	sdelay $0x2  }
0x91: {  	s15 =	simm.s32 $0xA;
	s4 =	simm.s32 $0x10  }
0x92: {  	[smem:s4], [sflag:s15] =	dma.local [hbm:s2], $0x1  }
0x93: {  	_ =	swait.eq [sflag:s15], $0x1  }
0x94: {  	[sflag:s15] =	ssyncset.done $0x0  }
0x95: {  	[sflag:s15] =	ssyncadd.s32 $0xFFFFFFFF  }
0x96: {  	s16 =	sld [smem:$0x12];
	(tm) =	ssettm $0x1  }
0x97: {  	s17 =	sld [smem:$0x3FFB];
	_ =	sdelay $0x3  }
0x98: {  	_ =	strace s17  }
0x99: {  	s3 =	sld [smem:$0x3FFC];
	_ =	sdelay $0x3  }
0x9a: {  	_ =	strace s3  }
0x9b: {  	s3 =	sld [smem:$0x3FFD];
	_ =	sdelay $0x3  }
0x9c: {  	_ =	strace s3  }
0x9d: {  	_ =	strace $0x8FFFFFFF  }
0x9e: {  	s18 =	sld [smem:$0x3FDB];
	_ =	sdelay $0x1  }
0x9f: {  	s19 =	simm.s32 $_scs_section_size  }
0xa0: {  	s5 =	simm.s32 $_size__tile_overlayer_lowered;
	s6 =	simm.s32 $_tile_overlayer_lowered  }
0xa1: {  	s22 =	simm.s32 $0x1BFF;
	s21 =	sshll.u32 s6, $0x1;
	s3 =	sadd.s32 s19, s18  }
0xa2: {  	s7 =	simm.s32 $0x0;
	s20 =	sshll.u32 s5, $0x1;
	s5 =	sadd.s32 s21, s3  }
0xa3: {  	[timem:s7], [sflag:s22] =	dma.local [hbm:s5], s20  }
0xa4: {  	_ =	swait.ge [sflag:s22], s20  }
0xa5: {  	s4 =	ssub.s32 $0x0, s20;
	[sflag:s22] =	ssyncset.done $0x0  }
0xa6: {  	[sflag:s22] =	ssyncadd.s32 s4;
	_ =	sdelay $0x1  }
0xa7: {  	s23 =	simm.s32 $0x1B8B  }
0xa8: {  	_ =	swait.ge [sflag:s23], $0x1  }
0xa9: {  	[sflag:s23] =	ssyncset.done $0x0  }
0xaa: {  	s25 =	simm.s32 $0x1B8E;
	s24 =	sld [smem:$0x3FFE];
	[sflag:s23] =	ssyncadd.s32 $0xFFFFFFFF  }
0xab: {  	s26 =	simm.s32 $execute0_lowered;
	[smem:$0x3FD2] =	sst s25  }
0xac: {  	s5 =	sshll.u32 s26, $0x1;
	_ =	strace $0x80000046;
	[dreg:$0x1] =	wrdreg $0xFFFFFFFF  }
0xad: {  	s28 =	simm.s32 $_size_execute0_lowered;
	s3 =	sadd.s32 s3, s5;
	[dreg:$0x0] =	wrdreg $0x0  }
0xae: {  	s5 =	sshll.u32 s28, $0x1;
	[dreg:$0x2] =	wrdreg s3  }
0xaf: {  	[dreg:$0x3] =	wrdreg s5  }
0xb0: {  	[dreg:$0x4] =	wrdreg $0xC0  }
0xb1: {  	_ =	task [dreg:s7], $0x5FFFF  }
0xb2: {  	[dreg:$0x1] =	wrdreg $0xFFFFFFFF  }
0xb3: {  	[dreg:$0x0] =	wrdreg $0x60  }
0xb4: {  	[dreg:$0x2] =	wrdreg s24  }
0xb5: {  	[dreg:$0x3] =	wrdreg s16  }
0xb6: {  	[dreg:$0x4] =	wrdreg $0x9  }
0xb7: {  	_ =	task.clear_ibuf [dreg:s7], $0x5FFFF;
	_ =	strace $0x90000046  }
0xb8: {  	s29 =	simm.s32 $0x9;
	_ =	strace $0x80000048  }
0xb9: {  	_ =	swait.ge [sflag:s29], $0x1  }
0xba: {  	[sflag:s29] =	ssyncadd.s32 $0xFFFFFFFF  }
0xbb: {  	_ =	strace $0x90000048  }
0xbc: {  	_ =	sfence  }
0xbd: {  	s30 =	sld [smem:$0x0];
	_ =	sdelay $0x2  }
0xbe: {  	s31 =	sshll.u32 s1, $0xD;
	s1 =	sshrl.u32 s1, $0x2  }
0xbf: {  	s3 =	sand.u32 $0x4000, s31;
	s1 =	sadd.s32 s1, s30  }
0xc0: {  	s0 =	sor.u32 s3, s0;
	s1 =	sshll.u32 s1, $0x11  }
0xc1: {  	s0 =	sor.u32 s1, s0  }
0xc2: {  	s0 =	sadd.s32 $0x8F2B, s0  }
0xc3: {  	[sflag:s0] =	ssyncadd.remote.s32 $0x1  }
0xc4: {  	_ =	sfence.sel $0xFFFF  }
0xc5: {  	[dreg:$0x0] =	wrdreg $0xFFFFFFFF;
	(pc) =	sbr.abs _section_cstart, $3  }
0xc6: {  	[dreg:$0x1] =	wrdreg $0xFFFFFFFF  }
0xc7: {  	_ =	task.clear_ibuf [dreg:s7], $0x2FFFF;
	_ =	strace $0x9FFFFFFF  }
0xc8: {  	(tm) =	ssettm $0x7FFFFFFF  }
0xc9: {  	_ =	shalt  }
tec
execute0_lowered:
.L_overlay_start_1:
0x0: {  	(tag) =	ssettag $0x1  }
0x1: {  	s6 =	rddreg [dreg:$0x0]  }
0x2: {  	s9 =	rddreg [dreg:$0x1]  }
0x3: {  	s0 =	rddreg [dreg:$0x2]  }
0x4: {  	s1 =	simm.s32 $0x0;
	s3 =	srdreg.scid;
	s13 =	simm.s32 $0x0  }
0x5: {  	[smem:$0x7FF] =	sst s1;
	s2 =	sadd.s32 $0x1A600, s6;
	s4 =	sadd.s32 $0x1E00, s6  }
0x6: {  	s5 =	sadd.s32 $0x32E00, s6;
	s7 =	sand.u32 $0x1, s3;
	s3 =	stileid.u32  }
0x7: {  	s6 =	sadd.s32 $0x4BE00, s6;
	_ =	strace $0x80000047;
	s12 =	smul.u32 $0x4B0, s3  }
.Ltmp0:
0x8: {  	s8 =	ssub.s32 $0x2, s7;
	s10 =	sshll.u32 s7, $0x4;
	(pc) =	sbr.rel .LBB2_1-.Ltmp0, $4  }
0x9: {  	p0 =	seq.s32 s7, $0x1;
	s7 =	smul.u32 $0xC350, s3;
	s10 =	sor.u32 s3, s10  }
0xa: {  	s11 =	sshrl.u32 s8, $0x1;
	s10 =	smul.u32 $0x1880, s10;
	s31 =	sshrl.u32 s12, $0x3  }
0xb: {  	v0 =	vimm.f32 $0.0e+00;
	s11 =	ssub.s32 s8, s11;
	s12 =	simm.s32 $0x1;
	s8 =	sadd.s32 $0x186A0, s31  }
0xc: {  	v1 =	vimm.f32 $1.000000000e+00;
	v2 =	vimm.s32 $0xC3FF;
	v3 =	vimm.s32 $0x0;
	s9 =	sadd.s32 s9, s10;
	s10 =	smax.u32 s11, $0x1;
	s11 =	simm.s32 $0xC400  }
.LBB2_16:
0xd: {  	s14 =	sadd.s32 s14, s8  }
0xe: {  	[hbm4b:s14+s1] =	stream.linear.scatter [tilespmem:s11], [sflag:$0x1], $0x4B0, $0x38;
	[tilespmem:$0xCBD0] =	vst v63  }
0xf: {  	s13 =	sadd.s32 $0x1, s13;
	_ =	swait.ge [sflag:s12], $0x4B0  }
0x10: {  	p1 =	sne.s32 s13, s10;
	[sflag:s12] =	ssyncset.done $0x0  }
.Ltmp1:
0x11: {  	[sflag:s12] =	ssyncadd.s32 $0xFFFFFB50;
	(pc) =	sbr.rel @!p1 .LBB2_17-.Ltmp1, $4  }
0x12: {  	[hbm4b:s9+s1] =	stream.linear.scatter [tilespmem:s1], [sflag:$0x1], $0xC400, $0x38;
	[tilespmem:$0xCBD0] =	vst v63  }
0x13: {  	_ =	swait.ge [sflag:s12], $0xC400  }
0x14: {  	[sflag:s12] =	ssyncset.done $0x0  }
0x15: {  	[sflag:s12] =	ssyncadd.s32 $0xFFFF3C00  }
.LBB2_1:
0x16: {  	s14 =	simm.s32 $0x40;
	s15 =	simm.s32 $0x0  }
.LBB2_2:
0x17: {  	p1 =	sne.s32 s14, $0x30FC0;
	[tilespmem:s15+$0x0] =	vst v0;
	s15 =	smov.u32 s14;
	s14 =	sadd.s32 $0x40, s14  }
.Ltmp2:
0x18: {  	(pc) =	sbr.rel @p1 .LBB2_2-.Ltmp2, $2  }
0x19: {  	_ =	sdelay $0x2  }
0x1a: {  	s15 =	sshra.s32 s15, $0x2  }
.Ltmp3:
0x1b: {  	(pc) =	sbr.rel @!p0 .LBB2_4-.Ltmp3, $2  }
0x1c: {  	_ =	sdelay $0x2  }
0x1d: {  	[tilespmem:s15+$0x0] =	vst v0;
	s14 =	simm.s32 $0x0;
	s15 =	simm.s32 $0x0;
	s16 =	simm.s32 $0x0  }
.LBB2_10:
0x1e: {  	s15 =	smul.u32 $0x7D0, s16;
	_ =	sdelay $0x1  }
0x1f: {  	s15 =	sadd.s32 s7, s15  }
0x20: {  	s15 =	sshrl.u32 s15, $0x3  }
0x21: {  	s17 =	sadd.s32 s4, s15  }
0x22: {  	[tilespmem:s11], [sflag:$0x1] =	stream.linear.gather [hbm4b:s17+s14], $0x7D0, $0x38;
	[tilespmem:$0xCBD0] =	vst v63  }
0x23: {  	_ =	swait.ge [sflag:s12], $0x7D0  }
0x24: {  	[sflag:s12] =	ssyncset.done $0x0  }
0x25: {  	s15 =	sadd.s32 s6, s15;
	[sflag:s12] =	ssyncadd.s32 $0xFFFFF830  }
0x26: {  	[hbm4b:s15+s14] =	stream.linear.scatter [tilespmem:s11], [sflag:$0x1], $0x7D0, $0x38;
	[tilespmem:$0xCBD0] =	vst v63  }
0x27: {  	_ =	swait.ge [sflag:s12], $0x7D0  }
0x28: {  	[sflag:s12] =	ssyncset.done $0x0  }
0x29: {  	s17 =	simm.s32 $0x0;
	s15 =	simm.s32 $0x40;
	[sflag:s12] =	ssyncadd.s32 $0xFFFFF830  }
.LBB2_11:
0x2a: {  	p1 =	sne.s32 s15, $0x1F00;
	v4 =	vld [tilespmem:s17+$0xC400];
	_ =	sdelay $0x3  }
.Ltmp4:
0x2b: {  	(pc) =	sbr.rel @p1 .LBB2_11-.Ltmp4, $2  }
0x2c: {  	_ =	sdelay $0x2  }
0x2d: {  	s17 =	sshra.s32 s15, $0x2;
	s15 =	sadd.s32 $0x40, s15;
	[tilespmem:v4+s1+$0x0] =	vst.idx.add.f32.msk $0xffff, v1  }
0x2e: {  	v4 =	vld [tilespmem:s17+$0xC400];
	_ =	sdelay $0x1  }
0x2f: {  	s16 =	sadd.s32 $0x1, s16  }
0x30: {  	p1 =	sne.s32 s16, $0x19  }
.Ltmp5:
0x31: {  	_ = 	snop;
	(pc) =	sbr.rel @p1 .LBB2_10-.Ltmp5, $2  }
0x32: {  	_ =	sdelay $0x2  }
0x33: {  	[tilespmem:v4+s1+$0x0] =	vst.idx.add.f32.msk $0xffff, v1  }
0x34: {  	s14 =	simm.s32 $0x40;
	s15 =	simm.s32 $0x0  }
.LBB2_14:
0x35: {  	p1 =	sne.s32 s14, $0x1280;
	[tilespmem:s15+$0xC400] =	vst v2;
	s15 =	smov.u32 s14;
	s14 =	sadd.s32 $0x40, s14  }
.Ltmp6:
0x36: {  	(pc) =	sbr.rel @p1 .LBB2_14-.Ltmp6, $2  }
0x37: {  	_ =	sdelay $0x2  }
0x38: {  	s15 =	sshra.s32 s15, $0x2  }
.Ltmp7:
0x39: {  	(pc) =	sbr.rel .LBB2_16-.Ltmp7, $2  }
0x3a: {  	_ =	sdelay $0x2  }
0x3b: {  	[tilespmem:s15+$0xC400] =	vst v2;
	s14 =	smov.u32 s6  }
.LBB2_4:
0x3c: {  	s16 =	smul.u32 $0x7D0, s15;
	_ =	sdelay $0x1  }
0x3d: {  	s16 =	sadd.s32 s7, s16  }
0x3e: {  	s16 =	sshrl.u32 s16, $0x3  }
0x3f: {  	s17 =	sadd.s32 s2, s16  }
0x40: {  	[tilespmem:s11], [sflag:$0x1] =	stream.linear.gather [hbm4b:s17+s14], $0x7D0, $0x38;
	[tilespmem:$0xCBD0] =	vst v63  }
0x41: {  	_ =	swait.ge [sflag:s12], $0x7D0  }
0x42: {  	[sflag:s12] =	ssyncset.done $0x0  }
0x43: {  	s16 =	sadd.s32 s5, s16;
	[sflag:s12] =	ssyncadd.s32 $0xFFFFF830  }
0x44: {  	[hbm4b:s16+s14] =	stream.linear.scatter [tilespmem:s11], [sflag:$0x1], $0x7D0, $0x38;
	[tilespmem:$0xCBD0] =	vst v63  }
0x45: {  	_ =	swait.ge [sflag:s12], $0x7D0  }
0x46: {  	[sflag:s12] =	ssyncset.done $0x0  }
0x47: {  	s17 =	simm.s32 $0x0;
	s16 =	simm.s32 $0x40;
	[sflag:s12] =	ssyncadd.s32 $0xFFFFF830  }
.LBB2_5:
0x48: {  	p1 =	sne.s32 s16, $0x1F00;
	v4 =	vld [tilespmem:s17+$0xC400];
	_ =	sdelay $0x3  }
.Ltmp8:
0x49: {  	(pc) =	sbr.rel @p1 .LBB2_5-.Ltmp8, $2  }
0x4a: {  	_ =	sdelay $0x2  }
0x4b: {  	s17 =	sshra.s32 s16, $0x2;
	s16 =	sadd.s32 $0x40, s16;
	[tilespmem:v4+s1+$0x0] =	vst.idx.add.f32.msk $0xffff, v1  }
0x4c: {  	v4 =	vld [tilespmem:s17+$0xC400];
	_ =	sdelay $0x1  }
0x4d: {  	s15 =	sadd.s32 $0x1, s15  }
0x4e: {  	p1 =	sne.s32 s15, $0x19  }
.Ltmp9:
0x4f: {  	_ = 	snop;
	(pc) =	sbr.rel @p1 .LBB2_4-.Ltmp9, $2  }
0x50: {  	_ =	sdelay $0x2  }
0x51: {  	[tilespmem:v4+s1+$0x0] =	vst.idx.add.f32.msk $0xffff, v1  }
0x52: {  	s14 =	simm.s32 $0x40;
	s15 =	simm.s32 $0x0  }
.LBB2_8:
0x53: {  	p1 =	seq.s32 s14, $0x1280;
	[tilespmem:s15+$0xC400] =	vst v3;
	s15 =	smov.u32 s14;
	s14 =	sadd.s32 $0x40, s14  }
.Ltmp10:
0x54: {  	(pc) =	sbr.rel @!p1 .LBB2_8-.Ltmp10, $2  }
0x55: {  	_ =	sdelay $0x2  }
0x56: {  	s15 =	sshra.s32 s15, $0x2  }
.Ltmp11:
0x57: {  	(pc) =	sbr.rel .LBB2_16-.Ltmp11, $2  }
0x58: {  	_ =	sdelay $0x2  }
0x59: {  	[tilespmem:s15+$0xC400] =	vst v3;
	s14 =	smov.u32 s5  }
.LBB2_17:
0x5a: {  	_ =	sfence.sel $0x180000  }
0x5b: {  	[bflag:$0x0] =	sbarrier.arrive $0xFFFF  }
0x5c: {  	p0 =	sne.s32 s3, $0x0;
	_ =	strace $0x90000047  }
0x5d: {  	s0 =	sadd.s32 @!p0 $0x100000, s0;
	[bflag:$0x2] =	sbarrier.arrive $0xFFFF  }
0x5e: {  	[sflag:s0] =	ssyncadd.tile.s32 @!p0 $0x1;
	_ =	shalt  }
.Lfunc_end2:
_tile_overlayer_lowered:
.L_overlay_start_2:
0x5f: {  	(tag) =	ssettag $0x2  }
0x60: {  	s0 =	rddreg [dreg:$0x0];
	s2 =	stileid.u32  }
0x61: {  	s1 =	rddreg [dreg:$0x1];
	p0 =	sne.s32 s2, $0x0  }
0x62: {  	s3 =	rddreg [dreg:$0x2];
	[bflag:$0x3] =	sbarrier.arrive $0xFFFF;
	s2 =	simm.s32 @!p0 $0x1C01  }
0x63: {  	[timem:s3], [sflag:s2] =	dma.local @!p0 [hbm:s0], s1  }
0x64: {  	s0 =	simm.s32 @!p0 $0x1  }
0x65: {  	_ =	swait.ge @!p0 [sflag:s0], s1  }
0x66: {  	s1 =	ssub.s32 @!p0 $0x0, s1;
	[sflag:s0] =	ssyncset.done @!p0 $0x0  }
0x67: {  	[sflag:s0] =	ssyncadd.s32 @!p0 s1  }
0x68: {  	[bflag:$0x3] =	sbarrier.arrive $0xFFFF  }
0x69: {  	_ =	shalt  }

</sc_bundles>
